<compile_context>
chip_gen: v7x
topology: tpu7x:2x2x1
jax: 0.10.2.dev20260603
libtpu: 0.0.44.dev20260713+nightly
codegen_flags: <defaults>
</compile_context>

<pallas_src>
import functools

import jax
import jax.numpy as jnp
from jax import lax
from jax.experimental import pallas as pl
from jax.experimental.pallas import tpu as pltpu
from jax.experimental.pallas import tpu_sc as plsc

NC = 2
NS = 16
LANES = 16
BLK = 128


def _round_up(a, b):
    return (a + b - 1) // b * b




def _tc_proj(x, W, att_s, att_d):
    N, _ = x.shape
    H, C = att_s.shape

    def body(x_ref, w_ref, as_ref, ad_ref, h_ref, s_ref, d_ref):
        xv = x_ref[...]
        for h in range(H):
            hv = jnp.dot(xv, w_ref[:, h * C:(h + 1) * C],
                         preferred_element_type=jnp.float32)
            h_ref[h * N:(h + 1) * N, :] = hv
            s_ref[h * N:(h + 1) * N] = jnp.sum(hv * as_ref[h, :][None, :], axis=1)
            d_ref[h * N:(h + 1) * N] = jnp.sum(hv * ad_ref[h, :][None, :], axis=1)

    return pl.pallas_call(
        body,
        out_shape=[
            jax.ShapeDtypeStruct((H * N, C), jnp.float32),
            jax.ShapeDtypeStruct((H * N,), jnp.float32),
            jax.ShapeDtypeStruct((H * N,), jnp.float32),
        ],
    )(x, W, att_s, att_d)


def _tc_mid(out1, b1, W2, att_s, att_d):
    H1, N, C1 = out1.shape
    C2 = att_s.shape[1]

    def body(o_ref, b_ref, w_ref, as_ref, ad_ref, h_ref, s_ref, d_ref):
        acc = None
        for h in range(H1):
            g = o_ref[h] + b_ref[h * C1:(h + 1) * C1][None, :]
            e = jnp.where(g > 0, g, jnp.exp(g) - 1.0)
            p = jnp.dot(e, w_ref[h * C1:(h + 1) * C1, :],
                        preferred_element_type=jnp.float32)
            acc = p if acc is None else acc + p
        h_ref[...] = acc
        s_ref[...] = jnp.sum(acc * as_ref[0, :][None, :], axis=1)
        d_ref[...] = jnp.sum(acc * ad_ref[0, :][None, :], axis=1)

    return pl.pallas_call(
        body,
        out_shape=[
            jax.ShapeDtypeStruct((N, C2), jnp.float32),
            jax.ShapeDtypeStruct((N,), jnp.float32),
            jax.ShapeDtypeStruct((N,), jnp.float32),
        ],
    )(out1, b1, W2, att_s, att_d)


def _tc_final(out2p, b2):
    _, N, C = out2p.shape

    def body(o_ref, b_ref, out_ref):
        out_ref[...] = o_ref[0] + o_ref[1] + b_ref[...][None, :]

    return pl.pallas_call(
        body,
        out_shape=jax.ShapeDtypeStruct((N, C), jnp.float32),
    )(out2p, b2)




def _sc_edge_layer(N, NP, EN, EP, H, C, edge_split):
    count1 = EP // NS
    nblk1 = count1 // BLK
    count2 = count1 // (NC if edge_split else 1)
    nblk2 = count2 // BLK
    rows_per_tile = NP // NS
    nchunk = rows_per_tile // BLK
    NR = NP // BLK

    def body(src_hbm, dst_hbm, asrc_hbm, adst_hbm, h_hbm,
             out_hbm, alpha_hbm, escr_hbm,
             asrc_v, adst_v, denom_l, srcb, dstb, alphan, rowidx,
             rows_v, acc_s, denom_s, sem):
        c = lax.axis_index("c")
        s = lax.axis_index("s")
        hc = c * (H - 1)

        pltpu.sync_copy(asrc_hbm.at[pl.ds(hc * N, N)], asrc_v)
        pltpu.sync_copy(adst_hbm.at[pl.ds(hc * N, N)], adst_v)

        def zrow(r, carry):
            for k in range(C // LANES):
                rows_v[r, pl.ds(k * LANES, LANES)] = jnp.zeros((LANES,), jnp.float32)
            return carry
        lax.fori_loop(0, BLK, zrow, 0)

        def zdl(r, carry):
            for k in range(BLK // LANES):
                denom_l[r, pl.ds(k * LANES, LANES)] = jnp.zeros((LANES,), jnp.float32)
            return carry
        lax.fori_loop(0, NR, zdl, 0)

        for i in range(NR // LANES):
            rowidx[pl.ds(i * LANES, LANES)] = (
                lax.iota(jnp.int32, LANES) + i * LANES)

        for j in range(nchunk):
            pltpu.sync_copy(rows_v, acc_s.at[pl.ds(s * rows_per_tile + j * BLK, BLK)])
        pltpu.sync_copy(rows_v.at[pl.ds(0, NR // NS)],
                        denom_s.at[pl.ds(s * (NR // NS), NR // NS)])

        def mxs(i, m):
            return jnp.maximum(m, asrc_v[pl.ds(i * LANES, LANES)])
        ms = lax.fori_loop(0, N // LANES, mxs,
                           jnp.full((LANES,), -jnp.inf, jnp.float32))

        def mxd(i, m):
            return jnp.maximum(m, adst_v[pl.ds(i * LANES, LANES)])
        md = lax.fori_loop(0, N // LANES, mxd,
                           jnp.full((LANES,), -jnp.inf, jnp.float32))
        sm = ms + md
        iot = lax.iota(jnp.int32, LANES)
        for k in (8, 4, 2, 1):
            alphan[pl.ds(0, LANES)] = sm
            sm = jnp.maximum(
                sm, plsc.load_gather(alphan, [jnp.bitwise_xor(iot, k)]))
        shift = jnp.maximum(sm, 0.2 * sm)

        plsc.subcore_barrier()

        p1s = s * count1
        iot = lax.iota(jnp.int32, LANES)

        def p1(b, carry):
            base = pl.multiple_of(p1s + b * BLK, BLK)
            pltpu.sync_copy(src_hbm.at[pl.ds(base, BLK)], srcb)
            pltpu.sync_copy(dst_hbm.at[pl.ds(base, BLK)], dstb)
            for j in range(BLK // LANES):
                s16 = srcb[pl.ds(j * LANES, LANES)]
                d16 = dstb[pl.ds(j * LANES, LANES)]
                av = plsc.load_gather(asrc_v, [s16])
                dv = plsc.load_gather(adst_v, [d16])
                al = av + dv
                al = jnp.maximum(al, 0.2 * al)
                eid = base + j * LANES + iot
                e = jnp.where(eid < EN, jnp.exp(al - shift), 0.0)
                alphan[pl.ds(j * LANES, LANES)] = e
                r16 = lax.shift_right_logical(d16, 7)
                c16 = jnp.bitwise_and(d16, BLK - 1)
                plsc.addupdate_scatter(denom_l, [r16, c16], e)
            pltpu.sync_copy(alphan, escr_hbm.at[pl.ds(c * EP + base, BLK)])
            return carry

        lax.fori_loop(0, nblk1, p1, 0)
        pltpu.sync_copy(denom_l, denom_s.at[rowidx], add=True)
        plsc.subcore_barrier()
        pltpu.sync_copy(denom_s, denom_l)

        eoff0 = c * count2 if edge_split else 0
        p2s = p1s + eoff0

        def p2(b, carry):
            base = pl.multiple_of(p2s + b * BLK, BLK)
            pltpu.sync_copy(src_hbm.at[pl.ds(base, BLK)], srcb)
            pltpu.sync_copy(dst_hbm.at[pl.ds(base, BLK)], dstb)
            pltpu.sync_copy(escr_hbm.at[pl.ds(c * EP + base, BLK)], alphan)
            if H > 1:
                for j in range(BLK // LANES):
                    s16 = srcb[pl.ds(j * LANES, LANES)]
                    srcb[pl.ds(j * LANES, LANES)] = s16 + hc * N
            gat = pltpu.async_copy(h_hbm.at[srcb], rows_v, sem)
            for j in range(BLK // LANES):
                d16 = dstb[pl.ds(j * LANES, LANES)]
                r16 = lax.shift_right_logical(d16, 7)
                c16 = jnp.bitwise_and(d16, BLK - 1)
                dn = plsc.load_gather(denom_l, [r16, c16])
                e16 = alphan[pl.ds(j * LANES, LANES)]
                an = e16 / (dn + 1e-16)
                alphan[pl.ds(j * LANES, LANES)] = an
            pltpu.sync_copy(alphan, alpha_hbm.at[pl.ds(hc * EP + base, BLK)])
            gat.wait()

            def scale(r, carry2):
                a = plsc.load_gather(alphan, [jnp.full((LANES,), r, jnp.int32)])
                for k in range(C // LANES):
                    rows_v[r, pl.ds(k * LANES, LANES)] = (
                        rows_v[r, pl.ds(k * LANES, LANES)] * a)
                return carry2
            lax.fori_loop(0, BLK, scale, 0)

            pltpu.sync_copy(rows_v, acc_s.at[dstb], add=True)
            return carry

        lax.fori_loop(0, nblk2, p2, 0)
        plsc.subcore_barrier()

        for j in range(nchunk):
            r0 = s * rows_per_tile + j * BLK
            pltpu.sync_copy(acc_s.at[pl.ds(r0, BLK)], rows_v)
            pltpu.sync_copy(rows_v, out_hbm.at[pl.ds(c * NP + r0, BLK)])

    mesh = plsc.VectorSubcoreMesh(core_axis_name="c", subcore_axis_name="s",
                                  num_cores=NC, num_subcores=NS)
    return pl.kernel(
        body,
        out_type=[
            jax.ShapeDtypeStruct((NC * NP, C), jnp.float32),
            jax.ShapeDtypeStruct((H * EP,), jnp.float32),
            jax.ShapeDtypeStruct((NC * EP,), jnp.float32),
        ],
        mesh=mesh,
        compiler_params=pltpu.CompilerParams(needs_layout_passes=False),
        scratch_types=[
            pltpu.VMEM((N,), jnp.float32),
            pltpu.VMEM((N,), jnp.float32),
            pltpu.VMEM((NR, BLK), jnp.float32),
            pltpu.VMEM((BLK,), jnp.int32),
            pltpu.VMEM((BLK,), jnp.int32),
            pltpu.VMEM((BLK,), jnp.float32),
            pltpu.VMEM((NR,), jnp.int32),
            pltpu.VMEM((BLK, C), jnp.float32),
            pltpu.VMEM_SHARED((NP, C), jnp.float32),
            pltpu.VMEM_SHARED((NR, BLK), jnp.float32),
            pltpu.SemaphoreType.DMA,
        ],
    )




def kernel(x, edge_index, W1, as1, ad1, b1, W2, as2, ad2, b2):
    N, _ = x.shape
    E = edge_index.shape[1]
    H1, C1 = as1.shape
    H2, C2 = as2.shape
    EN = E + N
    EP = _round_up(EN, NC * NS * BLK)
    NP = _round_up(N, NS * BLK)

    loop = jnp.arange(N, dtype=edge_index.dtype)
    pad = jnp.zeros((EP - EN,), edge_index.dtype)
    src = jnp.concatenate([edge_index[0], loop, pad])
    dst = jnp.concatenate([edge_index[1], loop, pad])

    h1f, asrc1, adst1 = _tc_proj(x, W1, as1, ad1)
    out1f, alpha1f, _ = _sc_edge_layer(N, NP, EN, EP, H1, C1, edge_split=False)(
        src, dst, asrc1, adst1, h1f)
    out1 = out1f.reshape(NC, NP, C1)[:, :N, :]

    h2, asrc2, adst2 = _tc_mid(out1, b1, W2, as2, ad2)

    out2f, alpha2f, _ = _sc_edge_layer(N, NP, EN, EP, H2, C2, edge_split=True)(
        src, dst, asrc2, adst2, h2)
    out = _tc_final(out2f.reshape(NC, NP, C2)[:, :N, :], b2)

    alpha0 = alpha1f.reshape(H1, EP)[:, :EN].T
    alpha_out = alpha2f.reshape(H2, EP)[:, :EN].T
    return out, alpha0, alpha_out

# --- scband reference (transcript-rebuilt; emitter-appended) ---
"""Pipeline reference for scband-distributed-gat-82703890251956 (READ-ONLY COPY).

The authoritative reference and input builder live on the scoring server;
editing this copy changes nothing except your own understanding.
"""

import jax, jax.numpy as jnp
import numpy as np


def gat_conv(x, edge_index, W, att_src, att_dst, bias, heads, out_ch, concat):
    N = x.shape[0]
    loop = jnp.arange(N, dtype=edge_index.dtype)
    src = jnp.concatenate([edge_index[0], loop])
    dst = jnp.concatenate([edge_index[1], loop])
    h = (x @ W).reshape(N, heads, out_ch)
    a_src = (h * att_src[None]).sum(-1)  # [N, H]
    a_dst = (h * att_dst[None]).sum(-1)  # [N, H]
    alpha = a_src[src] + a_dst[dst]      # [E+N, H]
    alpha = jax.nn.leaky_relu(alpha, negative_slope=0.2)
    amax = jax.ops.segment_max(alpha, dst, num_segments=N)
    amax = jnp.where(jnp.isfinite(amax), amax, 0.0)
    ealpha = jnp.exp(alpha - amax[dst])
    denom = jax.ops.segment_sum(ealpha, dst, num_segments=N)
    alpha_n = ealpha / (denom[dst] + 1e-16)
    msg = h[src] * alpha_n[:, :, None]   # [E+N, H, C]
    out = jax.ops.segment_sum(msg, dst, num_segments=N)
    out = out.reshape(N, heads * out_ch) if concat else out.mean(axis=1)
    return out + bias, alpha_n


def setup_inputs(seed: int = 0):
    key = jax.random.key(seed)
    ks = jax.random.split(key, 10)
    N, E, D = 10000, 160000, 128
    H1, C1 = 2, 128
    H2, C2 = 1, 128
    x = jax.random.normal(ks[0], (N, D), dtype=jnp.float32)
    edge_index = jax.random.randint(ks[1], (2, E), 0, N, dtype=jnp.int32)
    W1 = jax.random.normal(ks[2], (D, H1 * C1), dtype=jnp.float32) * 0.05
    as1 = jax.random.normal(ks[3], (H1, C1), dtype=jnp.float32) * 0.05
    ad1 = jax.random.normal(ks[4], (H1, C1), dtype=jnp.float32) * 0.05
    b1 = jnp.zeros((H1 * C1,), dtype=jnp.float32)
    W2 = jax.random.normal(ks[5], (H1 * C1, H2 * C2), dtype=jnp.float32) * 0.05
    as2 = jax.random.normal(ks[6], (H2, C2), dtype=jnp.float32) * 0.05
    ad2 = jax.random.normal(ks[7], (H2, C2), dtype=jnp.float32) * 0.05
    b2 = jnp.zeros((C2,), dtype=jnp.float32)
    return {"x": x, "edge_index": edge_index, "W1": W1, "as1": as1, "ad1": ad1,
            "b1": b1, "W2": W2, "as2": as2, "ad2": ad2, "b2": b2}


def reference(x, edge_index, W1, as1, ad1, b1, W2, as2, ad2, b2):
    # Eval mode: dropout and edge_dropout are no-ops.
    h, alpha0 = gat_conv(x, edge_index, W1, as1, ad1, b1, heads=2, out_ch=128, concat=True)
    h = jax.nn.elu(h)
    out, alpha_out = gat_conv(h, edge_index, W2, as2, ad2, b2, heads=1, out_ch=128, concat=False)
    return (out, alpha0, alpha_out)

if __name__ == "__main__":
    import jax
    _d = setup_inputs()
    print(jax.jit(kernel)(*tuple(_d.values())))

</pallas_src>

<mosaic_0001>
#map = affine_map<(d0, d1) -> (0)>
#map1 = affine_map<(d0, d1) -> (0, 0)>
module attributes {stable_mosaic.version = 14 : i64} {
  func.func @body(%arg0: i32, %arg1: i32, %arg2: memref<172032xi32, #tpu.memory_space<hbm>>, %arg3: memref<172032xi32, #tpu.memory_space<hbm>>, %arg4: memref<20000xf32, #tpu.memory_space<hbm>>, %arg5: memref<20000xf32, #tpu.memory_space<hbm>>, %arg6: memref<20000x128xf32, #tpu.memory_space<hbm>>, %arg7: memref<20480x128xf32, #tpu.memory_space<hbm>>, %arg8: memref<344064xf32, #tpu.memory_space<hbm>>, %arg9: memref<344064xf32, #tpu.memory_space<hbm>>, %arg10: memref<10000xf32, #tpu.memory_space<vmem>>, %arg11: memref<10000xf32, #tpu.memory_space<vmem>>, %arg12: memref<80x128xf32, #tpu.memory_space<vmem>>, %arg13: memref<128xi32, #tpu.memory_space<vmem>>, %arg14: memref<128xi32, #tpu.memory_space<vmem>>, %arg15: memref<128xf32, #tpu.memory_space<vmem>>, %arg16: memref<80xi32, #tpu.memory_space<vmem>>, %arg17: memref<128x128xf32, #tpu.memory_space<vmem>>, %arg18: memref<10240x128xf32, #tpu.memory_space<vmem_shared>>, %arg19: memref<80x128xf32, #tpu.memory_space<vmem_shared>>, %arg20: memref<!tpu.dma_semaphore, #tpu.memory_space<semaphore_mem>>) attributes {dimension_semantics = [#tpu.dimension_semantics<core_parallel>, #tpu.dimension_semantics<subcore_parallel>], iteration_bounds = array<i64: 2, 16>, scalar_prefetch = 0 : i64, scratch_operands = 11 : i64, tpu.core_type = #tpu.core_type<sc_vector_subcore>, window_params = [{transform_indices = #map}, {transform_indices = #map}, {transform_indices = #map}, {transform_indices = #map}, {transform_indices = #map1}, {transform_indices = #map1}, {transform_indices = #map}, {transform_indices = #map}]} {
    %mul3A = arith.constant 1 : i32
    %mul3A_0 = arith.muli %arg0, %mul3A : i32
    %mul3A_1 = arith.constant 10000 : i32
    %mul3A_2 = arith.muli %mul3A_0, %mul3A_1 : i32
    "tpu.region"() ({
      %run_scoped3A = tpu.sem_alloc : memref<!tpu.dma_semaphore, #tpu.memory_space<semaphore_mem>>
      %dma_start3A = tpu.memref_slice %arg4[%mul3A_2] : memref<20000xf32, #tpu.memory_space<hbm>> -> memref<10000xf32, #tpu.memory_space<hbm>>
      %dma_start3A_165 = tpu.memref_slice %arg4[%mul3A_2] : memref<20000xf32, #tpu.memory_space<hbm>> -> memref<10000xf32, #tpu.memory_space<hbm>>
      tpu.enqueue_dma source(%dma_start3A_165 : memref<10000xf32, #tpu.memory_space<hbm>>) target(%arg10 : memref<10000xf32, #tpu.memory_space<vmem>>) target_semaphore(%run_scoped3A : memref<!tpu.dma_semaphore, #tpu.memory_space<semaphore_mem>>)
      %dma_wait3A = tpu.memref_slice %arg4[%mul3A_2] : memref<20000xf32, #tpu.memory_space<hbm>> -> memref<10000xf32, #tpu.memory_space<hbm>>
      %dma_wait3A_166 = tpu.memref_slice %arg4[%mul3A_2] : memref<20000xf32, #tpu.memory_space<hbm>> -> memref<10000xf32, #tpu.memory_space<hbm>>
      tpu.wait_dma2 semaphore(%run_scoped3A : memref<!tpu.dma_semaphore, #tpu.memory_space<semaphore_mem>>) src(%dma_wait3A_166 : memref<10000xf32, #tpu.memory_space<hbm>>) dst(%arg10 : memref<10000xf32, #tpu.memory_space<vmem>>)
      tpu.yield
    }) : () -> ()
    %mul3A_3 = arith.constant 10000 : i32
    %mul3A_4 = arith.muli %mul3A_0, %mul3A_3 : i32
    "tpu.region"() ({
      %run_scoped3A = tpu.sem_alloc : memref<!tpu.dma_semaphore, #tpu.memory_space<semaphore_mem>>
      %dma_start3A = tpu.memref_slice %arg5[%mul3A_4] : memref<20000xf32, #tpu.memory_space<hbm>> -> memref<10000xf32, #tpu.memory_space<hbm>>
      %dma_start3A_165 = tpu.memref_slice %arg5[%mul3A_4] : memref<20000xf32, #tpu.memory_space<hbm>> -> memref<10000xf32, #tpu.memory_space<hbm>>
      tpu.enqueue_dma source(%dma_start3A_165 : memref<10000xf32, #tpu.memory_space<hbm>>) target(%arg11 : memref<10000xf32, #tpu.memory_space<vmem>>) target_semaphore(%run_scoped3A : memref<!tpu.dma_semaphore, #tpu.memory_space<semaphore_mem>>)
      %dma_wait3A = tpu.memref_slice %arg5[%mul3A_4] : memref<20000xf32, #tpu.memory_space<hbm>> -> memref<10000xf32, #tpu.memory_space<hbm>>
      %dma_wait3A_166 = tpu.memref_slice %arg5[%mul3A_4] : memref<20000xf32, #tpu.memory_space<hbm>> -> memref<10000xf32, #tpu.memory_space<hbm>>
      tpu.wait_dma2 semaphore(%run_scoped3A : memref<!tpu.dma_semaphore, #tpu.memory_space<semaphore_mem>>) src(%dma_wait3A_166 : memref<10000xf32, #tpu.memory_space<hbm>>) dst(%arg11 : memref<10000xf32, #tpu.memory_space<vmem>>)
      tpu.yield
    }) : () -> ()
    %scan3A = arith.constant 0 : i32
    %scan3A_5 = arith.constant 0 : i32
    %scan3A_6 = arith.constant 128 : i32
    %scan3A_7 = arith.addi %scan3A_5, %scan3A_6 : i32
    %scan3A_8 = arith.constant 1 : i32
    scf.for %scan3A_165 = %scan3A_5 to %scan3A_7 step %scan3A_8  : i32 {
      %broadcast_in_dim3A_166 = arith.constant 0.000000e+00 : f32
      %broadcast_in_dim3A_167 = vector.broadcast %broadcast_in_dim3A_166 : f32 to vector<16xf32>
      %swap3A_168 = arith.index_cast %scan3A_165 : i32 to index
      %swap3A_169 = arith.constant 0 : index
      %swap3A_170 = tpu.vector_load %arg17[%swap3A_168, %swap3A_169] {strides = array<i32>} : memref<128x128xf32, #tpu.memory_space<vmem>>, vector<16xf32>,
      tpu.vector_store %arg17[%swap3A_168, %swap3A_169], %broadcast_in_dim3A_167 {strides = array<i32>} : memref<128x128xf32, #tpu.memory_space<vmem>>, vector<16xf32>,
      %broadcast_in_dim3A_171 = arith.constant 0.000000e+00 : f32
      %broadcast_in_dim3A_172 = vector.broadcast %broadcast_in_dim3A_171 : f32 to vector<16xf32>
      %swap3A_173 = arith.index_cast %scan3A_165 : i32 to index
      %swap3A_174 = arith.constant 16 : index
      %swap3A_175 = tpu.vector_load %arg17[%swap3A_173, %swap3A_174] {strides = array<i32>} : memref<128x128xf32, #tpu.memory_space<vmem>>, vector<16xf32>,
      tpu.vector_store %arg17[%swap3A_173, %swap3A_174], %broadcast_in_dim3A_172 {strides = array<i32>} : memref<128x128xf32, #tpu.memory_space<vmem>>, vector<16xf32>,
      %broadcast_in_dim3A_176 = arith.constant 0.000000e+00 : f32
      %broadcast_in_dim3A_177 = vector.broadcast %broadcast_in_dim3A_176 : f32 to vector<16xf32>
      %swap3A_178 = arith.index_cast %scan3A_165 : i32 to index
      %swap3A_179 = arith.constant 32 : index
      %swap3A_180 = tpu.vector_load %arg17[%swap3A_178, %swap3A_179] {strides = array<i32>} : memref<128x128xf32, #tpu.memory_space<vmem>>, vector<16xf32>,
      tpu.vector_store %arg17[%swap3A_178, %swap3A_179], %broadcast_in_dim3A_177 {strides = array<i32>} : memref<128x128xf32, #tpu.memory_space<vmem>>, vector<16xf32>,
      %broadcast_in_dim3A_181 = arith.constant 0.000000e+00 : f32
      %broadcast_in_dim3A_182 = vector.broadcast %broadcast_in_dim3A_181 : f32 to vector<16xf32>
      %swap3A_183 = arith.index_cast %scan3A_165 : i32 to index
      %swap3A_184 = arith.constant 48 : index
      %swap3A_185 = tpu.vector_load %arg17[%swap3A_183, %swap3A_184] {strides = array<i32>} : memref<128x128xf32, #tpu.memory_space<vmem>>, vector<16xf32>,
      tpu.vector_store %arg17[%swap3A_183, %swap3A_184], %broadcast_in_dim3A_182 {strides = array<i32>} : memref<128x128xf32, #tpu.memory_space<vmem>>, vector<16xf32>,
      %broadcast_in_dim3A_186 = arith.constant 0.000000e+00 : f32
      %broadcast_in_dim3A_187 = vector.broadcast %broadcast_in_dim3A_186 : f32 to vector<16xf32>
      %swap3A_188 = arith.index_cast %scan3A_165 : i32 to index
      %swap3A_189 = arith.constant 64 : index
      %swap3A_190 = tpu.vector_load %arg17[%swap3A_188, %swap3A_189] {strides = array<i32>} : memref<128x128xf32, #tpu.memory_space<vmem>>, vector<16xf32>,
      tpu.vector_store %arg17[%swap3A_188, %swap3A_189], %broadcast_in_dim3A_187 {strides = array<i32>} : memref<128x128xf32, #tpu.memory_space<vmem>>, vector<16xf32>,
      %broadcast_in_dim3A_191 = arith.constant 0.000000e+00 : f32
      %broadcast_in_dim3A_192 = vector.broadcast %broadcast_in_dim3A_191 : f32 to vector<16xf32>
      %swap3A_193 = arith.index_cast %scan3A_165 : i32 to index
      %swap3A_194 = arith.constant 80 : index
      %swap3A_195 = tpu.vector_load %arg17[%swap3A_193, %swap3A_194] {strides = array<i32>} : memref<128x128xf32, #tpu.memory_space<vmem>>, vector<16xf32>,
      tpu.vector_store %arg17[%swap3A_193, %swap3A_194], %broadcast_in_dim3A_192 {strides = array<i32>} : memref<128x128xf32, #tpu.memory_space<vmem>>, vector<16xf32>,
      %broadcast_in_dim3A_196 = arith.constant 0.000000e+00 : f32
      %broadcast_in_dim3A_197 = vector.broadcast %broadcast_in_dim3A_196 : f32 to vector<16xf32>
      %swap3A_198 = arith.index_cast %scan3A_165 : i32 to index
      %swap3A_199 = arith.constant 96 : index
      %swap3A_200 = tpu.vector_load %arg17[%swap3A_198, %swap3A_199] {strides = array<i32>} : memref<128x128xf32, #tpu.memory_space<vmem>>, vector<16xf32>,
      tpu.vector_store %arg17[%swap3A_198, %swap3A_199], %broadcast_in_dim3A_197 {strides = array<i32>} : memref<128x128xf32, #tpu.memory_space<vmem>>, vector<16xf32>,
      %broadcast_in_dim3A_201 = arith.constant 0.000000e+00 : f32
      %broadcast_in_dim3A_202 = vector.broadcast %broadcast_in_dim3A_201 : f32 to vector<16xf32>
      %swap3A_203 = arith.index_cast %scan3A_165 : i32 to index
      %swap3A_204 = arith.constant 112 : index
      %swap3A_205 = tpu.vector_load %arg17[%swap3A_203, %swap3A_204] {strides = array<i32>} : memref<128x128xf32, #tpu.memory_space<vmem>>, vector<16xf32>,
      tpu.vector_store %arg17[%swap3A_203, %swap3A_204], %broadcast_in_dim3A_202 {strides = array<i32>} : memref<128x128xf32, #tpu.memory_space<vmem>>, vector<16xf32>,
    }
    %scan3A_9 = arith.constant 128 : i32
    %scan3A_10 = arith.constant 0 : i32
    %scan3A_11 = arith.constant 0 : i32
    %scan3A_12 = arith.constant 80 : i32
    %scan3A_13 = arith.addi %scan3A_11, %scan3A_12 : i32
    %scan3A_14 = arith.constant 1 : i32
    scf.for %scan3A_165 = %scan3A_11 to %scan3A_13 step %scan3A_14  : i32 {
      %broadcast_in_dim3A_166 = arith.constant 0.000000e+00 : f32
      %broadcast_in_dim3A_167 = vector.broadcast %broadcast_in_dim3A_166 : f32 to vector<16xf32>
      %swap3A_168 = arith.index_cast %scan3A_165 : i32 to index
      %swap3A_169 = arith.constant 0 : index
      %swap3A_170 = tpu.vector_load %arg12[%swap3A_168, %swap3A_169] {strides = array<i32>} : memref<80x128xf32, #tpu.memory_space<vmem>>, vector<16xf32>,
      tpu.vector_store %arg12[%swap3A_168, %swap3A_169], %broadcast_in_dim3A_167 {strides = array<i32>} : memref<80x128xf32, #tpu.memory_space<vmem>>, vector<16xf32>,
      %broadcast_in_dim3A_171 = arith.constant 0.000000e+00 : f32
      %broadcast_in_dim3A_172 = vector.broadcast %broadcast_in_dim3A_171 : f32 to vector<16xf32>
      %swap3A_173 = arith.index_cast %scan3A_165 : i32 to index
      %swap3A_174 = arith.constant 16 : index
      %swap3A_175 = tpu.vector_load %arg12[%swap3A_173, %swap3A_174] {strides = array<i32>} : memref<80x128xf32, #tpu.memory_space<vmem>>, vector<16xf32>,
      tpu.vector_store %arg12[%swap3A_173, %swap3A_174], %broadcast_in_dim3A_172 {strides = array<i32>} : memref<80x128xf32, #tpu.memory_space<vmem>>, vector<16xf32>,
      %broadcast_in_dim3A_176 = arith.constant 0.000000e+00 : f32
      %broadcast_in_dim3A_177 = vector.broadcast %broadcast_in_dim3A_176 : f32 to vector<16xf32>
      %swap3A_178 = arith.index_cast %scan3A_165 : i32 to index
      %swap3A_179 = arith.constant 32 : index
      %swap3A_180 = tpu.vector_load %arg12[%swap3A_178, %swap3A_179] {strides = array<i32>} : memref<80x128xf32, #tpu.memory_space<vmem>>, vector<16xf32>,
      tpu.vector_store %arg12[%swap3A_178, %swap3A_179], %broadcast_in_dim3A_177 {strides = array<i32>} : memref<80x128xf32, #tpu.memory_space<vmem>>, vector<16xf32>,
      %broadcast_in_dim3A_181 = arith.constant 0.000000e+00 : f32
      %broadcast_in_dim3A_182 = vector.broadcast %broadcast_in_dim3A_181 : f32 to vector<16xf32>
      %swap3A_183 = arith.index_cast %scan3A_165 : i32 to index
      %swap3A_184 = arith.constant 48 : index
      %swap3A_185 = tpu.vector_load %arg12[%swap3A_183, %swap3A_184] {strides = array<i32>} : memref<80x128xf32, #tpu.memory_space<vmem>>, vector<16xf32>,
      tpu.vector_store %arg12[%swap3A_183, %swap3A_184], %broadcast_in_dim3A_182 {strides = array<i32>} : memref<80x128xf32, #tpu.memory_space<vmem>>, vector<16xf32>,
      %broadcast_in_dim3A_186 = arith.constant 0.000000e+00 : f32
      %broadcast_in_dim3A_187 = vector.broadcast %broadcast_in_dim3A_186 : f32 to vector<16xf32>
      %swap3A_188 = arith.index_cast %scan3A_165 : i32 to index
      %swap3A_189 = arith.constant 64 : index
      %swap3A_190 = tpu.vector_load %arg12[%swap3A_188, %swap3A_189] {strides = array<i32>} : memref<80x128xf32, #tpu.memory_space<vmem>>, vector<16xf32>,
      tpu.vector_store %arg12[%swap3A_188, %swap3A_189], %broadcast_in_dim3A_187 {strides = array<i32>} : memref<80x128xf32, #tpu.memory_space<vmem>>, vector<16xf32>,
      %broadcast_in_dim3A_191 = arith.constant 0.000000e+00 : f32
      %broadcast_in_dim3A_192 = vector.broadcast %broadcast_in_dim3A_191 : f32 to vector<16xf32>
      %swap3A_193 = arith.index_cast %scan3A_165 : i32 to index
      %swap3A_194 = arith.constant 80 : index
      %swap3A_195 = tpu.vector_load %arg12[%swap3A_193, %swap3A_194] {strides = array<i32>} : memref<80x128xf32, #tpu.memory_space<vmem>>, vector<16xf32>,
      tpu.vector_store %arg12[%swap3A_193, %swap3A_194], %broadcast_in_dim3A_192 {strides = array<i32>} : memref<80x128xf32, #tpu.memory_space<vmem>>, vector<16xf32>,
      %broadcast_in_dim3A_196 = arith.constant 0.000000e+00 : f32
      %broadcast_in_dim3A_197 = vector.broadcast %broadcast_in_dim3A_196 : f32 to vector<16xf32>
      %swap3A_198 = arith.index_cast %scan3A_165 : i32 to index
      %swap3A_199 = arith.constant 96 : index
      %swap3A_200 = tpu.vector_load %arg12[%swap3A_198, %swap3A_199] {strides = array<i32>} : memref<80x128xf32, #tpu.memory_space<vmem>>, vector<16xf32>,
      tpu.vector_store %arg12[%swap3A_198, %swap3A_199], %broadcast_in_dim3A_197 {strides = array<i32>} : memref<80x128xf32, #tpu.memory_space<vmem>>, vector<16xf32>,
      %broadcast_in_dim3A_201 = arith.constant 0.000000e+00 : f32
      %broadcast_in_dim3A_202 = vector.broadcast %broadcast_in_dim3A_201 : f32 to vector<16xf32>
      %swap3A_203 = arith.index_cast %scan3A_165 : i32 to index
      %swap3A_204 = arith.constant 112 : index
      %swap3A_205 = tpu.vector_load %arg12[%swap3A_203, %swap3A_204] {strides = array<i32>} : memref<80x128xf32, #tpu.memory_space<vmem>>, vector<16xf32>,
      tpu.vector_store %arg12[%swap3A_203, %swap3A_204], %broadcast_in_dim3A_202 {strides = array<i32>} : memref<80x128xf32, #tpu.memory_space<vmem>>, vector<16xf32>,
    }
    %scan3A_15 = arith.constant 80 : i32
    %iota3A = tpu.iota {dimensions = array<i32: 0>} : vector<16xi32>
    %add3A = arith.constant 0 : i32
    %add3A_16 = vector.broadcast %add3A : i32 to vector<16xi32>
    %add3A_17 = arith.addi %iota3A, %add3A_16 : vector<16xi32>
    %swap3A = arith.constant 0 : index
    %swap3A_18 = tpu.vector_load %arg16[%swap3A] {strides = array<i32>} : memref<80xi32, #tpu.memory_space<vmem>>, vector<16xi32>,
    tpu.vector_store %arg16[%swap3A], %add3A_17 {strides = array<i32>} : memref<80xi32, #tpu.memory_space<vmem>>, vector<16xi32>,
    %iota3A_19 = tpu.iota {dimensions = array<i32: 0>} : vector<16xi32>
    %add3A_20 = arith.constant 16 : i32
    %add3A_21 = vector.broadcast %add3A_20 : i32 to vector<16xi32>
    %add3A_22 = arith.addi %iota3A_19, %add3A_21 : vector<16xi32>
    %swap3A_23 = arith.constant 16 : index
    %swap3A_24 = tpu.vector_load %arg16[%swap3A_23] {strides = array<i32>} : memref<80xi32, #tpu.memory_space<vmem>>, vector<16xi32>,
    tpu.vector_store %arg16[%swap3A_23], %add3A_22 {strides = array<i32>} : memref<80xi32, #tpu.memory_space<vmem>>, vector<16xi32>,
    %iota3A_25 = tpu.iota {dimensions = array<i32: 0>} : vector<16xi32>
    %add3A_26 = arith.constant 32 : i32
    %add3A_27 = vector.broadcast %add3A_26 : i32 to vector<16xi32>
    %add3A_28 = arith.addi %iota3A_25, %add3A_27 : vector<16xi32>
    %swap3A_29 = arith.constant 32 : index
    %swap3A_30 = tpu.vector_load %arg16[%swap3A_29] {strides = array<i32>} : memref<80xi32, #tpu.memory_space<vmem>>, vector<16xi32>,
    tpu.vector_store %arg16[%swap3A_29], %add3A_28 {strides = array<i32>} : memref<80xi32, #tpu.memory_space<vmem>>, vector<16xi32>,
    %iota3A_31 = tpu.iota {dimensions = array<i32: 0>} : vector<16xi32>
    %add3A_32 = arith.constant 48 : i32
    %add3A_33 = vector.broadcast %add3A_32 : i32 to vector<16xi32>
    %add3A_34 = arith.addi %iota3A_31, %add3A_33 : vector<16xi32>
    %swap3A_35 = arith.constant 48 : index
    %swap3A_36 = tpu.vector_load %arg16[%swap3A_35] {strides = array<i32>} : memref<80xi32, #tpu.memory_space<vmem>>, vector<16xi32>,
    tpu.vector_store %arg16[%swap3A_35], %add3A_34 {strides = array<i32>} : memref<80xi32, #tpu.memory_space<vmem>>, vector<16xi32>,
    %iota3A_37 = tpu.iota {dimensions = array<i32: 0>} : vector<16xi32>
    %add3A_38 = arith.constant 64 : i32
    %add3A_39 = vector.broadcast %add3A_38 : i32 to vector<16xi32>
    %add3A_40 = arith.addi %iota3A_37, %add3A_39 : vector<16xi32>
    %swap3A_41 = arith.constant 64 : index
    %swap3A_42 = tpu.vector_load %arg16[%swap3A_41] {strides = array<i32>} : memref<80xi32, #tpu.memory_space<vmem>>, vector<16xi32>,
    tpu.vector_store %arg16[%swap3A_41], %add3A_40 {strides = array<i32>} : memref<80xi32, #tpu.memory_space<vmem>>, vector<16xi32>,
    %mul3A_43 = arith.constant 640 : i32
    %mul3A_44 = arith.muli %arg1, %mul3A_43 : i32
    %add3A_45 = arith.constant 0 : i32
    %add3A_46 = arith.addi %mul3A_44, %add3A_45 : i32
    "tpu.region"() ({
      %run_scoped3A = tpu.sem_alloc : memref<!tpu.dma_semaphore, #tpu.memory_space<semaphore_mem>>
      %dma_start3A = arith.constant 0 : i32
      %dma_start3A_165 = tpu.memref_slice %arg18[%add3A_46, %dma_start3A] : memref<10240x128xf32, #tpu.memory_space<vmem_shared>> -> memref<128x128xf32, #tpu.memory_space<vmem_shared>>
      %dma_start3A_166 = arith.constant 0 : i32
      %dma_start3A_167 = tpu.memref_slice %arg18[%add3A_46, %dma_start3A_166] : memref<10240x128xf32, #tpu.memory_space<vmem_shared>> -> memref<128x128xf32, #tpu.memory_space<vmem_shared>>
      tpu.enqueue_dma source(%arg17 : memref<128x128xf32, #tpu.memory_space<vmem>>) target(%dma_start3A_167 : memref<128x128xf32, #tpu.memory_space<vmem_shared>>) target_semaphore(%run_scoped3A : memref<!tpu.dma_semaphore, #tpu.memory_space<semaphore_mem>>)
      %dma_wait3A = arith.constant 0 : i32
      %dma_wait3A_168 = tpu.memref_slice %arg18[%add3A_46, %dma_wait3A] : memref<10240x128xf32, #tpu.memory_space<vmem_shared>> -> memref<128x128xf32, #tpu.memory_space<vmem_shared>>
      %dma_wait3A_169 = arith.constant 0 : i32
      %dma_wait3A_170 = tpu.memref_slice %arg18[%add3A_46, %dma_wait3A_169] : memref<10240x128xf32, #tpu.memory_space<vmem_shared>> -> memref<128x128xf32, #tpu.memory_space<vmem_shared>>
      tpu.wait_dma2 semaphore(%run_scoped3A : memref<!tpu.dma_semaphore, #tpu.memory_space<semaphore_mem>>) src(%arg17 : memref<128x128xf32, #tpu.memory_space<vmem>>) dst(%dma_wait3A_170 : memref<128x128xf32, #tpu.memory_space<vmem_shared>>)
      tpu.yield
    }) : () -> ()
    %mul3A_47 = arith.constant 640 : i32
    %mul3A_48 = arith.muli %arg1, %mul3A_47 : i32
    %add3A_49 = arith.constant 128 : i32
    %add3A_50 = arith.addi %mul3A_48, %add3A_49 : i32
    "tpu.region"() ({
      %run_scoped3A = tpu.sem_alloc : memref<!tpu.dma_semaphore, #tpu.memory_space<semaphore_mem>>
      %dma_start3A = arith.constant 0 : i32
      %dma_start3A_165 = tpu.memref_slice %arg18[%add3A_50, %dma_start3A] : memref<10240x128xf32, #tpu.memory_space<vmem_shared>> -> memref<128x128xf32, #tpu.memory_space<vmem_shared>>
      %dma_start3A_166 = arith.constant 0 : i32
      %dma_start3A_167 = tpu.memref_slice %arg18[%add3A_50, %dma_start3A_166] : memref<10240x128xf32, #tpu.memory_space<vmem_shared>> -> memref<128x128xf32, #tpu.memory_space<vmem_shared>>
      tpu.enqueue_dma source(%arg17 : memref<128x128xf32, #tpu.memory_space<vmem>>) target(%dma_start3A_167 : memref<128x128xf32, #tpu.memory_space<vmem_shared>>) target_semaphore(%run_scoped3A : memref<!tpu.dma_semaphore, #tpu.memory_space<semaphore_mem>>)
      %dma_wait3A = arith.constant 0 : i32
      %dma_wait3A_168 = tpu.memref_slice %arg18[%add3A_50, %dma_wait3A] : memref<10240x128xf32, #tpu.memory_space<vmem_shared>> -> memref<128x128xf32, #tpu.memory_space<vmem_shared>>
      %dma_wait3A_169 = arith.constant 0 : i32
      %dma_wait3A_170 = tpu.memref_slice %arg18[%add3A_50, %dma_wait3A_169] : memref<10240x128xf32, #tpu.memory_space<vmem_shared>> -> memref<128x128xf32, #tpu.memory_space<vmem_shared>>
      tpu.wait_dma2 semaphore(%run_scoped3A : memref<!tpu.dma_semaphore, #tpu.memory_space<semaphore_mem>>) src(%arg17 : memref<128x128xf32, #tpu.memory_space<vmem>>) dst(%dma_wait3A_170 : memref<128x128xf32, #tpu.memory_space<vmem_shared>>)
      tpu.yield
    }) : () -> ()
    %mul3A_51 = arith.constant 640 : i32
    %mul3A_52 = arith.muli %arg1, %mul3A_51 : i32
    %add3A_53 = arith.constant 256 : i32
    %add3A_54 = arith.addi %mul3A_52, %add3A_53 : i32
    "tpu.region"() ({
      %run_scoped3A = tpu.sem_alloc : memref<!tpu.dma_semaphore, #tpu.memory_space<semaphore_mem>>
      %dma_start3A = arith.constant 0 : i32
      %dma_start3A_165 = tpu.memref_slice %arg18[%add3A_54, %dma_start3A] : memref<10240x128xf32, #tpu.memory_space<vmem_shared>> -> memref<128x128xf32, #tpu.memory_space<vmem_shared>>
      %dma_start3A_166 = arith.constant 0 : i32
      %dma_start3A_167 = tpu.memref_slice %arg18[%add3A_54, %dma_start3A_166] : memref<10240x128xf32, #tpu.memory_space<vmem_shared>> -> memref<128x128xf32, #tpu.memory_space<vmem_shared>>
      tpu.enqueue_dma source(%arg17 : memref<128x128xf32, #tpu.memory_space<vmem>>) target(%dma_start3A_167 : memref<128x128xf32, #tpu.memory_space<vmem_shared>>) target_semaphore(%run_scoped3A : memref<!tpu.dma_semaphore, #tpu.memory_space<semaphore_mem>>)
      %dma_wait3A = arith.constant 0 : i32
      %dma_wait3A_168 = tpu.memref_slice %arg18[%add3A_54, %dma_wait3A] : memref<10240x128xf32, #tpu.memory_space<vmem_shared>> -> memref<128x128xf32, #tpu.memory_space<vmem_shared>>
      %dma_wait3A_169 = arith.constant 0 : i32
      %dma_wait3A_170 = tpu.memref_slice %arg18[%add3A_54, %dma_wait3A_169] : memref<10240x128xf32, #tpu.memory_space<vmem_shared>> -> memref<128x128xf32, #tpu.memory_space<vmem_shared>>
      tpu.wait_dma2 semaphore(%run_scoped3A : memref<!tpu.dma_semaphore, #tpu.memory_space<semaphore_mem>>) src(%arg17 : memref<128x128xf32, #tpu.memory_space<vmem>>) dst(%dma_wait3A_170 : memref<128x128xf32, #tpu.memory_space<vmem_shared>>)
      tpu.yield
    }) : () -> ()
    %mul3A_55 = arith.constant 640 : i32
    %mul3A_56 = arith.muli %arg1, %mul3A_55 : i32
    %add3A_57 = arith.constant 384 : i32
    %add3A_58 = arith.addi %mul3A_56, %add3A_57 : i32
    "tpu.region"() ({
      %run_scoped3A = tpu.sem_alloc : memref<!tpu.dma_semaphore, #tpu.memory_space<semaphore_mem>>
      %dma_start3A = arith.constant 0 : i32
      %dma_start3A_165 = tpu.memref_slice %arg18[%add3A_58, %dma_start3A] : memref<10240x128xf32, #tpu.memory_space<vmem_shared>> -> memref<128x128xf32, #tpu.memory_space<vmem_shared>>
      %dma_start3A_166 = arith.constant 0 : i32
      %dma_start3A_167 = tpu.memref_slice %arg18[%add3A_58, %dma_start3A_166] : memref<10240x128xf32, #tpu.memory_space<vmem_shared>> -> memref<128x128xf32, #tpu.memory_space<vmem_shared>>
      tpu.enqueue_dma source(%arg17 : memref<128x128xf32, #tpu.memory_space<vmem>>) target(%dma_start3A_167 : memref<128x128xf32, #tpu.memory_space<vmem_shared>>) target_semaphore(%run_scoped3A : memref<!tpu.dma_semaphore, #tpu.memory_space<semaphore_mem>>)
      %dma_wait3A = arith.constant 0 : i32
      %dma_wait3A_168 = tpu.memref_slice %arg18[%add3A_58, %dma_wait3A] : memref<10240x128xf32, #tpu.memory_space<vmem_shared>> -> memref<128x128xf32, #tpu.memory_space<vmem_shared>>
      %dma_wait3A_169 = arith.constant 0 : i32
      %dma_wait3A_170 = tpu.memref_slice %arg18[%add3A_58, %dma_wait3A_169] : memref<10240x128xf32, #tpu.memory_space<vmem_shared>> -> memref<128x128xf32, #tpu.memory_space<vmem_shared>>
      tpu.wait_dma2 semaphore(%run_scoped3A : memref<!tpu.dma_semaphore, #tpu.memory_space<semaphore_mem>>) src(%arg17 : memref<128x128xf32, #tpu.memory_space<vmem>>) dst(%dma_wait3A_170 : memref<128x128xf32, #tpu.memory_space<vmem_shared>>)
      tpu.yield
    }) : () -> ()
    %mul3A_59 = arith.constant 640 : i32
    %mul3A_60 = arith.muli %arg1, %mul3A_59 : i32
    %add3A_61 = arith.constant 512 : i32
    %add3A_62 = arith.addi %mul3A_60, %add3A_61 : i32
    "tpu.region"() ({
      %run_scoped3A = tpu.sem_alloc : memref<!tpu.dma_semaphore, #tpu.memory_space<semaphore_mem>>
      %dma_start3A = arith.constant 0 : i32
      %dma_start3A_165 = tpu.memref_slice %arg18[%add3A_62, %dma_start3A] : memref<10240x128xf32, #tpu.memory_space<vmem_shared>> -> memref<128x128xf32, #tpu.memory_space<vmem_shared>>
      %dma_start3A_166 = arith.constant 0 : i32
      %dma_start3A_167 = tpu.memref_slice %arg18[%add3A_62, %dma_start3A_166] : memref<10240x128xf32, #tpu.memory_space<vmem_shared>> -> memref<128x128xf32, #tpu.memory_space<vmem_shared>>
      tpu.enqueue_dma source(%arg17 : memref<128x128xf32, #tpu.memory_space<vmem>>) target(%dma_start3A_167 : memref<128x128xf32, #tpu.memory_space<vmem_shared>>) target_semaphore(%run_scoped3A : memref<!tpu.dma_semaphore, #tpu.memory_space<semaphore_mem>>)
      %dma_wait3A = arith.constant 0 : i32
      %dma_wait3A_168 = tpu.memref_slice %arg18[%add3A_62, %dma_wait3A] : memref<10240x128xf32, #tpu.memory_space<vmem_shared>> -> memref<128x128xf32, #tpu.memory_space<vmem_shared>>
      %dma_wait3A_169 = arith.constant 0 : i32
      %dma_wait3A_170 = tpu.memref_slice %arg18[%add3A_62, %dma_wait3A_169] : memref<10240x128xf32, #tpu.memory_space<vmem_shared>> -> memref<128x128xf32, #tpu.memory_space<vmem_shared>>
      tpu.wait_dma2 semaphore(%run_scoped3A : memref<!tpu.dma_semaphore, #tpu.memory_space<semaphore_mem>>) src(%arg17 : memref<128x128xf32, #tpu.memory_space<vmem>>) dst(%dma_wait3A_170 : memref<128x128xf32, #tpu.memory_space<vmem_shared>>)
      tpu.yield
    }) : () -> ()
    %mul3A_63 = arith.constant 5 : i32
    %mul3A_64 = arith.muli %arg1, %mul3A_63 : i32
    "tpu.region"() ({
      %run_scoped3A = tpu.sem_alloc : memref<!tpu.dma_semaphore, #tpu.memory_space<semaphore_mem>>
      %dma_start3A = arith.constant 0 : i32
      %dma_start3A_165 = arith.constant 0 : i32
      %dma_start3A_166 = tpu.memref_slice %arg17[%dma_start3A, %dma_start3A_165] : memref<128x128xf32, #tpu.memory_space<vmem>> -> memref<5x128xf32, #tpu.memory_space<vmem>>
      %dma_start3A_167 = arith.constant 0 : i32
      %dma_start3A_168 = tpu.memref_slice %arg19[%mul3A_64, %dma_start3A_167] : memref<80x128xf32, #tpu.memory_space<vmem_shared>> -> memref<5x128xf32, #tpu.memory_space<vmem_shared>>
      %dma_start3A_169 = arith.constant 0 : i32
      %dma_start3A_170 = tpu.memref_slice %arg19[%mul3A_64, %dma_start3A_169] : memref<80x128xf32, #tpu.memory_space<vmem_shared>> -> memref<5x128xf32, #tpu.memory_space<vmem_shared>>
      %dma_start3A_171 = arith.constant 0 : i32
      %dma_start3A_172 = arith.constant 0 : i32
      %dma_start3A_173 = tpu.memref_slice %arg17[%dma_start3A_171, %dma_start3A_172] : memref<128x128xf32, #tpu.memory_space<vmem>> -> memref<5x128xf32, #tpu.memory_space<vmem>>
      tpu.enqueue_dma source(%dma_start3A_173 : memref<5x128xf32, #tpu.memory_space<vmem>>) target(%dma_start3A_170 : memref<5x128xf32, #tpu.memory_space<vmem_shared>>) target_semaphore(%run_scoped3A : memref<!tpu.dma_semaphore, #tpu.memory_space<semaphore_mem>>)
      %dma_wait3A = arith.constant 0 : i32
      %dma_wait3A_174 = arith.constant 0 : i32
      %dma_wait3A_175 = tpu.memref_slice %arg17[%dma_wait3A, %dma_wait3A_174] : memref<128x128xf32, #tpu.memory_space<vmem>> -> memref<5x128xf32, #tpu.memory_space<vmem>>
      %dma_wait3A_176 = arith.constant 0 : i32
      %dma_wait3A_177 = tpu.memref_slice %arg19[%mul3A_64, %dma_wait3A_176] : memref<80x128xf32, #tpu.memory_space<vmem_shared>> -> memref<5x128xf32, #tpu.memory_space<vmem_shared>>
      %dma_wait3A_178 = arith.constant 0 : i32
      %dma_wait3A_179 = tpu.memref_slice %arg19[%mul3A_64, %dma_wait3A_178] : memref<80x128xf32, #tpu.memory_space<vmem_shared>> -> memref<5x128xf32, #tpu.memory_space<vmem_shared>>
      %dma_wait3A_180 = arith.constant 0 : i32
      %dma_wait3A_181 = arith.constant 0 : i32
      %dma_wait3A_182 = tpu.memref_slice %arg17[%dma_wait3A_180, %dma_wait3A_181] : memref<128x128xf32, #tpu.memory_space<vmem>> -> memref<5x128xf32, #tpu.memory_space<vmem>>
      tpu.wait_dma2 semaphore(%run_scoped3A : memref<!tpu.dma_semaphore, #tpu.memory_space<semaphore_mem>>) src(%dma_wait3A_182 : memref<5x128xf32, #tpu.memory_space<vmem>>) dst(%dma_wait3A_179 : memref<5x128xf32, #tpu.memory_space<vmem_shared>>)
      tpu.yield
    }) : () -> ()
    %broadcast_in_dim3A = arith.constant 0xFF800000 : f32
    %broadcast_in_dim3A_65 = vector.broadcast %broadcast_in_dim3A : f32 to vector<16xf32>
    %scan3A_66 = arith.constant 0 : i32
    %scan3A_67 = arith.constant 625 : i32
    %scan3A_68 = arith.addi %scan3A_66, %scan3A_67 : i32
    %scan3A_69 = arith.constant 1 : i32
    %scan3A_70 = scf.for %scan3A_165 = %scan3A_66 to %scan3A_68 step %scan3A_69 iter_args(%scan3A_166 = %broadcast_in_dim3A_65) -> (vector<16xf32>)  : i32 {
      %mul3A_167 = arith.constant 16 : i32
      %mul3A_168 = arith.muli %scan3A_165, %mul3A_167 : i32
      %get3A = arith.index_cast %mul3A_168 : i32 to index
      %get3A_169 = tpu.vector_load %arg10[%get3A] {strides = array<i32>} : memref<10000xf32, #tpu.memory_space<vmem>>, vector<16xf32>,
      %max3A_170 = arith.maximumf %scan3A_166, %get3A_169 : vector<16xf32>
      scf.yield %max3A_170 : vector<16xf32>
    }
    %scan3A_71 = arith.constant 625 : i32
    %broadcast_in_dim3A_72 = arith.constant 0xFF800000 : f32
    %broadcast_in_dim3A_73 = vector.broadcast %broadcast_in_dim3A_72 : f32 to vector<16xf32>
    %scan3A_74 = arith.constant 0 : i32
    %scan3A_75 = arith.constant 625 : i32
    %scan3A_76 = arith.addi %scan3A_74, %scan3A_75 : i32
    %scan3A_77 = arith.constant 1 : i32
    %scan3A_78 = scf.for %scan3A_165 = %scan3A_74 to %scan3A_76 step %scan3A_77 iter_args(%scan3A_166 = %broadcast_in_dim3A_73) -> (vector<16xf32>)  : i32 {
      %mul3A_167 = arith.constant 16 : i32
      %mul3A_168 = arith.muli %scan3A_165, %mul3A_167 : i32
      %get3A = arith.index_cast %mul3A_168 : i32 to index
      %get3A_169 = tpu.vector_load %arg11[%get3A] {strides = array<i32>} : memref<10000xf32, #tpu.memory_space<vmem>>, vector<16xf32>,
      %max3A_170 = arith.maximumf %scan3A_166, %get3A_169 : vector<16xf32>
      scf.yield %max3A_170 : vector<16xf32>
    }
    %scan3A_79 = arith.constant 625 : i32
    %add3A_80 = arith.addf %scan3A_70, %scan3A_78 : vector<16xf32>
    %iota3A_81 = tpu.iota {dimensions = array<i32: 0>} : vector<16xi32>
    %swap3A_82 = arith.constant 0 : index
    %swap3A_83 = tpu.vector_load %arg15[%swap3A_82] {strides = array<i32>} : memref<128xf32, #tpu.memory_space<vmem>>, vector<16xf32>,
    tpu.vector_store %arg15[%swap3A_82], %add3A_80 {strides = array<i32>} : memref<128xf32, #tpu.memory_space<vmem>>, vector<16xf32>,
    %xor3A = arith.constant 8 : i32
    %xor3A_84 = vector.broadcast %xor3A : i32 to vector<16xi32>
    %xor3A_85 = arith.xori %iota3A_81, %xor3A_84 : vector<16xi32>
    %gather3A = tpu.vector_load_idx %arg15[%xor3A_85] : memref<128xf32, #tpu.memory_space<vmem>>[vector<16xi32>], vector<16xf32>,
    %max3A = arith.maximumf %add3A_80, %gather3A : vector<16xf32>
    %swap3A_86 = arith.constant 0 : index
    %swap3A_87 = tpu.vector_load %arg15[%swap3A_86] {strides = array<i32>} : memref<128xf32, #tpu.memory_space<vmem>>, vector<16xf32>,
    tpu.vector_store %arg15[%swap3A_86], %max3A {strides = array<i32>} : memref<128xf32, #tpu.memory_space<vmem>>, vector<16xf32>,
    %xor3A_88 = arith.constant 4 : i32
    %xor3A_89 = vector.broadcast %xor3A_88 : i32 to vector<16xi32>
    %xor3A_90 = arith.xori %iota3A_81, %xor3A_89 : vector<16xi32>
    %gather3A_91 = tpu.vector_load_idx %arg15[%xor3A_90] : memref<128xf32, #tpu.memory_space<vmem>>[vector<16xi32>], vector<16xf32>,
    %max3A_92 = arith.maximumf %max3A, %gather3A_91 : vector<16xf32>
    %swap3A_93 = arith.constant 0 : index
    %swap3A_94 = tpu.vector_load %arg15[%swap3A_93] {strides = array<i32>} : memref<128xf32, #tpu.memory_space<vmem>>, vector<16xf32>,
    tpu.vector_store %arg15[%swap3A_93], %max3A_92 {strides = array<i32>} : memref<128xf32, #tpu.memory_space<vmem>>, vector<16xf32>,
    %xor3A_95 = arith.constant 2 : i32
    %xor3A_96 = vector.broadcast %xor3A_95 : i32 to vector<16xi32>
    %xor3A_97 = arith.xori %iota3A_81, %xor3A_96 : vector<16xi32>
    %gather3A_98 = tpu.vector_load_idx %arg15[%xor3A_97] : memref<128xf32, #tpu.memory_space<vmem>>[vector<16xi32>], vector<16xf32>,
    %max3A_99 = arith.maximumf %max3A_92, %gather3A_98 : vector<16xf32>
    %swap3A_100 = arith.constant 0 : index
    %swap3A_101 = tpu.vector_load %arg15[%swap3A_100] {strides = array<i32>} : memref<128xf32, #tpu.memory_space<vmem>>, vector<16xf32>,
    tpu.vector_store %arg15[%swap3A_100], %max3A_99 {strides = array<i32>} : memref<128xf32, #tpu.memory_space<vmem>>, vector<16xf32>,
    %xor3A_102 = arith.constant 1 : i32
    %xor3A_103 = vector.broadcast %xor3A_102 : i32 to vector<16xi32>
    %xor3A_104 = arith.xori %iota3A_81, %xor3A_103 : vector<16xi32>
    %gather3A_105 = tpu.vector_load_idx %arg15[%xor3A_104] : memref<128xf32, #tpu.memory_space<vmem>>[vector<16xi32>], vector<16xf32>,
    %max3A_106 = arith.maximumf %max3A_99, %gather3A_105 : vector<16xf32>
    %mul3A_107 = arith.constant 2.000000e-01 : f32
    %mul3A_108 = vector.broadcast %mul3A_107 : f32 to vector<16xf32>
    %mul3A_109 = arith.mulf %mul3A_108, %max3A_106 : vector<16xf32>
    %max3A_110 = arith.maximumf %max3A_106, %mul3A_109 : vector<16xf32>
    %barrier3A = arith.constant 0 : index
    tpu.barrier barrier_id(%barrier3A)
    %mul3A_111 = arith.constant 10752 : i32
    %mul3A_112 = arith.muli %arg1, %mul3A_111 : i32
    %iota3A_113 = tpu.iota {dimensions = array<i32: 0>} : vector<16xi32>
    %scan3A_114 = arith.constant 0 : i32
    %scan3A_115 = arith.constant 0 : i32
    %scan3A_116 = arith.constant 84 : i32
    %scan3A_117 = arith.addi %scan3A_115, %scan3A_116 : i32
    %scan3A_118 = arith.constant 1 : i32
    scf.for %scan3A_165 = %scan3A_115 to %scan3A_117 step %scan3A_118  : i32 {
      %mul3A_166 = arith.constant 128 : i32
      %mul3A_167 = arith.muli %scan3A_165, %mul3A_166 : i32
      %add3A_168 = arith.addi %mul3A_112, %mul3A_167 : i32
      %multiple_of3A = tpu.assume_multiple %add3A_168, 128 : i32
      "tpu.region"() ({
        %run_scoped3A = tpu.sem_alloc : memref<!tpu.dma_semaphore, #tpu.memory_space<semaphore_mem>>
        %dma_start3A = tpu.memref_slice %arg2[%multiple_of3A] : memref<172032xi32, #tpu.memory_space<hbm>> -> memref<128xi32, #tpu.memory_space<hbm>>
        %dma_start3A_412 = tpu.memref_slice %arg2[%multiple_of3A] : memref<172032xi32, #tpu.memory_space<hbm>> -> memref<128xi32, #tpu.memory_space<hbm>>
        tpu.enqueue_dma source(%dma_start3A_412 : memref<128xi32, #tpu.memory_space<hbm>>) target(%arg13 : memref<128xi32, #tpu.memory_space<vmem>>) target_semaphore(%run_scoped3A : memref<!tpu.dma_semaphore, #tpu.memory_space<semaphore_mem>>)
        %dma_wait3A = tpu.memref_slice %arg2[%multiple_of3A] : memref<172032xi32, #tpu.memory_space<hbm>> -> memref<128xi32, #tpu.memory_space<hbm>>
        %dma_wait3A_413 = tpu.memref_slice %arg2[%multiple_of3A] : memref<172032xi32, #tpu.memory_space<hbm>> -> memref<128xi32, #tpu.memory_space<hbm>>
        tpu.wait_dma2 semaphore(%run_scoped3A : memref<!tpu.dma_semaphore, #tpu.memory_space<semaphore_mem>>) src(%dma_wait3A_413 : memref<128xi32, #tpu.memory_space<hbm>>) dst(%arg13 : memref<128xi32, #tpu.memory_space<vmem>>)
        tpu.yield
      }) : () -> ()
      "tpu.region"() ({
        %run_scoped3A = tpu.sem_alloc : memref<!tpu.dma_semaphore, #tpu.memory_space<semaphore_mem>>
        %dma_start3A = tpu.memref_slice %arg3[%multiple_of3A] : memref<172032xi32, #tpu.memory_space<hbm>> -> memref<128xi32, #tpu.memory_space<hbm>>
        %dma_start3A_412 = tpu.memref_slice %arg3[%multiple_of3A] : memref<172032xi32, #tpu.memory_space<hbm>> -> memref<128xi32, #tpu.memory_space<hbm>>
        tpu.enqueue_dma source(%dma_start3A_412 : memref<128xi32, #tpu.memory_space<hbm>>) target(%arg14 : memref<128xi32, #tpu.memory_space<vmem>>) target_semaphore(%run_scoped3A : memref<!tpu.dma_semaphore, #tpu.memory_space<semaphore_mem>>)
        %dma_wait3A = tpu.memref_slice %arg3[%multiple_of3A] : memref<172032xi32, #tpu.memory_space<hbm>> -> memref<128xi32, #tpu.memory_space<hbm>>
        %dma_wait3A_413 = tpu.memref_slice %arg3[%multiple_of3A] : memref<172032xi32, #tpu.memory_space<hbm>> -> memref<128xi32, #tpu.memory_space<hbm>>
        tpu.wait_dma2 semaphore(%run_scoped3A : memref<!tpu.dma_semaphore, #tpu.memory_space<semaphore_mem>>) src(%dma_wait3A_413 : memref<128xi32, #tpu.memory_space<hbm>>) dst(%arg14 : memref<128xi32, #tpu.memory_space<vmem>>)
        tpu.yield
      }) : () -> ()
      %get3A = arith.constant 0 : index
      %get3A_169 = tpu.vector_load %arg13[%get3A] {strides = array<i32>} : memref<128xi32, #tpu.memory_space<vmem>>, vector<16xi32>,
      %get3A_170 = arith.constant 0 : index
      %get3A_171 = tpu.vector_load %arg14[%get3A_170] {strides = array<i32>} : memref<128xi32, #tpu.memory_space<vmem>>, vector<16xi32>,
      %gather3A_172 = tpu.vector_load_idx %arg10[%get3A_169] : memref<10000xf32, #tpu.memory_space<vmem>>[vector<16xi32>], vector<16xf32>,
      %gather3A_173 = tpu.vector_load_idx %arg11[%get3A_171] : memref<10000xf32, #tpu.memory_space<vmem>>[vector<16xi32>], vector<16xf32>,
      %add3A_174 = arith.addf %gather3A_172, %gather3A_173 : vector<16xf32>
      %mul3A_175 = arith.constant 2.000000e-01 : f32
      %mul3A_176 = vector.broadcast %mul3A_175 : f32 to vector<16xf32>
      %mul3A_177 = arith.mulf %mul3A_176, %add3A_174 : vector<16xf32>
      %max3A_178 = arith.maximumf %add3A_174, %mul3A_177 : vector<16xf32>
      %add3A_179 = arith.constant 0 : i32
      %add3A_180 = arith.addi %multiple_of3A, %add3A_179 : i32
      %add3A_181 = vector.broadcast %add3A_180 : i32 to vector<16xi32>
      %add3A_182 = arith.addi %add3A_181, %iota3A_113 : vector<16xi32>
      %lt3A = arith.constant 170000 : i32
      %lt3A_183 = vector.broadcast %lt3A : i32 to vector<16xi32>
      %lt3A_184 = arith.cmpi slt, %add3A_182, %lt3A_183 : vector<16xi32>
      %sub3A = arith.subf %max3A_178, %max3A_110 : vector<16xf32>
      %exp3A = math.exp %sub3A : vector<16xf32>
      %jit3A = arith.constant 0.000000e+00 : f32
      %broadcast_in_dim3A_185 = vector.broadcast %jit3A : f32 to vector<16xf32>
      %select_n3A = arith.select %lt3A_184, %exp3A, %broadcast_in_dim3A_185 : vector<16xi1>, vector<16xf32>
      %swap3A_186 = arith.constant 0 : index
      %swap3A_187 = tpu.vector_load %arg15[%swap3A_186] {strides = array<i32>} : memref<128xf32, #tpu.memory_space<vmem>>, vector<16xf32>,
      tpu.vector_store %arg15[%swap3A_186], %select_n3A {strides = array<i32>} : memref<128xf32, #tpu.memory_space<vmem>>, vector<16xf32>,
      %shift_right_logical3A = arith.constant 7 : i32
      %shift_right_logical3A_188 = vector.broadcast %shift_right_logical3A : i32 to vector<16xi32>
      %shift_right_logical3A_189 = arith.shrui %get3A_171, %shift_right_logical3A_188 : vector<16xi32>
      %and3A = arith.constant 127 : i32
      %and3A_190 = vector.broadcast %and3A : i32 to vector<16xi32>
      %and3A_191 = arith.andi %get3A_171, %and3A_190 : vector<16xi32>
      tpu.vector_store_idx %arg12[%shift_right_logical3A_189, %and3A_191], %select_n3A {add = true} : memref<80x128xf32, #tpu.memory_space<vmem>>[vector<16xi32>, vector<16xi32>], vector<16xf32>,
      %get3A_192 = arith.constant 16 : index
      %get3A_193 = tpu.vector_load %arg13[%get3A_192] {strides = array<i32>} : memref<128xi32, #tpu.memory_space<vmem>>, vector<16xi32>,
      %get3A_194 = arith.constant 16 : index
      %get3A_195 = tpu.vector_load %arg14[%get3A_194] {strides = array<i32>} : memref<128xi32, #tpu.memory_space<vmem>>, vector<16xi32>,
      %gather3A_196 = tpu.vector_load_idx %arg10[%get3A_193] : memref<10000xf32, #tpu.memory_space<vmem>>[vector<16xi32>], vector<16xf32>,
      %gather3A_197 = tpu.vector_load_idx %arg11[%get3A_195] : memref<10000xf32, #tpu.memory_space<vmem>>[vector<16xi32>], vector<16xf32>,
      %add3A_198 = arith.addf %gather3A_196, %gather3A_197 : vector<16xf32>
      %mul3A_199 = arith.constant 2.000000e-01 : f32
      %mul3A_200 = vector.broadcast %mul3A_199 : f32 to vector<16xf32>
      %mul3A_201 = arith.mulf %mul3A_200, %add3A_198 : vector<16xf32>
      %max3A_202 = arith.maximumf %add3A_198, %mul3A_201 : vector<16xf32>
      %add3A_203 = arith.constant 16 : i32
      %add3A_204 = arith.addi %multiple_of3A, %add3A_203 : i32
      %add3A_205 = vector.broadcast %add3A_204 : i32 to vector<16xi32>
      %add3A_206 = arith.addi %add3A_205, %iota3A_113 : vector<16xi32>
      %lt3A_207 = arith.constant 170000 : i32
      %lt3A_208 = vector.broadcast %lt3A_207 : i32 to vector<16xi32>
      %lt3A_209 = arith.cmpi slt, %add3A_206, %lt3A_208 : vector<16xi32>
      %sub3A_210 = arith.subf %max3A_202, %max3A_110 : vector<16xf32>
      %exp3A_211 = math.exp %sub3A_210 : vector<16xf32>
      %jit3A_212 = arith.constant 0.000000e+00 : f32
      %broadcast_in_dim3A_213 = vector.broadcast %jit3A_212 : f32 to vector<16xf32>
      %select_n3A_214 = arith.select %lt3A_209, %exp3A_211, %broadcast_in_dim3A_213 : vector<16xi1>, vector<16xf32>
      %swap3A_215 = arith.constant 16 : index
      %swap3A_216 = tpu.vector_load %arg15[%swap3A_215] {strides = array<i32>} : memref<128xf32, #tpu.memory_space<vmem>>, vector<16xf32>,
      tpu.vector_store %arg15[%swap3A_215], %select_n3A_214 {strides = array<i32>} : memref<128xf32, #tpu.memory_space<vmem>>, vector<16xf32>,
      %shift_right_logical3A_217 = arith.constant 7 : i32
      %shift_right_logical3A_218 = vector.broadcast %shift_right_logical3A_217 : i32 to vector<16xi32>
      %shift_right_logical3A_219 = arith.shrui %get3A_195, %shift_right_logical3A_218 : vector<16xi32>
      %and3A_220 = arith.constant 127 : i32
      %and3A_221 = vector.broadcast %and3A_220 : i32 to vector<16xi32>
      %and3A_222 = arith.andi %get3A_195, %and3A_221 : vector<16xi32>
      tpu.vector_store_idx %arg12[%shift_right_logical3A_219, %and3A_222], %select_n3A_214 {add = true} : memref<80x128xf32, #tpu.memory_space<vmem>>[vector<16xi32>, vector<16xi32>], vector<16xf32>,
      %get3A_223 = arith.constant 32 : index
      %get3A_224 = tpu.vector_load %arg13[%get3A_223] {strides = array<i32>} : memref<128xi32, #tpu.memory_space<vmem>>, vector<16xi32>,
      %get3A_225 = arith.constant 32 : index
      %get3A_226 = tpu.vector_load %arg14[%get3A_225] {strides = array<i32>} : memref<128xi32, #tpu.memory_space<vmem>>, vector<16xi32>,
      %gather3A_227 = tpu.vector_load_idx %arg10[%get3A_224] : memref<10000xf32, #tpu.memory_space<vmem>>[vector<16xi32>], vector<16xf32>,
      %gather3A_228 = tpu.vector_load_idx %arg11[%get3A_226] : memref<10000xf32, #tpu.memory_space<vmem>>[vector<16xi32>], vector<16xf32>,
      %add3A_229 = arith.addf %gather3A_227, %gather3A_228 : vector<16xf32>
      %mul3A_230 = arith.constant 2.000000e-01 : f32
      %mul3A_231 = vector.broadcast %mul3A_230 : f32 to vector<16xf32>
      %mul3A_232 = arith.mulf %mul3A_231, %add3A_229 : vector<16xf32>
      %max3A_233 = arith.maximumf %add3A_229, %mul3A_232 : vector<16xf32>
      %add3A_234 = arith.constant 32 : i32
      %add3A_235 = arith.addi %multiple_of3A, %add3A_234 : i32
      %add3A_236 = vector.broadcast %add3A_235 : i32 to vector<16xi32>
      %add3A_237 = arith.addi %add3A_236, %iota3A_113 : vector<16xi32>
      %lt3A_238 = arith.constant 170000 : i32
      %lt3A_239 = vector.broadcast %lt3A_238 : i32 to vector<16xi32>
      %lt3A_240 = arith.cmpi slt, %add3A_237, %lt3A_239 : vector<16xi32>
      %sub3A_241 = arith.subf %max3A_233, %max3A_110 : vector<16xf32>
      %exp3A_242 = math.exp %sub3A_241 : vector<16xf32>
      %jit3A_243 = arith.constant 0.000000e+00 : f32
      %broadcast_in_dim3A_244 = vector.broadcast %jit3A_243 : f32 to vector<16xf32>
      %select_n3A_245 = arith.select %lt3A_240, %exp3A_242, %broadcast_in_dim3A_244 : vector<16xi1>, vector<16xf32>
      %swap3A_246 = arith.constant 32 : index
      %swap3A_247 = tpu.vector_load %arg15[%swap3A_246] {strides = array<i32>} : memref<128xf32, #tpu.memory_space<vmem>>, vector<16xf32>,
      tpu.vector_store %arg15[%swap3A_246], %select_n3A_245 {strides = array<i32>} : memref<128xf32, #tpu.memory_space<vmem>>, vector<16xf32>,
      %shift_right_logical3A_248 = arith.constant 7 : i32
      %shift_right_logical3A_249 = vector.broadcast %shift_right_logical3A_248 : i32 to vector<16xi32>
      %shift_right_logical3A_250 = arith.shrui %get3A_226, %shift_right_logical3A_249 : vector<16xi32>
      %and3A_251 = arith.constant 127 : i32
      %and3A_252 = vector.broadcast %and3A_251 : i32 to vector<16xi32>
      %and3A_253 = arith.andi %get3A_226, %and3A_252 : vector<16xi32>
      tpu.vector_store_idx %arg12[%shift_right_logical3A_250, %and3A_253], %select_n3A_245 {add = true} : memref<80x128xf32, #tpu.memory_space<vmem>>[vector<16xi32>, vector<16xi32>], vector<16xf32>,
      %get3A_254 = arith.constant 48 : index
      %get3A_255 = tpu.vector_load %arg13[%get3A_254] {strides = array<i32>} : memref<128xi32, #tpu.memory_space<vmem>>, vector<16xi32>,
      %get3A_256 = arith.constant 48 : index
      %get3A_257 = tpu.vector_load %arg14[%get3A_256] {strides = array<i32>} : memref<128xi32, #tpu.memory_space<vmem>>, vector<16xi32>,
      %gather3A_258 = tpu.vector_load_idx %arg10[%get3A_255] : memref<10000xf32, #tpu.memory_space<vmem>>[vector<16xi32>], vector<16xf32>,
      %gather3A_259 = tpu.vector_load_idx %arg11[%get3A_257] : memref<10000xf32, #tpu.memory_space<vmem>>[vector<16xi32>], vector<16xf32>,
      %add3A_260 = arith.addf %gather3A_258, %gather3A_259 : vector<16xf32>
      %mul3A_261 = arith.constant 2.000000e-01 : f32
      %mul3A_262 = vector.broadcast %mul3A_261 : f32 to vector<16xf32>
      %mul3A_263 = arith.mulf %mul3A_262, %add3A_260 : vector<16xf32>
      %max3A_264 = arith.maximumf %add3A_260, %mul3A_263 : vector<16xf32>
      %add3A_265 = arith.constant 48 : i32
      %add3A_266 = arith.addi %multiple_of3A, %add3A_265 : i32
      %add3A_267 = vector.broadcast %add3A_266 : i32 to vector<16xi32>
      %add3A_268 = arith.addi %add3A_267, %iota3A_113 : vector<16xi32>
      %lt3A_269 = arith.constant 170000 : i32
      %lt3A_270 = vector.broadcast %lt3A_269 : i32 to vector<16xi32>
      %lt3A_271 = arith.cmpi slt, %add3A_268, %lt3A_270 : vector<16xi32>
      %sub3A_272 = arith.subf %max3A_264, %max3A_110 : vector<16xf32>
      %exp3A_273 = math.exp %sub3A_272 : vector<16xf32>
      %jit3A_274 = arith.constant 0.000000e+00 : f32
      %broadcast_in_dim3A_275 = vector.broadcast %jit3A_274 : f32 to vector<16xf32>
      %select_n3A_276 = arith.select %lt3A_271, %exp3A_273, %broadcast_in_dim3A_275 : vector<16xi1>, vector<16xf32>
      %swap3A_277 = arith.constant 48 : index
      %swap3A_278 = tpu.vector_load %arg15[%swap3A_277] {strides = array<i32>} : memref<128xf32, #tpu.memory_space<vmem>>, vector<16xf32>,
      tpu.vector_store %arg15[%swap3A_277], %select_n3A_276 {strides = array<i32>} : memref<128xf32, #tpu.memory_space<vmem>>, vector<16xf32>,
      %shift_right_logical3A_279 = arith.constant 7 : i32
      %shift_right_logical3A_280 = vector.broadcast %shift_right_logical3A_279 : i32 to vector<16xi32>
      %shift_right_logical3A_281 = arith.shrui %get3A_257, %shift_right_logical3A_280 : vector<16xi32>
      %and3A_282 = arith.constant 127 : i32
      %and3A_283 = vector.broadcast %and3A_282 : i32 to vector<16xi32>
      %and3A_284 = arith.andi %get3A_257, %and3A_283 : vector<16xi32>
      tpu.vector_store_idx %arg12[%shift_right_logical3A_281, %and3A_284], %select_n3A_276 {add = true} : memref<80x128xf32, #tpu.memory_space<vmem>>[vector<16xi32>, vector<16xi32>], vector<16xf32>,
      %get3A_285 = arith.constant 64 : index
      %get3A_286 = tpu.vector_load %arg13[%get3A_285] {strides = array<i32>} : memref<128xi32, #tpu.memory_space<vmem>>, vector<16xi32>,
      %get3A_287 = arith.constant 64 : index
      %get3A_288 = tpu.vector_load %arg14[%get3A_287] {strides = array<i32>} : memref<128xi32, #tpu.memory_space<vmem>>, vector<16xi32>,
      %gather3A_289 = tpu.vector_load_idx %arg10[%get3A_286] : memref<10000xf32, #tpu.memory_space<vmem>>[vector<16xi32>], vector<16xf32>,
      %gather3A_290 = tpu.vector_load_idx %arg11[%get3A_288] : memref<10000xf32, #tpu.memory_space<vmem>>[vector<16xi32>], vector<16xf32>,
      %add3A_291 = arith.addf %gather3A_289, %gather3A_290 : vector<16xf32>
      %mul3A_292 = arith.constant 2.000000e-01 : f32
      %mul3A_293 = vector.broadcast %mul3A_292 : f32 to vector<16xf32>
      %mul3A_294 = arith.mulf %mul3A_293, %add3A_291 : vector<16xf32>
      %max3A_295 = arith.maximumf %add3A_291, %mul3A_294 : vector<16xf32>
      %add3A_296 = arith.constant 64 : i32
      %add3A_297 = arith.addi %multiple_of3A, %add3A_296 : i32
      %add3A_298 = vector.broadcast %add3A_297 : i32 to vector<16xi32>
      %add3A_299 = arith.addi %add3A_298, %iota3A_113 : vector<16xi32>
      %lt3A_300 = arith.constant 170000 : i32
      %lt3A_301 = vector.broadcast %lt3A_300 : i32 to vector<16xi32>
      %lt3A_302 = arith.cmpi slt, %add3A_299, %lt3A_301 : vector<16xi32>
      %sub3A_303 = arith.subf %max3A_295, %max3A_110 : vector<16xf32>
      %exp3A_304 = math.exp %sub3A_303 : vector<16xf32>
      %jit3A_305 = arith.constant 0.000000e+00 : f32
      %broadcast_in_dim3A_306 = vector.broadcast %jit3A_305 : f32 to vector<16xf32>
      %select_n3A_307 = arith.select %lt3A_302, %exp3A_304, %broadcast_in_dim3A_306 : vector<16xi1>, vector<16xf32>
      %swap3A_308 = arith.constant 64 : index
      %swap3A_309 = tpu.vector_load %arg15[%swap3A_308] {strides = array<i32>} : memref<128xf32, #tpu.memory_space<vmem>>, vector<16xf32>,
      tpu.vector_store %arg15[%swap3A_308], %select_n3A_307 {strides = array<i32>} : memref<128xf32, #tpu.memory_space<vmem>>, vector<16xf32>,
      %shift_right_logical3A_310 = arith.constant 7 : i32
      %shift_right_logical3A_311 = vector.broadcast %shift_right_logical3A_310 : i32 to vector<16xi32>
      %shift_right_logical3A_312 = arith.shrui %get3A_288, %shift_right_logical3A_311 : vector<16xi32>
      %and3A_313 = arith.constant 127 : i32
      %and3A_314 = vector.broadcast %and3A_313 : i32 to vector<16xi32>
      %and3A_315 = arith.andi %get3A_288, %and3A_314 : vector<16xi32>
      tpu.vector_store_idx %arg12[%shift_right_logical3A_312, %and3A_315], %select_n3A_307 {add = true} : memref<80x128xf32, #tpu.memory_space<vmem>>[vector<16xi32>, vector<16xi32>], vector<16xf32>,
      %get3A_316 = arith.constant 80 : index
      %get3A_317 = tpu.vector_load %arg13[%get3A_316] {strides = array<i32>} : memref<128xi32, #tpu.memory_space<vmem>>, vector<16xi32>,
      %get3A_318 = arith.constant 80 : index
      %get3A_319 = tpu.vector_load %arg14[%get3A_318] {strides = array<i32>} : memref<128xi32, #tpu.memory_space<vmem>>, vector<16xi32>,
      %gather3A_320 = tpu.vector_load_idx %arg10[%get3A_317] : memref<10000xf32, #tpu.memory_space<vmem>>[vector<16xi32>], vector<16xf32>,
      %gather3A_321 = tpu.vector_load_idx %arg11[%get3A_319] : memref<10000xf32, #tpu.memory_space<vmem>>[vector<16xi32>], vector<16xf32>,
      %add3A_322 = arith.addf %gather3A_320, %gather3A_321 : vector<16xf32>
      %mul3A_323 = arith.constant 2.000000e-01 : f32
      %mul3A_324 = vector.broadcast %mul3A_323 : f32 to vector<16xf32>
      %mul3A_325 = arith.mulf %mul3A_324, %add3A_322 : vector<16xf32>
      %max3A_326 = arith.maximumf %add3A_322, %mul3A_325 : vector<16xf32>
      %add3A_327 = arith.constant 80 : i32
      %add3A_328 = arith.addi %multiple_of3A, %add3A_327 : i32
      %add3A_329 = vector.broadcast %add3A_328 : i32 to vector<16xi32>
      %add3A_330 = arith.addi %add3A_329, %iota3A_113 : vector<16xi32>
      %lt3A_331 = arith.constant 170000 : i32
      %lt3A_332 = vector.broadcast %lt3A_331 : i32 to vector<16xi32>
      %lt3A_333 = arith.cmpi slt, %add3A_330, %lt3A_332 : vector<16xi32>
      %sub3A_334 = arith.subf %max3A_326, %max3A_110 : vector<16xf32>
      %exp3A_335 = math.exp %sub3A_334 : vector<16xf32>
      %jit3A_336 = arith.constant 0.000000e+00 : f32
      %broadcast_in_dim3A_337 = vector.broadcast %jit3A_336 : f32 to vector<16xf32>
      %select_n3A_338 = arith.select %lt3A_333, %exp3A_335, %broadcast_in_dim3A_337 : vector<16xi1>, vector<16xf32>
      %swap3A_339 = arith.constant 80 : index
      %swap3A_340 = tpu.vector_load %arg15[%swap3A_339] {strides = array<i32>} : memref<128xf32, #tpu.memory_space<vmem>>, vector<16xf32>,
      tpu.vector_store %arg15[%swap3A_339], %select_n3A_338 {strides = array<i32>} : memref<128xf32, #tpu.memory_space<vmem>>, vector<16xf32>,
      %shift_right_logical3A_341 = arith.constant 7 : i32
      %shift_right_logical3A_342 = vector.broadcast %shift_right_logical3A_341 : i32 to vector<16xi32>
      %shift_right_logical3A_343 = arith.shrui %get3A_319, %shift_right_logical3A_342 : vector<16xi32>
      %and3A_344 = arith.constant 127 : i32
      %and3A_345 = vector.broadcast %and3A_344 : i32 to vector<16xi32>
      %and3A_346 = arith.andi %get3A_319, %and3A_345 : vector<16xi32>
      tpu.vector_store_idx %arg12[%shift_right_logical3A_343, %and3A_346], %select_n3A_338 {add = true} : memref<80x128xf32, #tpu.memory_space<vmem>>[vector<16xi32>, vector<16xi32>], vector<16xf32>,
      %get3A_347 = arith.constant 96 : index
      %get3A_348 = tpu.vector_load %arg13[%get3A_347] {strides = array<i32>} : memref<128xi32, #tpu.memory_space<vmem>>, vector<16xi32>,
      %get3A_349 = arith.constant 96 : index
      %get3A_350 = tpu.vector_load %arg14[%get3A_349] {strides = array<i32>} : memref<128xi32, #tpu.memory_space<vmem>>, vector<16xi32>,
      %gather3A_351 = tpu.vector_load_idx %arg10[%get3A_348] : memref<10000xf32, #tpu.memory_space<vmem>>[vector<16xi32>], vector<16xf32>,
      %gather3A_352 = tpu.vector_load_idx %arg11[%get3A_350] : memref<10000xf32, #tpu.memory_space<vmem>>[vector<16xi32>], vector<16xf32>,
      %add3A_353 = arith.addf %gather3A_351, %gather3A_352 : vector<16xf32>
      %mul3A_354 = arith.constant 2.000000e-01 : f32
      %mul3A_355 = vector.broadcast %mul3A_354 : f32 to vector<16xf32>
      %mul3A_356 = arith.mulf %mul3A_355, %add3A_353 : vector<16xf32>
      %max3A_357 = arith.maximumf %add3A_353, %mul3A_356 : vector<16xf32>
      %add3A_358 = arith.constant 96 : i32
      %add3A_359 = arith.addi %multiple_of3A, %add3A_358 : i32
      %add3A_360 = vector.broadcast %add3A_359 : i32 to vector<16xi32>
      %add3A_361 = arith.addi %add3A_360, %iota3A_113 : vector<16xi32>
      %lt3A_362 = arith.constant 170000 : i32
      %lt3A_363 = vector.broadcast %lt3A_362 : i32 to vector<16xi32>
      %lt3A_364 = arith.cmpi slt, %add3A_361, %lt3A_363 : vector<16xi32>
      %sub3A_365 = arith.subf %max3A_357, %max3A_110 : vector<16xf32>
      %exp3A_366 = math.exp %sub3A_365 : vector<16xf32>
      %jit3A_367 = arith.constant 0.000000e+00 : f32
      %broadcast_in_dim3A_368 = vector.broadcast %jit3A_367 : f32 to vector<16xf32>
      %select_n3A_369 = arith.select %lt3A_364, %exp3A_366, %broadcast_in_dim3A_368 : vector<16xi1>, vector<16xf32>
      %swap3A_370 = arith.constant 96 : index
      %swap3A_371 = tpu.vector_load %arg15[%swap3A_370] {strides = array<i32>} : memref<128xf32, #tpu.memory_space<vmem>>, vector<16xf32>,
      tpu.vector_store %arg15[%swap3A_370], %select_n3A_369 {strides = array<i32>} : memref<128xf32, #tpu.memory_space<vmem>>, vector<16xf32>,
      %shift_right_logical3A_372 = arith.constant 7 : i32
      %shift_right_logical3A_373 = vector.broadcast %shift_right_logical3A_372 : i32 to vector<16xi32>
      %shift_right_logical3A_374 = arith.shrui %get3A_350, %shift_right_logical3A_373 : vector<16xi32>
      %and3A_375 = arith.constant 127 : i32
      %and3A_376 = vector.broadcast %and3A_375 : i32 to vector<16xi32>
      %and3A_377 = arith.andi %get3A_350, %and3A_376 : vector<16xi32>
      tpu.vector_store_idx %arg12[%shift_right_logical3A_374, %and3A_377], %select_n3A_369 {add = true} : memref<80x128xf32, #tpu.memory_space<vmem>>[vector<16xi32>, vector<16xi32>], vector<16xf32>,
      %get3A_378 = arith.constant 112 : index
      %get3A_379 = tpu.vector_load %arg13[%get3A_378] {strides = array<i32>} : memref<128xi32, #tpu.memory_space<vmem>>, vector<16xi32>,
      %get3A_380 = arith.constant 112 : index
      %get3A_381 = tpu.vector_load %arg14[%get3A_380] {strides = array<i32>} : memref<128xi32, #tpu.memory_space<vmem>>, vector<16xi32>,
      %gather3A_382 = tpu.vector_load_idx %arg10[%get3A_379] : memref<10000xf32, #tpu.memory_space<vmem>>[vector<16xi32>], vector<16xf32>,
      %gather3A_383 = tpu.vector_load_idx %arg11[%get3A_381] : memref<10000xf32, #tpu.memory_space<vmem>>[vector<16xi32>], vector<16xf32>,
      %add3A_384 = arith.addf %gather3A_382, %gather3A_383 : vector<16xf32>
      %mul3A_385 = arith.constant 2.000000e-01 : f32
      %mul3A_386 = vector.broadcast %mul3A_385 : f32 to vector<16xf32>
      %mul3A_387 = arith.mulf %mul3A_386, %add3A_384 : vector<16xf32>
      %max3A_388 = arith.maximumf %add3A_384, %mul3A_387 : vector<16xf32>
      %add3A_389 = arith.constant 112 : i32
      %add3A_390 = arith.addi %multiple_of3A, %add3A_389 : i32
      %add3A_391 = vector.broadcast %add3A_390 : i32 to vector<16xi32>
      %add3A_392 = arith.addi %add3A_391, %iota3A_113 : vector<16xi32>
      %lt3A_393 = arith.constant 170000 : i32
      %lt3A_394 = vector.broadcast %lt3A_393 : i32 to vector<16xi32>
      %lt3A_395 = arith.cmpi slt, %add3A_392, %lt3A_394 : vector<16xi32>
      %sub3A_396 = arith.subf %max3A_388, %max3A_110 : vector<16xf32>
      %exp3A_397 = math.exp %sub3A_396 : vector<16xf32>
      %jit3A_398 = arith.constant 0.000000e+00 : f32
      %broadcast_in_dim3A_399 = vector.broadcast %jit3A_398 : f32 to vector<16xf32>
      %select_n3A_400 = arith.select %lt3A_395, %exp3A_397, %broadcast_in_dim3A_399 : vector<16xi1>, vector<16xf32>
      %swap3A_401 = arith.constant 112 : index
      %swap3A_402 = tpu.vector_load %arg15[%swap3A_401] {strides = array<i32>} : memref<128xf32, #tpu.memory_space<vmem>>, vector<16xf32>,
      tpu.vector_store %arg15[%swap3A_401], %select_n3A_400 {strides = array<i32>} : memref<128xf32, #tpu.memory_space<vmem>>, vector<16xf32>,
      %shift_right_logical3A_403 = arith.constant 7 : i32
      %shift_right_logical3A_404 = vector.broadcast %shift_right_logical3A_403 : i32 to vector<16xi32>
      %shift_right_logical3A_405 = arith.shrui %get3A_381, %shift_right_logical3A_404 : vector<16xi32>
      %and3A_406 = arith.constant 127 : i32
      %and3A_407 = vector.broadcast %and3A_406 : i32 to vector<16xi32>
      %and3A_408 = arith.andi %get3A_381, %and3A_407 : vector<16xi32>
      tpu.vector_store_idx %arg12[%shift_right_logical3A_405, %and3A_408], %select_n3A_400 {add = true} : memref<80x128xf32, #tpu.memory_space<vmem>>[vector<16xi32>, vector<16xi32>], vector<16xf32>,
      %mul3A_409 = arith.constant 172032 : i32
      %mul3A_410 = arith.muli %arg0, %mul3A_409 : i32
      %add3A_411 = arith.addi %mul3A_410, %multiple_of3A : i32
      "tpu.region"() ({
        %run_scoped3A = tpu.sem_alloc : memref<!tpu.dma_semaphore, #tpu.memory_space<semaphore_mem>>
        %dma_start3A = tpu.memref_slice %arg9[%add3A_411] : memref<344064xf32, #tpu.memory_space<hbm>> -> memref<128xf32, #tpu.memory_space<hbm>>
        %dma_start3A_412 = tpu.memref_slice %arg9[%add3A_411] : memref<344064xf32, #tpu.memory_space<hbm>> -> memref<128xf32, #tpu.memory_space<hbm>>
        tpu.enqueue_dma source(%arg15 : memref<128xf32, #tpu.memory_space<vmem>>) target(%dma_start3A_412 : memref<128xf32, #tpu.memory_space<hbm>>) target_semaphore(%run_scoped3A : memref<!tpu.dma_semaphore, #tpu.memory_space<semaphore_mem>>)
        %dma_wait3A = tpu.memref_slice %arg9[%add3A_411] : memref<344064xf32, #tpu.memory_space<hbm>> -> memref<128xf32, #tpu.memory_space<hbm>>
        %dma_wait3A_413 = tpu.memref_slice %arg9[%add3A_411] : memref<344064xf32, #tpu.memory_space<hbm>> -> memref<128xf32, #tpu.memory_space<hbm>>
        tpu.wait_dma2 semaphore(%run_scoped3A : memref<!tpu.dma_semaphore, #tpu.memory_space<semaphore_mem>>) src(%arg15 : memref<128xf32, #tpu.memory_space<vmem>>) dst(%dma_wait3A_413 : memref<128xf32, #tpu.memory_space<hbm>>)
        tpu.yield
      }) : () -> ()
    }
    %scan3A_119 = arith.constant 84 : i32
    "tpu.region"() ({
      %run_scoped3A = tpu.sem_alloc : memref<!tpu.dma_semaphore, #tpu.memory_space<semaphore_mem>>
      %dma_start3A = arith.constant 0 : i32
      %dma_start3A_165 = arith.constant 0 : i32
      %dma_start3A_166 = tpu.memref_slice %arg19[%dma_start3A, %dma_start3A_165] : memref<80x128xf32, #tpu.memory_space<vmem_shared>> -> memref<80x128xf32, #tpu.memory_space<vmem_shared>>
      tpu.enqueue_indirect_dma source(%arg12 : memref<80x128xf32, #tpu.memory_space<vmem>>) target(%dma_start3A_166 : memref<80x128xf32, #tpu.memory_space<vmem_shared>>) offsets(%arg16 : memref<80xi32, #tpu.memory_space<vmem>>) semaphore(%run_scoped3A : memref<!tpu.dma_semaphore, #tpu.memory_space<semaphore_mem>>) {add = true}
      %dma_wait3A = arith.constant 0 : i32
      %dma_wait3A_167 = arith.constant 0 : i32
      %dma_wait3A_168 = tpu.memref_slice %arg19[%dma_wait3A, %dma_wait3A_167] : memref<80x128xf32, #tpu.memory_space<vmem_shared>> -> memref<80x128xf32, #tpu.memory_space<vmem_shared>>
      tpu.wait_indirect_dma semaphore(%run_scoped3A : memref<!tpu.dma_semaphore, #tpu.memory_space<semaphore_mem>>) src(%arg12 : memref<80x128xf32, #tpu.memory_space<vmem>>) dst(%dma_wait3A_168 : memref<80x128xf32, #tpu.memory_space<vmem_shared>>)
      tpu.yield
    }) : () -> ()
    %barrier3A_120 = arith.constant 0 : index
    tpu.barrier barrier_id(%barrier3A_120)
    "tpu.region"() ({
      %run_scoped3A = tpu.sem_alloc : memref<!tpu.dma_semaphore, #tpu.memory_space<semaphore_mem>>
      tpu.enqueue_dma source(%arg19 : memref<80x128xf32, #tpu.memory_space<vmem_shared>>) target(%arg12 : memref<80x128xf32, #tpu.memory_space<vmem>>) target_semaphore(%run_scoped3A : memref<!tpu.dma_semaphore, #tpu.memory_space<semaphore_mem>>)
      tpu.wait_dma2 semaphore(%run_scoped3A : memref<!tpu.dma_semaphore, #tpu.memory_space<semaphore_mem>>) src(%arg19 : memref<80x128xf32, #tpu.memory_space<vmem_shared>>) dst(%arg12 : memref<80x128xf32, #tpu.memory_space<vmem>>)
      tpu.yield
    }) : () -> ()
    %add3A_121 = arith.constant 0 : i32
    %add3A_122 = arith.addi %mul3A_112, %add3A_121 : i32
    %scan3A_123 = arith.constant 0 : i32
    %scan3A_124 = arith.constant 0 : i32
    %scan3A_125 = arith.constant 84 : i32
    %scan3A_126 = arith.addi %scan3A_124, %scan3A_125 : i32
    %scan3A_127 = arith.constant 1 : i32
    scf.for %scan3A_165 = %scan3A_124 to %scan3A_126 step %scan3A_127  : i32 {
      %mul3A_166 = arith.constant 128 : i32
      %mul3A_167 = arith.muli %scan3A_165, %mul3A_166 : i32
      %add3A_168 = arith.addi %add3A_122, %mul3A_167 : i32
      %multiple_of3A = tpu.assume_multiple %add3A_168, 128 : i32
      "tpu.region"() ({
        %run_scoped3A = tpu.sem_alloc : memref<!tpu.dma_semaphore, #tpu.memory_space<semaphore_mem>>
        %dma_start3A_381 = tpu.memref_slice %arg2[%multiple_of3A] : memref<172032xi32, #tpu.memory_space<hbm>> -> memref<128xi32, #tpu.memory_space<hbm>>
        %dma_start3A_382 = tpu.memref_slice %arg2[%multiple_of3A] : memref<172032xi32, #tpu.memory_space<hbm>> -> memref<128xi32, #tpu.memory_space<hbm>>
        tpu.enqueue_dma source(%dma_start3A_382 : memref<128xi32, #tpu.memory_space<hbm>>) target(%arg13 : memref<128xi32, #tpu.memory_space<vmem>>) target_semaphore(%run_scoped3A : memref<!tpu.dma_semaphore, #tpu.memory_space<semaphore_mem>>)
        %dma_wait3A_383 = tpu.memref_slice %arg2[%multiple_of3A] : memref<172032xi32, #tpu.memory_space<hbm>> -> memref<128xi32, #tpu.memory_space<hbm>>
        %dma_wait3A_384 = tpu.memref_slice %arg2[%multiple_of3A] : memref<172032xi32, #tpu.memory_space<hbm>> -> memref<128xi32, #tpu.memory_space<hbm>>
        tpu.wait_dma2 semaphore(%run_scoped3A : memref<!tpu.dma_semaphore, #tpu.memory_space<semaphore_mem>>) src(%dma_wait3A_384 : memref<128xi32, #tpu.memory_space<hbm>>) dst(%arg13 : memref<128xi32, #tpu.memory_space<vmem>>)
        tpu.yield
      }) : () -> ()
      "tpu.region"() ({
        %run_scoped3A = tpu.sem_alloc : memref<!tpu.dma_semaphore, #tpu.memory_space<semaphore_mem>>
        %dma_start3A_381 = tpu.memref_slice %arg3[%multiple_of3A] : memref<172032xi32, #tpu.memory_space<hbm>> -> memref<128xi32, #tpu.memory_space<hbm>>
        %dma_start3A_382 = tpu.memref_slice %arg3[%multiple_of3A] : memref<172032xi32, #tpu.memory_space<hbm>> -> memref<128xi32, #tpu.memory_space<hbm>>
        tpu.enqueue_dma source(%dma_start3A_382 : memref<128xi32, #tpu.memory_space<hbm>>) target(%arg14 : memref<128xi32, #tpu.memory_space<vmem>>) target_semaphore(%run_scoped3A : memref<!tpu.dma_semaphore, #tpu.memory_space<semaphore_mem>>)
        %dma_wait3A_383 = tpu.memref_slice %arg3[%multiple_of3A] : memref<172032xi32, #tpu.memory_space<hbm>> -> memref<128xi32, #tpu.memory_space<hbm>>
        %dma_wait3A_384 = tpu.memref_slice %arg3[%multiple_of3A] : memref<172032xi32, #tpu.memory_space<hbm>> -> memref<128xi32, #tpu.memory_space<hbm>>
        tpu.wait_dma2 semaphore(%run_scoped3A : memref<!tpu.dma_semaphore, #tpu.memory_space<semaphore_mem>>) src(%dma_wait3A_384 : memref<128xi32, #tpu.memory_space<hbm>>) dst(%arg14 : memref<128xi32, #tpu.memory_space<vmem>>)
        tpu.yield
      }) : () -> ()
      %mul3A_169 = arith.constant 172032 : i32
      %mul3A_170 = arith.muli %arg0, %mul3A_169 : i32
      %add3A_171 = arith.addi %mul3A_170, %multiple_of3A : i32
      "tpu.region"() ({
        %run_scoped3A = tpu.sem_alloc : memref<!tpu.dma_semaphore, #tpu.memory_space<semaphore_mem>>
        %dma_start3A_381 = tpu.memref_slice %arg9[%add3A_171] : memref<344064xf32, #tpu.memory_space<hbm>> -> memref<128xf32, #tpu.memory_space<hbm>>
        %dma_start3A_382 = tpu.memref_slice %arg9[%add3A_171] : memref<344064xf32, #tpu.memory_space<hbm>> -> memref<128xf32, #tpu.memory_space<hbm>>
        tpu.enqueue_dma source(%dma_start3A_382 : memref<128xf32, #tpu.memory_space<hbm>>) target(%arg15 : memref<128xf32, #tpu.memory_space<vmem>>) target_semaphore(%run_scoped3A : memref<!tpu.dma_semaphore, #tpu.memory_space<semaphore_mem>>)
        %dma_wait3A_383 = tpu.memref_slice %arg9[%add3A_171] : memref<344064xf32, #tpu.memory_space<hbm>> -> memref<128xf32, #tpu.memory_space<hbm>>
        %dma_wait3A_384 = tpu.memref_slice %arg9[%add3A_171] : memref<344064xf32, #tpu.memory_space<hbm>> -> memref<128xf32, #tpu.memory_space<hbm>>
        tpu.wait_dma2 semaphore(%run_scoped3A : memref<!tpu.dma_semaphore, #tpu.memory_space<semaphore_mem>>) src(%dma_wait3A_384 : memref<128xf32, #tpu.memory_space<hbm>>) dst(%arg15 : memref<128xf32, #tpu.memory_space<vmem>>)
        tpu.yield
      }) : () -> ()
      %get3A = arith.constant 0 : index
      %get3A_172 = tpu.vector_load %arg13[%get3A] {strides = array<i32>} : memref<128xi32, #tpu.memory_space<vmem>>, vector<16xi32>,
      %mul3A_173 = arith.constant 10000 : i32
      %mul3A_174 = arith.muli %mul3A_0, %mul3A_173 : i32
      %add3A_175 = vector.broadcast %mul3A_174 : i32 to vector<16xi32>
      %add3A_176 = arith.addi %get3A_172, %add3A_175 : vector<16xi32>
      %swap3A_177 = arith.constant 0 : index
      %swap3A_178 = tpu.vector_load %arg13[%swap3A_177] {strides = array<i32>} : memref<128xi32, #tpu.memory_space<vmem>>, vector<16xi32>,
      tpu.vector_store %arg13[%swap3A_177], %add3A_176 {strides = array<i32>} : memref<128xi32, #tpu.memory_space<vmem>>, vector<16xi32>,
      %get3A_179 = arith.constant 16 : index
      %get3A_180 = tpu.vector_load %arg13[%get3A_179] {strides = array<i32>} : memref<128xi32, #tpu.memory_space<vmem>>, vector<16xi32>,
      %mul3A_181 = arith.constant 10000 : i32
      %mul3A_182 = arith.muli %mul3A_0, %mul3A_181 : i32
      %add3A_183 = vector.broadcast %mul3A_182 : i32 to vector<16xi32>
      %add3A_184 = arith.addi %get3A_180, %add3A_183 : vector<16xi32>
      %swap3A_185 = arith.constant 16 : index
      %swap3A_186 = tpu.vector_load %arg13[%swap3A_185] {strides = array<i32>} : memref<128xi32, #tpu.memory_space<vmem>>, vector<16xi32>,
      tpu.vector_store %arg13[%swap3A_185], %add3A_184 {strides = array<i32>} : memref<128xi32, #tpu.memory_space<vmem>>, vector<16xi32>,
      %get3A_187 = arith.constant 32 : index
      %get3A_188 = tpu.vector_load %arg13[%get3A_187] {strides = array<i32>} : memref<128xi32, #tpu.memory_space<vmem>>, vector<16xi32>,
      %mul3A_189 = arith.constant 10000 : i32
      %mul3A_190 = arith.muli %mul3A_0, %mul3A_189 : i32
      %add3A_191 = vector.broadcast %mul3A_190 : i32 to vector<16xi32>
      %add3A_192 = arith.addi %get3A_188, %add3A_191 : vector<16xi32>
      %swap3A_193 = arith.constant 32 : index
      %swap3A_194 = tpu.vector_load %arg13[%swap3A_193] {strides = array<i32>} : memref<128xi32, #tpu.memory_space<vmem>>, vector<16xi32>,
      tpu.vector_store %arg13[%swap3A_193], %add3A_192 {strides = array<i32>} : memref<128xi32, #tpu.memory_space<vmem>>, vector<16xi32>,
      %get3A_195 = arith.constant 48 : index
      %get3A_196 = tpu.vector_load %arg13[%get3A_195] {strides = array<i32>} : memref<128xi32, #tpu.memory_space<vmem>>, vector<16xi32>,
      %mul3A_197 = arith.constant 10000 : i32
      %mul3A_198 = arith.muli %mul3A_0, %mul3A_197 : i32
      %add3A_199 = vector.broadcast %mul3A_198 : i32 to vector<16xi32>
      %add3A_200 = arith.addi %get3A_196, %add3A_199 : vector<16xi32>
      %swap3A_201 = arith.constant 48 : index
      %swap3A_202 = tpu.vector_load %arg13[%swap3A_201] {strides = array<i32>} : memref<128xi32, #tpu.memory_space<vmem>>, vector<16xi32>,
      tpu.vector_store %arg13[%swap3A_201], %add3A_200 {strides = array<i32>} : memref<128xi32, #tpu.memory_space<vmem>>, vector<16xi32>,
      %get3A_203 = arith.constant 64 : index
      %get3A_204 = tpu.vector_load %arg13[%get3A_203] {strides = array<i32>} : memref<128xi32, #tpu.memory_space<vmem>>, vector<16xi32>,
      %mul3A_205 = arith.constant 10000 : i32
      %mul3A_206 = arith.muli %mul3A_0, %mul3A_205 : i32
      %add3A_207 = vector.broadcast %mul3A_206 : i32 to vector<16xi32>
      %add3A_208 = arith.addi %get3A_204, %add3A_207 : vector<16xi32>
      %swap3A_209 = arith.constant 64 : index
      %swap3A_210 = tpu.vector_load %arg13[%swap3A_209] {strides = array<i32>} : memref<128xi32, #tpu.memory_space<vmem>>, vector<16xi32>,
      tpu.vector_store %arg13[%swap3A_209], %add3A_208 {strides = array<i32>} : memref<128xi32, #tpu.memory_space<vmem>>, vector<16xi32>,
      %get3A_211 = arith.constant 80 : index
      %get3A_212 = tpu.vector_load %arg13[%get3A_211] {strides = array<i32>} : memref<128xi32, #tpu.memory_space<vmem>>, vector<16xi32>,
      %mul3A_213 = arith.constant 10000 : i32
      %mul3A_214 = arith.muli %mul3A_0, %mul3A_213 : i32
      %add3A_215 = vector.broadcast %mul3A_214 : i32 to vector<16xi32>
      %add3A_216 = arith.addi %get3A_212, %add3A_215 : vector<16xi32>
      %swap3A_217 = arith.constant 80 : index
      %swap3A_218 = tpu.vector_load %arg13[%swap3A_217] {strides = array<i32>} : memref<128xi32, #tpu.memory_space<vmem>>, vector<16xi32>,
      tpu.vector_store %arg13[%swap3A_217], %add3A_216 {strides = array<i32>} : memref<128xi32, #tpu.memory_space<vmem>>, vector<16xi32>,
      %get3A_219 = arith.constant 96 : index
      %get3A_220 = tpu.vector_load %arg13[%get3A_219] {strides = array<i32>} : memref<128xi32, #tpu.memory_space<vmem>>, vector<16xi32>,
      %mul3A_221 = arith.constant 10000 : i32
      %mul3A_222 = arith.muli %mul3A_0, %mul3A_221 : i32
      %add3A_223 = vector.broadcast %mul3A_222 : i32 to vector<16xi32>
      %add3A_224 = arith.addi %get3A_220, %add3A_223 : vector<16xi32>
      %swap3A_225 = arith.constant 96 : index
      %swap3A_226 = tpu.vector_load %arg13[%swap3A_225] {strides = array<i32>} : memref<128xi32, #tpu.memory_space<vmem>>, vector<16xi32>,
      tpu.vector_store %arg13[%swap3A_225], %add3A_224 {strides = array<i32>} : memref<128xi32, #tpu.memory_space<vmem>>, vector<16xi32>,
      %get3A_227 = arith.constant 112 : index
      %get3A_228 = tpu.vector_load %arg13[%get3A_227] {strides = array<i32>} : memref<128xi32, #tpu.memory_space<vmem>>, vector<16xi32>,
      %mul3A_229 = arith.constant 10000 : i32
      %mul3A_230 = arith.muli %mul3A_0, %mul3A_229 : i32
      %add3A_231 = vector.broadcast %mul3A_230 : i32 to vector<16xi32>
      %add3A_232 = arith.addi %get3A_228, %add3A_231 : vector<16xi32>
      %swap3A_233 = arith.constant 112 : index
      %swap3A_234 = tpu.vector_load %arg13[%swap3A_233] {strides = array<i32>} : memref<128xi32, #tpu.memory_space<vmem>>, vector<16xi32>,
      tpu.vector_store %arg13[%swap3A_233], %add3A_232 {strides = array<i32>} : memref<128xi32, #tpu.memory_space<vmem>>, vector<16xi32>,
      %dma_start3A = arith.constant 0 : i32
      %dma_start3A_235 = arith.constant 0 : i32
      %dma_start3A_236 = tpu.memref_slice %arg6[%dma_start3A, %dma_start3A_235] : memref<20000x128xf32, #tpu.memory_space<hbm>> -> memref<20000x128xf32, #tpu.memory_space<hbm>>
      tpu.enqueue_indirect_dma source(%dma_start3A_236 : memref<20000x128xf32, #tpu.memory_space<hbm>>) target(%arg17 : memref<128x128xf32, #tpu.memory_space<vmem>>) offsets(%arg13 : memref<128xi32, #tpu.memory_space<vmem>>) semaphore(%arg20 : memref<!tpu.dma_semaphore, #tpu.memory_space<semaphore_mem>>)
      %get3A_237 = arith.constant 0 : index
      %get3A_238 = tpu.vector_load %arg14[%get3A_237] {strides = array<i32>} : memref<128xi32, #tpu.memory_space<vmem>>, vector<16xi32>,
      %shift_right_logical3A = arith.constant 7 : i32
      %shift_right_logical3A_239 = vector.broadcast %shift_right_logical3A : i32 to vector<16xi32>
      %shift_right_logical3A_240 = arith.shrui %get3A_238, %shift_right_logical3A_239 : vector<16xi32>
      %and3A = arith.constant 127 : i32
      %and3A_241 = vector.broadcast %and3A : i32 to vector<16xi32>
      %and3A_242 = arith.andi %get3A_238, %and3A_241 : vector<16xi32>
      %gather3A_243 = tpu.vector_load_idx %arg12[%shift_right_logical3A_240, %and3A_242] : memref<80x128xf32, #tpu.memory_space<vmem>>[vector<16xi32>, vector<16xi32>], vector<16xf32>,
      %get3A_244 = arith.constant 0 : index
      %get3A_245 = tpu.vector_load %arg15[%get3A_244] {strides = array<i32>} : memref<128xf32, #tpu.memory_space<vmem>>, vector<16xf32>,
      %add3A_246 = arith.constant 1.000000e-16 : f32
      %add3A_247 = vector.broadcast %add3A_246 : f32 to vector<16xf32>
      %add3A_248 = arith.addf %gather3A_243, %add3A_247 : vector<16xf32>
      %div3A = arith.divf %get3A_245, %add3A_248 : vector<16xf32>
      %swap3A_249 = arith.constant 0 : index
      %swap3A_250 = tpu.vector_load %arg15[%swap3A_249] {strides = array<i32>} : memref<128xf32, #tpu.memory_space<vmem>>, vector<16xf32>,
      tpu.vector_store %arg15[%swap3A_249], %div3A {strides = array<i32>} : memref<128xf32, #tpu.memory_space<vmem>>, vector<16xf32>,
      %get3A_251 = arith.constant 16 : index
      %get3A_252 = tpu.vector_load %arg14[%get3A_251] {strides = array<i32>} : memref<128xi32, #tpu.memory_space<vmem>>, vector<16xi32>,
      %shift_right_logical3A_253 = arith.constant 7 : i32
      %shift_right_logical3A_254 = vector.broadcast %shift_right_logical3A_253 : i32 to vector<16xi32>
      %shift_right_logical3A_255 = arith.shrui %get3A_252, %shift_right_logical3A_254 : vector<16xi32>
      %and3A_256 = arith.constant 127 : i32
      %and3A_257 = vector.broadcast %and3A_256 : i32 to vector<16xi32>
      %and3A_258 = arith.andi %get3A_252, %and3A_257 : vector<16xi32>
      %gather3A_259 = tpu.vector_load_idx %arg12[%shift_right_logical3A_255, %and3A_258] : memref<80x128xf32, #tpu.memory_space<vmem>>[vector<16xi32>, vector<16xi32>], vector<16xf32>,
      %get3A_260 = arith.constant 16 : index
      %get3A_261 = tpu.vector_load %arg15[%get3A_260] {strides = array<i32>} : memref<128xf32, #tpu.memory_space<vmem>>, vector<16xf32>,
      %add3A_262 = arith.constant 1.000000e-16 : f32
      %add3A_263 = vector.broadcast %add3A_262 : f32 to vector<16xf32>
      %add3A_264 = arith.addf %gather3A_259, %add3A_263 : vector<16xf32>
      %div3A_265 = arith.divf %get3A_261, %add3A_264 : vector<16xf32>
      %swap3A_266 = arith.constant 16 : index
      %swap3A_267 = tpu.vector_load %arg15[%swap3A_266] {strides = array<i32>} : memref<128xf32, #tpu.memory_space<vmem>>, vector<16xf32>,
      tpu.vector_store %arg15[%swap3A_266], %div3A_265 {strides = array<i32>} : memref<128xf32, #tpu.memory_space<vmem>>, vector<16xf32>,
      %get3A_268 = arith.constant 32 : index
      %get3A_269 = tpu.vector_load %arg14[%get3A_268] {strides = array<i32>} : memref<128xi32, #tpu.memory_space<vmem>>, vector<16xi32>,
      %shift_right_logical3A_270 = arith.constant 7 : i32
      %shift_right_logical3A_271 = vector.broadcast %shift_right_logical3A_270 : i32 to vector<16xi32>
      %shift_right_logical3A_272 = arith.shrui %get3A_269, %shift_right_logical3A_271 : vector<16xi32>
      %and3A_273 = arith.constant 127 : i32
      %and3A_274 = vector.broadcast %and3A_273 : i32 to vector<16xi32>
      %and3A_275 = arith.andi %get3A_269, %and3A_274 : vector<16xi32>
      %gather3A_276 = tpu.vector_load_idx %arg12[%shift_right_logical3A_272, %and3A_275] : memref<80x128xf32, #tpu.memory_space<vmem>>[vector<16xi32>, vector<16xi32>], vector<16xf32>,
      %get3A_277 = arith.constant 32 : index
      %get3A_278 = tpu.vector_load %arg15[%get3A_277] {strides = array<i32>} : memref<128xf32, #tpu.memory_space<vmem>>, vector<16xf32>,
      %add3A_279 = arith.constant 1.000000e-16 : f32
      %add3A_280 = vector.broadcast %add3A_279 : f32 to vector<16xf32>
      %add3A_281 = arith.addf %gather3A_276, %add3A_280 : vector<16xf32>
      %div3A_282 = arith.divf %get3A_278, %add3A_281 : vector<16xf32>
      %swap3A_283 = arith.constant 32 : index
      %swap3A_284 = tpu.vector_load %arg15[%swap3A_283] {strides = array<i32>} : memref<128xf32, #tpu.memory_space<vmem>>, vector<16xf32>,
      tpu.vector_store %arg15[%swap3A_283], %div3A_282 {strides = array<i32>} : memref<128xf32, #tpu.memory_space<vmem>>, vector<16xf32>,
      %get3A_285 = arith.constant 48 : index
      %get3A_286 = tpu.vector_load %arg14[%get3A_285] {strides = array<i32>} : memref<128xi32, #tpu.memory_space<vmem>>, vector<16xi32>,
      %shift_right_logical3A_287 = arith.constant 7 : i32
      %shift_right_logical3A_288 = vector.broadcast %shift_right_logical3A_287 : i32 to vector<16xi32>
      %shift_right_logical3A_289 = arith.shrui %get3A_286, %shift_right_logical3A_288 : vector<16xi32>
      %and3A_290 = arith.constant 127 : i32
      %and3A_291 = vector.broadcast %and3A_290 : i32 to vector<16xi32>
      %and3A_292 = arith.andi %get3A_286, %and3A_291 : vector<16xi32>
      %gather3A_293 = tpu.vector_load_idx %arg12[%shift_right_logical3A_289, %and3A_292] : memref<80x128xf32, #tpu.memory_space<vmem>>[vector<16xi32>, vector<16xi32>], vector<16xf32>,
      %get3A_294 = arith.constant 48 : index
      %get3A_295 = tpu.vector_load %arg15[%get3A_294] {strides = array<i32>} : memref<128xf32, #tpu.memory_space<vmem>>, vector<16xf32>,
      %add3A_296 = arith.constant 1.000000e-16 : f32
      %add3A_297 = vector.broadcast %add3A_296 : f32 to vector<16xf32>
      %add3A_298 = arith.addf %gather3A_293, %add3A_297 : vector<16xf32>
      %div3A_299 = arith.divf %get3A_295, %add3A_298 : vector<16xf32>
      %swap3A_300 = arith.constant 48 : index
      %swap3A_301 = tpu.vector_load %arg15[%swap3A_300] {strides = array<i32>} : memref<128xf32, #tpu.memory_space<vmem>>, vector<16xf32>,
      tpu.vector_store %arg15[%swap3A_300], %div3A_299 {strides = array<i32>} : memref<128xf32, #tpu.memory_space<vmem>>, vector<16xf32>,
      %get3A_302 = arith.constant 64 : index
      %get3A_303 = tpu.vector_load %arg14[%get3A_302] {strides = array<i32>} : memref<128xi32, #tpu.memory_space<vmem>>, vector<16xi32>,
      %shift_right_logical3A_304 = arith.constant 7 : i32
      %shift_right_logical3A_305 = vector.broadcast %shift_right_logical3A_304 : i32 to vector<16xi32>
      %shift_right_logical3A_306 = arith.shrui %get3A_303, %shift_right_logical3A_305 : vector<16xi32>
      %and3A_307 = arith.constant 127 : i32
      %and3A_308 = vector.broadcast %and3A_307 : i32 to vector<16xi32>
      %and3A_309 = arith.andi %get3A_303, %and3A_308 : vector<16xi32>
      %gather3A_310 = tpu.vector_load_idx %arg12[%shift_right_logical3A_306, %and3A_309] : memref<80x128xf32, #tpu.memory_space<vmem>>[vector<16xi32>, vector<16xi32>], vector<16xf32>,
      %get3A_311 = arith.constant 64 : index
      %get3A_312 = tpu.vector_load %arg15[%get3A_311] {strides = array<i32>} : memref<128xf32, #tpu.memory_space<vmem>>, vector<16xf32>,
      %add3A_313 = arith.constant 1.000000e-16 : f32
      %add3A_314 = vector.broadcast %add3A_313 : f32 to vector<16xf32>
      %add3A_315 = arith.addf %gather3A_310, %add3A_314 : vector<16xf32>
      %div3A_316 = arith.divf %get3A_312, %add3A_315 : vector<16xf32>
      %swap3A_317 = arith.constant 64 : index
      %swap3A_318 = tpu.vector_load %arg15[%swap3A_317] {strides = array<i32>} : memref<128xf32, #tpu.memory_space<vmem>>, vector<16xf32>,
      tpu.vector_store %arg15[%swap3A_317], %div3A_316 {strides = array<i32>} : memref<128xf32, #tpu.memory_space<vmem>>, vector<16xf32>,
      %get3A_319 = arith.constant 80 : index
      %get3A_320 = tpu.vector_load %arg14[%get3A_319] {strides = array<i32>} : memref<128xi32, #tpu.memory_space<vmem>>, vector<16xi32>,
      %shift_right_logical3A_321 = arith.constant 7 : i32
      %shift_right_logical3A_322 = vector.broadcast %shift_right_logical3A_321 : i32 to vector<16xi32>
      %shift_right_logical3A_323 = arith.shrui %get3A_320, %shift_right_logical3A_322 : vector<16xi32>
      %and3A_324 = arith.constant 127 : i32
      %and3A_325 = vector.broadcast %and3A_324 : i32 to vector<16xi32>
      %and3A_326 = arith.andi %get3A_320, %and3A_325 : vector<16xi32>
      %gather3A_327 = tpu.vector_load_idx %arg12[%shift_right_logical3A_323, %and3A_326] : memref<80x128xf32, #tpu.memory_space<vmem>>[vector<16xi32>, vector<16xi32>], vector<16xf32>,
      %get3A_328 = arith.constant 80 : index
      %get3A_329 = tpu.vector_load %arg15[%get3A_328] {strides = array<i32>} : memref<128xf32, #tpu.memory_space<vmem>>, vector<16xf32>,
      %add3A_330 = arith.constant 1.000000e-16 : f32
      %add3A_331 = vector.broadcast %add3A_330 : f32 to vector<16xf32>
      %add3A_332 = arith.addf %gather3A_327, %add3A_331 : vector<16xf32>
      %div3A_333 = arith.divf %get3A_329, %add3A_332 : vector<16xf32>
      %swap3A_334 = arith.constant 80 : index
      %swap3A_335 = tpu.vector_load %arg15[%swap3A_334] {strides = array<i32>} : memref<128xf32, #tpu.memory_space<vmem>>, vector<16xf32>,
      tpu.vector_store %arg15[%swap3A_334], %div3A_333 {strides = array<i32>} : memref<128xf32, #tpu.memory_space<vmem>>, vector<16xf32>,
      %get3A_336 = arith.constant 96 : index
      %get3A_337 = tpu.vector_load %arg14[%get3A_336] {strides = array<i32>} : memref<128xi32, #tpu.memory_space<vmem>>, vector<16xi32>,
      %shift_right_logical3A_338 = arith.constant 7 : i32
      %shift_right_logical3A_339 = vector.broadcast %shift_right_logical3A_338 : i32 to vector<16xi32>
      %shift_right_logical3A_340 = arith.shrui %get3A_337, %shift_right_logical3A_339 : vector<16xi32>
      %and3A_341 = arith.constant 127 : i32
      %and3A_342 = vector.broadcast %and3A_341 : i32 to vector<16xi32>
      %and3A_343 = arith.andi %get3A_337, %and3A_342 : vector<16xi32>
      %gather3A_344 = tpu.vector_load_idx %arg12[%shift_right_logical3A_340, %and3A_343] : memref<80x128xf32, #tpu.memory_space<vmem>>[vector<16xi32>, vector<16xi32>], vector<16xf32>,
      %get3A_345 = arith.constant 96 : index
      %get3A_346 = tpu.vector_load %arg15[%get3A_345] {strides = array<i32>} : memref<128xf32, #tpu.memory_space<vmem>>, vector<16xf32>,
      %add3A_347 = arith.constant 1.000000e-16 : f32
      %add3A_348 = vector.broadcast %add3A_347 : f32 to vector<16xf32>
      %add3A_349 = arith.addf %gather3A_344, %add3A_348 : vector<16xf32>
      %div3A_350 = arith.divf %get3A_346, %add3A_349 : vector<16xf32>
      %swap3A_351 = arith.constant 96 : index
      %swap3A_352 = tpu.vector_load %arg15[%swap3A_351] {strides = array<i32>} : memref<128xf32, #tpu.memory_space<vmem>>, vector<16xf32>,
      tpu.vector_store %arg15[%swap3A_351], %div3A_350 {strides = array<i32>} : memref<128xf32, #tpu.memory_space<vmem>>, vector<16xf32>,
      %get3A_353 = arith.constant 112 : index
      %get3A_354 = tpu.vector_load %arg14[%get3A_353] {strides = array<i32>} : memref<128xi32, #tpu.memory_space<vmem>>, vector<16xi32>,
      %shift_right_logical3A_355 = arith.constant 7 : i32
      %shift_right_logical3A_356 = vector.broadcast %shift_right_logical3A_355 : i32 to vector<16xi32>
      %shift_right_logical3A_357 = arith.shrui %get3A_354, %shift_right_logical3A_356 : vector<16xi32>
      %and3A_358 = arith.constant 127 : i32
      %and3A_359 = vector.broadcast %and3A_358 : i32 to vector<16xi32>
      %and3A_360 = arith.andi %get3A_354, %and3A_359 : vector<16xi32>
      %gather3A_361 = tpu.vector_load_idx %arg12[%shift_right_logical3A_357, %and3A_360] : memref<80x128xf32, #tpu.memory_space<vmem>>[vector<16xi32>, vector<16xi32>], vector<16xf32>,
      %get3A_362 = arith.constant 112 : index
      %get3A_363 = tpu.vector_load %arg15[%get3A_362] {strides = array<i32>} : memref<128xf32, #tpu.memory_space<vmem>>, vector<16xf32>,
      %add3A_364 = arith.constant 1.000000e-16 : f32
      %add3A_365 = vector.broadcast %add3A_364 : f32 to vector<16xf32>
      %add3A_366 = arith.addf %gather3A_361, %add3A_365 : vector<16xf32>
      %div3A_367 = arith.divf %get3A_363, %add3A_366 : vector<16xf32>
      %swap3A_368 = arith.constant 112 : index
      %swap3A_369 = tpu.vector_load %arg15[%swap3A_368] {strides = array<i32>} : memref<128xf32, #tpu.memory_space<vmem>>, vector<16xf32>,
      tpu.vector_store %arg15[%swap3A_368], %div3A_367 {strides = array<i32>} : memref<128xf32, #tpu.memory_space<vmem>>, vector<16xf32>,
      %mul3A_370 = arith.constant 172032 : i32
      %mul3A_371 = arith.muli %mul3A_0, %mul3A_370 : i32
      %add3A_372 = arith.addi %mul3A_371, %multiple_of3A : i32
      "tpu.region"() ({
        %run_scoped3A = tpu.sem_alloc : memref<!tpu.dma_semaphore, #tpu.memory_space<semaphore_mem>>
        %dma_start3A_381 = tpu.memref_slice %arg8[%add3A_372] : memref<344064xf32, #tpu.memory_space<hbm>> -> memref<128xf32, #tpu.memory_space<hbm>>
        %dma_start3A_382 = tpu.memref_slice %arg8[%add3A_372] : memref<344064xf32, #tpu.memory_space<hbm>> -> memref<128xf32, #tpu.memory_space<hbm>>
        tpu.enqueue_dma source(%arg15 : memref<128xf32, #tpu.memory_space<vmem>>) target(%dma_start3A_382 : memref<128xf32, #tpu.memory_space<hbm>>) target_semaphore(%run_scoped3A : memref<!tpu.dma_semaphore, #tpu.memory_space<semaphore_mem>>)
        %dma_wait3A_383 = tpu.memref_slice %arg8[%add3A_372] : memref<344064xf32, #tpu.memory_space<hbm>> -> memref<128xf32, #tpu.memory_space<hbm>>
        %dma_wait3A_384 = tpu.memref_slice %arg8[%add3A_372] : memref<344064xf32, #tpu.memory_space<hbm>> -> memref<128xf32, #tpu.memory_space<hbm>>
        tpu.wait_dma2 semaphore(%run_scoped3A : memref<!tpu.dma_semaphore, #tpu.memory_space<semaphore_mem>>) src(%arg15 : memref<128xf32, #tpu.memory_space<vmem>>) dst(%dma_wait3A_384 : memref<128xf32, #tpu.memory_space<hbm>>)
        tpu.yield
      }) : () -> ()
      %dma_wait3A = arith.constant 0 : i32
      %dma_wait3A_373 = arith.constant 0 : i32
      %dma_wait3A_374 = tpu.memref_slice %arg6[%dma_wait3A, %dma_wait3A_373] : memref<20000x128xf32, #tpu.memory_space<hbm>> -> memref<20000x128xf32, #tpu.memory_space<hbm>>
      tpu.wait_indirect_dma semaphore(%arg20 : memref<!tpu.dma_semaphore, #tpu.memory_space<semaphore_mem>>) src(%dma_wait3A_374 : memref<20000x128xf32, #tpu.memory_space<hbm>>) dst(%arg17 : memref<128x128xf32, #tpu.memory_space<vmem>>)
      %scan3A_375 = arith.constant 0 : i32
      %scan3A_376 = arith.constant 0 : i32
      %scan3A_377 = arith.constant 128 : i32
      %scan3A_378 = arith.addi %scan3A_376, %scan3A_377 : i32
      %scan3A_379 = arith.constant 1 : i32
      scf.for %scan3A_381 = %scan3A_376 to %scan3A_378 step %scan3A_379  : i32 {
        %broadcast_in_dim3A_382 = vector.broadcast %scan3A_381 : i32 to vector<16xi32>
        %gather3A_383 = tpu.vector_load_idx %arg15[%broadcast_in_dim3A_382] : memref<128xf32, #tpu.memory_space<vmem>>[vector<16xi32>], vector<16xf32>,
        %get3A_384 = arith.index_cast %scan3A_381 : i32 to index
        %get3A_385 = arith.constant 0 : index
        %get3A_386 = tpu.vector_load %arg17[%get3A_384, %get3A_385] {strides = array<i32>} : memref<128x128xf32, #tpu.memory_space<vmem>>, vector<16xf32>,
        %mul3A_387 = arith.mulf %get3A_386, %gather3A_383 : vector<16xf32>
        %swap3A_388 = arith.index_cast %scan3A_381 : i32 to index
        %swap3A_389 = arith.constant 0 : index
        %swap3A_390 = tpu.vector_load %arg17[%swap3A_388, %swap3A_389] {strides = array<i32>} : memref<128x128xf32, #tpu.memory_space<vmem>>, vector<16xf32>,
        tpu.vector_store %arg17[%swap3A_388, %swap3A_389], %mul3A_387 {strides = array<i32>} : memref<128x128xf32, #tpu.memory_space<vmem>>, vector<16xf32>,
        %get3A_391 = arith.index_cast %scan3A_381 : i32 to index
        %get3A_392 = arith.constant 16 : index
        %get3A_393 = tpu.vector_load %arg17[%get3A_391, %get3A_392] {strides = array<i32>} : memref<128x128xf32, #tpu.memory_space<vmem>>, vector<16xf32>,
        %mul3A_394 = arith.mulf %get3A_393, %gather3A_383 : vector<16xf32>
        %swap3A_395 = arith.index_cast %scan3A_381 : i32 to index
        %swap3A_396 = arith.constant 16 : index
        %swap3A_397 = tpu.vector_load %arg17[%swap3A_395, %swap3A_396] {strides = array<i32>} : memref<128x128xf32, #tpu.memory_space<vmem>>, vector<16xf32>,
        tpu.vector_store %arg17[%swap3A_395, %swap3A_396], %mul3A_394 {strides = array<i32>} : memref<128x128xf32, #tpu.memory_space<vmem>>, vector<16xf32>,
        %get3A_398 = arith.index_cast %scan3A_381 : i32 to index
        %get3A_399 = arith.constant 32 : index
        %get3A_400 = tpu.vector_load %arg17[%get3A_398, %get3A_399] {strides = array<i32>} : memref<128x128xf32, #tpu.memory_space<vmem>>, vector<16xf32>,
        %mul3A_401 = arith.mulf %get3A_400, %gather3A_383 : vector<16xf32>
        %swap3A_402 = arith.index_cast %scan3A_381 : i32 to index
        %swap3A_403 = arith.constant 32 : index
        %swap3A_404 = tpu.vector_load %arg17[%swap3A_402, %swap3A_403] {strides = array<i32>} : memref<128x128xf32, #tpu.memory_space<vmem>>, vector<16xf32>,
        tpu.vector_store %arg17[%swap3A_402, %swap3A_403], %mul3A_401 {strides = array<i32>} : memref<128x128xf32, #tpu.memory_space<vmem>>, vector<16xf32>,
        %get3A_405 = arith.index_cast %scan3A_381 : i32 to index
        %get3A_406 = arith.constant 48 : index
        %get3A_407 = tpu.vector_load %arg17[%get3A_405, %get3A_406] {strides = array<i32>} : memref<128x128xf32, #tpu.memory_space<vmem>>, vector<16xf32>,
        %mul3A_408 = arith.mulf %get3A_407, %gather3A_383 : vector<16xf32>
        %swap3A_409 = arith.index_cast %scan3A_381 : i32 to index
        %swap3A_410 = arith.constant 48 : index
        %swap3A_411 = tpu.vector_load %arg17[%swap3A_409, %swap3A_410] {strides = array<i32>} : memref<128x128xf32, #tpu.memory_space<vmem>>, vector<16xf32>,
        tpu.vector_store %arg17[%swap3A_409, %swap3A_410], %mul3A_408 {strides = array<i32>} : memref<128x128xf32, #tpu.memory_space<vmem>>, vector<16xf32>,
        %get3A_412 = arith.index_cast %scan3A_381 : i32 to index
        %get3A_413 = arith.constant 64 : index
        %get3A_414 = tpu.vector_load %arg17[%get3A_412, %get3A_413] {strides = array<i32>} : memref<128x128xf32, #tpu.memory_space<vmem>>, vector<16xf32>,
        %mul3A_415 = arith.mulf %get3A_414, %gather3A_383 : vector<16xf32>
        %swap3A_416 = arith.index_cast %scan3A_381 : i32 to index
        %swap3A_417 = arith.constant 64 : index
        %swap3A_418 = tpu.vector_load %arg17[%swap3A_416, %swap3A_417] {strides = array<i32>} : memref<128x128xf32, #tpu.memory_space<vmem>>, vector<16xf32>,
        tpu.vector_store %arg17[%swap3A_416, %swap3A_417], %mul3A_415 {strides = array<i32>} : memref<128x128xf32, #tpu.memory_space<vmem>>, vector<16xf32>,
        %get3A_419 = arith.index_cast %scan3A_381 : i32 to index
        %get3A_420 = arith.constant 80 : index
        %get3A_421 = tpu.vector_load %arg17[%get3A_419, %get3A_420] {strides = array<i32>} : memref<128x128xf32, #tpu.memory_space<vmem>>, vector<16xf32>,
        %mul3A_422 = arith.mulf %get3A_421, %gather3A_383 : vector<16xf32>
        %swap3A_423 = arith.index_cast %scan3A_381 : i32 to index
        %swap3A_424 = arith.constant 80 : index
        %swap3A_425 = tpu.vector_load %arg17[%swap3A_423, %swap3A_424] {strides = array<i32>} : memref<128x128xf32, #tpu.memory_space<vmem>>, vector<16xf32>,
        tpu.vector_store %arg17[%swap3A_423, %swap3A_424], %mul3A_422 {strides = array<i32>} : memref<128x128xf32, #tpu.memory_space<vmem>>, vector<16xf32>,
        %get3A_426 = arith.index_cast %scan3A_381 : i32 to index
        %get3A_427 = arith.constant 96 : index
        %get3A_428 = tpu.vector_load %arg17[%get3A_426, %get3A_427] {strides = array<i32>} : memref<128x128xf32, #tpu.memory_space<vmem>>, vector<16xf32>,
        %mul3A_429 = arith.mulf %get3A_428, %gather3A_383 : vector<16xf32>
        %swap3A_430 = arith.index_cast %scan3A_381 : i32 to index
        %swap3A_431 = arith.constant 96 : index
        %swap3A_432 = tpu.vector_load %arg17[%swap3A_430, %swap3A_431] {strides = array<i32>} : memref<128x128xf32, #tpu.memory_space<vmem>>, vector<16xf32>,
        tpu.vector_store %arg17[%swap3A_430, %swap3A_431], %mul3A_429 {strides = array<i32>} : memref<128x128xf32, #tpu.memory_space<vmem>>, vector<16xf32>,
        %get3A_433 = arith.index_cast %scan3A_381 : i32 to index
        %get3A_434 = arith.constant 112 : index
        %get3A_435 = tpu.vector_load %arg17[%get3A_433, %get3A_434] {strides = array<i32>} : memref<128x128xf32, #tpu.memory_space<vmem>>, vector<16xf32>,
        %mul3A_436 = arith.mulf %get3A_435, %gather3A_383 : vector<16xf32>
        %swap3A_437 = arith.index_cast %scan3A_381 : i32 to index
        %swap3A_438 = arith.constant 112 : index
        %swap3A_439 = tpu.vector_load %arg17[%swap3A_437, %swap3A_438] {strides = array<i32>} : memref<128x128xf32, #tpu.memory_space<vmem>>, vector<16xf32>,
        tpu.vector_store %arg17[%swap3A_437, %swap3A_438], %mul3A_436 {strides = array<i32>} : memref<128x128xf32, #tpu.memory_space<vmem>>, vector<16xf32>,
      }
      %scan3A_380 = arith.constant 128 : i32
      "tpu.region"() ({
        %run_scoped3A = tpu.sem_alloc : memref<!tpu.dma_semaphore, #tpu.memory_space<semaphore_mem>>
        %dma_start3A_381 = arith.constant 0 : i32
        %dma_start3A_382 = arith.constant 0 : i32
        %dma_start3A_383 = tpu.memref_slice %arg18[%dma_start3A_381, %dma_start3A_382] : memref<10240x128xf32, #tpu.memory_space<vmem_shared>> -> memref<10240x128xf32, #tpu.memory_space<vmem_shared>>
        tpu.enqueue_indirect_dma source(%arg17 : memref<128x128xf32, #tpu.memory_space<vmem>>) target(%dma_start3A_383 : memref<10240x128xf32, #tpu.memory_space<vmem_shared>>) offsets(%arg14 : memref<128xi32, #tpu.memory_space<vmem>>) semaphore(%run_scoped3A : memref<!tpu.dma_semaphore, #tpu.memory_space<semaphore_mem>>) {add = true}
        %dma_wait3A_384 = arith.constant 0 : i32
        %dma_wait3A_385 = arith.constant 0 : i32
        %dma_wait3A_386 = tpu.memref_slice %arg18[%dma_wait3A_384, %dma_wait3A_385] : memref<10240x128xf32, #tpu.memory_space<vmem_shared>> -> memref<10240x128xf32, #tpu.memory_space<vmem_shared>>
        tpu.wait_indirect_dma semaphore(%run_scoped3A : memref<!tpu.dma_semaphore, #tpu.memory_space<semaphore_mem>>) src(%arg17 : memref<128x128xf32, #tpu.memory_space<vmem>>) dst(%dma_wait3A_386 : memref<10240x128xf32, #tpu.memory_space<vmem_shared>>)
        tpu.yield
      }) : () -> ()
    }
    %scan3A_128 = arith.constant 84 : i32
    %barrier3A_129 = arith.constant 0 : index
    tpu.barrier barrier_id(%barrier3A_129)
    %mul3A_130 = arith.constant 640 : i32
    %mul3A_131 = arith.muli %arg1, %mul3A_130 : i32
    %add3A_132 = arith.constant 0 : i32
    %add3A_133 = arith.addi %mul3A_131, %add3A_132 : i32
    "tpu.region"() ({
      %run_scoped3A = tpu.sem_alloc : memref<!tpu.dma_semaphore, #tpu.memory_space<semaphore_mem>>
      %dma_start3A = arith.constant 0 : i32
      %dma_start3A_165 = tpu.memref_slice %arg18[%add3A_133, %dma_start3A] : memref<10240x128xf32, #tpu.memory_space<vmem_shared>> -> memref<128x128xf32, #tpu.memory_space<vmem_shared>>
      %dma_start3A_166 = arith.constant 0 : i32
      %dma_start3A_167 = tpu.memref_slice %arg18[%add3A_133, %dma_start3A_166] : memref<10240x128xf32, #tpu.memory_space<vmem_shared>> -> memref<128x128xf32, #tpu.memory_space<vmem_shared>>
      tpu.enqueue_dma source(%dma_start3A_167 : memref<128x128xf32, #tpu.memory_space<vmem_shared>>) target(%arg17 : memref<128x128xf32, #tpu.memory_space<vmem>>) target_semaphore(%run_scoped3A : memref<!tpu.dma_semaphore, #tpu.memory_space<semaphore_mem>>)
      %dma_wait3A = arith.constant 0 : i32
      %dma_wait3A_168 = tpu.memref_slice %arg18[%add3A_133, %dma_wait3A] : memref<10240x128xf32, #tpu.memory_space<vmem_shared>> -> memref<128x128xf32, #tpu.memory_space<vmem_shared>>
      %dma_wait3A_169 = arith.constant 0 : i32
      %dma_wait3A_170 = tpu.memref_slice %arg18[%add3A_133, %dma_wait3A_169] : memref<10240x128xf32, #tpu.memory_space<vmem_shared>> -> memref<128x128xf32, #tpu.memory_space<vmem_shared>>
      tpu.wait_dma2 semaphore(%run_scoped3A : memref<!tpu.dma_semaphore, #tpu.memory_space<semaphore_mem>>) src(%dma_wait3A_170 : memref<128x128xf32, #tpu.memory_space<vmem_shared>>) dst(%arg17 : memref<128x128xf32, #tpu.memory_space<vmem>>)
      tpu.yield
    }) : () -> ()
    %mul3A_134 = arith.constant 10240 : i32
    %mul3A_135 = arith.muli %arg0, %mul3A_134 : i32
    %add3A_136 = arith.addi %mul3A_135, %add3A_133 : i32
    "tpu.region"() ({
      %run_scoped3A = tpu.sem_alloc : memref<!tpu.dma_semaphore, #tpu.memory_space<semaphore_mem>>
      %dma_start3A = arith.constant 0 : i32
      %dma_start3A_165 = tpu.memref_slice %arg7[%add3A_136, %dma_start3A] : memref<20480x128xf32, #tpu.memory_space<hbm>> -> memref<128x128xf32, #tpu.memory_space<hbm>>
      %dma_start3A_166 = arith.constant 0 : i32
      %dma_start3A_167 = tpu.memref_slice %arg7[%add3A_136, %dma_start3A_166] : memref<20480x128xf32, #tpu.memory_space<hbm>> -> memref<128x128xf32, #tpu.memory_space<hbm>>
      tpu.enqueue_dma source(%arg17 : memref<128x128xf32, #tpu.memory_space<vmem>>) target(%dma_start3A_167 : memref<128x128xf32, #tpu.memory_space<hbm>>) target_semaphore(%run_scoped3A : memref<!tpu.dma_semaphore, #tpu.memory_space<semaphore_mem>>)
      %dma_wait3A = arith.constant 0 : i32
      %dma_wait3A_168 = tpu.memref_slice %arg7[%add3A_136, %dma_wait3A] : memref<20480x128xf32, #tpu.memory_space<hbm>> -> memref<128x128xf32, #tpu.memory_space<hbm>>
      %dma_wait3A_169 = arith.constant 0 : i32
      %dma_wait3A_170 = tpu.memref_slice %arg7[%add3A_136, %dma_wait3A_169] : memref<20480x128xf32, #tpu.memory_space<hbm>> -> memref<128x128xf32, #tpu.memory_space<hbm>>
      tpu.wait_dma2 semaphore(%run_scoped3A : memref<!tpu.dma_semaphore, #tpu.memory_space<semaphore_mem>>) src(%arg17 : memref<128x128xf32, #tpu.memory_space<vmem>>) dst(%dma_wait3A_170 : memref<128x128xf32, #tpu.memory_space<hbm>>)
      tpu.yield
    }) : () -> ()
    %mul3A_137 = arith.constant 640 : i32
    %mul3A_138 = arith.muli %arg1, %mul3A_137 : i32
    %add3A_139 = arith.constant 128 : i32
    %add3A_140 = arith.addi %mul3A_138, %add3A_139 : i32
    "tpu.region"() ({
      %run_scoped3A = tpu.sem_alloc : memref<!tpu.dma_semaphore, #tpu.memory_space<semaphore_mem>>
      %dma_start3A = arith.constant 0 : i32
      %dma_start3A_165 = tpu.memref_slice %arg18[%add3A_140, %dma_start3A] : memref<10240x128xf32, #tpu.memory_space<vmem_shared>> -> memref<128x128xf32, #tpu.memory_space<vmem_shared>>
      %dma_start3A_166 = arith.constant 0 : i32
      %dma_start3A_167 = tpu.memref_slice %arg18[%add3A_140, %dma_start3A_166] : memref<10240x128xf32, #tpu.memory_space<vmem_shared>> -> memref<128x128xf32, #tpu.memory_space<vmem_shared>>
      tpu.enqueue_dma source(%dma_start3A_167 : memref<128x128xf32, #tpu.memory_space<vmem_shared>>) target(%arg17 : memref<128x128xf32, #tpu.memory_space<vmem>>) target_semaphore(%run_scoped3A : memref<!tpu.dma_semaphore, #tpu.memory_space<semaphore_mem>>)
      %dma_wait3A = arith.constant 0 : i32
      %dma_wait3A_168 = tpu.memref_slice %arg18[%add3A_140, %dma_wait3A] : memref<10240x128xf32, #tpu.memory_space<vmem_shared>> -> memref<128x128xf32, #tpu.memory_space<vmem_shared>>
      %dma_wait3A_169 = arith.constant 0 : i32
      %dma_wait3A_170 = tpu.memref_slice %arg18[%add3A_140, %dma_wait3A_169] : memref<10240x128xf32, #tpu.memory_space<vmem_shared>> -> memref<128x128xf32, #tpu.memory_space<vmem_shared>>
      tpu.wait_dma2 semaphore(%run_scoped3A : memref<!tpu.dma_semaphore, #tpu.memory_space<semaphore_mem>>) src(%dma_wait3A_170 : memref<128x128xf32, #tpu.memory_space<vmem_shared>>) dst(%arg17 : memref<128x128xf32, #tpu.memory_space<vmem>>)
      tpu.yield
    }) : () -> ()
    %mul3A_141 = arith.constant 10240 : i32
    %mul3A_142 = arith.muli %arg0, %mul3A_141 : i32
    %add3A_143 = arith.addi %mul3A_142, %add3A_140 : i32
    "tpu.region"() ({
      %run_scoped3A = tpu.sem_alloc : memref<!tpu.dma_semaphore, #tpu.memory_space<semaphore_mem>>
      %dma_start3A = arith.constant 0 : i32
      %dma_start3A_165 = tpu.memref_slice %arg7[%add3A_143, %dma_start3A] : memref<20480x128xf32, #tpu.memory_space<hbm>> -> memref<128x128xf32, #tpu.memory_space<hbm>>
      %dma_start3A_166 = arith.constant 0 : i32
      %dma_start3A_167 = tpu.memref_slice %arg7[%add3A_143, %dma_start3A_166] : memref<20480x128xf32, #tpu.memory_space<hbm>> -> memref<128x128xf32, #tpu.memory_space<hbm>>
      tpu.enqueue_dma source(%arg17 : memref<128x128xf32, #tpu.memory_space<vmem>>) target(%dma_start3A_167 : memref<128x128xf32, #tpu.memory_space<hbm>>) target_semaphore(%run_scoped3A : memref<!tpu.dma_semaphore, #tpu.memory_space<semaphore_mem>>)
      %dma_wait3A = arith.constant 0 : i32
      %dma_wait3A_168 = tpu.memref_slice %arg7[%add3A_143, %dma_wait3A] : memref<20480x128xf32, #tpu.memory_space<hbm>> -> memref<128x128xf32, #tpu.memory_space<hbm>>
      %dma_wait3A_169 = arith.constant 0 : i32
      %dma_wait3A_170 = tpu.memref_slice %arg7[%add3A_143, %dma_wait3A_169] : memref<20480x128xf32, #tpu.memory_space<hbm>> -> memref<128x128xf32, #tpu.memory_space<hbm>>
      tpu.wait_dma2 semaphore(%run_scoped3A : memref<!tpu.dma_semaphore, #tpu.memory_space<semaphore_mem>>) src(%arg17 : memref<128x128xf32, #tpu.memory_space<vmem>>) dst(%dma_wait3A_170 : memref<128x128xf32, #tpu.memory_space<hbm>>)
      tpu.yield
    }) : () -> ()
    %mul3A_144 = arith.constant 640 : i32
    %mul3A_145 = arith.muli %arg1, %mul3A_144 : i32
    %add3A_146 = arith.constant 256 : i32
    %add3A_147 = arith.addi %mul3A_145, %add3A_146 : i32
    "tpu.region"() ({
      %run_scoped3A = tpu.sem_alloc : memref<!tpu.dma_semaphore, #tpu.memory_space<semaphore_mem>>
      %dma_start3A = arith.constant 0 : i32
      %dma_start3A_165 = tpu.memref_slice %arg18[%add3A_147, %dma_start3A] : memref<10240x128xf32, #tpu.memory_space<vmem_shared>> -> memref<128x128xf32, #tpu.memory_space<vmem_shared>>
      %dma_start3A_166 = arith.constant 0 : i32
      %dma_start3A_167 = tpu.memref_slice %arg18[%add3A_147, %dma_start3A_166] : memref<10240x128xf32, #tpu.memory_space<vmem_shared>> -> memref<128x128xf32, #tpu.memory_space<vmem_shared>>
      tpu.enqueue_dma source(%dma_start3A_167 : memref<128x128xf32, #tpu.memory_space<vmem_shared>>) target(%arg17 : memref<128x128xf32, #tpu.memory_space<vmem>>) target_semaphore(%run_scoped3A : memref<!tpu.dma_semaphore, #tpu.memory_space<semaphore_mem>>)
      %dma_wait3A = arith.constant 0 : i32
      %dma_wait3A_168 = tpu.memref_slice %arg18[%add3A_147, %dma_wait3A] : memref<10240x128xf32, #tpu.memory_space<vmem_shared>> -> memref<128x128xf32, #tpu.memory_space<vmem_shared>>
      %dma_wait3A_169 = arith.constant 0 : i32
      %dma_wait3A_170 = tpu.memref_slice %arg18[%add3A_147, %dma_wait3A_169] : memref<10240x128xf32, #tpu.memory_space<vmem_shared>> -> memref<128x128xf32, #tpu.memory_space<vmem_shared>>
      tpu.wait_dma2 semaphore(%run_scoped3A : memref<!tpu.dma_semaphore, #tpu.memory_space<semaphore_mem>>) src(%dma_wait3A_170 : memref<128x128xf32, #tpu.memory_space<vmem_shared>>) dst(%arg17 : memref<128x128xf32, #tpu.memory_space<vmem>>)
      tpu.yield
    }) : () -> ()
    %mul3A_148 = arith.constant 10240 : i32
    %mul3A_149 = arith.muli %arg0, %mul3A_148 : i32
    %add3A_150 = arith.addi %mul3A_149, %add3A_147 : i32
    "tpu.region"() ({
      %run_scoped3A = tpu.sem_alloc : memref<!tpu.dma_semaphore, #tpu.memory_space<semaphore_mem>>
      %dma_start3A = arith.constant 0 : i32
      %dma_start3A_165 = tpu.memref_slice %arg7[%add3A_150, %dma_start3A] : memref<20480x128xf32, #tpu.memory_space<hbm>> -> memref<128x128xf32, #tpu.memory_space<hbm>>
      %dma_start3A_166 = arith.constant 0 : i32
      %dma_start3A_167 = tpu.memref_slice %arg7[%add3A_150, %dma_start3A_166] : memref<20480x128xf32, #tpu.memory_space<hbm>> -> memref<128x128xf32, #tpu.memory_space<hbm>>
      tpu.enqueue_dma source(%arg17 : memref<128x128xf32, #tpu.memory_space<vmem>>) target(%dma_start3A_167 : memref<128x128xf32, #tpu.memory_space<hbm>>) target_semaphore(%run_scoped3A : memref<!tpu.dma_semaphore, #tpu.memory_space<semaphore_mem>>)
      %dma_wait3A = arith.constant 0 : i32
      %dma_wait3A_168 = tpu.memref_slice %arg7[%add3A_150, %dma_wait3A] : memref<20480x128xf32, #tpu.memory_space<hbm>> -> memref<128x128xf32, #tpu.memory_space<hbm>>
      %dma_wait3A_169 = arith.constant 0 : i32
      %dma_wait3A_170 = tpu.memref_slice %arg7[%add3A_150, %dma_wait3A_169] : memref<20480x128xf32, #tpu.memory_space<hbm>> -> memref<128x128xf32, #tpu.memory_space<hbm>>
      tpu.wait_dma2 semaphore(%run_scoped3A : memref<!tpu.dma_semaphore, #tpu.memory_space<semaphore_mem>>) src(%arg17 : memref<128x128xf32, #tpu.memory_space<vmem>>) dst(%dma_wait3A_170 : memref<128x128xf32, #tpu.memory_space<hbm>>)
      tpu.yield
    }) : () -> ()
    %mul3A_151 = arith.constant 640 : i32
    %mul3A_152 = arith.muli %arg1, %mul3A_151 : i32
    %add3A_153 = arith.constant 384 : i32
    %add3A_154 = arith.addi %mul3A_152, %add3A_153 : i32
    "tpu.region"() ({
      %run_scoped3A = tpu.sem_alloc : memref<!tpu.dma_semaphore, #tpu.memory_space<semaphore_mem>>
      %dma_start3A = arith.constant 0 : i32
      %dma_start3A_165 = tpu.memref_slice %arg18[%add3A_154, %dma_start3A] : memref<10240x128xf32, #tpu.memory_space<vmem_shared>> -> memref<128x128xf32, #tpu.memory_space<vmem_shared>>
      %dma_start3A_166 = arith.constant 0 : i32
      %dma_start3A_167 = tpu.memref_slice %arg18[%add3A_154, %dma_start3A_166] : memref<10240x128xf32, #tpu.memory_space<vmem_shared>> -> memref<128x128xf32, #tpu.memory_space<vmem_shared>>
      tpu.enqueue_dma source(%dma_start3A_167 : memref<128x128xf32, #tpu.memory_space<vmem_shared>>) target(%arg17 : memref<128x128xf32, #tpu.memory_space<vmem>>) target_semaphore(%run_scoped3A : memref<!tpu.dma_semaphore, #tpu.memory_space<semaphore_mem>>)
      %dma_wait3A = arith.constant 0 : i32
      %dma_wait3A_168 = tpu.memref_slice %arg18[%add3A_154, %dma_wait3A] : memref<10240x128xf32, #tpu.memory_space<vmem_shared>> -> memref<128x128xf32, #tpu.memory_space<vmem_shared>>
      %dma_wait3A_169 = arith.constant 0 : i32
      %dma_wait3A_170 = tpu.memref_slice %arg18[%add3A_154, %dma_wait3A_169] : memref<10240x128xf32, #tpu.memory_space<vmem_shared>> -> memref<128x128xf32, #tpu.memory_space<vmem_shared>>
      tpu.wait_dma2 semaphore(%run_scoped3A : memref<!tpu.dma_semaphore, #tpu.memory_space<semaphore_mem>>) src(%dma_wait3A_170 : memref<128x128xf32, #tpu.memory_space<vmem_shared>>) dst(%arg17 : memref<128x128xf32, #tpu.memory_space<vmem>>)
      tpu.yield
    }) : () -> ()
    %mul3A_155 = arith.constant 10240 : i32
    %mul3A_156 = arith.muli %arg0, %mul3A_155 : i32
    %add3A_157 = arith.addi %mul3A_156, %add3A_154 : i32
    "tpu.region"() ({
      %run_scoped3A = tpu.sem_alloc : memref<!tpu.dma_semaphore, #tpu.memory_space<semaphore_mem>>
      %dma_start3A = arith.constant 0 : i32
      %dma_start3A_165 = tpu.memref_slice %arg7[%add3A_157, %dma_start3A] : memref<20480x128xf32, #tpu.memory_space<hbm>> -> memref<128x128xf32, #tpu.memory_space<hbm>>
      %dma_start3A_166 = arith.constant 0 : i32
      %dma_start3A_167 = tpu.memref_slice %arg7[%add3A_157, %dma_start3A_166] : memref<20480x128xf32, #tpu.memory_space<hbm>> -> memref<128x128xf32, #tpu.memory_space<hbm>>
      tpu.enqueue_dma source(%arg17 : memref<128x128xf32, #tpu.memory_space<vmem>>) target(%dma_start3A_167 : memref<128x128xf32, #tpu.memory_space<hbm>>) target_semaphore(%run_scoped3A : memref<!tpu.dma_semaphore, #tpu.memory_space<semaphore_mem>>)
      %dma_wait3A = arith.constant 0 : i32
      %dma_wait3A_168 = tpu.memref_slice %arg7[%add3A_157, %dma_wait3A] : memref<20480x128xf32, #tpu.memory_space<hbm>> -> memref<128x128xf32, #tpu.memory_space<hbm>>
      %dma_wait3A_169 = arith.constant 0 : i32
      %dma_wait3A_170 = tpu.memref_slice %arg7[%add3A_157, %dma_wait3A_169] : memref<20480x128xf32, #tpu.memory_space<hbm>> -> memref<128x128xf32, #tpu.memory_space<hbm>>
      tpu.wait_dma2 semaphore(%run_scoped3A : memref<!tpu.dma_semaphore, #tpu.memory_space<semaphore_mem>>) src(%arg17 : memref<128x128xf32, #tpu.memory_space<vmem>>) dst(%dma_wait3A_170 : memref<128x128xf32, #tpu.memory_space<hbm>>)
      tpu.yield
    }) : () -> ()
    %mul3A_158 = arith.constant 640 : i32
    %mul3A_159 = arith.muli %arg1, %mul3A_158 : i32
    %add3A_160 = arith.constant 512 : i32
    %add3A_161 = arith.addi %mul3A_159, %add3A_160 : i32
    "tpu.region"() ({
      %run_scoped3A = tpu.sem_alloc : memref<!tpu.dma_semaphore, #tpu.memory_space<semaphore_mem>>
      %dma_start3A = arith.constant 0 : i32
      %dma_start3A_165 = tpu.memref_slice %arg18[%add3A_161, %dma_start3A] : memref<10240x128xf32, #tpu.memory_space<vmem_shared>> -> memref<128x128xf32, #tpu.memory_space<vmem_shared>>
      %dma_start3A_166 = arith.constant 0 : i32
      %dma_start3A_167 = tpu.memref_slice %arg18[%add3A_161, %dma_start3A_166] : memref<10240x128xf32, #tpu.memory_space<vmem_shared>> -> memref<128x128xf32, #tpu.memory_space<vmem_shared>>
      tpu.enqueue_dma source(%dma_start3A_167 : memref<128x128xf32, #tpu.memory_space<vmem_shared>>) target(%arg17 : memref<128x128xf32, #tpu.memory_space<vmem>>) target_semaphore(%run_scoped3A : memref<!tpu.dma_semaphore, #tpu.memory_space<semaphore_mem>>)
      %dma_wait3A = arith.constant 0 : i32
      %dma_wait3A_168 = tpu.memref_slice %arg18[%add3A_161, %dma_wait3A] : memref<10240x128xf32, #tpu.memory_space<vmem_shared>> -> memref<128x128xf32, #tpu.memory_space<vmem_shared>>
      %dma_wait3A_169 = arith.constant 0 : i32
      %dma_wait3A_170 = tpu.memref_slice %arg18[%add3A_161, %dma_wait3A_169] : memref<10240x128xf32, #tpu.memory_space<vmem_shared>> -> memref<128x128xf32, #tpu.memory_space<vmem_shared>>
      tpu.wait_dma2 semaphore(%run_scoped3A : memref<!tpu.dma_semaphore, #tpu.memory_space<semaphore_mem>>) src(%dma_wait3A_170 : memref<128x128xf32, #tpu.memory_space<vmem_shared>>) dst(%arg17 : memref<128x128xf32, #tpu.memory_space<vmem>>)
      tpu.yield
    }) : () -> ()
    %mul3A_162 = arith.constant 10240 : i32
    %mul3A_163 = arith.muli %arg0, %mul3A_162 : i32
    %add3A_164 = arith.addi %mul3A_163, %add3A_161 : i32
    "tpu.region"() ({
      %run_scoped3A = tpu.sem_alloc : memref<!tpu.dma_semaphore, #tpu.memory_space<semaphore_mem>>
      %dma_start3A = arith.constant 0 : i32
      %dma_start3A_165 = tpu.memref_slice %arg7[%add3A_164, %dma_start3A] : memref<20480x128xf32, #tpu.memory_space<hbm>> -> memref<128x128xf32, #tpu.memory_space<hbm>>
      %dma_start3A_166 = arith.constant 0 : i32
      %dma_start3A_167 = tpu.memref_slice %arg7[%add3A_164, %dma_start3A_166] : memref<20480x128xf32, #tpu.memory_space<hbm>> -> memref<128x128xf32, #tpu.memory_space<hbm>>
      tpu.enqueue_dma source(%arg17 : memref<128x128xf32, #tpu.memory_space<vmem>>) target(%dma_start3A_167 : memref<128x128xf32, #tpu.memory_space<hbm>>) target_semaphore(%run_scoped3A : memref<!tpu.dma_semaphore, #tpu.memory_space<semaphore_mem>>)
      %dma_wait3A = arith.constant 0 : i32
      %dma_wait3A_168 = tpu.memref_slice %arg7[%add3A_164, %dma_wait3A] : memref<20480x128xf32, #tpu.memory_space<hbm>> -> memref<128x128xf32, #tpu.memory_space<hbm>>
      %dma_wait3A_169 = arith.constant 0 : i32
      %dma_wait3A_170 = tpu.memref_slice %arg7[%add3A_164, %dma_wait3A_169] : memref<20480x128xf32, #tpu.memory_space<hbm>> -> memref<128x128xf32, #tpu.memory_space<hbm>>
      tpu.wait_dma2 semaphore(%run_scoped3A : memref<!tpu.dma_semaphore, #tpu.memory_space<semaphore_mem>>) src(%arg17 : memref<128x128xf32, #tpu.memory_space<vmem>>) dst(%dma_wait3A_170 : memref<128x128xf32, #tpu.memory_space<hbm>>)
      tpu.yield
    }) : () -> ()
    return
  }
}

#map = affine_map<(d0, d1) -> (0)>
#map1 = affine_map<(d0, d1) -> (0, 0)>
module attributes {stable_mosaic.version = 14 : i64} {
  func.func @body(%arg0: i32, %arg1: i32, %arg2: memref<172032xi32, #tpu.memory_space<hbm>>, %arg3: memref<172032xi32, #tpu.memory_space<hbm>>, %arg4: memref<10000xf32, #tpu.memory_space<hbm>>, %arg5: memref<10000xf32, #tpu.memory_space<hbm>>, %arg6: memref<10000x128xf32, #tpu.memory_space<hbm>>, %arg7: memref<20480x128xf32, #tpu.memory_space<hbm>>, %arg8: memref<172032xf32, #tpu.memory_space<hbm>>, %arg9: memref<344064xf32, #tpu.memory_space<hbm>>, %arg10: memref<10000xf32, #tpu.memory_space<vmem>>, %arg11: memref<10000xf32, #tpu.memory_space<vmem>>, %arg12: memref<80x128xf32, #tpu.memory_space<vmem>>, %arg13: memref<128xi32, #tpu.memory_space<vmem>>, %arg14: memref<128xi32, #tpu.memory_space<vmem>>, %arg15: memref<128xf32, #tpu.memory_space<vmem>>, %arg16: memref<80xi32, #tpu.memory_space<vmem>>, %arg17: memref<128x128xf32, #tpu.memory_space<vmem>>, %arg18: memref<10240x128xf32, #tpu.memory_space<vmem_shared>>, %arg19: memref<80x128xf32, #tpu.memory_space<vmem_shared>>, %arg20: memref<!tpu.dma_semaphore, #tpu.memory_space<semaphore_mem>>) attributes {dimension_semantics = [#tpu.dimension_semantics<core_parallel>, #tpu.dimension_semantics<subcore_parallel>], iteration_bounds = array<i64: 2, 16>, scalar_prefetch = 0 : i64, scratch_operands = 11 : i64, tpu.core_type = #tpu.core_type<sc_vector_subcore>, window_params = [{transform_indices = #map}, {transform_indices = #map}, {transform_indices = #map}, {transform_indices = #map}, {transform_indices = #map1}, {transform_indices = #map1}, {transform_indices = #map}, {transform_indices = #map}]} {
    %mul3A = arith.constant 0 : i32
    %mul3A_0 = arith.muli %arg0, %mul3A : i32
    %mul3A_1 = arith.constant 10000 : i32
    %mul3A_2 = arith.muli %mul3A_0, %mul3A_1 : i32
    "tpu.region"() ({
      %run_scoped3A = tpu.sem_alloc : memref<!tpu.dma_semaphore, #tpu.memory_space<semaphore_mem>>
      %dma_start3A = tpu.memref_slice %arg4[%mul3A_2] : memref<10000xf32, #tpu.memory_space<hbm>> -> memref<10000xf32, #tpu.memory_space<hbm>>
      %dma_start3A_166 = tpu.memref_slice %arg4[%mul3A_2] : memref<10000xf32, #tpu.memory_space<hbm>> -> memref<10000xf32, #tpu.memory_space<hbm>>
      tpu.enqueue_dma source(%dma_start3A_166 : memref<10000xf32, #tpu.memory_space<hbm>>) target(%arg10 : memref<10000xf32, #tpu.memory_space<vmem>>) target_semaphore(%run_scoped3A : memref<!tpu.dma_semaphore, #tpu.memory_space<semaphore_mem>>)
      %dma_wait3A = tpu.memref_slice %arg4[%mul3A_2] : memref<10000xf32, #tpu.memory_space<hbm>> -> memref<10000xf32, #tpu.memory_space<hbm>>
      %dma_wait3A_167 = tpu.memref_slice %arg4[%mul3A_2] : memref<10000xf32, #tpu.memory_space<hbm>> -> memref<10000xf32, #tpu.memory_space<hbm>>
      tpu.wait_dma2 semaphore(%run_scoped3A : memref<!tpu.dma_semaphore, #tpu.memory_space<semaphore_mem>>) src(%dma_wait3A_167 : memref<10000xf32, #tpu.memory_space<hbm>>) dst(%arg10 : memref<10000xf32, #tpu.memory_space<vmem>>)
      tpu.yield
    }) : () -> ()
    %mul3A_3 = arith.constant 10000 : i32
    %mul3A_4 = arith.muli %mul3A_0, %mul3A_3 : i32
    "tpu.region"() ({
      %run_scoped3A = tpu.sem_alloc : memref<!tpu.dma_semaphore, #tpu.memory_space<semaphore_mem>>
      %dma_start3A = tpu.memref_slice %arg5[%mul3A_4] : memref<10000xf32, #tpu.memory_space<hbm>> -> memref<10000xf32, #tpu.memory_space<hbm>>
      %dma_start3A_166 = tpu.memref_slice %arg5[%mul3A_4] : memref<10000xf32, #tpu.memory_space<hbm>> -> memref<10000xf32, #tpu.memory_space<hbm>>
      tpu.enqueue_dma source(%dma_start3A_166 : memref<10000xf32, #tpu.memory_space<hbm>>) target(%arg11 : memref<10000xf32, #tpu.memory_space<vmem>>) target_semaphore(%run_scoped3A : memref<!tpu.dma_semaphore, #tpu.memory_space<semaphore_mem>>)
      %dma_wait3A = tpu.memref_slice %arg5[%mul3A_4] : memref<10000xf32, #tpu.memory_space<hbm>> -> memref<10000xf32, #tpu.memory_space<hbm>>
      %dma_wait3A_167 = tpu.memref_slice %arg5[%mul3A_4] : memref<10000xf32, #tpu.memory_space<hbm>> -> memref<10000xf32, #tpu.memory_space<hbm>>
      tpu.wait_dma2 semaphore(%run_scoped3A : memref<!tpu.dma_semaphore, #tpu.memory_space<semaphore_mem>>) src(%dma_wait3A_167 : memref<10000xf32, #tpu.memory_space<hbm>>) dst(%arg11 : memref<10000xf32, #tpu.memory_space<vmem>>)
      tpu.yield
    }) : () -> ()
    %scan3A = arith.constant 0 : i32
    %scan3A_5 = arith.constant 0 : i32
    %scan3A_6 = arith.constant 128 : i32
    %scan3A_7 = arith.addi %scan3A_5, %scan3A_6 : i32
    %scan3A_8 = arith.constant 1 : i32
    scf.for %scan3A_166 = %scan3A_5 to %scan3A_7 step %scan3A_8  : i32 {
      %broadcast_in_dim3A_167 = arith.constant 0.000000e+00 : f32
      %broadcast_in_dim3A_168 = vector.broadcast %broadcast_in_dim3A_167 : f32 to vector<16xf32>
      %swap3A_169 = arith.index_cast %scan3A_166 : i32 to index
      %swap3A_170 = arith.constant 0 : index
      %swap3A_171 = tpu.vector_load %arg17[%swap3A_169, %swap3A_170] {strides = array<i32>} : memref<128x128xf32, #tpu.memory_space<vmem>>, vector<16xf32>,
      tpu.vector_store %arg17[%swap3A_169, %swap3A_170], %broadcast_in_dim3A_168 {strides = array<i32>} : memref<128x128xf32, #tpu.memory_space<vmem>>, vector<16xf32>,
      %broadcast_in_dim3A_172 = arith.constant 0.000000e+00 : f32
      %broadcast_in_dim3A_173 = vector.broadcast %broadcast_in_dim3A_172 : f32 to vector<16xf32>
      %swap3A_174 = arith.index_cast %scan3A_166 : i32 to index
      %swap3A_175 = arith.constant 16 : index
      %swap3A_176 = tpu.vector_load %arg17[%swap3A_174, %swap3A_175] {strides = array<i32>} : memref<128x128xf32, #tpu.memory_space<vmem>>, vector<16xf32>,
      tpu.vector_store %arg17[%swap3A_174, %swap3A_175], %broadcast_in_dim3A_173 {strides = array<i32>} : memref<128x128xf32, #tpu.memory_space<vmem>>, vector<16xf32>,
      %broadcast_in_dim3A_177 = arith.constant 0.000000e+00 : f32
      %broadcast_in_dim3A_178 = vector.broadcast %broadcast_in_dim3A_177 : f32 to vector<16xf32>
      %swap3A_179 = arith.index_cast %scan3A_166 : i32 to index
      %swap3A_180 = arith.constant 32 : index
      %swap3A_181 = tpu.vector_load %arg17[%swap3A_179, %swap3A_180] {strides = array<i32>} : memref<128x128xf32, #tpu.memory_space<vmem>>, vector<16xf32>,
      tpu.vector_store %arg17[%swap3A_179, %swap3A_180], %broadcast_in_dim3A_178 {strides = array<i32>} : memref<128x128xf32, #tpu.memory_space<vmem>>, vector<16xf32>,
      %broadcast_in_dim3A_182 = arith.constant 0.000000e+00 : f32
      %broadcast_in_dim3A_183 = vector.broadcast %broadcast_in_dim3A_182 : f32 to vector<16xf32>
      %swap3A_184 = arith.index_cast %scan3A_166 : i32 to index
      %swap3A_185 = arith.constant 48 : index
      %swap3A_186 = tpu.vector_load %arg17[%swap3A_184, %swap3A_185] {strides = array<i32>} : memref<128x128xf32, #tpu.memory_space<vmem>>, vector<16xf32>,
      tpu.vector_store %arg17[%swap3A_184, %swap3A_185], %broadcast_in_dim3A_183 {strides = array<i32>} : memref<128x128xf32, #tpu.memory_space<vmem>>, vector<16xf32>,
      %broadcast_in_dim3A_187 = arith.constant 0.000000e+00 : f32
      %broadcast_in_dim3A_188 = vector.broadcast %broadcast_in_dim3A_187 : f32 to vector<16xf32>
      %swap3A_189 = arith.index_cast %scan3A_166 : i32 to index
      %swap3A_190 = arith.constant 64 : index
      %swap3A_191 = tpu.vector_load %arg17[%swap3A_189, %swap3A_190] {strides = array<i32>} : memref<128x128xf32, #tpu.memory_space<vmem>>, vector<16xf32>,
      tpu.vector_store %arg17[%swap3A_189, %swap3A_190], %broadcast_in_dim3A_188 {strides = array<i32>} : memref<128x128xf32, #tpu.memory_space<vmem>>, vector<16xf32>,
      %broadcast_in_dim3A_192 = arith.constant 0.000000e+00 : f32
      %broadcast_in_dim3A_193 = vector.broadcast %broadcast_in_dim3A_192 : f32 to vector<16xf32>
      %swap3A_194 = arith.index_cast %scan3A_166 : i32 to index
      %swap3A_195 = arith.constant 80 : index
      %swap3A_196 = tpu.vector_load %arg17[%swap3A_194, %swap3A_195] {strides = array<i32>} : memref<128x128xf32, #tpu.memory_space<vmem>>, vector<16xf32>,
      tpu.vector_store %arg17[%swap3A_194, %swap3A_195], %broadcast_in_dim3A_193 {strides = array<i32>} : memref<128x128xf32, #tpu.memory_space<vmem>>, vector<16xf32>,
      %broadcast_in_dim3A_197 = arith.constant 0.000000e+00 : f32
      %broadcast_in_dim3A_198 = vector.broadcast %broadcast_in_dim3A_197 : f32 to vector<16xf32>
      %swap3A_199 = arith.index_cast %scan3A_166 : i32 to index
      %swap3A_200 = arith.constant 96 : index
      %swap3A_201 = tpu.vector_load %arg17[%swap3A_199, %swap3A_200] {strides = array<i32>} : memref<128x128xf32, #tpu.memory_space<vmem>>, vector<16xf32>,
      tpu.vector_store %arg17[%swap3A_199, %swap3A_200], %broadcast_in_dim3A_198 {strides = array<i32>} : memref<128x128xf32, #tpu.memory_space<vmem>>, vector<16xf32>,
      %broadcast_in_dim3A_202 = arith.constant 0.000000e+00 : f32
      %broadcast_in_dim3A_203 = vector.broadcast %broadcast_in_dim3A_202 : f32 to vector<16xf32>
      %swap3A_204 = arith.index_cast %scan3A_166 : i32 to index
      %swap3A_205 = arith.constant 112 : index
      %swap3A_206 = tpu.vector_load %arg17[%swap3A_204, %swap3A_205] {strides = array<i32>} : memref<128x128xf32, #tpu.memory_space<vmem>>, vector<16xf32>,
      tpu.vector_store %arg17[%swap3A_204, %swap3A_205], %broadcast_in_dim3A_203 {strides = array<i32>} : memref<128x128xf32, #tpu.memory_space<vmem>>, vector<16xf32>,
    }
    %scan3A_9 = arith.constant 128 : i32
    %scan3A_10 = arith.constant 0 : i32
    %scan3A_11 = arith.constant 0 : i32
    %scan3A_12 = arith.constant 80 : i32
    %scan3A_13 = arith.addi %scan3A_11, %scan3A_12 : i32
    %scan3A_14 = arith.constant 1 : i32
    scf.for %scan3A_166 = %scan3A_11 to %scan3A_13 step %scan3A_14  : i32 {
      %broadcast_in_dim3A_167 = arith.constant 0.000000e+00 : f32
      %broadcast_in_dim3A_168 = vector.broadcast %broadcast_in_dim3A_167 : f32 to vector<16xf32>
      %swap3A_169 = arith.index_cast %scan3A_166 : i32 to index
      %swap3A_170 = arith.constant 0 : index
      %swap3A_171 = tpu.vector_load %arg12[%swap3A_169, %swap3A_170] {strides = array<i32>} : memref<80x128xf32, #tpu.memory_space<vmem>>, vector<16xf32>,
      tpu.vector_store %arg12[%swap3A_169, %swap3A_170], %broadcast_in_dim3A_168 {strides = array<i32>} : memref<80x128xf32, #tpu.memory_space<vmem>>, vector<16xf32>,
      %broadcast_in_dim3A_172 = arith.constant 0.000000e+00 : f32
      %broadcast_in_dim3A_173 = vector.broadcast %broadcast_in_dim3A_172 : f32 to vector<16xf32>
      %swap3A_174 = arith.index_cast %scan3A_166 : i32 to index
      %swap3A_175 = arith.constant 16 : index
      %swap3A_176 = tpu.vector_load %arg12[%swap3A_174, %swap3A_175] {strides = array<i32>} : memref<80x128xf32, #tpu.memory_space<vmem>>, vector<16xf32>,
      tpu.vector_store %arg12[%swap3A_174, %swap3A_175], %broadcast_in_dim3A_173 {strides = array<i32>} : memref<80x128xf32, #tpu.memory_space<vmem>>, vector<16xf32>,
      %broadcast_in_dim3A_177 = arith.constant 0.000000e+00 : f32
      %broadcast_in_dim3A_178 = vector.broadcast %broadcast_in_dim3A_177 : f32 to vector<16xf32>
      %swap3A_179 = arith.index_cast %scan3A_166 : i32 to index
      %swap3A_180 = arith.constant 32 : index
      %swap3A_181 = tpu.vector_load %arg12[%swap3A_179, %swap3A_180] {strides = array<i32>} : memref<80x128xf32, #tpu.memory_space<vmem>>, vector<16xf32>,
      tpu.vector_store %arg12[%swap3A_179, %swap3A_180], %broadcast_in_dim3A_178 {strides = array<i32>} : memref<80x128xf32, #tpu.memory_space<vmem>>, vector<16xf32>,
      %broadcast_in_dim3A_182 = arith.constant 0.000000e+00 : f32
      %broadcast_in_dim3A_183 = vector.broadcast %broadcast_in_dim3A_182 : f32 to vector<16xf32>
      %swap3A_184 = arith.index_cast %scan3A_166 : i32 to index
      %swap3A_185 = arith.constant 48 : index
      %swap3A_186 = tpu.vector_load %arg12[%swap3A_184, %swap3A_185] {strides = array<i32>} : memref<80x128xf32, #tpu.memory_space<vmem>>, vector<16xf32>,
      tpu.vector_store %arg12[%swap3A_184, %swap3A_185], %broadcast_in_dim3A_183 {strides = array<i32>} : memref<80x128xf32, #tpu.memory_space<vmem>>, vector<16xf32>,
      %broadcast_in_dim3A_187 = arith.constant 0.000000e+00 : f32
      %broadcast_in_dim3A_188 = vector.broadcast %broadcast_in_dim3A_187 : f32 to vector<16xf32>
      %swap3A_189 = arith.index_cast %scan3A_166 : i32 to index
      %swap3A_190 = arith.constant 64 : index
      %swap3A_191 = tpu.vector_load %arg12[%swap3A_189, %swap3A_190] {strides = array<i32>} : memref<80x128xf32, #tpu.memory_space<vmem>>, vector<16xf32>,
      tpu.vector_store %arg12[%swap3A_189, %swap3A_190], %broadcast_in_dim3A_188 {strides = array<i32>} : memref<80x128xf32, #tpu.memory_space<vmem>>, vector<16xf32>,
      %broadcast_in_dim3A_192 = arith.constant 0.000000e+00 : f32
      %broadcast_in_dim3A_193 = vector.broadcast %broadcast_in_dim3A_192 : f32 to vector<16xf32>
      %swap3A_194 = arith.index_cast %scan3A_166 : i32 to index
      %swap3A_195 = arith.constant 80 : index
      %swap3A_196 = tpu.vector_load %arg12[%swap3A_194, %swap3A_195] {strides = array<i32>} : memref<80x128xf32, #tpu.memory_space<vmem>>, vector<16xf32>,
      tpu.vector_store %arg12[%swap3A_194, %swap3A_195], %broadcast_in_dim3A_193 {strides = array<i32>} : memref<80x128xf32, #tpu.memory_space<vmem>>, vector<16xf32>,
      %broadcast_in_dim3A_197 = arith.constant 0.000000e+00 : f32
      %broadcast_in_dim3A_198 = vector.broadcast %broadcast_in_dim3A_197 : f32 to vector<16xf32>
      %swap3A_199 = arith.index_cast %scan3A_166 : i32 to index
      %swap3A_200 = arith.constant 96 : index
      %swap3A_201 = tpu.vector_load %arg12[%swap3A_199, %swap3A_200] {strides = array<i32>} : memref<80x128xf32, #tpu.memory_space<vmem>>, vector<16xf32>,
      tpu.vector_store %arg12[%swap3A_199, %swap3A_200], %broadcast_in_dim3A_198 {strides = array<i32>} : memref<80x128xf32, #tpu.memory_space<vmem>>, vector<16xf32>,
      %broadcast_in_dim3A_202 = arith.constant 0.000000e+00 : f32
      %broadcast_in_dim3A_203 = vector.broadcast %broadcast_in_dim3A_202 : f32 to vector<16xf32>
      %swap3A_204 = arith.index_cast %scan3A_166 : i32 to index
      %swap3A_205 = arith.constant 112 : index
      %swap3A_206 = tpu.vector_load %arg12[%swap3A_204, %swap3A_205] {strides = array<i32>} : memref<80x128xf32, #tpu.memory_space<vmem>>, vector<16xf32>,
      tpu.vector_store %arg12[%swap3A_204, %swap3A_205], %broadcast_in_dim3A_203 {strides = array<i32>} : memref<80x128xf32, #tpu.memory_space<vmem>>, vector<16xf32>,
    }
    %scan3A_15 = arith.constant 80 : i32
    %iota3A = tpu.iota {dimensions = array<i32: 0>} : vector<16xi32>
    %add3A = arith.constant 0 : i32
    %add3A_16 = vector.broadcast %add3A : i32 to vector<16xi32>
    %add3A_17 = arith.addi %iota3A, %add3A_16 : vector<16xi32>
    %swap3A = arith.constant 0 : index
    %swap3A_18 = tpu.vector_load %arg16[%swap3A] {strides = array<i32>} : memref<80xi32, #tpu.memory_space<vmem>>, vector<16xi32>,
    tpu.vector_store %arg16[%swap3A], %add3A_17 {strides = array<i32>} : memref<80xi32, #tpu.memory_space<vmem>>, vector<16xi32>,
    %iota3A_19 = tpu.iota {dimensions = array<i32: 0>} : vector<16xi32>
    %add3A_20 = arith.constant 16 : i32
    %add3A_21 = vector.broadcast %add3A_20 : i32 to vector<16xi32>
    %add3A_22 = arith.addi %iota3A_19, %add3A_21 : vector<16xi32>
    %swap3A_23 = arith.constant 16 : index
    %swap3A_24 = tpu.vector_load %arg16[%swap3A_23] {strides = array<i32>} : memref<80xi32, #tpu.memory_space<vmem>>, vector<16xi32>,
    tpu.vector_store %arg16[%swap3A_23], %add3A_22 {strides = array<i32>} : memref<80xi32, #tpu.memory_space<vmem>>, vector<16xi32>,
    %iota3A_25 = tpu.iota {dimensions = array<i32: 0>} : vector<16xi32>
    %add3A_26 = arith.constant 32 : i32
    %add3A_27 = vector.broadcast %add3A_26 : i32 to vector<16xi32>
    %add3A_28 = arith.addi %iota3A_25, %add3A_27 : vector<16xi32>
    %swap3A_29 = arith.constant 32 : index
    %swap3A_30 = tpu.vector_load %arg16[%swap3A_29] {strides = array<i32>} : memref<80xi32, #tpu.memory_space<vmem>>, vector<16xi32>,
    tpu.vector_store %arg16[%swap3A_29], %add3A_28 {strides = array<i32>} : memref<80xi32, #tpu.memory_space<vmem>>, vector<16xi32>,
    %iota3A_31 = tpu.iota {dimensions = array<i32: 0>} : vector<16xi32>
    %add3A_32 = arith.constant 48 : i32
    %add3A_33 = vector.broadcast %add3A_32 : i32 to vector<16xi32>
    %add3A_34 = arith.addi %iota3A_31, %add3A_33 : vector<16xi32>
    %swap3A_35 = arith.constant 48 : index
    %swap3A_36 = tpu.vector_load %arg16[%swap3A_35] {strides = array<i32>} : memref<80xi32, #tpu.memory_space<vmem>>, vector<16xi32>,
    tpu.vector_store %arg16[%swap3A_35], %add3A_34 {strides = array<i32>} : memref<80xi32, #tpu.memory_space<vmem>>, vector<16xi32>,
    %iota3A_37 = tpu.iota {dimensions = array<i32: 0>} : vector<16xi32>
    %add3A_38 = arith.constant 64 : i32
    %add3A_39 = vector.broadcast %add3A_38 : i32 to vector<16xi32>
    %add3A_40 = arith.addi %iota3A_37, %add3A_39 : vector<16xi32>
    %swap3A_41 = arith.constant 64 : index
    %swap3A_42 = tpu.vector_load %arg16[%swap3A_41] {strides = array<i32>} : memref<80xi32, #tpu.memory_space<vmem>>, vector<16xi32>,
    tpu.vector_store %arg16[%swap3A_41], %add3A_40 {strides = array<i32>} : memref<80xi32, #tpu.memory_space<vmem>>, vector<16xi32>,
    %mul3A_43 = arith.constant 640 : i32
    %mul3A_44 = arith.muli %arg1, %mul3A_43 : i32
    %add3A_45 = arith.constant 0 : i32
    %add3A_46 = arith.addi %mul3A_44, %add3A_45 : i32
    "tpu.region"() ({
      %run_scoped3A = tpu.sem_alloc : memref<!tpu.dma_semaphore, #tpu.memory_space<semaphore_mem>>
      %dma_start3A = arith.constant 0 : i32
      %dma_start3A_166 = tpu.memref_slice %arg18[%add3A_46, %dma_start3A] : memref<10240x128xf32, #tpu.memory_space<vmem_shared>> -> memref<128x128xf32, #tpu.memory_space<vmem_shared>>
      %dma_start3A_167 = arith.constant 0 : i32
      %dma_start3A_168 = tpu.memref_slice %arg18[%add3A_46, %dma_start3A_167] : memref<10240x128xf32, #tpu.memory_space<vmem_shared>> -> memref<128x128xf32, #tpu.memory_space<vmem_shared>>
      tpu.enqueue_dma source(%arg17 : memref<128x128xf32, #tpu.memory_space<vmem>>) target(%dma_start3A_168 : memref<128x128xf32, #tpu.memory_space<vmem_shared>>) target_semaphore(%run_scoped3A : memref<!tpu.dma_semaphore, #tpu.memory_space<semaphore_mem>>)
      %dma_wait3A = arith.constant 0 : i32
      %dma_wait3A_169 = tpu.memref_slice %arg18[%add3A_46, %dma_wait3A] : memref<10240x128xf32, #tpu.memory_space<vmem_shared>> -> memref<128x128xf32, #tpu.memory_space<vmem_shared>>
      %dma_wait3A_170 = arith.constant 0 : i32
      %dma_wait3A_171 = tpu.memref_slice %arg18[%add3A_46, %dma_wait3A_170] : memref<10240x128xf32, #tpu.memory_space<vmem_shared>> -> memref<128x128xf32, #tpu.memory_space<vmem_shared>>
      tpu.wait_dma2 semaphore(%run_scoped3A : memref<!tpu.dma_semaphore, #tpu.memory_space<semaphore_mem>>) src(%arg17 : memref<128x128xf32, #tpu.memory_space<vmem>>) dst(%dma_wait3A_171 : memref<128x128xf32, #tpu.memory_space<vmem_shared>>)
      tpu.yield
    }) : () -> ()
    %mul3A_47 = arith.constant 640 : i32
    %mul3A_48 = arith.muli %arg1, %mul3A_47 : i32
    %add3A_49 = arith.constant 128 : i32
    %add3A_50 = arith.addi %mul3A_48, %add3A_49 : i32
    "tpu.region"() ({
      %run_scoped3A = tpu.sem_alloc : memref<!tpu.dma_semaphore, #tpu.memory_space<semaphore_mem>>
      %dma_start3A = arith.constant 0 : i32
      %dma_start3A_166 = tpu.memref_slice %arg18[%add3A_50, %dma_start3A] : memref<10240x128xf32, #tpu.memory_space<vmem_shared>> -> memref<128x128xf32, #tpu.memory_space<vmem_shared>>
      %dma_start3A_167 = arith.constant 0 : i32
      %dma_start3A_168 = tpu.memref_slice %arg18[%add3A_50, %dma_start3A_167] : memref<10240x128xf32, #tpu.memory_space<vmem_shared>> -> memref<128x128xf32, #tpu.memory_space<vmem_shared>>
      tpu.enqueue_dma source(%arg17 : memref<128x128xf32, #tpu.memory_space<vmem>>) target(%dma_start3A_168 : memref<128x128xf32, #tpu.memory_space<vmem_shared>>) target_semaphore(%run_scoped3A : memref<!tpu.dma_semaphore, #tpu.memory_space<semaphore_mem>>)
      %dma_wait3A = arith.constant 0 : i32
      %dma_wait3A_169 = tpu.memref_slice %arg18[%add3A_50, %dma_wait3A] : memref<10240x128xf32, #tpu.memory_space<vmem_shared>> -> memref<128x128xf32, #tpu.memory_space<vmem_shared>>
      %dma_wait3A_170 = arith.constant 0 : i32
      %dma_wait3A_171 = tpu.memref_slice %arg18[%add3A_50, %dma_wait3A_170] : memref<10240x128xf32, #tpu.memory_space<vmem_shared>> -> memref<128x128xf32, #tpu.memory_space<vmem_shared>>
      tpu.wait_dma2 semaphore(%run_scoped3A : memref<!tpu.dma_semaphore, #tpu.memory_space<semaphore_mem>>) src(%arg17 : memref<128x128xf32, #tpu.memory_space<vmem>>) dst(%dma_wait3A_171 : memref<128x128xf32, #tpu.memory_space<vmem_shared>>)
      tpu.yield
    }) : () -> ()
    %mul3A_51 = arith.constant 640 : i32
    %mul3A_52 = arith.muli %arg1, %mul3A_51 : i32
    %add3A_53 = arith.constant 256 : i32
    %add3A_54 = arith.addi %mul3A_52, %add3A_53 : i32
    "tpu.region"() ({
      %run_scoped3A = tpu.sem_alloc : memref<!tpu.dma_semaphore, #tpu.memory_space<semaphore_mem>>
      %dma_start3A = arith.constant 0 : i32
      %dma_start3A_166 = tpu.memref_slice %arg18[%add3A_54, %dma_start3A] : memref<10240x128xf32, #tpu.memory_space<vmem_shared>> -> memref<128x128xf32, #tpu.memory_space<vmem_shared>>
      %dma_start3A_167 = arith.constant 0 : i32
      %dma_start3A_168 = tpu.memref_slice %arg18[%add3A_54, %dma_start3A_167] : memref<10240x128xf32, #tpu.memory_space<vmem_shared>> -> memref<128x128xf32, #tpu.memory_space<vmem_shared>>
      tpu.enqueue_dma source(%arg17 : memref<128x128xf32, #tpu.memory_space<vmem>>) target(%dma_start3A_168 : memref<128x128xf32, #tpu.memory_space<vmem_shared>>) target_semaphore(%run_scoped3A : memref<!tpu.dma_semaphore, #tpu.memory_space<semaphore_mem>>)
      %dma_wait3A = arith.constant 0 : i32
      %dma_wait3A_169 = tpu.memref_slice %arg18[%add3A_54, %dma_wait3A] : memref<10240x128xf32, #tpu.memory_space<vmem_shared>> -> memref<128x128xf32, #tpu.memory_space<vmem_shared>>
      %dma_wait3A_170 = arith.constant 0 : i32
      %dma_wait3A_171 = tpu.memref_slice %arg18[%add3A_54, %dma_wait3A_170] : memref<10240x128xf32, #tpu.memory_space<vmem_shared>> -> memref<128x128xf32, #tpu.memory_space<vmem_shared>>
      tpu.wait_dma2 semaphore(%run_scoped3A : memref<!tpu.dma_semaphore, #tpu.memory_space<semaphore_mem>>) src(%arg17 : memref<128x128xf32, #tpu.memory_space<vmem>>) dst(%dma_wait3A_171 : memref<128x128xf32, #tpu.memory_space<vmem_shared>>)
      tpu.yield
    }) : () -> ()
    %mul3A_55 = arith.constant 640 : i32
    %mul3A_56 = arith.muli %arg1, %mul3A_55 : i32
    %add3A_57 = arith.constant 384 : i32
    %add3A_58 = arith.addi %mul3A_56, %add3A_57 : i32
    "tpu.region"() ({
      %run_scoped3A = tpu.sem_alloc : memref<!tpu.dma_semaphore, #tpu.memory_space<semaphore_mem>>
      %dma_start3A = arith.constant 0 : i32
      %dma_start3A_166 = tpu.memref_slice %arg18[%add3A_58, %dma_start3A] : memref<10240x128xf32, #tpu.memory_space<vmem_shared>> -> memref<128x128xf32, #tpu.memory_space<vmem_shared>>
      %dma_start3A_167 = arith.constant 0 : i32
      %dma_start3A_168 = tpu.memref_slice %arg18[%add3A_58, %dma_start3A_167] : memref<10240x128xf32, #tpu.memory_space<vmem_shared>> -> memref<128x128xf32, #tpu.memory_space<vmem_shared>>
      tpu.enqueue_dma source(%arg17 : memref<128x128xf32, #tpu.memory_space<vmem>>) target(%dma_start3A_168 : memref<128x128xf32, #tpu.memory_space<vmem_shared>>) target_semaphore(%run_scoped3A : memref<!tpu.dma_semaphore, #tpu.memory_space<semaphore_mem>>)
      %dma_wait3A = arith.constant 0 : i32
      %dma_wait3A_169 = tpu.memref_slice %arg18[%add3A_58, %dma_wait3A] : memref<10240x128xf32, #tpu.memory_space<vmem_shared>> -> memref<128x128xf32, #tpu.memory_space<vmem_shared>>
      %dma_wait3A_170 = arith.constant 0 : i32
      %dma_wait3A_171 = tpu.memref_slice %arg18[%add3A_58, %dma_wait3A_170] : memref<10240x128xf32, #tpu.memory_space<vmem_shared>> -> memref<128x128xf32, #tpu.memory_space<vmem_shared>>
      tpu.wait_dma2 semaphore(%run_scoped3A : memref<!tpu.dma_semaphore, #tpu.memory_space<semaphore_mem>>) src(%arg17 : memref<128x128xf32, #tpu.memory_space<vmem>>) dst(%dma_wait3A_171 : memref<128x128xf32, #tpu.memory_space<vmem_shared>>)
      tpu.yield
    }) : () -> ()
    %mul3A_59 = arith.constant 640 : i32
    %mul3A_60 = arith.muli %arg1, %mul3A_59 : i32
    %add3A_61 = arith.constant 512 : i32
    %add3A_62 = arith.addi %mul3A_60, %add3A_61 : i32
    "tpu.region"() ({
      %run_scoped3A = tpu.sem_alloc : memref<!tpu.dma_semaphore, #tpu.memory_space<semaphore_mem>>
      %dma_start3A = arith.constant 0 : i32
      %dma_start3A_166 = tpu.memref_slice %arg18[%add3A_62, %dma_start3A] : memref<10240x128xf32, #tpu.memory_space<vmem_shared>> -> memref<128x128xf32, #tpu.memory_space<vmem_shared>>
      %dma_start3A_167 = arith.constant 0 : i32
      %dma_start3A_168 = tpu.memref_slice %arg18[%add3A_62, %dma_start3A_167] : memref<10240x128xf32, #tpu.memory_space<vmem_shared>> -> memref<128x128xf32, #tpu.memory_space<vmem_shared>>
      tpu.enqueue_dma source(%arg17 : memref<128x128xf32, #tpu.memory_space<vmem>>) target(%dma_start3A_168 : memref<128x128xf32, #tpu.memory_space<vmem_shared>>) target_semaphore(%run_scoped3A : memref<!tpu.dma_semaphore, #tpu.memory_space<semaphore_mem>>)
      %dma_wait3A = arith.constant 0 : i32
      %dma_wait3A_169 = tpu.memref_slice %arg18[%add3A_62, %dma_wait3A] : memref<10240x128xf32, #tpu.memory_space<vmem_shared>> -> memref<128x128xf32, #tpu.memory_space<vmem_shared>>
      %dma_wait3A_170 = arith.constant 0 : i32
      %dma_wait3A_171 = tpu.memref_slice %arg18[%add3A_62, %dma_wait3A_170] : memref<10240x128xf32, #tpu.memory_space<vmem_shared>> -> memref<128x128xf32, #tpu.memory_space<vmem_shared>>
      tpu.wait_dma2 semaphore(%run_scoped3A : memref<!tpu.dma_semaphore, #tpu.memory_space<semaphore_mem>>) src(%arg17 : memref<128x128xf32, #tpu.memory_space<vmem>>) dst(%dma_wait3A_171 : memref<128x128xf32, #tpu.memory_space<vmem_shared>>)
      tpu.yield
    }) : () -> ()
    %mul3A_63 = arith.constant 5 : i32
    %mul3A_64 = arith.muli %arg1, %mul3A_63 : i32
    "tpu.region"() ({
      %run_scoped3A = tpu.sem_alloc : memref<!tpu.dma_semaphore, #tpu.memory_space<semaphore_mem>>
      %dma_start3A = arith.constant 0 : i32
      %dma_start3A_166 = arith.constant 0 : i32
      %dma_start3A_167 = tpu.memref_slice %arg17[%dma_start3A, %dma_start3A_166] : memref<128x128xf32, #tpu.memory_space<vmem>> -> memref<5x128xf32, #tpu.memory_space<vmem>>
      %dma_start3A_168 = arith.constant 0 : i32
      %dma_start3A_169 = tpu.memref_slice %arg19[%mul3A_64, %dma_start3A_168] : memref<80x128xf32, #tpu.memory_space<vmem_shared>> -> memref<5x128xf32, #tpu.memory_space<vmem_shared>>
      %dma_start3A_170 = arith.constant 0 : i32
      %dma_start3A_171 = tpu.memref_slice %arg19[%mul3A_64, %dma_start3A_170] : memref<80x128xf32, #tpu.memory_space<vmem_shared>> -> memref<5x128xf32, #tpu.memory_space<vmem_shared>>
      %dma_start3A_172 = arith.constant 0 : i32
      %dma_start3A_173 = arith.constant 0 : i32
      %dma_start3A_174 = tpu.memref_slice %arg17[%dma_start3A_172, %dma_start3A_173] : memref<128x128xf32, #tpu.memory_space<vmem>> -> memref<5x128xf32, #tpu.memory_space<vmem>>
      tpu.enqueue_dma source(%dma_start3A_174 : memref<5x128xf32, #tpu.memory_space<vmem>>) target(%dma_start3A_171 : memref<5x128xf32, #tpu.memory_space<vmem_shared>>) target_semaphore(%run_scoped3A : memref<!tpu.dma_semaphore, #tpu.memory_space<semaphore_mem>>)
      %dma_wait3A = arith.constant 0 : i32
      %dma_wait3A_175 = arith.constant 0 : i32
      %dma_wait3A_176 = tpu.memref_slice %arg17[%dma_wait3A, %dma_wait3A_175] : memref<128x128xf32, #tpu.memory_space<vmem>> -> memref<5x128xf32, #tpu.memory_space<vmem>>
      %dma_wait3A_177 = arith.constant 0 : i32
      %dma_wait3A_178 = tpu.memref_slice %arg19[%mul3A_64, %dma_wait3A_177] : memref<80x128xf32, #tpu.memory_space<vmem_shared>> -> memref<5x128xf32, #tpu.memory_space<vmem_shared>>
      %dma_wait3A_179 = arith.constant 0 : i32
      %dma_wait3A_180 = tpu.memref_slice %arg19[%mul3A_64, %dma_wait3A_179] : memref<80x128xf32, #tpu.memory_space<vmem_shared>> -> memref<5x128xf32, #tpu.memory_space<vmem_shared>>
      %dma_wait3A_181 = arith.constant 0 : i32
      %dma_wait3A_182 = arith.constant 0 : i32
      %dma_wait3A_183 = tpu.memref_slice %arg17[%dma_wait3A_181, %dma_wait3A_182] : memref<128x128xf32, #tpu.memory_space<vmem>> -> memref<5x128xf32, #tpu.memory_space<vmem>>
      tpu.wait_dma2 semaphore(%run_scoped3A : memref<!tpu.dma_semaphore, #tpu.memory_space<semaphore_mem>>) src(%dma_wait3A_183 : memref<5x128xf32, #tpu.memory_space<vmem>>) dst(%dma_wait3A_180 : memref<5x128xf32, #tpu.memory_space<vmem_shared>>)
      tpu.yield
    }) : () -> ()
    %broadcast_in_dim3A = arith.constant 0xFF800000 : f32
    %broadcast_in_dim3A_65 = vector.broadcast %broadcast_in_dim3A : f32 to vector<16xf32>
    %scan3A_66 = arith.constant 0 : i32
    %scan3A_67 = arith.constant 625 : i32
    %scan3A_68 = arith.addi %scan3A_66, %scan3A_67 : i32
    %scan3A_69 = arith.constant 1 : i32
    %scan3A_70 = scf.for %scan3A_166 = %scan3A_66 to %scan3A_68 step %scan3A_69 iter_args(%scan3A_167 = %broadcast_in_dim3A_65) -> (vector<16xf32>)  : i32 {
      %mul3A_168 = arith.constant 16 : i32
      %mul3A_169 = arith.muli %scan3A_166, %mul3A_168 : i32
      %get3A = arith.index_cast %mul3A_169 : i32 to index
      %get3A_170 = tpu.vector_load %arg10[%get3A] {strides = array<i32>} : memref<10000xf32, #tpu.memory_space<vmem>>, vector<16xf32>,
      %max3A_171 = arith.maximumf %scan3A_167, %get3A_170 : vector<16xf32>
      scf.yield %max3A_171 : vector<16xf32>
    }
    %scan3A_71 = arith.constant 625 : i32
    %broadcast_in_dim3A_72 = arith.constant 0xFF800000 : f32
    %broadcast_in_dim3A_73 = vector.broadcast %broadcast_in_dim3A_72 : f32 to vector<16xf32>
    %scan3A_74 = arith.constant 0 : i32
    %scan3A_75 = arith.constant 625 : i32
    %scan3A_76 = arith.addi %scan3A_74, %scan3A_75 : i32
    %scan3A_77 = arith.constant 1 : i32
    %scan3A_78 = scf.for %scan3A_166 = %scan3A_74 to %scan3A_76 step %scan3A_77 iter_args(%scan3A_167 = %broadcast_in_dim3A_73) -> (vector<16xf32>)  : i32 {
      %mul3A_168 = arith.constant 16 : i32
      %mul3A_169 = arith.muli %scan3A_166, %mul3A_168 : i32
      %get3A = arith.index_cast %mul3A_169 : i32 to index
      %get3A_170 = tpu.vector_load %arg11[%get3A] {strides = array<i32>} : memref<10000xf32, #tpu.memory_space<vmem>>, vector<16xf32>,
      %max3A_171 = arith.maximumf %scan3A_167, %get3A_170 : vector<16xf32>
      scf.yield %max3A_171 : vector<16xf32>
    }
    %scan3A_79 = arith.constant 625 : i32
    %add3A_80 = arith.addf %scan3A_70, %scan3A_78 : vector<16xf32>
    %iota3A_81 = tpu.iota {dimensions = array<i32: 0>} : vector<16xi32>
    %swap3A_82 = arith.constant 0 : index
    %swap3A_83 = tpu.vector_load %arg15[%swap3A_82] {strides = array<i32>} : memref<128xf32, #tpu.memory_space<vmem>>, vector<16xf32>,
    tpu.vector_store %arg15[%swap3A_82], %add3A_80 {strides = array<i32>} : memref<128xf32, #tpu.memory_space<vmem>>, vector<16xf32>,
    %xor3A = arith.constant 8 : i32
    %xor3A_84 = vector.broadcast %xor3A : i32 to vector<16xi32>
    %xor3A_85 = arith.xori %iota3A_81, %xor3A_84 : vector<16xi32>
    %gather3A = tpu.vector_load_idx %arg15[%xor3A_85] : memref<128xf32, #tpu.memory_space<vmem>>[vector<16xi32>], vector<16xf32>,
    %max3A = arith.maximumf %add3A_80, %gather3A : vector<16xf32>
    %swap3A_86 = arith.constant 0 : index
    %swap3A_87 = tpu.vector_load %arg15[%swap3A_86] {strides = array<i32>} : memref<128xf32, #tpu.memory_space<vmem>>, vector<16xf32>,
    tpu.vector_store %arg15[%swap3A_86], %max3A {strides = array<i32>} : memref<128xf32, #tpu.memory_space<vmem>>, vector<16xf32>,
    %xor3A_88 = arith.constant 4 : i32
    %xor3A_89 = vector.broadcast %xor3A_88 : i32 to vector<16xi32>
    %xor3A_90 = arith.xori %iota3A_81, %xor3A_89 : vector<16xi32>
    %gather3A_91 = tpu.vector_load_idx %arg15[%xor3A_90] : memref<128xf32, #tpu.memory_space<vmem>>[vector<16xi32>], vector<16xf32>,
    %max3A_92 = arith.maximumf %max3A, %gather3A_91 : vector<16xf32>
    %swap3A_93 = arith.constant 0 : index
    %swap3A_94 = tpu.vector_load %arg15[%swap3A_93] {strides = array<i32>} : memref<128xf32, #tpu.memory_space<vmem>>, vector<16xf32>,
    tpu.vector_store %arg15[%swap3A_93], %max3A_92 {strides = array<i32>} : memref<128xf32, #tpu.memory_space<vmem>>, vector<16xf32>,
    %xor3A_95 = arith.constant 2 : i32
    %xor3A_96 = vector.broadcast %xor3A_95 : i32 to vector<16xi32>
    %xor3A_97 = arith.xori %iota3A_81, %xor3A_96 : vector<16xi32>
    %gather3A_98 = tpu.vector_load_idx %arg15[%xor3A_97] : memref<128xf32, #tpu.memory_space<vmem>>[vector<16xi32>], vector<16xf32>,
    %max3A_99 = arith.maximumf %max3A_92, %gather3A_98 : vector<16xf32>
    %swap3A_100 = arith.constant 0 : index
    %swap3A_101 = tpu.vector_load %arg15[%swap3A_100] {strides = array<i32>} : memref<128xf32, #tpu.memory_space<vmem>>, vector<16xf32>,
    tpu.vector_store %arg15[%swap3A_100], %max3A_99 {strides = array<i32>} : memref<128xf32, #tpu.memory_space<vmem>>, vector<16xf32>,
    %xor3A_102 = arith.constant 1 : i32
    %xor3A_103 = vector.broadcast %xor3A_102 : i32 to vector<16xi32>
    %xor3A_104 = arith.xori %iota3A_81, %xor3A_103 : vector<16xi32>
    %gather3A_105 = tpu.vector_load_idx %arg15[%xor3A_104] : memref<128xf32, #tpu.memory_space<vmem>>[vector<16xi32>], vector<16xf32>,
    %max3A_106 = arith.maximumf %max3A_99, %gather3A_105 : vector<16xf32>
    %mul3A_107 = arith.constant 2.000000e-01 : f32
    %mul3A_108 = vector.broadcast %mul3A_107 : f32 to vector<16xf32>
    %mul3A_109 = arith.mulf %mul3A_108, %max3A_106 : vector<16xf32>
    %max3A_110 = arith.maximumf %max3A_106, %mul3A_109 : vector<16xf32>
    %barrier3A = arith.constant 0 : index
    tpu.barrier barrier_id(%barrier3A)
    %mul3A_111 = arith.constant 10752 : i32
    %mul3A_112 = arith.muli %arg1, %mul3A_111 : i32
    %iota3A_113 = tpu.iota {dimensions = array<i32: 0>} : vector<16xi32>
    %scan3A_114 = arith.constant 0 : i32
    %scan3A_115 = arith.constant 0 : i32
    %scan3A_116 = arith.constant 84 : i32
    %scan3A_117 = arith.addi %scan3A_115, %scan3A_116 : i32
    %scan3A_118 = arith.constant 1 : i32
    scf.for %scan3A_166 = %scan3A_115 to %scan3A_117 step %scan3A_118  : i32 {
      %mul3A_167 = arith.constant 128 : i32
      %mul3A_168 = arith.muli %scan3A_166, %mul3A_167 : i32
      %add3A_169 = arith.addi %mul3A_112, %mul3A_168 : i32
      %multiple_of3A = tpu.assume_multiple %add3A_169, 128 : i32
      "tpu.region"() ({
        %run_scoped3A = tpu.sem_alloc : memref<!tpu.dma_semaphore, #tpu.memory_space<semaphore_mem>>
        %dma_start3A = tpu.memref_slice %arg2[%multiple_of3A] : memref<172032xi32, #tpu.memory_space<hbm>> -> memref<128xi32, #tpu.memory_space<hbm>>
        %dma_start3A_413 = tpu.memref_slice %arg2[%multiple_of3A] : memref<172032xi32, #tpu.memory_space<hbm>> -> memref<128xi32, #tpu.memory_space<hbm>>
        tpu.enqueue_dma source(%dma_start3A_413 : memref<128xi32, #tpu.memory_space<hbm>>) target(%arg13 : memref<128xi32, #tpu.memory_space<vmem>>) target_semaphore(%run_scoped3A : memref<!tpu.dma_semaphore, #tpu.memory_space<semaphore_mem>>)
        %dma_wait3A = tpu.memref_slice %arg2[%multiple_of3A] : memref<172032xi32, #tpu.memory_space<hbm>> -> memref<128xi32, #tpu.memory_space<hbm>>
        %dma_wait3A_414 = tpu.memref_slice %arg2[%multiple_of3A] : memref<172032xi32, #tpu.memory_space<hbm>> -> memref<128xi32, #tpu.memory_space<hbm>>
        tpu.wait_dma2 semaphore(%run_scoped3A : memref<!tpu.dma_semaphore, #tpu.memory_space<semaphore_mem>>) src(%dma_wait3A_414 : memref<128xi32, #tpu.memory_space<hbm>>) dst(%arg13 : memref<128xi32, #tpu.memory_space<vmem>>)
        tpu.yield
      }) : () -> ()
      "tpu.region"() ({
        %run_scoped3A = tpu.sem_alloc : memref<!tpu.dma_semaphore, #tpu.memory_space<semaphore_mem>>
        %dma_start3A = tpu.memref_slice %arg3[%multiple_of3A] : memref<172032xi32, #tpu.memory_space<hbm>> -> memref<128xi32, #tpu.memory_space<hbm>>
        %dma_start3A_413 = tpu.memref_slice %arg3[%multiple_of3A] : memref<172032xi32, #tpu.memory_space<hbm>> -> memref<128xi32, #tpu.memory_space<hbm>>
        tpu.enqueue_dma source(%dma_start3A_413 : memref<128xi32, #tpu.memory_space<hbm>>) target(%arg14 : memref<128xi32, #tpu.memory_space<vmem>>) target_semaphore(%run_scoped3A : memref<!tpu.dma_semaphore, #tpu.memory_space<semaphore_mem>>)
        %dma_wait3A = tpu.memref_slice %arg3[%multiple_of3A] : memref<172032xi32, #tpu.memory_space<hbm>> -> memref<128xi32, #tpu.memory_space<hbm>>
        %dma_wait3A_414 = tpu.memref_slice %arg3[%multiple_of3A] : memref<172032xi32, #tpu.memory_space<hbm>> -> memref<128xi32, #tpu.memory_space<hbm>>
        tpu.wait_dma2 semaphore(%run_scoped3A : memref<!tpu.dma_semaphore, #tpu.memory_space<semaphore_mem>>) src(%dma_wait3A_414 : memref<128xi32, #tpu.memory_space<hbm>>) dst(%arg14 : memref<128xi32, #tpu.memory_space<vmem>>)
        tpu.yield
      }) : () -> ()
      %get3A = arith.constant 0 : index
      %get3A_170 = tpu.vector_load %arg13[%get3A] {strides = array<i32>} : memref<128xi32, #tpu.memory_space<vmem>>, vector<16xi32>,
      %get3A_171 = arith.constant 0 : index
      %get3A_172 = tpu.vector_load %arg14[%get3A_171] {strides = array<i32>} : memref<128xi32, #tpu.memory_space<vmem>>, vector<16xi32>,
      %gather3A_173 = tpu.vector_load_idx %arg10[%get3A_170] : memref<10000xf32, #tpu.memory_space<vmem>>[vector<16xi32>], vector<16xf32>,
      %gather3A_174 = tpu.vector_load_idx %arg11[%get3A_172] : memref<10000xf32, #tpu.memory_space<vmem>>[vector<16xi32>], vector<16xf32>,
      %add3A_175 = arith.addf %gather3A_173, %gather3A_174 : vector<16xf32>
      %mul3A_176 = arith.constant 2.000000e-01 : f32
      %mul3A_177 = vector.broadcast %mul3A_176 : f32 to vector<16xf32>
      %mul3A_178 = arith.mulf %mul3A_177, %add3A_175 : vector<16xf32>
      %max3A_179 = arith.maximumf %add3A_175, %mul3A_178 : vector<16xf32>
      %add3A_180 = arith.constant 0 : i32
      %add3A_181 = arith.addi %multiple_of3A, %add3A_180 : i32
      %add3A_182 = vector.broadcast %add3A_181 : i32 to vector<16xi32>
      %add3A_183 = arith.addi %add3A_182, %iota3A_113 : vector<16xi32>
      %lt3A = arith.constant 170000 : i32
      %lt3A_184 = vector.broadcast %lt3A : i32 to vector<16xi32>
      %lt3A_185 = arith.cmpi slt, %add3A_183, %lt3A_184 : vector<16xi32>
      %sub3A = arith.subf %max3A_179, %max3A_110 : vector<16xf32>
      %exp3A = math.exp %sub3A : vector<16xf32>
      %jit3A = arith.constant 0.000000e+00 : f32
      %broadcast_in_dim3A_186 = vector.broadcast %jit3A : f32 to vector<16xf32>
      %select_n3A = arith.select %lt3A_185, %exp3A, %broadcast_in_dim3A_186 : vector<16xi1>, vector<16xf32>
      %swap3A_187 = arith.constant 0 : index
      %swap3A_188 = tpu.vector_load %arg15[%swap3A_187] {strides = array<i32>} : memref<128xf32, #tpu.memory_space<vmem>>, vector<16xf32>,
      tpu.vector_store %arg15[%swap3A_187], %select_n3A {strides = array<i32>} : memref<128xf32, #tpu.memory_space<vmem>>, vector<16xf32>,
      %shift_right_logical3A = arith.constant 7 : i32
      %shift_right_logical3A_189 = vector.broadcast %shift_right_logical3A : i32 to vector<16xi32>
      %shift_right_logical3A_190 = arith.shrui %get3A_172, %shift_right_logical3A_189 : vector<16xi32>
      %and3A = arith.constant 127 : i32
      %and3A_191 = vector.broadcast %and3A : i32 to vector<16xi32>
      %and3A_192 = arith.andi %get3A_172, %and3A_191 : vector<16xi32>
      tpu.vector_store_idx %arg12[%shift_right_logical3A_190, %and3A_192], %select_n3A {add = true} : memref<80x128xf32, #tpu.memory_space<vmem>>[vector<16xi32>, vector<16xi32>], vector<16xf32>,
      %get3A_193 = arith.constant 16 : index
      %get3A_194 = tpu.vector_load %arg13[%get3A_193] {strides = array<i32>} : memref<128xi32, #tpu.memory_space<vmem>>, vector<16xi32>,
      %get3A_195 = arith.constant 16 : index
      %get3A_196 = tpu.vector_load %arg14[%get3A_195] {strides = array<i32>} : memref<128xi32, #tpu.memory_space<vmem>>, vector<16xi32>,
      %gather3A_197 = tpu.vector_load_idx %arg10[%get3A_194] : memref<10000xf32, #tpu.memory_space<vmem>>[vector<16xi32>], vector<16xf32>,
      %gather3A_198 = tpu.vector_load_idx %arg11[%get3A_196] : memref<10000xf32, #tpu.memory_space<vmem>>[vector<16xi32>], vector<16xf32>,
      %add3A_199 = arith.addf %gather3A_197, %gather3A_198 : vector<16xf32>
      %mul3A_200 = arith.constant 2.000000e-01 : f32
      %mul3A_201 = vector.broadcast %mul3A_200 : f32 to vector<16xf32>
      %mul3A_202 = arith.mulf %mul3A_201, %add3A_199 : vector<16xf32>
      %max3A_203 = arith.maximumf %add3A_199, %mul3A_202 : vector<16xf32>
      %add3A_204 = arith.constant 16 : i32
      %add3A_205 = arith.addi %multiple_of3A, %add3A_204 : i32
      %add3A_206 = vector.broadcast %add3A_205 : i32 to vector<16xi32>
      %add3A_207 = arith.addi %add3A_206, %iota3A_113 : vector<16xi32>
      %lt3A_208 = arith.constant 170000 : i32
      %lt3A_209 = vector.broadcast %lt3A_208 : i32 to vector<16xi32>
      %lt3A_210 = arith.cmpi slt, %add3A_207, %lt3A_209 : vector<16xi32>
      %sub3A_211 = arith.subf %max3A_203, %max3A_110 : vector<16xf32>
      %exp3A_212 = math.exp %sub3A_211 : vector<16xf32>
      %jit3A_213 = arith.constant 0.000000e+00 : f32
      %broadcast_in_dim3A_214 = vector.broadcast %jit3A_213 : f32 to vector<16xf32>
      %select_n3A_215 = arith.select %lt3A_210, %exp3A_212, %broadcast_in_dim3A_214 : vector<16xi1>, vector<16xf32>
      %swap3A_216 = arith.constant 16 : index
      %swap3A_217 = tpu.vector_load %arg15[%swap3A_216] {strides = array<i32>} : memref<128xf32, #tpu.memory_space<vmem>>, vector<16xf32>,
      tpu.vector_store %arg15[%swap3A_216], %select_n3A_215 {strides = array<i32>} : memref<128xf32, #tpu.memory_space<vmem>>, vector<16xf32>,
      %shift_right_logical3A_218 = arith.constant 7 : i32
      %shift_right_logical3A_219 = vector.broadcast %shift_right_logical3A_218 : i32 to vector<16xi32>
      %shift_right_logical3A_220 = arith.shrui %get3A_196, %shift_right_logical3A_219 : vector<16xi32>
      %and3A_221 = arith.constant 127 : i32
      %and3A_222 = vector.broadcast %and3A_221 : i32 to vector<16xi32>
      %and3A_223 = arith.andi %get3A_196, %and3A_222 : vector<16xi32>
      tpu.vector_store_idx %arg12[%shift_right_logical3A_220, %and3A_223], %select_n3A_215 {add = true} : memref<80x128xf32, #tpu.memory_space<vmem>>[vector<16xi32>, vector<16xi32>], vector<16xf32>,
      %get3A_224 = arith.constant 32 : index
      %get3A_225 = tpu.vector_load %arg13[%get3A_224] {strides = array<i32>} : memref<128xi32, #tpu.memory_space<vmem>>, vector<16xi32>,
      %get3A_226 = arith.constant 32 : index
      %get3A_227 = tpu.vector_load %arg14[%get3A_226] {strides = array<i32>} : memref<128xi32, #tpu.memory_space<vmem>>, vector<16xi32>,
      %gather3A_228 = tpu.vector_load_idx %arg10[%get3A_225] : memref<10000xf32, #tpu.memory_space<vmem>>[vector<16xi32>], vector<16xf32>,
      %gather3A_229 = tpu.vector_load_idx %arg11[%get3A_227] : memref<10000xf32, #tpu.memory_space<vmem>>[vector<16xi32>], vector<16xf32>,
      %add3A_230 = arith.addf %gather3A_228, %gather3A_229 : vector<16xf32>
      %mul3A_231 = arith.constant 2.000000e-01 : f32
      %mul3A_232 = vector.broadcast %mul3A_231 : f32 to vector<16xf32>
      %mul3A_233 = arith.mulf %mul3A_232, %add3A_230 : vector<16xf32>
      %max3A_234 = arith.maximumf %add3A_230, %mul3A_233 : vector<16xf32>
      %add3A_235 = arith.constant 32 : i32
      %add3A_236 = arith.addi %multiple_of3A, %add3A_235 : i32
      %add3A_237 = vector.broadcast %add3A_236 : i32 to vector<16xi32>
      %add3A_238 = arith.addi %add3A_237, %iota3A_113 : vector<16xi32>
      %lt3A_239 = arith.constant 170000 : i32
      %lt3A_240 = vector.broadcast %lt3A_239 : i32 to vector<16xi32>
      %lt3A_241 = arith.cmpi slt, %add3A_238, %lt3A_240 : vector<16xi32>
      %sub3A_242 = arith.subf %max3A_234, %max3A_110 : vector<16xf32>
      %exp3A_243 = math.exp %sub3A_242 : vector<16xf32>
      %jit3A_244 = arith.constant 0.000000e+00 : f32
      %broadcast_in_dim3A_245 = vector.broadcast %jit3A_244 : f32 to vector<16xf32>
      %select_n3A_246 = arith.select %lt3A_241, %exp3A_243, %broadcast_in_dim3A_245 : vector<16xi1>, vector<16xf32>
      %swap3A_247 = arith.constant 32 : index
      %swap3A_248 = tpu.vector_load %arg15[%swap3A_247] {strides = array<i32>} : memref<128xf32, #tpu.memory_space<vmem>>, vector<16xf32>,
      tpu.vector_store %arg15[%swap3A_247], %select_n3A_246 {strides = array<i32>} : memref<128xf32, #tpu.memory_space<vmem>>, vector<16xf32>,
      %shift_right_logical3A_249 = arith.constant 7 : i32
      %shift_right_logical3A_250 = vector.broadcast %shift_right_logical3A_249 : i32 to vector<16xi32>
      %shift_right_logical3A_251 = arith.shrui %get3A_227, %shift_right_logical3A_250 : vector<16xi32>
      %and3A_252 = arith.constant 127 : i32
      %and3A_253 = vector.broadcast %and3A_252 : i32 to vector<16xi32>
      %and3A_254 = arith.andi %get3A_227, %and3A_253 : vector<16xi32>
      tpu.vector_store_idx %arg12[%shift_right_logical3A_251, %and3A_254], %select_n3A_246 {add = true} : memref<80x128xf32, #tpu.memory_space<vmem>>[vector<16xi32>, vector<16xi32>], vector<16xf32>,
      %get3A_255 = arith.constant 48 : index
      %get3A_256 = tpu.vector_load %arg13[%get3A_255] {strides = array<i32>} : memref<128xi32, #tpu.memory_space<vmem>>, vector<16xi32>,
      %get3A_257 = arith.constant 48 : index
      %get3A_258 = tpu.vector_load %arg14[%get3A_257] {strides = array<i32>} : memref<128xi32, #tpu.memory_space<vmem>>, vector<16xi32>,
      %gather3A_259 = tpu.vector_load_idx %arg10[%get3A_256] : memref<10000xf32, #tpu.memory_space<vmem>>[vector<16xi32>], vector<16xf32>,
      %gather3A_260 = tpu.vector_load_idx %arg11[%get3A_258] : memref<10000xf32, #tpu.memory_space<vmem>>[vector<16xi32>], vector<16xf32>,
      %add3A_261 = arith.addf %gather3A_259, %gather3A_260 : vector<16xf32>
      %mul3A_262 = arith.constant 2.000000e-01 : f32
      %mul3A_263 = vector.broadcast %mul3A_262 : f32 to vector<16xf32>
      %mul3A_264 = arith.mulf %mul3A_263, %add3A_261 : vector<16xf32>
      %max3A_265 = arith.maximumf %add3A_261, %mul3A_264 : vector<16xf32>
      %add3A_266 = arith.constant 48 : i32
      %add3A_267 = arith.addi %multiple_of3A, %add3A_266 : i32
      %add3A_268 = vector.broadcast %add3A_267 : i32 to vector<16xi32>
      %add3A_269 = arith.addi %add3A_268, %iota3A_113 : vector<16xi32>
      %lt3A_270 = arith.constant 170000 : i32
      %lt3A_271 = vector.broadcast %lt3A_270 : i32 to vector<16xi32>
      %lt3A_272 = arith.cmpi slt, %add3A_269, %lt3A_271 : vector<16xi32>
      %sub3A_273 = arith.subf %max3A_265, %max3A_110 : vector<16xf32>
      %exp3A_274 = math.exp %sub3A_273 : vector<16xf32>
      %jit3A_275 = arith.constant 0.000000e+00 : f32
      %broadcast_in_dim3A_276 = vector.broadcast %jit3A_275 : f32 to vector<16xf32>
      %select_n3A_277 = arith.select %lt3A_272, %exp3A_274, %broadcast_in_dim3A_276 : vector<16xi1>, vector<16xf32>
      %swap3A_278 = arith.constant 48 : index
      %swap3A_279 = tpu.vector_load %arg15[%swap3A_278] {strides = array<i32>} : memref<128xf32, #tpu.memory_space<vmem>>, vector<16xf32>,
      tpu.vector_store %arg15[%swap3A_278], %select_n3A_277 {strides = array<i32>} : memref<128xf32, #tpu.memory_space<vmem>>, vector<16xf32>,
      %shift_right_logical3A_280 = arith.constant 7 : i32
      %shift_right_logical3A_281 = vector.broadcast %shift_right_logical3A_280 : i32 to vector<16xi32>
      %shift_right_logical3A_282 = arith.shrui %get3A_258, %shift_right_logical3A_281 : vector<16xi32>
      %and3A_283 = arith.constant 127 : i32
      %and3A_284 = vector.broadcast %and3A_283 : i32 to vector<16xi32>
      %and3A_285 = arith.andi %get3A_258, %and3A_284 : vector<16xi32>
      tpu.vector_store_idx %arg12[%shift_right_logical3A_282, %and3A_285], %select_n3A_277 {add = true} : memref<80x128xf32, #tpu.memory_space<vmem>>[vector<16xi32>, vector<16xi32>], vector<16xf32>,
      %get3A_286 = arith.constant 64 : index
      %get3A_287 = tpu.vector_load %arg13[%get3A_286] {strides = array<i32>} : memref<128xi32, #tpu.memory_space<vmem>>, vector<16xi32>,
      %get3A_288 = arith.constant 64 : index
      %get3A_289 = tpu.vector_load %arg14[%get3A_288] {strides = array<i32>} : memref<128xi32, #tpu.memory_space<vmem>>, vector<16xi32>,
      %gather3A_290 = tpu.vector_load_idx %arg10[%get3A_287] : memref<10000xf32, #tpu.memory_space<vmem>>[vector<16xi32>], vector<16xf32>,
      %gather3A_291 = tpu.vector_load_idx %arg11[%get3A_289] : memref<10000xf32, #tpu.memory_space<vmem>>[vector<16xi32>], vector<16xf32>,
      %add3A_292 = arith.addf %gather3A_290, %gather3A_291 : vector<16xf32>
      %mul3A_293 = arith.constant 2.000000e-01 : f32
      %mul3A_294 = vector.broadcast %mul3A_293 : f32 to vector<16xf32>
      %mul3A_295 = arith.mulf %mul3A_294, %add3A_292 : vector<16xf32>
      %max3A_296 = arith.maximumf %add3A_292, %mul3A_295 : vector<16xf32>
      %add3A_297 = arith.constant 64 : i32
      %add3A_298 = arith.addi %multiple_of3A, %add3A_297 : i32
      %add3A_299 = vector.broadcast %add3A_298 : i32 to vector<16xi32>
      %add3A_300 = arith.addi %add3A_299, %iota3A_113 : vector<16xi32>
      %lt3A_301 = arith.constant 170000 : i32
      %lt3A_302 = vector.broadcast %lt3A_301 : i32 to vector<16xi32>
      %lt3A_303 = arith.cmpi slt, %add3A_300, %lt3A_302 : vector<16xi32>
      %sub3A_304 = arith.subf %max3A_296, %max3A_110 : vector<16xf32>
      %exp3A_305 = math.exp %sub3A_304 : vector<16xf32>
      %jit3A_306 = arith.constant 0.000000e+00 : f32
      %broadcast_in_dim3A_307 = vector.broadcast %jit3A_306 : f32 to vector<16xf32>
      %select_n3A_308 = arith.select %lt3A_303, %exp3A_305, %broadcast_in_dim3A_307 : vector<16xi1>, vector<16xf32>
      %swap3A_309 = arith.constant 64 : index
      %swap3A_310 = tpu.vector_load %arg15[%swap3A_309] {strides = array<i32>} : memref<128xf32, #tpu.memory_space<vmem>>, vector<16xf32>,
      tpu.vector_store %arg15[%swap3A_309], %select_n3A_308 {strides = array<i32>} : memref<128xf32, #tpu.memory_space<vmem>>, vector<16xf32>,
      %shift_right_logical3A_311 = arith.constant 7 : i32
      %shift_right_logical3A_312 = vector.broadcast %shift_right_logical3A_311 : i32 to vector<16xi32>
      %shift_right_logical3A_313 = arith.shrui %get3A_289, %shift_right_logical3A_312 : vector<16xi32>
      %and3A_314 = arith.constant 127 : i32
      %and3A_315 = vector.broadcast %and3A_314 : i32 to vector<16xi32>
      %and3A_316 = arith.andi %get3A_289, %and3A_315 : vector<16xi32>
      tpu.vector_store_idx %arg12[%shift_right_logical3A_313, %and3A_316], %select_n3A_308 {add = true} : memref<80x128xf32, #tpu.memory_space<vmem>>[vector<16xi32>, vector<16xi32>], vector<16xf32>,
      %get3A_317 = arith.constant 80 : index
      %get3A_318 = tpu.vector_load %arg13[%get3A_317] {strides = array<i32>} : memref<128xi32, #tpu.memory_space<vmem>>, vector<16xi32>,
      %get3A_319 = arith.constant 80 : index
      %get3A_320 = tpu.vector_load %arg14[%get3A_319] {strides = array<i32>} : memref<128xi32, #tpu.memory_space<vmem>>, vector<16xi32>,
      %gather3A_321 = tpu.vector_load_idx %arg10[%get3A_318] : memref<10000xf32, #tpu.memory_space<vmem>>[vector<16xi32>], vector<16xf32>,
      %gather3A_322 = tpu.vector_load_idx %arg11[%get3A_320] : memref<10000xf32, #tpu.memory_space<vmem>>[vector<16xi32>], vector<16xf32>,
      %add3A_323 = arith.addf %gather3A_321, %gather3A_322 : vector<16xf32>
      %mul3A_324 = arith.constant 2.000000e-01 : f32
      %mul3A_325 = vector.broadcast %mul3A_324 : f32 to vector<16xf32>
      %mul3A_326 = arith.mulf %mul3A_325, %add3A_323 : vector<16xf32>
      %max3A_327 = arith.maximumf %add3A_323, %mul3A_326 : vector<16xf32>
      %add3A_328 = arith.constant 80 : i32
      %add3A_329 = arith.addi %multiple_of3A, %add3A_328 : i32
      %add3A_330 = vector.broadcast %add3A_329 : i32 to vector<16xi32>
      %add3A_331 = arith.addi %add3A_330, %iota3A_113 : vector<16xi32>
      %lt3A_332 = arith.constant 170000 : i32
      %lt3A_333 = vector.broadcast %lt3A_332 : i32 to vector<16xi32>
      %lt3A_334 = arith.cmpi slt, %add3A_331, %lt3A_333 : vector<16xi32>
      %sub3A_335 = arith.subf %max3A_327, %max3A_110 : vector<16xf32>
      %exp3A_336 = math.exp %sub3A_335 : vector<16xf32>
      %jit3A_337 = arith.constant 0.000000e+00 : f32
      %broadcast_in_dim3A_338 = vector.broadcast %jit3A_337 : f32 to vector<16xf32>
      %select_n3A_339 = arith.select %lt3A_334, %exp3A_336, %broadcast_in_dim3A_338 : vector<16xi1>, vector<16xf32>
      %swap3A_340 = arith.constant 80 : index
      %swap3A_341 = tpu.vector_load %arg15[%swap3A_340] {strides = array<i32>} : memref<128xf32, #tpu.memory_space<vmem>>, vector<16xf32>,
      tpu.vector_store %arg15[%swap3A_340], %select_n3A_339 {strides = array<i32>} : memref<128xf32, #tpu.memory_space<vmem>>, vector<16xf32>,
      %shift_right_logical3A_342 = arith.constant 7 : i32
      %shift_right_logical3A_343 = vector.broadcast %shift_right_logical3A_342 : i32 to vector<16xi32>
      %shift_right_logical3A_344 = arith.shrui %get3A_320, %shift_right_logical3A_343 : vector<16xi32>
      %and3A_345 = arith.constant 127 : i32
      %and3A_346 = vector.broadcast %and3A_345 : i32 to vector<16xi32>
      %and3A_347 = arith.andi %get3A_320, %and3A_346 : vector<16xi32>
      tpu.vector_store_idx %arg12[%shift_right_logical3A_344, %and3A_347], %select_n3A_339 {add = true} : memref<80x128xf32, #tpu.memory_space<vmem>>[vector<16xi32>, vector<16xi32>], vector<16xf32>,
      %get3A_348 = arith.constant 96 : index
      %get3A_349 = tpu.vector_load %arg13[%get3A_348] {strides = array<i32>} : memref<128xi32, #tpu.memory_space<vmem>>, vector<16xi32>,
      %get3A_350 = arith.constant 96 : index
      %get3A_351 = tpu.vector_load %arg14[%get3A_350] {strides = array<i32>} : memref<128xi32, #tpu.memory_space<vmem>>, vector<16xi32>,
      %gather3A_352 = tpu.vector_load_idx %arg10[%get3A_349] : memref<10000xf32, #tpu.memory_space<vmem>>[vector<16xi32>], vector<16xf32>,
      %gather3A_353 = tpu.vector_load_idx %arg11[%get3A_351] : memref<10000xf32, #tpu.memory_space<vmem>>[vector<16xi32>], vector<16xf32>,
      %add3A_354 = arith.addf %gather3A_352, %gather3A_353 : vector<16xf32>
      %mul3A_355 = arith.constant 2.000000e-01 : f32
      %mul3A_356 = vector.broadcast %mul3A_355 : f32 to vector<16xf32>
      %mul3A_357 = arith.mulf %mul3A_356, %add3A_354 : vector<16xf32>
      %max3A_358 = arith.maximumf %add3A_354, %mul3A_357 : vector<16xf32>
      %add3A_359 = arith.constant 96 : i32
      %add3A_360 = arith.addi %multiple_of3A, %add3A_359 : i32
      %add3A_361 = vector.broadcast %add3A_360 : i32 to vector<16xi32>
      %add3A_362 = arith.addi %add3A_361, %iota3A_113 : vector<16xi32>
      %lt3A_363 = arith.constant 170000 : i32
      %lt3A_364 = vector.broadcast %lt3A_363 : i32 to vector<16xi32>
      %lt3A_365 = arith.cmpi slt, %add3A_362, %lt3A_364 : vector<16xi32>
      %sub3A_366 = arith.subf %max3A_358, %max3A_110 : vector<16xf32>
      %exp3A_367 = math.exp %sub3A_366 : vector<16xf32>
      %jit3A_368 = arith.constant 0.000000e+00 : f32
      %broadcast_in_dim3A_369 = vector.broadcast %jit3A_368 : f32 to vector<16xf32>
      %select_n3A_370 = arith.select %lt3A_365, %exp3A_367, %broadcast_in_dim3A_369 : vector<16xi1>, vector<16xf32>
      %swap3A_371 = arith.constant 96 : index
      %swap3A_372 = tpu.vector_load %arg15[%swap3A_371] {strides = array<i32>} : memref<128xf32, #tpu.memory_space<vmem>>, vector<16xf32>,
      tpu.vector_store %arg15[%swap3A_371], %select_n3A_370 {strides = array<i32>} : memref<128xf32, #tpu.memory_space<vmem>>, vector<16xf32>,
      %shift_right_logical3A_373 = arith.constant 7 : i32
      %shift_right_logical3A_374 = vector.broadcast %shift_right_logical3A_373 : i32 to vector<16xi32>
      %shift_right_logical3A_375 = arith.shrui %get3A_351, %shift_right_logical3A_374 : vector<16xi32>
      %and3A_376 = arith.constant 127 : i32
      %and3A_377 = vector.broadcast %and3A_376 : i32 to vector<16xi32>
      %and3A_378 = arith.andi %get3A_351, %and3A_377 : vector<16xi32>
      tpu.vector_store_idx %arg12[%shift_right_logical3A_375, %and3A_378], %select_n3A_370 {add = true} : memref<80x128xf32, #tpu.memory_space<vmem>>[vector<16xi32>, vector<16xi32>], vector<16xf32>,
      %get3A_379 = arith.constant 112 : index
      %get3A_380 = tpu.vector_load %arg13[%get3A_379] {strides = array<i32>} : memref<128xi32, #tpu.memory_space<vmem>>, vector<16xi32>,
      %get3A_381 = arith.constant 112 : index
      %get3A_382 = tpu.vector_load %arg14[%get3A_381] {strides = array<i32>} : memref<128xi32, #tpu.memory_space<vmem>>, vector<16xi32>,
      %gather3A_383 = tpu.vector_load_idx %arg10[%get3A_380] : memref<10000xf32, #tpu.memory_space<vmem>>[vector<16xi32>], vector<16xf32>,
      %gather3A_384 = tpu.vector_load_idx %arg11[%get3A_382] : memref<10000xf32, #tpu.memory_space<vmem>>[vector<16xi32>], vector<16xf32>,
      %add3A_385 = arith.addf %gather3A_383, %gather3A_384 : vector<16xf32>
      %mul3A_386 = arith.constant 2.000000e-01 : f32
      %mul3A_387 = vector.broadcast %mul3A_386 : f32 to vector<16xf32>
      %mul3A_388 = arith.mulf %mul3A_387, %add3A_385 : vector<16xf32>
      %max3A_389 = arith.maximumf %add3A_385, %mul3A_388 : vector<16xf32>
      %add3A_390 = arith.constant 112 : i32
      %add3A_391 = arith.addi %multiple_of3A, %add3A_390 : i32
      %add3A_392 = vector.broadcast %add3A_391 : i32 to vector<16xi32>
      %add3A_393 = arith.addi %add3A_392, %iota3A_113 : vector<16xi32>
      %lt3A_394 = arith.constant 170000 : i32
      %lt3A_395 = vector.broadcast %lt3A_394 : i32 to vector<16xi32>
      %lt3A_396 = arith.cmpi slt, %add3A_393, %lt3A_395 : vector<16xi32>
      %sub3A_397 = arith.subf %max3A_389, %max3A_110 : vector<16xf32>
      %exp3A_398 = math.exp %sub3A_397 : vector<16xf32>
      %jit3A_399 = arith.constant 0.000000e+00 : f32
      %broadcast_in_dim3A_400 = vector.broadcast %jit3A_399 : f32 to vector<16xf32>
      %select_n3A_401 = arith.select %lt3A_396, %exp3A_398, %broadcast_in_dim3A_400 : vector<16xi1>, vector<16xf32>
      %swap3A_402 = arith.constant 112 : index
      %swap3A_403 = tpu.vector_load %arg15[%swap3A_402] {strides = array<i32>} : memref<128xf32, #tpu.memory_space<vmem>>, vector<16xf32>,
      tpu.vector_store %arg15[%swap3A_402], %select_n3A_401 {strides = array<i32>} : memref<128xf32, #tpu.memory_space<vmem>>, vector<16xf32>,
      %shift_right_logical3A_404 = arith.constant 7 : i32
      %shift_right_logical3A_405 = vector.broadcast %shift_right_logical3A_404 : i32 to vector<16xi32>
      %shift_right_logical3A_406 = arith.shrui %get3A_382, %shift_right_logical3A_405 : vector<16xi32>
      %and3A_407 = arith.constant 127 : i32
      %and3A_408 = vector.broadcast %and3A_407 : i32 to vector<16xi32>
      %and3A_409 = arith.andi %get3A_382, %and3A_408 : vector<16xi32>
      tpu.vector_store_idx %arg12[%shift_right_logical3A_406, %and3A_409], %select_n3A_401 {add = true} : memref<80x128xf32, #tpu.memory_space<vmem>>[vector<16xi32>, vector<16xi32>], vector<16xf32>,
      %mul3A_410 = arith.constant 172032 : i32
      %mul3A_411 = arith.muli %arg0, %mul3A_410 : i32
      %add3A_412 = arith.addi %mul3A_411, %multiple_of3A : i32
      "tpu.region"() ({
        %run_scoped3A = tpu.sem_alloc : memref<!tpu.dma_semaphore, #tpu.memory_space<semaphore_mem>>
        %dma_start3A = tpu.memref_slice %arg9[%add3A_412] : memref<344064xf32, #tpu.memory_space<hbm>> -> memref<128xf32, #tpu.memory_space<hbm>>
        %dma_start3A_413 = tpu.memref_slice %arg9[%add3A_412] : memref<344064xf32, #tpu.memory_space<hbm>> -> memref<128xf32, #tpu.memory_space<hbm>>
        tpu.enqueue_dma source(%arg15 : memref<128xf32, #tpu.memory_space<vmem>>) target(%dma_start3A_413 : memref<128xf32, #tpu.memory_space<hbm>>) target_semaphore(%run_scoped3A : memref<!tpu.dma_semaphore, #tpu.memory_space<semaphore_mem>>)
        %dma_wait3A = tpu.memref_slice %arg9[%add3A_412] : memref<344064xf32, #tpu.memory_space<hbm>> -> memref<128xf32, #tpu.memory_space<hbm>>
        %dma_wait3A_414 = tpu.memref_slice %arg9[%add3A_412] : memref<344064xf32, #tpu.memory_space<hbm>> -> memref<128xf32, #tpu.memory_space<hbm>>
        tpu.wait_dma2 semaphore(%run_scoped3A : memref<!tpu.dma_semaphore, #tpu.memory_space<semaphore_mem>>) src(%arg15 : memref<128xf32, #tpu.memory_space<vmem>>) dst(%dma_wait3A_414 : memref<128xf32, #tpu.memory_space<hbm>>)
        tpu.yield
      }) : () -> ()
    }
    %scan3A_119 = arith.constant 84 : i32
    "tpu.region"() ({
      %run_scoped3A = tpu.sem_alloc : memref<!tpu.dma_semaphore, #tpu.memory_space<semaphore_mem>>
      %dma_start3A = arith.constant 0 : i32
      %dma_start3A_166 = arith.constant 0 : i32
      %dma_start3A_167 = tpu.memref_slice %arg19[%dma_start3A, %dma_start3A_166] : memref<80x128xf32, #tpu.memory_space<vmem_shared>> -> memref<80x128xf32, #tpu.memory_space<vmem_shared>>
      tpu.enqueue_indirect_dma source(%arg12 : memref<80x128xf32, #tpu.memory_space<vmem>>) target(%dma_start3A_167 : memref<80x128xf32, #tpu.memory_space<vmem_shared>>) offsets(%arg16 : memref<80xi32, #tpu.memory_space<vmem>>) semaphore(%run_scoped3A : memref<!tpu.dma_semaphore, #tpu.memory_space<semaphore_mem>>) {add = true}
      %dma_wait3A = arith.constant 0 : i32
      %dma_wait3A_168 = arith.constant 0 : i32
      %dma_wait3A_169 = tpu.memref_slice %arg19[%dma_wait3A, %dma_wait3A_168] : memref<80x128xf32, #tpu.memory_space<vmem_shared>> -> memref<80x128xf32, #tpu.memory_space<vmem_shared>>
      tpu.wait_indirect_dma semaphore(%run_scoped3A : memref<!tpu.dma_semaphore, #tpu.memory_space<semaphore_mem>>) src(%arg12 : memref<80x128xf32, #tpu.memory_space<vmem>>) dst(%dma_wait3A_169 : memref<80x128xf32, #tpu.memory_space<vmem_shared>>)
      tpu.yield
    }) : () -> ()
    %barrier3A_120 = arith.constant 0 : index
    tpu.barrier barrier_id(%barrier3A_120)
    "tpu.region"() ({
      %run_scoped3A = tpu.sem_alloc : memref<!tpu.dma_semaphore, #tpu.memory_space<semaphore_mem>>
      tpu.enqueue_dma source(%arg19 : memref<80x128xf32, #tpu.memory_space<vmem_shared>>) target(%arg12 : memref<80x128xf32, #tpu.memory_space<vmem>>) target_semaphore(%run_scoped3A : memref<!tpu.dma_semaphore, #tpu.memory_space<semaphore_mem>>)
      tpu.wait_dma2 semaphore(%run_scoped3A : memref<!tpu.dma_semaphore, #tpu.memory_space<semaphore_mem>>) src(%arg19 : memref<80x128xf32, #tpu.memory_space<vmem_shared>>) dst(%arg12 : memref<80x128xf32, #tpu.memory_space<vmem>>)
      tpu.yield
    }) : () -> ()
    %mul3A_121 = arith.constant 5376 : i32
    %mul3A_122 = arith.muli %arg0, %mul3A_121 : i32
    %add3A_123 = arith.addi %mul3A_112, %mul3A_122 : i32
    %scan3A_124 = arith.constant 0 : i32
    %scan3A_125 = arith.constant 0 : i32
    %scan3A_126 = arith.constant 42 : i32
    %scan3A_127 = arith.addi %scan3A_125, %scan3A_126 : i32
    %scan3A_128 = arith.constant 1 : i32
    scf.for %scan3A_166 = %scan3A_125 to %scan3A_127 step %scan3A_128  : i32 {
      %mul3A_167 = arith.constant 128 : i32
      %mul3A_168 = arith.muli %scan3A_166, %mul3A_167 : i32
      %add3A_169 = arith.addi %add3A_123, %mul3A_168 : i32
      %multiple_of3A = tpu.assume_multiple %add3A_169, 128 : i32
      "tpu.region"() ({
        %run_scoped3A = tpu.sem_alloc : memref<!tpu.dma_semaphore, #tpu.memory_space<semaphore_mem>>
        %dma_start3A_318 = tpu.memref_slice %arg2[%multiple_of3A] : memref<172032xi32, #tpu.memory_space<hbm>> -> memref<128xi32, #tpu.memory_space<hbm>>
        %dma_start3A_319 = tpu.memref_slice %arg2[%multiple_of3A] : memref<172032xi32, #tpu.memory_space<hbm>> -> memref<128xi32, #tpu.memory_space<hbm>>
        tpu.enqueue_dma source(%dma_start3A_319 : memref<128xi32, #tpu.memory_space<hbm>>) target(%arg13 : memref<128xi32, #tpu.memory_space<vmem>>) target_semaphore(%run_scoped3A : memref<!tpu.dma_semaphore, #tpu.memory_space<semaphore_mem>>)
        %dma_wait3A_320 = tpu.memref_slice %arg2[%multiple_of3A] : memref<172032xi32, #tpu.memory_space<hbm>> -> memref<128xi32, #tpu.memory_space<hbm>>
        %dma_wait3A_321 = tpu.memref_slice %arg2[%multiple_of3A] : memref<172032xi32, #tpu.memory_space<hbm>> -> memref<128xi32, #tpu.memory_space<hbm>>
        tpu.wait_dma2 semaphore(%run_scoped3A : memref<!tpu.dma_semaphore, #tpu.memory_space<semaphore_mem>>) src(%dma_wait3A_321 : memref<128xi32, #tpu.memory_space<hbm>>) dst(%arg13 : memref<128xi32, #tpu.memory_space<vmem>>)
        tpu.yield
      }) : () -> ()
      "tpu.region"() ({
        %run_scoped3A = tpu.sem_alloc : memref<!tpu.dma_semaphore, #tpu.memory_space<semaphore_mem>>
        %dma_start3A_318 = tpu.memref_slice %arg3[%multiple_of3A] : memref<172032xi32, #tpu.memory_space<hbm>> -> memref<128xi32, #tpu.memory_space<hbm>>
        %dma_start3A_319 = tpu.memref_slice %arg3[%multiple_of3A] : memref<172032xi32, #tpu.memory_space<hbm>> -> memref<128xi32, #tpu.memory_space<hbm>>
        tpu.enqueue_dma source(%dma_start3A_319 : memref<128xi32, #tpu.memory_space<hbm>>) target(%arg14 : memref<128xi32, #tpu.memory_space<vmem>>) target_semaphore(%run_scoped3A : memref<!tpu.dma_semaphore, #tpu.memory_space<semaphore_mem>>)
        %dma_wait3A_320 = tpu.memref_slice %arg3[%multiple_of3A] : memref<172032xi32, #tpu.memory_space<hbm>> -> memref<128xi32, #tpu.memory_space<hbm>>
        %dma_wait3A_321 = tpu.memref_slice %arg3[%multiple_of3A] : memref<172032xi32, #tpu.memory_space<hbm>> -> memref<128xi32, #tpu.memory_space<hbm>>
        tpu.wait_dma2 semaphore(%run_scoped3A : memref<!tpu.dma_semaphore, #tpu.memory_space<semaphore_mem>>) src(%dma_wait3A_321 : memref<128xi32, #tpu.memory_space<hbm>>) dst(%arg14 : memref<128xi32, #tpu.memory_space<vmem>>)
        tpu.yield
      }) : () -> ()
      %mul3A_170 = arith.constant 172032 : i32
      %mul3A_171 = arith.muli %arg0, %mul3A_170 : i32
      %add3A_172 = arith.addi %mul3A_171, %multiple_of3A : i32
      "tpu.region"() ({
        %run_scoped3A = tpu.sem_alloc : memref<!tpu.dma_semaphore, #tpu.memory_space<semaphore_mem>>
        %dma_start3A_318 = tpu.memref_slice %arg9[%add3A_172] : memref<344064xf32, #tpu.memory_space<hbm>> -> memref<128xf32, #tpu.memory_space<hbm>>
        %dma_start3A_319 = tpu.memref_slice %arg9[%add3A_172] : memref<344064xf32, #tpu.memory_space<hbm>> -> memref<128xf32, #tpu.memory_space<hbm>>
        tpu.enqueue_dma source(%dma_start3A_319 : memref<128xf32, #tpu.memory_space<hbm>>) target(%arg15 : memref<128xf32, #tpu.memory_space<vmem>>) target_semaphore(%run_scoped3A : memref<!tpu.dma_semaphore, #tpu.memory_space<semaphore_mem>>)
        %dma_wait3A_320 = tpu.memref_slice %arg9[%add3A_172] : memref<344064xf32, #tpu.memory_space<hbm>> -> memref<128xf32, #tpu.memory_space<hbm>>
        %dma_wait3A_321 = tpu.memref_slice %arg9[%add3A_172] : memref<344064xf32, #tpu.memory_space<hbm>> -> memref<128xf32, #tpu.memory_space<hbm>>
        tpu.wait_dma2 semaphore(%run_scoped3A : memref<!tpu.dma_semaphore, #tpu.memory_space<semaphore_mem>>) src(%dma_wait3A_321 : memref<128xf32, #tpu.memory_space<hbm>>) dst(%arg15 : memref<128xf32, #tpu.memory_space<vmem>>)
        tpu.yield
      }) : () -> ()
      %dma_start3A = arith.constant 0 : i32
      %dma_start3A_173 = arith.constant 0 : i32
      %dma_start3A_174 = tpu.memref_slice %arg6[%dma_start3A, %dma_start3A_173] : memref<10000x128xf32, #tpu.memory_space<hbm>> -> memref<10000x128xf32, #tpu.memory_space<hbm>>
      tpu.enqueue_indirect_dma source(%dma_start3A_174 : memref<10000x128xf32, #tpu.memory_space<hbm>>) target(%arg17 : memref<128x128xf32, #tpu.memory_space<vmem>>) offsets(%arg13 : memref<128xi32, #tpu.memory_space<vmem>>) semaphore(%arg20 : memref<!tpu.dma_semaphore, #tpu.memory_space<semaphore_mem>>)
      %get3A = arith.constant 0 : index
      %get3A_175 = tpu.vector_load %arg14[%get3A] {strides = array<i32>} : memref<128xi32, #tpu.memory_space<vmem>>, vector<16xi32>,
      %shift_right_logical3A = arith.constant 7 : i32
      %shift_right_logical3A_176 = vector.broadcast %shift_right_logical3A : i32 to vector<16xi32>
      %shift_right_logical3A_177 = arith.shrui %get3A_175, %shift_right_logical3A_176 : vector<16xi32>
      %and3A = arith.constant 127 : i32
      %and3A_178 = vector.broadcast %and3A : i32 to vector<16xi32>
      %and3A_179 = arith.andi %get3A_175, %and3A_178 : vector<16xi32>
      %gather3A_180 = tpu.vector_load_idx %arg12[%shift_right_logical3A_177, %and3A_179] : memref<80x128xf32, #tpu.memory_space<vmem>>[vector<16xi32>, vector<16xi32>], vector<16xf32>,
      %get3A_181 = arith.constant 0 : index
      %get3A_182 = tpu.vector_load %arg15[%get3A_181] {strides = array<i32>} : memref<128xf32, #tpu.memory_space<vmem>>, vector<16xf32>,
      %add3A_183 = arith.constant 1.000000e-16 : f32
      %add3A_184 = vector.broadcast %add3A_183 : f32 to vector<16xf32>
      %add3A_185 = arith.addf %gather3A_180, %add3A_184 : vector<16xf32>
      %div3A = arith.divf %get3A_182, %add3A_185 : vector<16xf32>
      %swap3A_186 = arith.constant 0 : index
      %swap3A_187 = tpu.vector_load %arg15[%swap3A_186] {strides = array<i32>} : memref<128xf32, #tpu.memory_space<vmem>>, vector<16xf32>,
      tpu.vector_store %arg15[%swap3A_186], %div3A {strides = array<i32>} : memref<128xf32, #tpu.memory_space<vmem>>, vector<16xf32>,
      %get3A_188 = arith.constant 16 : index
      %get3A_189 = tpu.vector_load %arg14[%get3A_188] {strides = array<i32>} : memref<128xi32, #tpu.memory_space<vmem>>, vector<16xi32>,
      %shift_right_logical3A_190 = arith.constant 7 : i32
      %shift_right_logical3A_191 = vector.broadcast %shift_right_logical3A_190 : i32 to vector<16xi32>
      %shift_right_logical3A_192 = arith.shrui %get3A_189, %shift_right_logical3A_191 : vector<16xi32>
      %and3A_193 = arith.constant 127 : i32
      %and3A_194 = vector.broadcast %and3A_193 : i32 to vector<16xi32>
      %and3A_195 = arith.andi %get3A_189, %and3A_194 : vector<16xi32>
      %gather3A_196 = tpu.vector_load_idx %arg12[%shift_right_logical3A_192, %and3A_195] : memref<80x128xf32, #tpu.memory_space<vmem>>[vector<16xi32>, vector<16xi32>], vector<16xf32>,
      %get3A_197 = arith.constant 16 : index
      %get3A_198 = tpu.vector_load %arg15[%get3A_197] {strides = array<i32>} : memref<128xf32, #tpu.memory_space<vmem>>, vector<16xf32>,
      %add3A_199 = arith.constant 1.000000e-16 : f32
      %add3A_200 = vector.broadcast %add3A_199 : f32 to vector<16xf32>
      %add3A_201 = arith.addf %gather3A_196, %add3A_200 : vector<16xf32>
      %div3A_202 = arith.divf %get3A_198, %add3A_201 : vector<16xf32>
      %swap3A_203 = arith.constant 16 : index
      %swap3A_204 = tpu.vector_load %arg15[%swap3A_203] {strides = array<i32>} : memref<128xf32, #tpu.memory_space<vmem>>, vector<16xf32>,
      tpu.vector_store %arg15[%swap3A_203], %div3A_202 {strides = array<i32>} : memref<128xf32, #tpu.memory_space<vmem>>, vector<16xf32>,
      %get3A_205 = arith.constant 32 : index
      %get3A_206 = tpu.vector_load %arg14[%get3A_205] {strides = array<i32>} : memref<128xi32, #tpu.memory_space<vmem>>, vector<16xi32>,
      %shift_right_logical3A_207 = arith.constant 7 : i32
      %shift_right_logical3A_208 = vector.broadcast %shift_right_logical3A_207 : i32 to vector<16xi32>
      %shift_right_logical3A_209 = arith.shrui %get3A_206, %shift_right_logical3A_208 : vector<16xi32>
      %and3A_210 = arith.constant 127 : i32
      %and3A_211 = vector.broadcast %and3A_210 : i32 to vector<16xi32>
      %and3A_212 = arith.andi %get3A_206, %and3A_211 : vector<16xi32>
      %gather3A_213 = tpu.vector_load_idx %arg12[%shift_right_logical3A_209, %and3A_212] : memref<80x128xf32, #tpu.memory_space<vmem>>[vector<16xi32>, vector<16xi32>], vector<16xf32>,
      %get3A_214 = arith.constant 32 : index
      %get3A_215 = tpu.vector_load %arg15[%get3A_214] {strides = array<i32>} : memref<128xf32, #tpu.memory_space<vmem>>, vector<16xf32>,
      %add3A_216 = arith.constant 1.000000e-16 : f32
      %add3A_217 = vector.broadcast %add3A_216 : f32 to vector<16xf32>
      %add3A_218 = arith.addf %gather3A_213, %add3A_217 : vector<16xf32>
      %div3A_219 = arith.divf %get3A_215, %add3A_218 : vector<16xf32>
      %swap3A_220 = arith.constant 32 : index
      %swap3A_221 = tpu.vector_load %arg15[%swap3A_220] {strides = array<i32>} : memref<128xf32, #tpu.memory_space<vmem>>, vector<16xf32>,
      tpu.vector_store %arg15[%swap3A_220], %div3A_219 {strides = array<i32>} : memref<128xf32, #tpu.memory_space<vmem>>, vector<16xf32>,
      %get3A_222 = arith.constant 48 : index
      %get3A_223 = tpu.vector_load %arg14[%get3A_222] {strides = array<i32>} : memref<128xi32, #tpu.memory_space<vmem>>, vector<16xi32>,
      %shift_right_logical3A_224 = arith.constant 7 : i32
      %shift_right_logical3A_225 = vector.broadcast %shift_right_logical3A_224 : i32 to vector<16xi32>
      %shift_right_logical3A_226 = arith.shrui %get3A_223, %shift_right_logical3A_225 : vector<16xi32>
      %and3A_227 = arith.constant 127 : i32
      %and3A_228 = vector.broadcast %and3A_227 : i32 to vector<16xi32>
      %and3A_229 = arith.andi %get3A_223, %and3A_228 : vector<16xi32>
      %gather3A_230 = tpu.vector_load_idx %arg12[%shift_right_logical3A_226, %and3A_229] : memref<80x128xf32, #tpu.memory_space<vmem>>[vector<16xi32>, vector<16xi32>], vector<16xf32>,
      %get3A_231 = arith.constant 48 : index
      %get3A_232 = tpu.vector_load %arg15[%get3A_231] {strides = array<i32>} : memref<128xf32, #tpu.memory_space<vmem>>, vector<16xf32>,
      %add3A_233 = arith.constant 1.000000e-16 : f32
      %add3A_234 = vector.broadcast %add3A_233 : f32 to vector<16xf32>
      %add3A_235 = arith.addf %gather3A_230, %add3A_234 : vector<16xf32>
      %div3A_236 = arith.divf %get3A_232, %add3A_235 : vector<16xf32>
      %swap3A_237 = arith.constant 48 : index
      %swap3A_238 = tpu.vector_load %arg15[%swap3A_237] {strides = array<i32>} : memref<128xf32, #tpu.memory_space<vmem>>, vector<16xf32>,
      tpu.vector_store %arg15[%swap3A_237], %div3A_236 {strides = array<i32>} : memref<128xf32, #tpu.memory_space<vmem>>, vector<16xf32>,
      %get3A_239 = arith.constant 64 : index
      %get3A_240 = tpu.vector_load %arg14[%get3A_239] {strides = array<i32>} : memref<128xi32, #tpu.memory_space<vmem>>, vector<16xi32>,
      %shift_right_logical3A_241 = arith.constant 7 : i32
      %shift_right_logical3A_242 = vector.broadcast %shift_right_logical3A_241 : i32 to vector<16xi32>
      %shift_right_logical3A_243 = arith.shrui %get3A_240, %shift_right_logical3A_242 : vector<16xi32>
      %and3A_244 = arith.constant 127 : i32
      %and3A_245 = vector.broadcast %and3A_244 : i32 to vector<16xi32>
      %and3A_246 = arith.andi %get3A_240, %and3A_245 : vector<16xi32>
      %gather3A_247 = tpu.vector_load_idx %arg12[%shift_right_logical3A_243, %and3A_246] : memref<80x128xf32, #tpu.memory_space<vmem>>[vector<16xi32>, vector<16xi32>], vector<16xf32>,
      %get3A_248 = arith.constant 64 : index
      %get3A_249 = tpu.vector_load %arg15[%get3A_248] {strides = array<i32>} : memref<128xf32, #tpu.memory_space<vmem>>, vector<16xf32>,
      %add3A_250 = arith.constant 1.000000e-16 : f32
      %add3A_251 = vector.broadcast %add3A_250 : f32 to vector<16xf32>
      %add3A_252 = arith.addf %gather3A_247, %add3A_251 : vector<16xf32>
      %div3A_253 = arith.divf %get3A_249, %add3A_252 : vector<16xf32>
      %swap3A_254 = arith.constant 64 : index
      %swap3A_255 = tpu.vector_load %arg15[%swap3A_254] {strides = array<i32>} : memref<128xf32, #tpu.memory_space<vmem>>, vector<16xf32>,
      tpu.vector_store %arg15[%swap3A_254], %div3A_253 {strides = array<i32>} : memref<128xf32, #tpu.memory_space<vmem>>, vector<16xf32>,
      %get3A_256 = arith.constant 80 : index
      %get3A_257 = tpu.vector_load %arg14[%get3A_256] {strides = array<i32>} : memref<128xi32, #tpu.memory_space<vmem>>, vector<16xi32>,
      %shift_right_logical3A_258 = arith.constant 7 : i32
      %shift_right_logical3A_259 = vector.broadcast %shift_right_logical3A_258 : i32 to vector<16xi32>
      %shift_right_logical3A_260 = arith.shrui %get3A_257, %shift_right_logical3A_259 : vector<16xi32>
      %and3A_261 = arith.constant 127 : i32
      %and3A_262 = vector.broadcast %and3A_261 : i32 to vector<16xi32>
      %and3A_263 = arith.andi %get3A_257, %and3A_262 : vector<16xi32>
      %gather3A_264 = tpu.vector_load_idx %arg12[%shift_right_logical3A_260, %and3A_263] : memref<80x128xf32, #tpu.memory_space<vmem>>[vector<16xi32>, vector<16xi32>], vector<16xf32>,
      %get3A_265 = arith.constant 80 : index
      %get3A_266 = tpu.vector_load %arg15[%get3A_265] {strides = array<i32>} : memref<128xf32, #tpu.memory_space<vmem>>, vector<16xf32>,
      %add3A_267 = arith.constant 1.000000e-16 : f32
      %add3A_268 = vector.broadcast %add3A_267 : f32 to vector<16xf32>
      %add3A_269 = arith.addf %gather3A_264, %add3A_268 : vector<16xf32>
      %div3A_270 = arith.divf %get3A_266, %add3A_269 : vector<16xf32>
      %swap3A_271 = arith.constant 80 : index
      %swap3A_272 = tpu.vector_load %arg15[%swap3A_271] {strides = array<i32>} : memref<128xf32, #tpu.memory_space<vmem>>, vector<16xf32>,
      tpu.vector_store %arg15[%swap3A_271], %div3A_270 {strides = array<i32>} : memref<128xf32, #tpu.memory_space<vmem>>, vector<16xf32>,
      %get3A_273 = arith.constant 96 : index
      %get3A_274 = tpu.vector_load %arg14[%get3A_273] {strides = array<i32>} : memref<128xi32, #tpu.memory_space<vmem>>, vector<16xi32>,
      %shift_right_logical3A_275 = arith.constant 7 : i32
      %shift_right_logical3A_276 = vector.broadcast %shift_right_logical3A_275 : i32 to vector<16xi32>
      %shift_right_logical3A_277 = arith.shrui %get3A_274, %shift_right_logical3A_276 : vector<16xi32>
      %and3A_278 = arith.constant 127 : i32
      %and3A_279 = vector.broadcast %and3A_278 : i32 to vector<16xi32>
      %and3A_280 = arith.andi %get3A_274, %and3A_279 : vector<16xi32>
      %gather3A_281 = tpu.vector_load_idx %arg12[%shift_right_logical3A_277, %and3A_280] : memref<80x128xf32, #tpu.memory_space<vmem>>[vector<16xi32>, vector<16xi32>], vector<16xf32>,
      %get3A_282 = arith.constant 96 : index
      %get3A_283 = tpu.vector_load %arg15[%get3A_282] {strides = array<i32>} : memref<128xf32, #tpu.memory_space<vmem>>, vector<16xf32>,
      %add3A_284 = arith.constant 1.000000e-16 : f32
      %add3A_285 = vector.broadcast %add3A_284 : f32 to vector<16xf32>
      %add3A_286 = arith.addf %gather3A_281, %add3A_285 : vector<16xf32>
      %div3A_287 = arith.divf %get3A_283, %add3A_286 : vector<16xf32>
      %swap3A_288 = arith.constant 96 : index
      %swap3A_289 = tpu.vector_load %arg15[%swap3A_288] {strides = array<i32>} : memref<128xf32, #tpu.memory_space<vmem>>, vector<16xf32>,
      tpu.vector_store %arg15[%swap3A_288], %div3A_287 {strides = array<i32>} : memref<128xf32, #tpu.memory_space<vmem>>, vector<16xf32>,
      %get3A_290 = arith.constant 112 : index
      %get3A_291 = tpu.vector_load %arg14[%get3A_290] {strides = array<i32>} : memref<128xi32, #tpu.memory_space<vmem>>, vector<16xi32>,
      %shift_right_logical3A_292 = arith.constant 7 : i32
      %shift_right_logical3A_293 = vector.broadcast %shift_right_logical3A_292 : i32 to vector<16xi32>
      %shift_right_logical3A_294 = arith.shrui %get3A_291, %shift_right_logical3A_293 : vector<16xi32>
      %and3A_295 = arith.constant 127 : i32
      %and3A_296 = vector.broadcast %and3A_295 : i32 to vector<16xi32>
      %and3A_297 = arith.andi %get3A_291, %and3A_296 : vector<16xi32>
      %gather3A_298 = tpu.vector_load_idx %arg12[%shift_right_logical3A_294, %and3A_297] : memref<80x128xf32, #tpu.memory_space<vmem>>[vector<16xi32>, vector<16xi32>], vector<16xf32>,
      %get3A_299 = arith.constant 112 : index
      %get3A_300 = tpu.vector_load %arg15[%get3A_299] {strides = array<i32>} : memref<128xf32, #tpu.memory_space<vmem>>, vector<16xf32>,
      %add3A_301 = arith.constant 1.000000e-16 : f32
      %add3A_302 = vector.broadcast %add3A_301 : f32 to vector<16xf32>
      %add3A_303 = arith.addf %gather3A_298, %add3A_302 : vector<16xf32>
      %div3A_304 = arith.divf %get3A_300, %add3A_303 : vector<16xf32>
      %swap3A_305 = arith.constant 112 : index
      %swap3A_306 = tpu.vector_load %arg15[%swap3A_305] {strides = array<i32>} : memref<128xf32, #tpu.memory_space<vmem>>, vector<16xf32>,
      tpu.vector_store %arg15[%swap3A_305], %div3A_304 {strides = array<i32>} : memref<128xf32, #tpu.memory_space<vmem>>, vector<16xf32>,
      %mul3A_307 = arith.constant 172032 : i32
      %mul3A_308 = arith.muli %mul3A_0, %mul3A_307 : i32
      %add3A_309 = arith.addi %mul3A_308, %multiple_of3A : i32
      "tpu.region"() ({
        %run_scoped3A = tpu.sem_alloc : memref<!tpu.dma_semaphore, #tpu.memory_space<semaphore_mem>>
        %dma_start3A_318 = tpu.memref_slice %arg8[%add3A_309] : memref<172032xf32, #tpu.memory_space<hbm>> -> memref<128xf32, #tpu.memory_space<hbm>>
        %dma_start3A_319 = tpu.memref_slice %arg8[%add3A_309] : memref<172032xf32, #tpu.memory_space<hbm>> -> memref<128xf32, #tpu.memory_space<hbm>>
        tpu.enqueue_dma source(%arg15 : memref<128xf32, #tpu.memory_space<vmem>>) target(%dma_start3A_319 : memref<128xf32, #tpu.memory_space<hbm>>) target_semaphore(%run_scoped3A : memref<!tpu.dma_semaphore, #tpu.memory_space<semaphore_mem>>)
        %dma_wait3A_320 = tpu.memref_slice %arg8[%add3A_309] : memref<172032xf32, #tpu.memory_space<hbm>> -> memref<128xf32, #tpu.memory_space<hbm>>
        %dma_wait3A_321 = tpu.memref_slice %arg8[%add3A_309] : memref<172032xf32, #tpu.memory_space<hbm>> -> memref<128xf32, #tpu.memory_space<hbm>>
        tpu.wait_dma2 semaphore(%run_scoped3A : memref<!tpu.dma_semaphore, #tpu.memory_space<semaphore_mem>>) src(%arg15 : memref<128xf32, #tpu.memory_space<vmem>>) dst(%dma_wait3A_321 : memref<128xf32, #tpu.memory_space<hbm>>)
        tpu.yield
      }) : () -> ()
      %dma_wait3A = arith.constant 0 : i32
      %dma_wait3A_310 = arith.constant 0 : i32
      %dma_wait3A_311 = tpu.memref_slice %arg6[%dma_wait3A, %dma_wait3A_310] : memref<10000x128xf32, #tpu.memory_space<hbm>> -> memref<10000x128xf32, #tpu.memory_space<hbm>>
      tpu.wait_indirect_dma semaphore(%arg20 : memref<!tpu.dma_semaphore, #tpu.memory_space<semaphore_mem>>) src(%dma_wait3A_311 : memref<10000x128xf32, #tpu.memory_space<hbm>>) dst(%arg17 : memref<128x128xf32, #tpu.memory_space<vmem>>)
      %scan3A_312 = arith.constant 0 : i32
      %scan3A_313 = arith.constant 0 : i32
      %scan3A_314 = arith.constant 128 : i32
      %scan3A_315 = arith.addi %scan3A_313, %scan3A_314 : i32
      %scan3A_316 = arith.constant 1 : i32
      scf.for %scan3A_318 = %scan3A_313 to %scan3A_315 step %scan3A_316  : i32 {
        %broadcast_in_dim3A_319 = vector.broadcast %scan3A_318 : i32 to vector<16xi32>
        %gather3A_320 = tpu.vector_load_idx %arg15[%broadcast_in_dim3A_319] : memref<128xf32, #tpu.memory_space<vmem>>[vector<16xi32>], vector<16xf32>,
        %get3A_321 = arith.index_cast %scan3A_318 : i32 to index
        %get3A_322 = arith.constant 0 : index
        %get3A_323 = tpu.vector_load %arg17[%get3A_321, %get3A_322] {strides = array<i32>} : memref<128x128xf32, #tpu.memory_space<vmem>>, vector<16xf32>,
        %mul3A_324 = arith.mulf %get3A_323, %gather3A_320 : vector<16xf32>
        %swap3A_325 = arith.index_cast %scan3A_318 : i32 to index
        %swap3A_326 = arith.constant 0 : index
        %swap3A_327 = tpu.vector_load %arg17[%swap3A_325, %swap3A_326] {strides = array<i32>} : memref<128x128xf32, #tpu.memory_space<vmem>>, vector<16xf32>,
        tpu.vector_store %arg17[%swap3A_325, %swap3A_326], %mul3A_324 {strides = array<i32>} : memref<128x128xf32, #tpu.memory_space<vmem>>, vector<16xf32>,
        %get3A_328 = arith.index_cast %scan3A_318 : i32 to index
        %get3A_329 = arith.constant 16 : index
        %get3A_330 = tpu.vector_load %arg17[%get3A_328, %get3A_329] {strides = array<i32>} : memref<128x128xf32, #tpu.memory_space<vmem>>, vector<16xf32>,
        %mul3A_331 = arith.mulf %get3A_330, %gather3A_320 : vector<16xf32>
        %swap3A_332 = arith.index_cast %scan3A_318 : i32 to index
        %swap3A_333 = arith.constant 16 : index
        %swap3A_334 = tpu.vector_load %arg17[%swap3A_332, %swap3A_333] {strides = array<i32>} : memref<128x128xf32, #tpu.memory_space<vmem>>, vector<16xf32>,
        tpu.vector_store %arg17[%swap3A_332, %swap3A_333], %mul3A_331 {strides = array<i32>} : memref<128x128xf32, #tpu.memory_space<vmem>>, vector<16xf32>,
        %get3A_335 = arith.index_cast %scan3A_318 : i32 to index
        %get3A_336 = arith.constant 32 : index
        %get3A_337 = tpu.vector_load %arg17[%get3A_335, %get3A_336] {strides = array<i32>} : memref<128x128xf32, #tpu.memory_space<vmem>>, vector<16xf32>,
        %mul3A_338 = arith.mulf %get3A_337, %gather3A_320 : vector<16xf32>
        %swap3A_339 = arith.index_cast %scan3A_318 : i32 to index
        %swap3A_340 = arith.constant 32 : index
        %swap3A_341 = tpu.vector_load %arg17[%swap3A_339, %swap3A_340] {strides = array<i32>} : memref<128x128xf32, #tpu.memory_space<vmem>>, vector<16xf32>,
        tpu.vector_store %arg17[%swap3A_339, %swap3A_340], %mul3A_338 {strides = array<i32>} : memref<128x128xf32, #tpu.memory_space<vmem>>, vector<16xf32>,
        %get3A_342 = arith.index_cast %scan3A_318 : i32 to index
        %get3A_343 = arith.constant 48 : index
        %get3A_344 = tpu.vector_load %arg17[%get3A_342, %get3A_343] {strides = array<i32>} : memref<128x128xf32, #tpu.memory_space<vmem>>, vector<16xf32>,
        %mul3A_345 = arith.mulf %get3A_344, %gather3A_320 : vector<16xf32>
        %swap3A_346 = arith.index_cast %scan3A_318 : i32 to index
        %swap3A_347 = arith.constant 48 : index
        %swap3A_348 = tpu.vector_load %arg17[%swap3A_346, %swap3A_347] {strides = array<i32>} : memref<128x128xf32, #tpu.memory_space<vmem>>, vector<16xf32>,
        tpu.vector_store %arg17[%swap3A_346, %swap3A_347], %mul3A_345 {strides = array<i32>} : memref<128x128xf32, #tpu.memory_space<vmem>>, vector<16xf32>,
        %get3A_349 = arith.index_cast %scan3A_318 : i32 to index
        %get3A_350 = arith.constant 64 : index
        %get3A_351 = tpu.vector_load %arg17[%get3A_349, %get3A_350] {strides = array<i32>} : memref<128x128xf32, #tpu.memory_space<vmem>>, vector<16xf32>,
        %mul3A_352 = arith.mulf %get3A_351, %gather3A_320 : vector<16xf32>
        %swap3A_353 = arith.index_cast %scan3A_318 : i32 to index
        %swap3A_354 = arith.constant 64 : index
        %swap3A_355 = tpu.vector_load %arg17[%swap3A_353, %swap3A_354] {strides = array<i32>} : memref<128x128xf32, #tpu.memory_space<vmem>>, vector<16xf32>,
        tpu.vector_store %arg17[%swap3A_353, %swap3A_354], %mul3A_352 {strides = array<i32>} : memref<128x128xf32, #tpu.memory_space<vmem>>, vector<16xf32>,
        %get3A_356 = arith.index_cast %scan3A_318 : i32 to index
        %get3A_357 = arith.constant 80 : index
        %get3A_358 = tpu.vector_load %arg17[%get3A_356, %get3A_357] {strides = array<i32>} : memref<128x128xf32, #tpu.memory_space<vmem>>, vector<16xf32>,
        %mul3A_359 = arith.mulf %get3A_358, %gather3A_320 : vector<16xf32>
        %swap3A_360 = arith.index_cast %scan3A_318 : i32 to index
        %swap3A_361 = arith.constant 80 : index
        %swap3A_362 = tpu.vector_load %arg17[%swap3A_360, %swap3A_361] {strides = array<i32>} : memref<128x128xf32, #tpu.memory_space<vmem>>, vector<16xf32>,
        tpu.vector_store %arg17[%swap3A_360, %swap3A_361], %mul3A_359 {strides = array<i32>} : memref<128x128xf32, #tpu.memory_space<vmem>>, vector<16xf32>,
        %get3A_363 = arith.index_cast %scan3A_318 : i32 to index
        %get3A_364 = arith.constant 96 : index
        %get3A_365 = tpu.vector_load %arg17[%get3A_363, %get3A_364] {strides = array<i32>} : memref<128x128xf32, #tpu.memory_space<vmem>>, vector<16xf32>,
        %mul3A_366 = arith.mulf %get3A_365, %gather3A_320 : vector<16xf32>
        %swap3A_367 = arith.index_cast %scan3A_318 : i32 to index
        %swap3A_368 = arith.constant 96 : index
        %swap3A_369 = tpu.vector_load %arg17[%swap3A_367, %swap3A_368] {strides = array<i32>} : memref<128x128xf32, #tpu.memory_space<vmem>>, vector<16xf32>,
        tpu.vector_store %arg17[%swap3A_367, %swap3A_368], %mul3A_366 {strides = array<i32>} : memref<128x128xf32, #tpu.memory_space<vmem>>, vector<16xf32>,
        %get3A_370 = arith.index_cast %scan3A_318 : i32 to index
        %get3A_371 = arith.constant 112 : index
        %get3A_372 = tpu.vector_load %arg17[%get3A_370, %get3A_371] {strides = array<i32>} : memref<128x128xf32, #tpu.memory_space<vmem>>, vector<16xf32>,
        %mul3A_373 = arith.mulf %get3A_372, %gather3A_320 : vector<16xf32>
        %swap3A_374 = arith.index_cast %scan3A_318 : i32 to index
        %swap3A_375 = arith.constant 112 : index
        %swap3A_376 = tpu.vector_load %arg17[%swap3A_374, %swap3A_375] {strides = array<i32>} : memref<128x128xf32, #tpu.memory_space<vmem>>, vector<16xf32>,
        tpu.vector_store %arg17[%swap3A_374, %swap3A_375], %mul3A_373 {strides = array<i32>} : memref<128x128xf32, #tpu.memory_space<vmem>>, vector<16xf32>,
      }
      %scan3A_317 = arith.constant 128 : i32
      "tpu.region"() ({
        %run_scoped3A = tpu.sem_alloc : memref<!tpu.dma_semaphore, #tpu.memory_space<semaphore_mem>>
        %dma_start3A_318 = arith.constant 0 : i32
        %dma_start3A_319 = arith.constant 0 : i32
        %dma_start3A_320 = tpu.memref_slice %arg18[%dma_start3A_318, %dma_start3A_319] : memref<10240x128xf32, #tpu.memory_space<vmem_shared>> -> memref<10240x128xf32, #tpu.memory_space<vmem_shared>>
        tpu.enqueue_indirect_dma source(%arg17 : memref<128x128xf32, #tpu.memory_space<vmem>>) target(%dma_start3A_320 : memref<10240x128xf32, #tpu.memory_space<vmem_shared>>) offsets(%arg14 : memref<128xi32, #tpu.memory_space<vmem>>) semaphore(%run_scoped3A : memref<!tpu.dma_semaphore, #tpu.memory_space<semaphore_mem>>) {add = true}
        %dma_wait3A_321 = arith.constant 0 : i32
        %dma_wait3A_322 = arith.constant 0 : i32
        %dma_wait3A_323 = tpu.memref_slice %arg18[%dma_wait3A_321, %dma_wait3A_322] : memref<10240x128xf32, #tpu.memory_space<vmem_shared>> -> memref<10240x128xf32, #tpu.memory_space<vmem_shared>>
        tpu.wait_indirect_dma semaphore(%run_scoped3A : memref<!tpu.dma_semaphore, #tpu.memory_space<semaphore_mem>>) src(%arg17 : memref<128x128xf32, #tpu.memory_space<vmem>>) dst(%dma_wait3A_323 : memref<10240x128xf32, #tpu.memory_space<vmem_shared>>)
        tpu.yield
      }) : () -> ()
    }
    %scan3A_129 = arith.constant 42 : i32
    %barrier3A_130 = arith.constant 0 : index
    tpu.barrier barrier_id(%barrier3A_130)
    %mul3A_131 = arith.constant 640 : i32
    %mul3A_132 = arith.muli %arg1, %mul3A_131 : i32
    %add3A_133 = arith.constant 0 : i32
    %add3A_134 = arith.addi %mul3A_132, %add3A_133 : i32
    "tpu.region"() ({
      %run_scoped3A = tpu.sem_alloc : memref<!tpu.dma_semaphore, #tpu.memory_space<semaphore_mem>>
      %dma_start3A = arith.constant 0 : i32
      %dma_start3A_166 = tpu.memref_slice %arg18[%add3A_134, %dma_start3A] : memref<10240x128xf32, #tpu.memory_space<vmem_shared>> -> memref<128x128xf32, #tpu.memory_space<vmem_shared>>
      %dma_start3A_167 = arith.constant 0 : i32
      %dma_start3A_168 = tpu.memref_slice %arg18[%add3A_134, %dma_start3A_167] : memref<10240x128xf32, #tpu.memory_space<vmem_shared>> -> memref<128x128xf32, #tpu.memory_space<vmem_shared>>
      tpu.enqueue_dma source(%dma_start3A_168 : memref<128x128xf32, #tpu.memory_space<vmem_shared>>) target(%arg17 : memref<128x128xf32, #tpu.memory_space<vmem>>) target_semaphore(%run_scoped3A : memref<!tpu.dma_semaphore, #tpu.memory_space<semaphore_mem>>)
      %dma_wait3A = arith.constant 0 : i32
      %dma_wait3A_169 = tpu.memref_slice %arg18[%add3A_134, %dma_wait3A] : memref<10240x128xf32, #tpu.memory_space<vmem_shared>> -> memref<128x128xf32, #tpu.memory_space<vmem_shared>>
      %dma_wait3A_170 = arith.constant 0 : i32
      %dma_wait3A_171 = tpu.memref_slice %arg18[%add3A_134, %dma_wait3A_170] : memref<10240x128xf32, #tpu.memory_space<vmem_shared>> -> memref<128x128xf32, #tpu.memory_space<vmem_shared>>
      tpu.wait_dma2 semaphore(%run_scoped3A : memref<!tpu.dma_semaphore, #tpu.memory_space<semaphore_mem>>) src(%dma_wait3A_171 : memref<128x128xf32, #tpu.memory_space<vmem_shared>>) dst(%arg17 : memref<128x128xf32, #tpu.memory_space<vmem>>)
      tpu.yield
    }) : () -> ()
    %mul3A_135 = arith.constant 10240 : i32
    %mul3A_136 = arith.muli %arg0, %mul3A_135 : i32
    %add3A_137 = arith.addi %mul3A_136, %add3A_134 : i32
    "tpu.region"() ({
      %run_scoped3A = tpu.sem_alloc : memref<!tpu.dma_semaphore, #tpu.memory_space<semaphore_mem>>
      %dma_start3A = arith.constant 0 : i32
      %dma_start3A_166 = tpu.memref_slice %arg7[%add3A_137, %dma_start3A] : memref<20480x128xf32, #tpu.memory_space<hbm>> -> memref<128x128xf32, #tpu.memory_space<hbm>>
      %dma_start3A_167 = arith.constant 0 : i32
      %dma_start3A_168 = tpu.memref_slice %arg7[%add3A_137, %dma_start3A_167] : memref<20480x128xf32, #tpu.memory_space<hbm>> -> memref<128x128xf32, #tpu.memory_space<hbm>>
      tpu.enqueue_dma source(%arg17 : memref<128x128xf32, #tpu.memory_space<vmem>>) target(%dma_start3A_168 : memref<128x128xf32, #tpu.memory_space<hbm>>) target_semaphore(%run_scoped3A : memref<!tpu.dma_semaphore, #tpu.memory_space<semaphore_mem>>)
      %dma_wait3A = arith.constant 0 : i32
      %dma_wait3A_169 = tpu.memref_slice %arg7[%add3A_137, %dma_wait3A] : memref<20480x128xf32, #tpu.memory_space<hbm>> -> memref<128x128xf32, #tpu.memory_space<hbm>>
      %dma_wait3A_170 = arith.constant 0 : i32
      %dma_wait3A_171 = tpu.memref_slice %arg7[%add3A_137, %dma_wait3A_170] : memref<20480x128xf32, #tpu.memory_space<hbm>> -> memref<128x128xf32, #tpu.memory_space<hbm>>
      tpu.wait_dma2 semaphore(%run_scoped3A : memref<!tpu.dma_semaphore, #tpu.memory_space<semaphore_mem>>) src(%arg17 : memref<128x128xf32, #tpu.memory_space<vmem>>) dst(%dma_wait3A_171 : memref<128x128xf32, #tpu.memory_space<hbm>>)
      tpu.yield
    }) : () -> ()
    %mul3A_138 = arith.constant 640 : i32
    %mul3A_139 = arith.muli %arg1, %mul3A_138 : i32
    %add3A_140 = arith.constant 128 : i32
    %add3A_141 = arith.addi %mul3A_139, %add3A_140 : i32
    "tpu.region"() ({
      %run_scoped3A = tpu.sem_alloc : memref<!tpu.dma_semaphore, #tpu.memory_space<semaphore_mem>>
      %dma_start3A = arith.constant 0 : i32
      %dma_start3A_166 = tpu.memref_slice %arg18[%add3A_141, %dma_start3A] : memref<10240x128xf32, #tpu.memory_space<vmem_shared>> -> memref<128x128xf32, #tpu.memory_space<vmem_shared>>
      %dma_start3A_167 = arith.constant 0 : i32
      %dma_start3A_168 = tpu.memref_slice %arg18[%add3A_141, %dma_start3A_167] : memref<10240x128xf32, #tpu.memory_space<vmem_shared>> -> memref<128x128xf32, #tpu.memory_space<vmem_shared>>
      tpu.enqueue_dma source(%dma_start3A_168 : memref<128x128xf32, #tpu.memory_space<vmem_shared>>) target(%arg17 : memref<128x128xf32, #tpu.memory_space<vmem>>) target_semaphore(%run_scoped3A : memref<!tpu.dma_semaphore, #tpu.memory_space<semaphore_mem>>)
      %dma_wait3A = arith.constant 0 : i32
      %dma_wait3A_169 = tpu.memref_slice %arg18[%add3A_141, %dma_wait3A] : memref<10240x128xf32, #tpu.memory_space<vmem_shared>> -> memref<128x128xf32, #tpu.memory_space<vmem_shared>>
      %dma_wait3A_170 = arith.constant 0 : i32
      %dma_wait3A_171 = tpu.memref_slice %arg18[%add3A_141, %dma_wait3A_170] : memref<10240x128xf32, #tpu.memory_space<vmem_shared>> -> memref<128x128xf32, #tpu.memory_space<vmem_shared>>
      tpu.wait_dma2 semaphore(%run_scoped3A : memref<!tpu.dma_semaphore, #tpu.memory_space<semaphore_mem>>) src(%dma_wait3A_171 : memref<128x128xf32, #tpu.memory_space<vmem_shared>>) dst(%arg17 : memref<128x128xf32, #tpu.memory_space<vmem>>)
      tpu.yield
    }) : () -> ()
    %mul3A_142 = arith.constant 10240 : i32
    %mul3A_143 = arith.muli %arg0, %mul3A_142 : i32
    %add3A_144 = arith.addi %mul3A_143, %add3A_141 : i32
    "tpu.region"() ({
      %run_scoped3A = tpu.sem_alloc : memref<!tpu.dma_semaphore, #tpu.memory_space<semaphore_mem>>
      %dma_start3A = arith.constant 0 : i32
      %dma_start3A_166 = tpu.memref_slice %arg7[%add3A_144, %dma_start3A] : memref<20480x128xf32, #tpu.memory_space<hbm>> -> memref<128x128xf32, #tpu.memory_space<hbm>>
      %dma_start3A_167 = arith.constant 0 : i32
      %dma_start3A_168 = tpu.memref_slice %arg7[%add3A_144, %dma_start3A_167] : memref<20480x128xf32, #tpu.memory_space<hbm>> -> memref<128x128xf32, #tpu.memory_space<hbm>>
      tpu.enqueue_dma source(%arg17 : memref<128x128xf32, #tpu.memory_space<vmem>>) target(%dma_start3A_168 : memref<128x128xf32, #tpu.memory_space<hbm>>) target_semaphore(%run_scoped3A : memref<!tpu.dma_semaphore, #tpu.memory_space<semaphore_mem>>)
      %dma_wait3A = arith.constant 0 : i32
      %dma_wait3A_169 = tpu.memref_slice %arg7[%add3A_144, %dma_wait3A] : memref<20480x128xf32, #tpu.memory_space<hbm>> -> memref<128x128xf32, #tpu.memory_space<hbm>>
      %dma_wait3A_170 = arith.constant 0 : i32
      %dma_wait3A_171 = tpu.memref_slice %arg7[%add3A_144, %dma_wait3A_170] : memref<20480x128xf32, #tpu.memory_space<hbm>> -> memref<128x128xf32, #tpu.memory_space<hbm>>
      tpu.wait_dma2 semaphore(%run_scoped3A : memref<!tpu.dma_semaphore, #tpu.memory_space<semaphore_mem>>) src(%arg17 : memref<128x128xf32, #tpu.memory_space<vmem>>) dst(%dma_wait3A_171 : memref<128x128xf32, #tpu.memory_space<hbm>>)
      tpu.yield
    }) : () -> ()
    %mul3A_145 = arith.constant 640 : i32
    %mul3A_146 = arith.muli %arg1, %mul3A_145 : i32
    %add3A_147 = arith.constant 256 : i32
    %add3A_148 = arith.addi %mul3A_146, %add3A_147 : i32
    "tpu.region"() ({
      %run_scoped3A = tpu.sem_alloc : memref<!tpu.dma_semaphore, #tpu.memory_space<semaphore_mem>>
      %dma_start3A = arith.constant 0 : i32
      %dma_start3A_166 = tpu.memref_slice %arg18[%add3A_148, %dma_start3A] : memref<10240x128xf32, #tpu.memory_space<vmem_shared>> -> memref<128x128xf32, #tpu.memory_space<vmem_shared>>
      %dma_start3A_167 = arith.constant 0 : i32
      %dma_start3A_168 = tpu.memref_slice %arg18[%add3A_148, %dma_start3A_167] : memref<10240x128xf32, #tpu.memory_space<vmem_shared>> -> memref<128x128xf32, #tpu.memory_space<vmem_shared>>
      tpu.enqueue_dma source(%dma_start3A_168 : memref<128x128xf32, #tpu.memory_space<vmem_shared>>) target(%arg17 : memref<128x128xf32, #tpu.memory_space<vmem>>) target_semaphore(%run_scoped3A : memref<!tpu.dma_semaphore, #tpu.memory_space<semaphore_mem>>)
      %dma_wait3A = arith.constant 0 : i32
      %dma_wait3A_169 = tpu.memref_slice %arg18[%add3A_148, %dma_wait3A] : memref<10240x128xf32, #tpu.memory_space<vmem_shared>> -> memref<128x128xf32, #tpu.memory_space<vmem_shared>>
      %dma_wait3A_170 = arith.constant 0 : i32
      %dma_wait3A_171 = tpu.memref_slice %arg18[%add3A_148, %dma_wait3A_170] : memref<10240x128xf32, #tpu.memory_space<vmem_shared>> -> memref<128x128xf32, #tpu.memory_space<vmem_shared>>
      tpu.wait_dma2 semaphore(%run_scoped3A : memref<!tpu.dma_semaphore, #tpu.memory_space<semaphore_mem>>) src(%dma_wait3A_171 : memref<128x128xf32, #tpu.memory_space<vmem_shared>>) dst(%arg17 : memref<128x128xf32, #tpu.memory_space<vmem>>)
      tpu.yield
    }) : () -> ()
    %mul3A_149 = arith.constant 10240 : i32
    %mul3A_150 = arith.muli %arg0, %mul3A_149 : i32
    %add3A_151 = arith.addi %mul3A_150, %add3A_148 : i32
    "tpu.region"() ({
      %run_scoped3A = tpu.sem_alloc : memref<!tpu.dma_semaphore, #tpu.memory_space<semaphore_mem>>
      %dma_start3A = arith.constant 0 : i32
      %dma_start3A_166 = tpu.memref_slice %arg7[%add3A_151, %dma_start3A] : memref<20480x128xf32, #tpu.memory_space<hbm>> -> memref<128x128xf32, #tpu.memory_space<hbm>>
      %dma_start3A_167 = arith.constant 0 : i32
      %dma_start3A_168 = tpu.memref_slice %arg7[%add3A_151, %dma_start3A_167] : memref<20480x128xf32, #tpu.memory_space<hbm>> -> memref<128x128xf32, #tpu.memory_space<hbm>>
      tpu.enqueue_dma source(%arg17 : memref<128x128xf32, #tpu.memory_space<vmem>>) target(%dma_start3A_168 : memref<128x128xf32, #tpu.memory_space<hbm>>) target_semaphore(%run_scoped3A : memref<!tpu.dma_semaphore, #tpu.memory_space<semaphore_mem>>)
      %dma_wait3A = arith.constant 0 : i32
      %dma_wait3A_169 = tpu.memref_slice %arg7[%add3A_151, %dma_wait3A] : memref<20480x128xf32, #tpu.memory_space<hbm>> -> memref<128x128xf32, #tpu.memory_space<hbm>>
      %dma_wait3A_170 = arith.constant 0 : i32
      %dma_wait3A_171 = tpu.memref_slice %arg7[%add3A_151, %dma_wait3A_170] : memref<20480x128xf32, #tpu.memory_space<hbm>> -> memref<128x128xf32, #tpu.memory_space<hbm>>
      tpu.wait_dma2 semaphore(%run_scoped3A : memref<!tpu.dma_semaphore, #tpu.memory_space<semaphore_mem>>) src(%arg17 : memref<128x128xf32, #tpu.memory_space<vmem>>) dst(%dma_wait3A_171 : memref<128x128xf32, #tpu.memory_space<hbm>>)
      tpu.yield
    }) : () -> ()
    %mul3A_152 = arith.constant 640 : i32
    %mul3A_153 = arith.muli %arg1, %mul3A_152 : i32
    %add3A_154 = arith.constant 384 : i32
    %add3A_155 = arith.addi %mul3A_153, %add3A_154 : i32
    "tpu.region"() ({
      %run_scoped3A = tpu.sem_alloc : memref<!tpu.dma_semaphore, #tpu.memory_space<semaphore_mem>>
      %dma_start3A = arith.constant 0 : i32
      %dma_start3A_166 = tpu.memref_slice %arg18[%add3A_155, %dma_start3A] : memref<10240x128xf32, #tpu.memory_space<vmem_shared>> -> memref<128x128xf32, #tpu.memory_space<vmem_shared>>
      %dma_start3A_167 = arith.constant 0 : i32
      %dma_start3A_168 = tpu.memref_slice %arg18[%add3A_155, %dma_start3A_167] : memref<10240x128xf32, #tpu.memory_space<vmem_shared>> -> memref<128x128xf32, #tpu.memory_space<vmem_shared>>
      tpu.enqueue_dma source(%dma_start3A_168 : memref<128x128xf32, #tpu.memory_space<vmem_shared>>) target(%arg17 : memref<128x128xf32, #tpu.memory_space<vmem>>) target_semaphore(%run_scoped3A : memref<!tpu.dma_semaphore, #tpu.memory_space<semaphore_mem>>)
      %dma_wait3A = arith.constant 0 : i32
      %dma_wait3A_169 = tpu.memref_slice %arg18[%add3A_155, %dma_wait3A] : memref<10240x128xf32, #tpu.memory_space<vmem_shared>> -> memref<128x128xf32, #tpu.memory_space<vmem_shared>>
      %dma_wait3A_170 = arith.constant 0 : i32
      %dma_wait3A_171 = tpu.memref_slice %arg18[%add3A_155, %dma_wait3A_170] : memref<10240x128xf32, #tpu.memory_space<vmem_shared>> -> memref<128x128xf32, #tpu.memory_space<vmem_shared>>
      tpu.wait_dma2 semaphore(%run_scoped3A : memref<!tpu.dma_semaphore, #tpu.memory_space<semaphore_mem>>) src(%dma_wait3A_171 : memref<128x128xf32, #tpu.memory_space<vmem_shared>>) dst(%arg17 : memref<128x128xf32, #tpu.memory_space<vmem>>)
      tpu.yield
    }) : () -> ()
    %mul3A_156 = arith.constant 10240 : i32
    %mul3A_157 = arith.muli %arg0, %mul3A_156 : i32
    %add3A_158 = arith.addi %mul3A_157, %add3A_155 : i32
    "tpu.region"() ({
      %run_scoped3A = tpu.sem_alloc : memref<!tpu.dma_semaphore, #tpu.memory_space<semaphore_mem>>
      %dma_start3A = arith.constant 0 : i32
      %dma_start3A_166 = tpu.memref_slice %arg7[%add3A_158, %dma_start3A] : memref<20480x128xf32, #tpu.memory_space<hbm>> -> memref<128x128xf32, #tpu.memory_space<hbm>>
      %dma_start3A_167 = arith.constant 0 : i32
      %dma_start3A_168 = tpu.memref_slice %arg7[%add3A_158, %dma_start3A_167] : memref<20480x128xf32, #tpu.memory_space<hbm>> -> memref<128x128xf32, #tpu.memory_space<hbm>>
      tpu.enqueue_dma source(%arg17 : memref<128x128xf32, #tpu.memory_space<vmem>>) target(%dma_start3A_168 : memref<128x128xf32, #tpu.memory_space<hbm>>) target_semaphore(%run_scoped3A : memref<!tpu.dma_semaphore, #tpu.memory_space<semaphore_mem>>)
      %dma_wait3A = arith.constant 0 : i32
      %dma_wait3A_169 = tpu.memref_slice %arg7[%add3A_158, %dma_wait3A] : memref<20480x128xf32, #tpu.memory_space<hbm>> -> memref<128x128xf32, #tpu.memory_space<hbm>>
      %dma_wait3A_170 = arith.constant 0 : i32
      %dma_wait3A_171 = tpu.memref_slice %arg7[%add3A_158, %dma_wait3A_170] : memref<20480x128xf32, #tpu.memory_space<hbm>> -> memref<128x128xf32, #tpu.memory_space<hbm>>
      tpu.wait_dma2 semaphore(%run_scoped3A : memref<!tpu.dma_semaphore, #tpu.memory_space<semaphore_mem>>) src(%arg17 : memref<128x128xf32, #tpu.memory_space<vmem>>) dst(%dma_wait3A_171 : memref<128x128xf32, #tpu.memory_space<hbm>>)
      tpu.yield
    }) : () -> ()
    %mul3A_159 = arith.constant 640 : i32
    %mul3A_160 = arith.muli %arg1, %mul3A_159 : i32
    %add3A_161 = arith.constant 512 : i32
    %add3A_162 = arith.addi %mul3A_160, %add3A_161 : i32
    "tpu.region"() ({
      %run_scoped3A = tpu.sem_alloc : memref<!tpu.dma_semaphore, #tpu.memory_space<semaphore_mem>>
      %dma_start3A = arith.constant 0 : i32
      %dma_start3A_166 = tpu.memref_slice %arg18[%add3A_162, %dma_start3A] : memref<10240x128xf32, #tpu.memory_space<vmem_shared>> -> memref<128x128xf32, #tpu.memory_space<vmem_shared>>
      %dma_start3A_167 = arith.constant 0 : i32
      %dma_start3A_168 = tpu.memref_slice %arg18[%add3A_162, %dma_start3A_167] : memref<10240x128xf32, #tpu.memory_space<vmem_shared>> -> memref<128x128xf32, #tpu.memory_space<vmem_shared>>
      tpu.enqueue_dma source(%dma_start3A_168 : memref<128x128xf32, #tpu.memory_space<vmem_shared>>) target(%arg17 : memref<128x128xf32, #tpu.memory_space<vmem>>) target_semaphore(%run_scoped3A : memref<!tpu.dma_semaphore, #tpu.memory_space<semaphore_mem>>)
      %dma_wait3A = arith.constant 0 : i32
      %dma_wait3A_169 = tpu.memref_slice %arg18[%add3A_162, %dma_wait3A] : memref<10240x128xf32, #tpu.memory_space<vmem_shared>> -> memref<128x128xf32, #tpu.memory_space<vmem_shared>>
      %dma_wait3A_170 = arith.constant 0 : i32
      %dma_wait3A_171 = tpu.memref_slice %arg18[%add3A_162, %dma_wait3A_170] : memref<10240x128xf32, #tpu.memory_space<vmem_shared>> -> memref<128x128xf32, #tpu.memory_space<vmem_shared>>
      tpu.wait_dma2 semaphore(%run_scoped3A : memref<!tpu.dma_semaphore, #tpu.memory_space<semaphore_mem>>) src(%dma_wait3A_171 : memref<128x128xf32, #tpu.memory_space<vmem_shared>>) dst(%arg17 : memref<128x128xf32, #tpu.memory_space<vmem>>)
      tpu.yield
    }) : () -> ()
    %mul3A_163 = arith.constant 10240 : i32
    %mul3A_164 = arith.muli %arg0, %mul3A_163 : i32
    %add3A_165 = arith.addi %mul3A_164, %add3A_162 : i32
    "tpu.region"() ({
      %run_scoped3A = tpu.sem_alloc : memref<!tpu.dma_semaphore, #tpu.memory_space<semaphore_mem>>
      %dma_start3A = arith.constant 0 : i32
      %dma_start3A_166 = tpu.memref_slice %arg7[%add3A_165, %dma_start3A] : memref<20480x128xf32, #tpu.memory_space<hbm>> -> memref<128x128xf32, #tpu.memory_space<hbm>>
      %dma_start3A_167 = arith.constant 0 : i32
      %dma_start3A_168 = tpu.memref_slice %arg7[%add3A_165, %dma_start3A_167] : memref<20480x128xf32, #tpu.memory_space<hbm>> -> memref<128x128xf32, #tpu.memory_space<hbm>>
      tpu.enqueue_dma source(%arg17 : memref<128x128xf32, #tpu.memory_space<vmem>>) target(%dma_start3A_168 : memref<128x128xf32, #tpu.memory_space<hbm>>) target_semaphore(%run_scoped3A : memref<!tpu.dma_semaphore, #tpu.memory_space<semaphore_mem>>)
      %dma_wait3A = arith.constant 0 : i32
      %dma_wait3A_169 = tpu.memref_slice %arg7[%add3A_165, %dma_wait3A] : memref<20480x128xf32, #tpu.memory_space<hbm>> -> memref<128x128xf32, #tpu.memory_space<hbm>>
      %dma_wait3A_170 = arith.constant 0 : i32
      %dma_wait3A_171 = tpu.memref_slice %arg7[%add3A_165, %dma_wait3A_170] : memref<20480x128xf32, #tpu.memory_space<hbm>> -> memref<128x128xf32, #tpu.memory_space<hbm>>
      tpu.wait_dma2 semaphore(%run_scoped3A : memref<!tpu.dma_semaphore, #tpu.memory_space<semaphore_mem>>) src(%arg17 : memref<128x128xf32, #tpu.memory_space<vmem>>) dst(%dma_wait3A_171 : memref<128x128xf32, #tpu.memory_space<hbm>>)
      tpu.yield
    }) : () -> ()
    return
  }
}

module attributes {stable_mosaic.version = 14 : i64} {
  func.func @body(%arg0: memref<10000x128xf32, #tpu.memory_space<vmem>>, %arg1: memref<128x256xf32, #tpu.memory_space<vmem>>, %arg2: memref<2x128xf32, #tpu.memory_space<vmem>>, %arg3: memref<2x128xf32, #tpu.memory_space<vmem>>, %arg4: memref<20000x128xf32, #tpu.memory_space<vmem>>, %arg5: memref<20000xf32, #tpu.memory_space<vmem>>, %arg6: memref<20000xf32, #tpu.memory_space<vmem>>) attributes {dimension_semantics = [], scalar_prefetch = 0 : i64, scratch_operands = 0 : i64, tpu.core_type = #tpu.core_type<tc>} {
    %get3A = arith.constant 0 : index
    %get3A_0 = arith.constant 0 : index
    %get3A_1 = vector.load %arg0[%get3A, %get3A_0] : memref<10000x128xf32, #tpu.memory_space<vmem>>, vector<10000x128xf32>
    %get3A_2 = arith.constant 0 : index
    %get3A_3 = arith.constant 0 : index
    %get3A_4 = vector.load %arg1[%get3A_2, %get3A_3] : memref<128x256xf32, #tpu.memory_space<vmem>>, vector<128x128xf32>
    %dot_general3A = arith.constant dense<0.000000e+00> : vector<10000x128xf32>
    %dot_general3A_5 = tpu.matmul %get3A_1, %get3A_4, %dot_general3A {dimension_numbers = #tpu.dot_dimension_numbers<[1], [0], [0], [1], [0, 0, 1, 1], [], []>, transpose_lhs_hint = false} : vector<10000x128xf32>, vector<128x128xf32>, vector<10000x128xf32> -> vector<10000x128xf32>
    %swap3A = arith.constant 0 : index
    %swap3A_6 = arith.constant 0 : index
    %swap3A_7 = vector.load %arg4[%swap3A, %swap3A_6] : memref<20000x128xf32, #tpu.memory_space<vmem>>, vector<10000x128xf32>
    tpu.vector_store %arg4[%swap3A, %swap3A_6], %dot_general3A_5 {strides = array<i32>} : memref<20000x128xf32, #tpu.memory_space<vmem>>, vector<10000x128xf32>,
    %get3A_8 = arith.constant 0 : index
    %get3A_9 = arith.constant 0 : index
    %get3A_10 = vector.load %arg2[%get3A_8, %get3A_9] : memref<2x128xf32, #tpu.memory_space<vmem>>, vector<1x128xf32>
    %get3A_11 = vector.shape_cast %get3A_10 : vector<1x128xf32> to vector<128xf32>
    %broadcast_in_dim3A = vector.shape_cast %get3A_11 : vector<128xf32> to vector<1x128xf32>
    %mul3A = vector.broadcast %broadcast_in_dim3A : vector<1x128xf32> to vector<10000x128xf32>
    %mul3A_12 = arith.mulf %dot_general3A_5, %mul3A : vector<10000x128xf32>
    %reduce_sum3A = arith.constant dense<0.000000e+00> : vector<10000xf32>
    %reduce_sum3A_13 = vector.multi_reduction <add>, %mul3A_12, %reduce_sum3A [1] : vector<10000x128xf32> to vector<10000xf32>
    %swap3A_14 = arith.constant 0 : index
    %swap3A_15 = vector.load %arg5[%swap3A_14] : memref<20000xf32, #tpu.memory_space<vmem>>, vector<10000xf32>
    tpu.vector_store %arg5[%swap3A_14], %reduce_sum3A_13 {strides = array<i32>} : memref<20000xf32, #tpu.memory_space<vmem>>, vector<10000xf32>,
    %get3A_16 = arith.constant 0 : index
    %get3A_17 = arith.constant 0 : index
    %get3A_18 = vector.load %arg3[%get3A_16, %get3A_17] : memref<2x128xf32, #tpu.memory_space<vmem>>, vector<1x128xf32>
    %get3A_19 = vector.shape_cast %get3A_18 : vector<1x128xf32> to vector<128xf32>
    %broadcast_in_dim3A_20 = vector.shape_cast %get3A_19 : vector<128xf32> to vector<1x128xf32>
    %mul3A_21 = vector.broadcast %broadcast_in_dim3A_20 : vector<1x128xf32> to vector<10000x128xf32>
    %mul3A_22 = arith.mulf %dot_general3A_5, %mul3A_21 : vector<10000x128xf32>
    %reduce_sum3A_23 = arith.constant dense<0.000000e+00> : vector<10000xf32>
    %reduce_sum3A_24 = vector.multi_reduction <add>, %mul3A_22, %reduce_sum3A_23 [1] : vector<10000x128xf32> to vector<10000xf32>
    %swap3A_25 = arith.constant 0 : index
    %swap3A_26 = vector.load %arg6[%swap3A_25] : memref<20000xf32, #tpu.memory_space<vmem>>, vector<10000xf32>
    tpu.vector_store %arg6[%swap3A_25], %reduce_sum3A_24 {strides = array<i32>} : memref<20000xf32, #tpu.memory_space<vmem>>, vector<10000xf32>,
    %get3A_27 = arith.constant 0 : index
    %get3A_28 = arith.constant 128 : index
    %get3A_29 = vector.load %arg1[%get3A_27, %get3A_28] : memref<128x256xf32, #tpu.memory_space<vmem>>, vector<128x128xf32>
    %dot_general3A_30 = arith.constant dense<0.000000e+00> : vector<10000x128xf32>
    %dot_general3A_31 = tpu.matmul %get3A_1, %get3A_29, %dot_general3A_30 {dimension_numbers = #tpu.dot_dimension_numbers<[1], [0], [0], [1], [0, 0, 1, 1], [], []>, transpose_lhs_hint = false} : vector<10000x128xf32>, vector<128x128xf32>, vector<10000x128xf32> -> vector<10000x128xf32>
    %swap3A_32 = arith.constant 10000 : index
    %swap3A_33 = arith.constant 0 : index
    %swap3A_34 = vector.load %arg4[%swap3A_32, %swap3A_33] : memref<20000x128xf32, #tpu.memory_space<vmem>>, vector<10000x128xf32>
    tpu.vector_store %arg4[%swap3A_32, %swap3A_33], %dot_general3A_31 {strides = array<i32>} : memref<20000x128xf32, #tpu.memory_space<vmem>>, vector<10000x128xf32>,
    %get3A_35 = arith.constant 1 : index
    %get3A_36 = arith.constant 0 : index
    %get3A_37 = vector.load %arg2[%get3A_35, %get3A_36] : memref<2x128xf32, #tpu.memory_space<vmem>>, vector<1x128xf32>
    %get3A_38 = vector.shape_cast %get3A_37 : vector<1x128xf32> to vector<128xf32>
    %broadcast_in_dim3A_39 = vector.shape_cast %get3A_38 : vector<128xf32> to vector<1x128xf32>
    %mul3A_40 = vector.broadcast %broadcast_in_dim3A_39 : vector<1x128xf32> to vector<10000x128xf32>
    %mul3A_41 = arith.mulf %dot_general3A_31, %mul3A_40 : vector<10000x128xf32>
    %reduce_sum3A_42 = arith.constant dense<0.000000e+00> : vector<10000xf32>
    %reduce_sum3A_43 = vector.multi_reduction <add>, %mul3A_41, %reduce_sum3A_42 [1] : vector<10000x128xf32> to vector<10000xf32>
    %swap3A_44 = arith.constant 10000 : index
    %swap3A_45 = vector.load %arg5[%swap3A_44] : memref<20000xf32, #tpu.memory_space<vmem>>, vector<10000xf32>
    tpu.vector_store %arg5[%swap3A_44], %reduce_sum3A_43 {strides = array<i32>} : memref<20000xf32, #tpu.memory_space<vmem>>, vector<10000xf32>,
    %get3A_46 = arith.constant 1 : index
    %get3A_47 = arith.constant 0 : index
    %get3A_48 = vector.load %arg3[%get3A_46, %get3A_47] : memref<2x128xf32, #tpu.memory_space<vmem>>, vector<1x128xf32>
    %get3A_49 = vector.shape_cast %get3A_48 : vector<1x128xf32> to vector<128xf32>
    %broadcast_in_dim3A_50 = vector.shape_cast %get3A_49 : vector<128xf32> to vector<1x128xf32>
    %mul3A_51 = vector.broadcast %broadcast_in_dim3A_50 : vector<1x128xf32> to vector<10000x128xf32>
    %mul3A_52 = arith.mulf %dot_general3A_31, %mul3A_51 : vector<10000x128xf32>
    %reduce_sum3A_53 = arith.constant dense<0.000000e+00> : vector<10000xf32>
    %reduce_sum3A_54 = vector.multi_reduction <add>, %mul3A_52, %reduce_sum3A_53 [1] : vector<10000x128xf32> to vector<10000xf32>
    %swap3A_55 = arith.constant 10000 : index
    %swap3A_56 = vector.load %arg6[%swap3A_55] : memref<20000xf32, #tpu.memory_space<vmem>>, vector<10000xf32>
    tpu.vector_store %arg6[%swap3A_55], %reduce_sum3A_54 {strides = array<i32>} : memref<20000xf32, #tpu.memory_space<vmem>>, vector<10000xf32>,
    return
  }
}

module attributes {stable_mosaic.version = 14 : i64} {
  func.func @body(%arg0: memref<2x10000x128xf32, #tpu.memory_space<vmem>>, %arg1: memref<256xf32, #tpu.memory_space<vmem>>, %arg2: memref<256x128xf32, #tpu.memory_space<vmem>>, %arg3: memref<1x128xf32, #tpu.memory_space<vmem>>, %arg4: memref<1x128xf32, #tpu.memory_space<vmem>>, %arg5: memref<10000x128xf32, #tpu.memory_space<vmem>>, %arg6: memref<10000xf32, #tpu.memory_space<vmem>>, %arg7: memref<10000xf32, #tpu.memory_space<vmem>>) attributes {dimension_semantics = [], scalar_prefetch = 0 : i64, scratch_operands = 0 : i64, tpu.core_type = #tpu.core_type<tc>} {
    %get3A = arith.constant 0 : index
    %get3A_0 = arith.constant 0 : index
    %get3A_1 = arith.constant 0 : index
    %get3A_2 = vector.load %arg0[%get3A, %get3A_0, %get3A_1] : memref<2x10000x128xf32, #tpu.memory_space<vmem>>, vector<1x10000x128xf32>
    %get3A_3 = vector.shape_cast %get3A_2 : vector<1x10000x128xf32> to vector<10000x128xf32>
    %get3A_4 = arith.constant 0 : index
    %get3A_5 = vector.load %arg1[%get3A_4] : memref<256xf32, #tpu.memory_space<vmem>>, vector<128xf32>
    %broadcast_in_dim3A = vector.shape_cast %get3A_5 : vector<128xf32> to vector<1x128xf32>
    %add3A = vector.broadcast %broadcast_in_dim3A : vector<1x128xf32> to vector<10000x128xf32>
    %add3A_6 = arith.addf %get3A_3, %add3A : vector<10000x128xf32>
    %gt3A = arith.constant 0.000000e+00 : f32
    %gt3A_7 = vector.broadcast %gt3A : f32 to vector<10000x128xf32>
    %gt3A_8 = arith.cmpf ogt, %add3A_6, %gt3A_7 : vector<10000x128xf32>
    %exp3A = math.exp %add3A_6 : vector<10000x128xf32>
    %sub3A = arith.constant 1.000000e+00 : f32
    %sub3A_9 = vector.broadcast %sub3A : f32 to vector<10000x128xf32>
    %sub3A_10 = arith.subf %exp3A, %sub3A_9 : vector<10000x128xf32>
    %select_n3A = arith.select %gt3A_8, %add3A_6, %sub3A_10 : vector<10000x128xi1>, vector<10000x128xf32>
    %get3A_11 = arith.constant 0 : index
    %get3A_12 = arith.constant 0 : index
    %get3A_13 = vector.load %arg2[%get3A_11, %get3A_12] : memref<256x128xf32, #tpu.memory_space<vmem>>, vector<128x128xf32>
    %dot_general3A = arith.constant dense<0.000000e+00> : vector<10000x128xf32>
    %dot_general3A_14 = tpu.matmul %select_n3A, %get3A_13, %dot_general3A {dimension_numbers = #tpu.dot_dimension_numbers<[1], [0], [0], [1], [0, 0, 1, 1], [], []>, transpose_lhs_hint = false} : vector<10000x128xf32>, vector<128x128xf32>, vector<10000x128xf32> -> vector<10000x128xf32>
    %get3A_15 = arith.constant 1 : index
    %get3A_16 = arith.constant 0 : index
    %get3A_17 = arith.constant 0 : index
    %get3A_18 = vector.load %arg0[%get3A_15, %get3A_16, %get3A_17] : memref<2x10000x128xf32, #tpu.memory_space<vmem>>, vector<1x10000x128xf32>
    %get3A_19 = vector.shape_cast %get3A_18 : vector<1x10000x128xf32> to vector<10000x128xf32>
    %get3A_20 = arith.constant 128 : index
    %get3A_21 = vector.load %arg1[%get3A_20] : memref<256xf32, #tpu.memory_space<vmem>>, vector<128xf32>
    %broadcast_in_dim3A_22 = vector.shape_cast %get3A_21 : vector<128xf32> to vector<1x128xf32>
    %add3A_23 = vector.broadcast %broadcast_in_dim3A_22 : vector<1x128xf32> to vector<10000x128xf32>
    %add3A_24 = arith.addf %get3A_19, %add3A_23 : vector<10000x128xf32>
    %gt3A_25 = arith.constant 0.000000e+00 : f32
    %gt3A_26 = vector.broadcast %gt3A_25 : f32 to vector<10000x128xf32>
    %gt3A_27 = arith.cmpf ogt, %add3A_24, %gt3A_26 : vector<10000x128xf32>
    %exp3A_28 = math.exp %add3A_24 : vector<10000x128xf32>
    %sub3A_29 = arith.constant 1.000000e+00 : f32
    %sub3A_30 = vector.broadcast %sub3A_29 : f32 to vector<10000x128xf32>
    %sub3A_31 = arith.subf %exp3A_28, %sub3A_30 : vector<10000x128xf32>
    %select_n3A_32 = arith.select %gt3A_27, %add3A_24, %sub3A_31 : vector<10000x128xi1>, vector<10000x128xf32>
    %get3A_33 = arith.constant 128 : index
    %get3A_34 = arith.constant 0 : index
    %get3A_35 = vector.load %arg2[%get3A_33, %get3A_34] : memref<256x128xf32, #tpu.memory_space<vmem>>, vector<128x128xf32>
    %dot_general3A_36 = arith.constant dense<0.000000e+00> : vector<10000x128xf32>
    %dot_general3A_37 = tpu.matmul %select_n3A_32, %get3A_35, %dot_general3A_36 {dimension_numbers = #tpu.dot_dimension_numbers<[1], [0], [0], [1], [0, 0, 1, 1], [], []>, transpose_lhs_hint = false} : vector<10000x128xf32>, vector<128x128xf32>, vector<10000x128xf32> -> vector<10000x128xf32>
    %add3A_38 = arith.addf %dot_general3A_14, %dot_general3A_37 : vector<10000x128xf32>
    %swap3A = arith.constant 0 : index
    %swap3A_39 = arith.constant 0 : index
    %swap3A_40 = vector.load %arg5[%swap3A, %swap3A_39] : memref<10000x128xf32, #tpu.memory_space<vmem>>, vector<10000x128xf32>
    tpu.vector_store %arg5[%swap3A, %swap3A_39], %add3A_38 {strides = array<i32>} : memref<10000x128xf32, #tpu.memory_space<vmem>>, vector<10000x128xf32>,
    %get3A_41 = arith.constant 0 : index
    %get3A_42 = arith.constant 0 : index
    %get3A_43 = vector.load %arg3[%get3A_41, %get3A_42] : memref<1x128xf32, #tpu.memory_space<vmem>>, vector<1x128xf32>
    %get3A_44 = vector.shape_cast %get3A_43 : vector<1x128xf32> to vector<128xf32>
    %broadcast_in_dim3A_45 = vector.shape_cast %get3A_44 : vector<128xf32> to vector<1x128xf32>
    %mul3A = vector.broadcast %broadcast_in_dim3A_45 : vector<1x128xf32> to vector<10000x128xf32>
    %mul3A_46 = arith.mulf %add3A_38, %mul3A : vector<10000x128xf32>
    %reduce_sum3A = arith.constant dense<0.000000e+00> : vector<10000xf32>
    %reduce_sum3A_47 = vector.multi_reduction <add>, %mul3A_46, %reduce_sum3A [1] : vector<10000x128xf32> to vector<10000xf32>
    %swap3A_48 = arith.constant 0 : index
    %swap3A_49 = vector.load %arg6[%swap3A_48] : memref<10000xf32, #tpu.memory_space<vmem>>, vector<10000xf32>
    tpu.vector_store %arg6[%swap3A_48], %reduce_sum3A_47 {strides = array<i32>} : memref<10000xf32, #tpu.memory_space<vmem>>, vector<10000xf32>,
    %get3A_50 = arith.constant 0 : index
    %get3A_51 = arith.constant 0 : index
    %get3A_52 = vector.load %arg4[%get3A_50, %get3A_51] : memref<1x128xf32, #tpu.memory_space<vmem>>, vector<1x128xf32>
    %get3A_53 = vector.shape_cast %get3A_52 : vector<1x128xf32> to vector<128xf32>
    %broadcast_in_dim3A_54 = vector.shape_cast %get3A_53 : vector<128xf32> to vector<1x128xf32>
    %mul3A_55 = vector.broadcast %broadcast_in_dim3A_54 : vector<1x128xf32> to vector<10000x128xf32>
    %mul3A_56 = arith.mulf %add3A_38, %mul3A_55 : vector<10000x128xf32>
    %reduce_sum3A_57 = arith.constant dense<0.000000e+00> : vector<10000xf32>
    %reduce_sum3A_58 = vector.multi_reduction <add>, %mul3A_56, %reduce_sum3A_57 [1] : vector<10000x128xf32> to vector<10000xf32>
    %swap3A_59 = arith.constant 0 : index
    %swap3A_60 = vector.load %arg7[%swap3A_59] : memref<10000xf32, #tpu.memory_space<vmem>>, vector<10000xf32>
    tpu.vector_store %arg7[%swap3A_59], %reduce_sum3A_58 {strides = array<i32>} : memref<10000xf32, #tpu.memory_space<vmem>>, vector<10000xf32>,
    return
  }
}

module attributes {stable_mosaic.version = 14 : i64} {
  func.func @body(%arg0: memref<2x10000x128xf32, #tpu.memory_space<vmem>>, %arg1: memref<128xf32, #tpu.memory_space<vmem>>, %arg2: memref<10000x128xf32, #tpu.memory_space<vmem>>) attributes {dimension_semantics = [], scalar_prefetch = 0 : i64, scratch_operands = 0 : i64, tpu.core_type = #tpu.core_type<tc>} {
    %get3A = arith.constant 0 : index
    %get3A_0 = arith.constant 0 : index
    %get3A_1 = arith.constant 0 : index
    %get3A_2 = vector.load %arg0[%get3A, %get3A_0, %get3A_1] : memref<2x10000x128xf32, #tpu.memory_space<vmem>>, vector<1x10000x128xf32>
    %get3A_3 = vector.shape_cast %get3A_2 : vector<1x10000x128xf32> to vector<10000x128xf32>
    %get3A_4 = arith.constant 1 : index
    %get3A_5 = arith.constant 0 : index
    %get3A_6 = arith.constant 0 : index
    %get3A_7 = vector.load %arg0[%get3A_4, %get3A_5, %get3A_6] : memref<2x10000x128xf32, #tpu.memory_space<vmem>>, vector<1x10000x128xf32>
    %get3A_8 = vector.shape_cast %get3A_7 : vector<1x10000x128xf32> to vector<10000x128xf32>
    %add3A = arith.addf %get3A_3, %get3A_8 : vector<10000x128xf32>
    %get3A_9 = arith.constant 0 : index
    %get3A_10 = vector.load %arg1[%get3A_9] : memref<128xf32, #tpu.memory_space<vmem>>, vector<128xf32>
    %broadcast_in_dim3A = vector.shape_cast %get3A_10 : vector<128xf32> to vector<1x128xf32>
    %add3A_11 = vector.broadcast %broadcast_in_dim3A : vector<1x128xf32> to vector<10000x128xf32>
    %add3A_12 = arith.addf %add3A, %add3A_11 : vector<10000x128xf32>
    %swap3A = arith.constant 0 : index
    %swap3A_13 = arith.constant 0 : index
    %swap3A_14 = vector.load %arg2[%swap3A, %swap3A_13] : memref<10000x128xf32, #tpu.memory_space<vmem>>, vector<10000x128xf32>
    tpu.vector_store %arg2[%swap3A, %swap3A_13], %add3A_12 {strides = array<i32>} : memref<10000x128xf32, #tpu.memory_space<vmem>>, vector<10000x128xf32>,
    return
  }
}

</mosaic_0001>

<sc_bundles>
// kernel: kernel.10.cloned.1.call-start
scs
__scs_entry_jumppad:
0x0: {  	(pc) =	sbr.rel $0x88, $3  }
0x1: {  	(tag) =	ssettag $0x0;
	lr =	simm.s32 $0x1  }
0x2: {  	[smem:$0x3F97] =	sst lr;
	_ =	strace $0xD0000000  }
0x3: {  	_ = 	snop  }
0x4: {  	_ = 	snop  }
0x5: {  	_ = 	snop  }
0x6: {  	_ = 	snop  }
0x7: {  	_ = 	snop  }
__scs_overlays_trampoline_lowered:
0x8: {  	[smem:$0x3FA6] =	sst s0  }
0x9: {  	[smem:$0x3FA7] =	sst s1  }
0xa: {  	[smem:$0x3FA8] =	sst s2  }
0xb: {  	[smem:$0x3FA9] =	sst s3  }
0xc: {  	[smem:$0x3FAA] =	sst s4  }
0xd: {  	[smem:$0x3FAB] =	sst s5  }
0xe: {  	[smem:$0x3FAC] =	sst s6  }
0xf: {  	[smem:$0x3FAD] =	sst s7  }
0x10: {  	[smem:$0x3FAE] =	sst s8  }
0x11: {  	[smem:$0x3FAF] =	sst s9;
	s0 =	simm.s32 @!p0 $0x0  }
0x12: {  	s1 =	sld [smem:$0x3F95];
	s0 =	simm.s32 @p0 $0x1  }
0x13: {  	[smem:$0x3FB0] =	sst s0;
	s0 =	simm.s32 @!p1 $0x0  }
0x14: {  	s2 =	sld [smem:$0x3F94];
	s0 =	simm.s32 @p1 $0x1  }
0x15: {  	[smem:$0x3FB1] =	sst s0;
	s0 =	simm.s32 @!p2 $0x0  }
0x16: {  	s3 =	sld [smem:$0x3FDB];
	s0 =	simm.s32 @p2 $0x1  }
0x17: {  	s4 =	simm.s32 $0x1BF5;
	[smem:$0x3FB3] =	sst s0  }
0x18: {  	s0 =	sld [smem:$0x3F96];
	_ =	swait.ge [sflag:s4], $0x0  }
0x19: {  	s7 =	sld [smem:$0x3F97]  }
0x1a: {  	s8 =	sadd.s32 $0xFFFFE003, lr  }
0x1b: {  	s9 =	sadd.s32 $0xFFFFFEF7, lr;
	s5 =	simm.s32 $0xFFFFFFFF;
	p2 =	slt.u32 s8, $0xFFFFF086  }
0x1c: {  	p1 =	slt.u32 s9, $0xF7A;
	s5 =	simm.s32 @!p2 $0x0  }
0x1d: {  	s5 =	simm.s32 @p1 $0x1;
	p0 =	seq.s32 s7, s2  }
0x1e: {  	s7 =	smul.u32 @!p0 $0xF7A, s2;
	p2 =	seq.s32 @!p0 s5, $0x0  }
0x1f: {  	s9 =	smul.u32 $0xF7A, s1;
	s8 =	simm.s32 @!p0 $0x1BF5;
	p2 =	por !p2, p0  }
0x20: {  	[sflag:s8] =	ssyncset.s32 @!p0 $0xFFFFF086;
	s6 =	sadd.s32 @!p0 s3, s7;
	s7 =	simm.s32 @!p0 $0x108  }
0x21: {  	s3 =	sadd.s32 s3, s9;
	s6 =	sadd.s32 @!p0 $0x88, s6;
	s7 =	simm.s32 @p2 $0x1082  }
0x22: {  	[simem:s7], [sflag:s8] =	dma.local @!p0 [hbm:s6], $0xF7A  }
0x23: {  	s9 =	sor.u32 $0xD0000000, s2;
	s6 =	simm.s32 $0x108;
	_ =	swait.ge @!p0 [sflag:s8], $0x0  }
0x24: {  	s3 =	sadd.s32 $0x88, s3;
	s6 =	simm.s32 @!p1 $0x1082;
	[sflag:s4] =	ssyncset.s32 $0xFFFFF086  }
0x25: {  	[simem:s6], [sflag:s4] =	dma.local [hbm:s3], $0xF7A  }
0x26: {  	[smem:$0x3F97] =	sst s1;
	(tag) =	ssettag s2;
	_ =	strace s9  }
0x27: {  	s1 =	sld [smem:$0x3FA7]  }
0x28: {  	s2 =	sld [smem:$0x3FA8]  }
0x29: {  	s4 =	sld [smem:$0x3FAA]  }
0x2a: {  	p0 =	seq.s32 s5, $0x0;
	s5 =	sld [smem:$0x3FAB]  }
0x2b: {  	s6 =	sld [smem:$0x3FAC]  }
0x2c: {  	s7 =	sld [smem:$0x3FAD]  }
0x2d: {  	s3 =	simm.s32 $0x108;
	s8 =	sld [smem:$0x3FAE]  }
0x2e: {  	s3 =	simm.s32 @!p0 $0x1082;
	s9 =	sld [smem:$0x3FAF]  }
0x2f: {  	lr =	sadd.s32 s0, s3;
	s0 =	sld [smem:$0x3FA6]  }
0x30: {  	s3 =	sld [smem:$0x3FA9]  }
0x31: {  	[smem:$0x3FB2] =	sst s10  }
0x32: {  	s10 =	sld [smem:$0x3FB0];
	_ =	sdelay $0x3  }
0x33: {  	p0 =	seq.s32 s10, $0x1;
	s10 =	sld [smem:$0x3FB2];
	_ =	sdelay $0x3  }
0x34: {  	[smem:$0x3FB2] =	sst s10  }
0x35: {  	s10 =	sld [smem:$0x3FB1];
	_ =	sdelay $0x3  }
0x36: {  	p1 =	seq.s32 s10, $0x1;
	s10 =	sld [smem:$0x3FB2];
	_ =	sdelay $0x3  }
0x37: {  	[smem:$0x3FB2] =	sst s10  }
0x38: {  	s10 =	sld [smem:$0x3FB3]  }
0x39: {  	_ = 	snop;
	(pc) =	sbr.ind lr, $3  }
0x3a: {  	_ = 	snop  }
0x3b: {  	_ = 	snop  }
0x3c: {  	p2 =	seq.s32 s10, $0x1;
	s10 =	sld [smem:$0x3FB2]  }
0x3d: {  	_ =	shalt  }
0x3e: {  	_ =	shalt  }
0x3f: {  	_ =	shalt  }
0x40: {  	_ =	shalt  }
0x41: {  	_ =	shalt  }
0x42: {  	_ =	shalt  }
0x43: {  	_ =	shalt  }
0x44: {  	_ =	shalt  }
0x45: {  	_ =	shalt  }
0x46: {  	_ =	shalt  }
0x47: {  	_ =	shalt  }
0x48: {  	_ =	shalt  }
0x49: {  	_ =	shalt  }
0x4a: {  	_ =	shalt  }
0x4b: {  	_ =	shalt  }
0x4c: {  	_ =	shalt  }
0x4d: {  	_ =	shalt  }
0x4e: {  	_ =	shalt  }
0x4f: {  	_ =	shalt  }
0x50: {  	_ =	shalt  }
0x51: {  	_ =	shalt  }
0x52: {  	_ =	shalt  }
0x53: {  	_ =	shalt  }
0x54: {  	_ =	shalt  }
0x55: {  	_ =	shalt  }
0x56: {  	_ =	shalt  }
0x57: {  	_ =	shalt  }
0x58: {  	_ =	shalt  }
0x59: {  	_ =	shalt  }
0x5a: {  	_ =	shalt  }
0x5b: {  	_ =	shalt  }
0x5c: {  	_ =	shalt  }
0x5d: {  	_ =	shalt  }
0x5e: {  	_ =	shalt  }
0x5f: {  	_ =	shalt  }
0x60: {  	_ =	shalt  }
0x61: {  	_ =	shalt  }
0x62: {  	_ =	shalt  }
0x63: {  	_ =	shalt  }
0x64: {  	_ =	shalt  }
0x65: {  	_ =	shalt  }
0x66: {  	_ =	shalt  }
0x67: {  	_ =	shalt  }
0x68: {  	_ =	shalt  }
0x69: {  	_ =	shalt  }
0x6a: {  	_ =	shalt  }
0x6b: {  	_ =	shalt  }
0x6c: {  	_ =	shalt  }
0x6d: {  	_ =	shalt  }
0x6e: {  	_ =	shalt  }
0x6f: {  	_ =	shalt  }
0x70: {  	_ =	shalt  }
0x71: {  	_ =	shalt  }
0x72: {  	_ =	shalt  }
0x73: {  	_ =	shalt  }
0x74: {  	_ =	shalt  }
0x75: {  	_ =	shalt  }
0x76: {  	_ =	shalt  }
0x77: {  	_ =	shalt  }
0x78: {  	_ =	shalt  }
0x79: {  	_ =	shalt  }
0x7a: {  	_ =	shalt  }
0x7b: {  	_ =	shalt  }
0x7c: {  	_ =	shalt  }
0x7d: {  	_ =	shalt  }
0x7e: {  	_ =	shalt  }
0x7f: {  	_ =	shalt  }
0x80: {  	_ =	shalt  }
0x81: {  	_ =	shalt  }
0x82: {  	_ =	shalt  }
0x83: {  	_ =	shalt  }
0x84: {  	_ =	shalt  }
0x85: {  	_ =	shalt  }
0x86: {  	_ =	shalt  }
0x87: {  	_ =	shalt  }
.Lfunc_end0:
.L_simem_size_0:
called_computation.1_lowered:
.L_overlay_start_0:
0x88: {  	s2 =	sld [smem:$0x3FD9]  }
0x89: {  	s3 =	sld [smem:$0x3FFE];
	_ =	sdelay $0x1  }
0x8a: {  	s1 =	srdreg.scid  }
0x8b: {  	s0 =	sand.u32 $0x1, s1  }
0x8c: {  	s14 =	sshll.u32 s0, $0xA;
	s2 =	sadd.s32 s3, s2  }
0x8d: {  	s2 =	sadd.s32 s2, s14  }
0x8e: {  	[smem:$0x3FBE] =	sst s2  }
0x8f: {  	_ = 	snop  }
0x90: {  	s2 =	sld [smem:$0x3FD0];
	_ =	sdelay $0x2  }
0x91: {  	s15 =	simm.s32 $0xA;
	s4 =	simm.s32 $0x10  }
0x92: {  	[smem:s4], [sflag:s15] =	dma.local [hbm:s2], $0x1  }
0x93: {  	_ =	swait.eq [sflag:s15], $0x1  }
0x94: {  	[sflag:s15] =	ssyncset.done $0x0  }
0x95: {  	s16 =	sld [smem:$0x10];
	[sflag:s15] =	ssyncadd.s32 $0xFFFFFFFF  }
0x96: {  	s17 =	sld [smem:$0x12];
	(tm) =	ssettm $0x1  }
0x97: {  	s18 =	sld [smem:$0x3FFB];
	_ =	sdelay $0x3  }
0x98: {  	_ =	strace s18  }
0x99: {  	s4 =	sld [smem:$0x3FFC];
	_ =	sdelay $0x3  }
0x9a: {  	_ =	strace s4  }
0x9b: {  	s4 =	sld [smem:$0x3FFD];
	_ =	sdelay $0x3  }
0x9c: {  	_ =	strace s4  }
0x9d: {  	_ =	strace $0x8FFFFFFF  }
0x9e: {  	s19 =	sld [smem:$0x3FDB];
	_ =	sdelay $0x1  }
0x9f: {  	s5 =	simm.s32 $_scs_section_size  }
0xa0: {  	s6 =	simm.s32 $_size__tile_overlayer_lowered;
	s7 =	simm.s32 $_tile_overlayer_lowered  }
0xa1: {  	s22 =	simm.s32 $0x1BFF;
	s21 =	sshll.u32 s7, $0x1;
	s4 =	sadd.s32 s5, s19  }
0xa2: {  	s8 =	simm.s32 $0x0;
	s20 =	sshll.u32 s6, $0x1;
	s6 =	sadd.s32 s21, s4  }
0xa3: {  	[timem:s8], [sflag:s22] =	dma.local [hbm:s6], s20  }
0xa4: {  	_ =	swait.ge [sflag:s22], s20  }
0xa5: {  	s5 =	ssub.s32 $0x0, s20;
	[sflag:s22] =	ssyncset.done $0x0  }
0xa6: {  	[sflag:s22] =	ssyncadd.s32 s5;
	_ =	sdelay $0x1  }
0xa7: {  	s23 =	simm.s32 $0x1B8B  }
0xa8: {  	_ =	swait.ge [sflag:s23], $0x1  }
0xa9: {  	[sflag:s23] =	ssyncset.done $0x0  }
0xaa: {  	s25 =	simm.s32 $0x1B8E;
	s24 =	sld [smem:$0x3FFE];
	[sflag:s23] =	ssyncadd.s32 $0xFFFFFFFF  }
0xab: {  	s26 =	simm.s32 $execute0_lowered;
	[smem:$0x3FD2] =	sst s25  }
0xac: {  	s6 =	sshll.u32 s26, $0x1;
	_ =	strace $0x80000049;
	[dreg:$0x1] =	wrdreg $0xFFFFFFFF  }
0xad: {  	s28 =	simm.s32 $_size_execute0_lowered;
	s4 =	sadd.s32 s4, s6;
	[dreg:$0x0] =	wrdreg $0x0  }
0xae: {  	s6 =	sshll.u32 s28, $0x1;
	[dreg:$0x2] =	wrdreg s4  }
0xaf: {  	[dreg:$0x3] =	wrdreg s6  }
0xb0: {  	[dreg:$0x4] =	wrdreg $0xC0  }
0xb1: {  	_ =	task [dreg:s8], $0x5FFFF  }
0xb2: {  	[dreg:$0x1] =	wrdreg $0xFFFFFFFF  }
0xb3: {  	[dreg:$0x0] =	wrdreg $0x60  }
0xb4: {  	[dreg:$0x2] =	wrdreg s24  }
0xb5: {  	[dreg:$0x3] =	wrdreg s17  }
0xb6: {  	[dreg:$0x4] =	wrdreg s16  }
0xb7: {  	[dreg:$0x5] =	wrdreg $0xB9000  }
0xb8: {  	[dreg:$0x6] =	wrdreg $0x1F9000  }
0xb9: {  	[dreg:$0x7] =	wrdreg $0x9  }
0xba: {  	_ =	task.clear_ibuf [dreg:s8], $0x8FFFF;
	_ =	strace $0x90000049  }
0xbb: {  	s29 =	simm.s32 $0x9;
	_ =	strace $0x8000004B  }
0xbc: {  	_ =	swait.ge [sflag:s29], $0x1  }
0xbd: {  	[sflag:s29] =	ssyncadd.s32 $0xFFFFFFFF  }
0xbe: {  	_ =	strace $0x9000004B  }
0xbf: {  	_ =	sfence  }
0xc0: {  	s30 =	sld [smem:$0x0];
	_ =	sdelay $0x2  }
0xc1: {  	s31 =	sshll.u32 s1, $0xD;
	s1 =	sshrl.u32 s1, $0x2  }
0xc2: {  	s3 =	sand.u32 $0x4000, s31;
	s1 =	sadd.s32 s1, s30  }
0xc3: {  	s0 =	sor.u32 s3, s0;
	s1 =	sshll.u32 s1, $0x11  }
0xc4: {  	s0 =	sor.u32 s1, s0  }
0xc5: {  	s0 =	sadd.s32 $0x8F2B, s0  }
0xc6: {  	[sflag:s0] =	ssyncadd.remote.s32 $0x1  }
0xc7: {  	_ =	sfence.sel $0xFFFF  }
0xc8: {  	[dreg:$0x0] =	wrdreg $0xFFFFFFFF;
	(pc) =	sbr.abs _section_cstart, $3  }
0xc9: {  	[dreg:$0x1] =	wrdreg $0xFFFFFFFF  }
0xca: {  	_ =	task.clear_ibuf [dreg:s8], $0x2FFFF;
	_ =	strace $0x9FFFFFFF  }
0xcb: {  	(tm) =	ssettm $0x7FFFFFFF  }
tec
execute0_lowered:
.L_overlay_start_1:
0x0: {  	(tag) =	ssettag $0x1  }
0x1: {  	s0 =	rddreg [dreg:$0x0]  }
0x2: {  	s2 =	rddreg [dreg:$0x2]  }
0x3: {  	s3 =	rddreg [dreg:$0x3]  }
0x4: {  	s25 =	rddreg [dreg:$0x4];
	s5 =	simm.s32 $0x0  }
0x5: {  	s19 =	srdreg.scid;
	s26 =	stileid.u32;
	s31 =	simm.s32 $0x2  }
0x6: {  	[smem:$0x7FF] =	sst s5;
	s6 =	sadd.s32 $0x8000, s0;
	s8 =	sadd.s32 $0x2C00, s0  }
0x7: {  	s1 =	sadd.s32 $0xD400, s0;
	s4 =	sadd.s32 $0x1D600, s0;
	s9 =	smul.u32 $0x50000, s26  }
0x8: {  	s10 =	sadd.s32 $0x18200, s0;
	s11 =	sadd.s32 $0xDA00, s0;
	s12 =	smul.u32 $0x280, s26  }
0x9: {  	_ =	strace $0x8000004A;
	[dreg:$0x6] =	wrdreg s1;
	s1 =	sand.u32 $0x1, s19  }
0xa: {  	s24 =	smul.u32 $0xA00, s26;
	s7 =	ssub.s32 $0x2, s1;
	s21 =	sshrl.u32 s9, $0x2  }
0xb: {  	s22 =	smul.u32 $0x2800, s1;
	s13 =	sadd.s32 $0x80, s12;
	s14 =	sadd.s32 $0x100, s12  }
0xc: {  	s15 =	sadd.s32 $0x180, s12;
	s16 =	sadd.s32 $0x200, s12;
	s20 =	sshrl.u32 s7, $0x1  }
0xd: {  	s18 =	sadd.s32 s21, s3;
	s21 =	smul.u32 $0x2A00, s26;
	s0 =	ssub.s32 s7, s20  }
0xe: {  	s12 =	sadd.s32 s12, s22;
	s17 =	sadd.s32 s22, s13;
	s28 =	sadd.s32 s22, s14  }
0xf: {  	s29 =	sadd.s32 s22, s15;
	s9 =	sadd.s32 s22, s16;
	s7 =	simm.s32 $0x7900  }
0x10: {  	s12 =	sshll.u32 s12, $0x4;
	s17 =	sshll.u32 s17, $0x4;
	s0 =	smax.u32 s0, $0x1  }
0x11: {  	s30 =	sshll.u32 s29, $0x4;
	s12 =	sadd.s32 s4, s12;
	[dreg:$0xd] =	wrdreg s0  }
0x12: {  	s23 =	sadd.s32 s4, s17;
	[dreg:$0x7] =	wrdreg s12;
	s12 =	sshll.u32 s28, $0x4  }
0x13: {  	v0 =	vimm.s32 $0xFEDCBA98;
	v4 =	vimm.s32 $0x76543210;
	v6 =	vimm.s32 $0x32107654;
	s9 =	sshll.u32 s9, $0x4;
	[dreg:$0x8] =	wrdreg s23;
	s12 =	sadd.s32 s4, s12  }
0x14: {  	v7 =	vimm.s32 $0xDCFE98BA;
	v8 =	vimm.s32 $0x54761032;
	s17 =	smul.u32 $0x2A000, s1;
	[dreg:$0x9] =	wrdreg s12;
	s12 =	sadd.s32 s4, s30  }
0x15: {  	v1 =	vlaneseq.u32;
	v9 =	vimm.s32 $0xEFCDAB89;
	v10 =	vimm.s32 $0x67452301;
	s1 =	smul.u32 $0x1500, s1;
	s4 =	sadd.s32 s4, s9;
	[dreg:$0xa] =	wrdreg s12  }
0x16: {  	v3 =	vunpack.c.l.s4.s8 v0;
	v0 =	vimm.f32 $0.0e+00;
	v2 =	vor.u32 $0x10, v1;
	s9 =	simm.s32 $0x7780;
	[dreg:$0xb] =	wrdreg s4;
	s12 =	sshll.u32 s13, $0x7  }
0x17: {  	v7 =	vunpack.c.l.s4.s8 v7;
	v8 =	vunpack.c.l.s4.s8 v8;
	v9 =	vunpack.c.l.s4.s8 v9;
	s13 =	sshll.u32 s14, $0x7;
	s14 =	sshll.u32 s15, $0x7;
	s15 =	sshll.u32 s16, $0x7  }
0x18: {  	v10 =	vunpack.c.l.s4.s8 v10;
	v5 =	vunpack.c.0.s8.s32 v3;
	v3 =	vimm.s32 $0xBA98FEDC;
	s16 =	sshrl.u32 s24, $0x2;
	s24 =	smul.u32 $0x540, s26;
	s26 =	sadd.s32 s21, s17  }
0x19: {  	v6 =	vunpack.c.l.s4.s8 v6;
	v7 =	vunpack.c.0.s8.s32 v7;
	v3 =	vunpack.c.l.s4.s8 v3;
	s19 =	sadd.s32 s12, s3;
	s20 =	sadd.s32 s13, s3;
	s22 =	sadd.s32 s14, s3  }
0x1a: {  	v8 =	vunpack.c.0.s8.s32 v8;
	v9 =	vunpack.c.0.s8.s32 v9;
	v10 =	vunpack.c.0.s8.s32 v10;
	s23 =	sadd.s32 s15, s3;
	s4 =	sadd.s32 s16, s25;
	s25 =	sadd.s32 s1, s21  }
0x1b: {  	v4 =	vunpack.c.l.s4.s8 v4;
	v6 =	vunpack.c.0.s8.s32 v6;
	v3 =	vunpack.c.0.s8.s32 v3;
	s28 =	sshrl.u32 s26, $0x3;
	s1 =	simm.s32 $0x7800;
	s12 =	simm.s32 $0x4F00  }
0x1c: {  	v12 =	vand.u32 $0xF, v5;
	v8 =	vcombine.low v8, v7;
	v9 =	vcombine.low v10, v9;
	s13 =	simm.s32 $0x80;
	[dreg:$0xc] =	wrdreg s4;
	s29 =	sadd.s32 s24, s8  }
0x1d: {  	v5 =	vor.u32 $0x40, v1;
	v11 =	vcombine.low v6, v3;
	v6 =	vunpack.c.0.s8.s32 v4;
	s14 =	simm.s32 $0x1;
	s30 =	sadd.s32 s24, s6;
	[dreg:$0xe] =	wrdreg s29  }
0x1e: {  	v8 =	vand.u32 $0xF, v8;
	v9 =	vand.u32 $0xF, v9;
	v3 =	vor.u32 $0x20, v1;
	s15 =	simm.s32 $0x0;
	s0 =	sadd.s32 s28, s11;
	[dreg:$0xf] =	wrdreg s30  }
0x1f: {  	v4 =	vor.u32 $0x30, v1;
	v6 =	vcombine.low v12, v6;
	v7 =	vand.u32 $0xF, v11;
	s4 =	simm.s32 $0x7700;
	[dreg:$0x10] =	wrdreg s0;
	s0 =	simm.s32 $0x2780  }
.LBB2_1:
0x20: {  	s16 =	rddreg [dreg:$0x1]  }
0x21: {  	[tilespmem:s5], [sflag:$0x2] =	stream.linear.gather [hbm4b:s16+s5], $0x2780, $0x38;
	[tilespmem:$0x1FB80] =	vst v63  }
0x22: {  	_ =	swait.ge [sflag:s31], $0x2780  }
0x23: {  	[sflag:s31] =	ssyncset.done $0x0  }
0x24: {  	s30 =	rddreg [dreg:$0x6];
	[sflag:s31] =	ssyncadd.s32 $0xFFFFD880  }
0x25: {  	[tilespmem:s0], [sflag:$0x2] =	stream.linear.gather [hbm4b:s30+s5], $0x2780, $0x38;
	[tilespmem:$0x1FB80] =	vst v63  }
0x26: {  	_ =	swait.ge [sflag:s31], $0x2780  }
0x27: {  	[sflag:s31] =	ssyncset.done $0x0  }
0x28: {  	s24 =	simm.s32 $0x200;
	s16 =	simm.s32 $0x0;
	[sflag:s31] =	ssyncadd.s32 $0xFFFFD880  }
.LBB2_2:
0x29: {  	p0 =	sne.s32 s24, $0xFE00;
	[tilespmem:s16+$0x7970] =	vst v0  }
0x2a: {  	[tilespmem:s16+$0x7900] =	vst v0  }
0x2b: {  	[tilespmem:s16+$0x7910] =	vst v0  }
.Ltmp0:
0x2c: {  	[tilespmem:s16+$0x7920] =	vst v0;
	(pc) =	sbr.rel @p0 .LBB2_2-.Ltmp0, $4  }
0x2d: {  	[tilespmem:s16+$0x7930] =	vst v0  }
0x2e: {  	[tilespmem:s16+$0x7940] =	vst v0  }
0x2f: {  	[tilespmem:s16+$0x7950] =	vst v0  }
0x30: {  	[tilespmem:s16+$0x7960] =	vst v0;
	s16 =	sshra.s32 s24, $0x2;
	s24 =	sadd.s32 $0x200, s24  }
0x31: {  	[tilespmem:s16+$0x7970] =	vst v0  }
0x32: {  	[tilespmem:s16+$0x7900] =	vst v0  }
0x33: {  	[tilespmem:s16+$0x7910] =	vst v0  }
0x34: {  	[tilespmem:s16+$0x7920] =	vst v0  }
0x35: {  	[tilespmem:s16+$0x7930] =	vst v0  }
0x36: {  	[tilespmem:s16+$0x7940] =	vst v0  }
0x37: {  	[tilespmem:s16+$0x7950] =	vst v0  }
0x38: {  	[tilespmem:s16+$0x7960] =	vst v0;
	s16 =	simm.s32 $0x0;
	s24 =	simm.s32 $0x200  }
.LBB2_4:
0x39: {  	p0 =	sne.s32 s24, $0x9E00;
	[tilespmem:s16+$0x4F70] =	vst v0  }
0x3a: {  	[tilespmem:s16+$0x4F00] =	vst v0  }
0x3b: {  	[tilespmem:s16+$0x4F10] =	vst v0  }
.Ltmp1:
0x3c: {  	[tilespmem:s16+$0x4F20] =	vst v0;
	(pc) =	sbr.rel @p0 .LBB2_4-.Ltmp1, $4  }
0x3d: {  	[tilespmem:s16+$0x4F30] =	vst v0  }
0x3e: {  	[tilespmem:s16+$0x4F40] =	vst v0  }
0x3f: {  	[tilespmem:s16+$0x4F50] =	vst v0  }
0x40: {  	[tilespmem:s16+$0x4F60] =	vst v0;
	s16 =	sshra.s32 s24, $0x2;
	s24 =	sadd.s32 $0x200, s24  }
0x41: {  	[tilespmem:s16+$0x4F70] =	vst v0  }
0x42: {  	[tilespmem:s16+$0x4F00] =	vst v0  }
0x43: {  	[tilespmem:s16+$0x4F10] =	vst v0  }
0x44: {  	[tilespmem:s16+$0x4F20] =	vst v0  }
0x45: {  	[tilespmem:s16+$0x4F30] =	vst v0  }
0x46: {  	[tilespmem:s16+$0x4F40] =	vst v0  }
0x47: {  	[tilespmem:s16+$0x4F50] =	vst v0  }
0x48: {  	[tilespmem:s16+$0x4F60] =	vst v0  }
0x49: {  	[tilespmem:$0x7880] =	vst v1  }
0x4a: {  	[tilespmem:$0x7890] =	vst v2  }
0x4b: {  	[tilespmem:$0x78A0] =	vst v3  }
0x4c: {  	[tilespmem:$0x78B0] =	vst v4  }
0x4d: {  	[tilespmem:$0x78C0] =	vst v5  }
0x4e: {  	[spmem:s18] =	stream.linear.scatter [tilespmem:s7], [sflag:$0x2], $0x4000, $0x38;
	[tilespmem:$0x1FB80] =	vst v63  }
0x4f: {  	_ =	swait.ge [sflag:s31], $0x4000  }
0x50: {  	[sflag:s31] =	ssyncset.done $0x0  }
0x51: {  	[sflag:s31] =	ssyncadd.s32 $0xFFFFC000  }
0x52: {  	[spmem:s19] =	stream.linear.scatter [tilespmem:s7], [sflag:$0x2], $0x4000, $0x38;
	[tilespmem:$0x1FB80] =	vst v63  }
0x53: {  	_ =	swait.ge [sflag:s31], $0x4000  }
0x54: {  	[sflag:s31] =	ssyncset.done $0x0  }
0x55: {  	[sflag:s31] =	ssyncadd.s32 $0xFFFFC000  }
0x56: {  	[spmem:s20] =	stream.linear.scatter [tilespmem:s7], [sflag:$0x2], $0x4000, $0x38;
	[tilespmem:$0x1FB80] =	vst v63  }
0x57: {  	_ =	swait.ge [sflag:s31], $0x4000  }
0x58: {  	[sflag:s31] =	ssyncset.done $0x0  }
0x59: {  	[sflag:s31] =	ssyncadd.s32 $0xFFFFC000  }
0x5a: {  	[spmem:s22] =	stream.linear.scatter [tilespmem:s7], [sflag:$0x2], $0x4000, $0x38;
	[tilespmem:$0x1FB80] =	vst v63  }
0x5b: {  	_ =	swait.ge [sflag:s31], $0x4000  }
0x5c: {  	[sflag:s31] =	ssyncset.done $0x0  }
0x5d: {  	[sflag:s31] =	ssyncadd.s32 $0xFFFFC000  }
0x5e: {  	[spmem:s23] =	stream.linear.scatter [tilespmem:s7], [sflag:$0x2], $0x4000, $0x38;
	[tilespmem:$0x1FB80] =	vst v63  }
0x5f: {  	_ =	swait.ge [sflag:s31], $0x4000  }
0x60: {  	[sflag:s31] =	ssyncset.done $0x0  }
0x61: {  	s30 =	rddreg [dreg:$0xc];
	[sflag:s31] =	ssyncadd.s32 $0xFFFFC000  }
0x62: {  	[spmem:s30] =	stream.linear.scatter [tilespmem:s7], [sflag:$0x2], $0x280, $0x38;
	[tilespmem:$0x1FB80] =	vst v63  }
0x63: {  	_ =	swait.ge [sflag:s31], $0x280  }
0x64: {  	[sflag:s31] =	ssyncset.done $0x0  }
0x65: {  	s16 =	simm.s32 $0x0;
	[sflag:s31] =	ssyncadd.s32 $0xFFFFFD80  }
0x66: {  	v10 =	vimm.f32 $-Inf;
	s24 =	simm.s32 $0x40;
	v11 =	vimm.f32 $-Inf;
	v12 =	vld [tilespmem:s16+$0x0]  }
.LBB2_6:
0x67: {  	p0 =	sne.s32 s24, $0x9C00  }
.Ltmp2:
0x68: {  	_ = 	snop;
	(pc) =	sbr.rel @p0 .LBB2_6-.Ltmp2, $3  }
0x69: {  	_ =	sdelay $0x1  }
0x6a: {  	s26 =	sshra.s32 s24, $0x2;
	s24 =	sadd.s32 $0x40, s24;
	v11 =	vmax.f32 v11, v12  }
0x6b: {  	v12 =	vld [tilespmem:s26+$0x0]  }
0x6c: {  	_ =	sdelay $0x3  }
0x6d: {  	s24 =	simm.s32 $0x40;
	v11 =	vmax.f32 v11, v12;
	v12 =	vld [tilespmem:s16+$0x2780]  }
.LBB2_8:
0x6e: {  	p0 =	sne.s32 s24, $0x9C00  }
.Ltmp3:
0x6f: {  	_ = 	snop;
	(pc) =	sbr.rel @p0 .LBB2_8-.Ltmp3, $3  }
0x70: {  	_ =	sdelay $0x1  }
0x71: {  	s16 =	sshra.s32 s24, $0x2;
	s24 =	sadd.s32 $0x40, s24;
	v10 =	vmax.f32 v10, v12  }
0x72: {  	v12 =	vld [tilespmem:s16+$0x2780]  }
0x73: {  	_ =	sdelay $0x3  }
0x74: {  	v10 =	vmax.f32 v10, v12  }
0x75: {  	v10 =	vadd.f32 v10, v11;
	_ =	sdelay $0x1  }
0x76: {  	[tilespmem:$0x7800] =	vst v10  }
0x77: {  	v11 =	vld.idx.msk [tilespmem:v6+s1+$0x0], $0xffff;
	_ =	sdelay $0x4  }
0x78: {  	v10 =	vmax.f32 v10, v11  }
0x79: {  	[tilespmem:$0x7800] =	vst v10  }
0x7a: {  	v11 =	vld.idx.msk [tilespmem:v7+s1+$0x0], $0xffff;
	_ =	sdelay $0x4  }
0x7b: {  	v10 =	vmax.f32 v10, v11  }
0x7c: {  	[tilespmem:$0x7800] =	vst v10  }
0x7d: {  	v11 =	vld.idx.msk [tilespmem:v8+s1+$0x0], $0xffff;
	_ =	sdelay $0x4  }
0x7e: {  	v10 =	vmax.f32 v10, v11  }
0x7f: {  	[tilespmem:$0x7800] =	vst v10  }
0x80: {  	v11 =	vld.idx.msk [tilespmem:v9+s1+$0x0], $0xffff;
	_ =	sdelay $0x4  }
0x81: {  	[bflag:$0x0] =	sbarrier.arrive $0xFFFF;
	v10 =	vmax.f32 v10, v11  }
0x82: {  	s24 =	rddreg [dreg:$0x10];
	v11 =	vmul.f32 $2.000000030e-01, v10  }
0x83: {  	s29 =	rddreg [dreg:$0xf]  }
0x84: {  	s16 =	simm.s32 $0x0;
	s28 =	rddreg [dreg:$0xe];
	v10 =	vmax.f32 v10, v11  }
.LBB2_10:
0x85: {  	[tilespmem:s4], [sflag:$0x2] =	stream.linear.gather [hbm4b:s29+s5], $0x80, $0x38;
	[tilespmem:$0x1FB80] =	vst v63  }
0x86: {  	_ =	swait.ge [sflag:s31], $0x80  }
0x87: {  	[sflag:s31] =	ssyncset.done $0x0  }
0x88: {  	[sflag:s31] =	ssyncadd.s32 $0xFFFFFF80  }
0x89: {  	[tilespmem:s9], [sflag:$0x2] =	stream.linear.gather [hbm4b:s28+s5], $0x80, $0x38;
	[tilespmem:$0x1FB80] =	vst v63  }
0x8a: {  	_ =	swait.ge [sflag:s31], $0x80  }
0x8b: {  	[sflag:s31] =	ssyncset.done $0x0  }
0x8c: {  	[sflag:s31] =	ssyncadd.s32 $0xFFFFFF80  }
0x8d: {  	v11 =	vld [tilespmem:$0x7700]  }
0x8e: {  	v12 =	vld [tilespmem:$0x7780];
	_ =	sdelay $0x6  }
0x8f: {  	v11 =	vld.idx.msk [tilespmem:v11+s5+$0x0], $0xffff  }
0x90: {  	v13 =	vld.idx.msk [tilespmem:v12+s0+$0x0], $0xffff;
	_ =	sdelay $0x4  }
0x91: {  	v11 =	vadd.f32 v13, v11;
	_ =	sdelay $0x1  }
0x92: {  	v13 =	vmul.f32 $2.000000030e-01, v11;
	_ =	sdelay $0x1  }
0x93: {  	v11 =	vmax.f32 v11, v13  }
0x94: {  	v11 =	vsub.f32 v11, v10;
	_ =	sdelay $0x1  }
0x95: {  	v11 =	vmul.f32 $1.442695020e+00, v11;
	_ =	sdelay $0x1  }
0x96: {  	(erf) = vpow2.f32 v11;
	_ =	sdelay $0x7  }
0x97: {  	s26 =	sadd.s32 s16, s21  }
0x98: {  	p0 =	slt.u32 s26, $0x29810;
	v11 =	vpop (erf)  }
0x99: {  	v11 =	vpsel !p0, $0x0, v11  }
0x9a: {  	[tilespmem:$0x7800] =	vst v11  }
0x9b: {  	[tilespmem:v12+s12+$0x0] =	vst.idx.add.f32.msk $0xffff, v11  }
0x9c: {  	v11 =	vld [tilespmem:$0x7710]  }
0x9d: {  	v12 =	vld [tilespmem:$0x7790];
	_ =	sdelay $0x6  }
0x9e: {  	v11 =	vld.idx.msk [tilespmem:v11+s5+$0x0], $0xffff  }
0x9f: {  	v57 =	vld.idx.msk [tilespmem:v12+s0+$0x0], $0xffff;
	_ =	sdelay $0x4  }
0xa0: {  	v11 =	vadd.f32 v57, v11;
	_ =	sdelay $0x1  }
0xa1: {  	v13 =	vmul.f32 $2.000000030e-01, v11;
	_ =	sdelay $0x1  }
0xa2: {  	v11 =	vmax.f32 v11, v13  }
0xa3: {  	v11 =	vsub.f32 v11, v10;
	_ =	sdelay $0x1  }
0xa4: {  	v11 =	vmul.f32 $1.442695020e+00, v11;
	_ =	sdelay $0x1  }
0xa5: {  	(erf) = vpow2.f32 v11;
	_ =	sdelay $0x7  }
0xa6: {  	s30 =	sadd.s32 $0x10, s26  }
0xa7: {  	p6 =	slt.u32 s30, $0x29810;
	v11 =	vpop (erf)  }
0xa8: {  	v11 =	vpsel !p6, $0x0, v11  }
0xa9: {  	[tilespmem:$0x7810] =	vst v11  }
0xaa: {  	[tilespmem:v12+s12+$0x0] =	vst.idx.add.f32.msk $0xffff, v11  }
0xab: {  	v11 =	vld [tilespmem:$0x7720]  }
0xac: {  	v12 =	vld [tilespmem:$0x77A0];
	_ =	sdelay $0x6  }
0xad: {  	v11 =	vld.idx.msk [tilespmem:v11+s5+$0x0], $0xffff  }
0xae: {  	v58 =	vld.idx.msk [tilespmem:v12+s0+$0x0], $0xffff;
	_ =	sdelay $0x4  }
0xaf: {  	v11 =	vadd.f32 v58, v11;
	_ =	sdelay $0x1  }
0xb0: {  	v13 =	vmul.f32 $2.000000030e-01, v11;
	_ =	sdelay $0x1  }
0xb1: {  	v11 =	vmax.f32 v11, v13  }
0xb2: {  	v11 =	vsub.f32 v11, v10;
	_ =	sdelay $0x1  }
0xb3: {  	v11 =	vmul.f32 $1.442695020e+00, v11;
	_ =	sdelay $0x1  }
0xb4: {  	(erf) = vpow2.f32 v11;
	_ =	sdelay $0x7  }
0xb5: {  	s30 =	sadd.s32 $0x20, s26  }
0xb6: {  	p1 =	slt.u32 s30, $0x29810;
	v11 =	vpop (erf)  }
0xb7: {  	v11 =	vpsel !p1, $0x0, v11  }
0xb8: {  	[tilespmem:$0x7820] =	vst v11  }
0xb9: {  	[tilespmem:v12+s12+$0x0] =	vst.idx.add.f32.msk $0xffff, v11  }
0xba: {  	v11 =	vld [tilespmem:$0x7730]  }
0xbb: {  	v12 =	vld [tilespmem:$0x77B0];
	_ =	sdelay $0x6  }
0xbc: {  	v11 =	vld.idx.msk [tilespmem:v11+s5+$0x0], $0xffff  }
0xbd: {  	v59 =	vld.idx.msk [tilespmem:v12+s0+$0x0], $0xffff;
	_ =	sdelay $0x4  }
0xbe: {  	v11 =	vadd.f32 v59, v11;
	_ =	sdelay $0x1  }
0xbf: {  	v13 =	vmul.f32 $2.000000030e-01, v11;
	_ =	sdelay $0x1  }
0xc0: {  	v11 =	vmax.f32 v11, v13  }
0xc1: {  	v11 =	vsub.f32 v11, v10;
	_ =	sdelay $0x1  }
0xc2: {  	v11 =	vmul.f32 $1.442695020e+00, v11;
	_ =	sdelay $0x1  }
0xc3: {  	(erf) = vpow2.f32 v11;
	_ =	sdelay $0x7  }
0xc4: {  	s30 =	sadd.s32 $0x30, s26  }
0xc5: {  	p2 =	slt.u32 s30, $0x29810;
	v11 =	vpop (erf)  }
0xc6: {  	v11 =	vpsel !p2, $0x0, v11  }
0xc7: {  	[tilespmem:$0x7830] =	vst v11  }
0xc8: {  	[tilespmem:v12+s12+$0x0] =	vst.idx.add.f32.msk $0xffff, v11  }
0xc9: {  	v11 =	vld [tilespmem:$0x7740]  }
0xca: {  	v12 =	vld [tilespmem:$0x77C0];
	_ =	sdelay $0x6  }
0xcb: {  	v11 =	vld.idx.msk [tilespmem:v11+s5+$0x0], $0xffff  }
0xcc: {  	v60 =	vld.idx.msk [tilespmem:v12+s0+$0x0], $0xffff;
	_ =	sdelay $0x4  }
0xcd: {  	v11 =	vadd.f32 v60, v11;
	_ =	sdelay $0x1  }
0xce: {  	v13 =	vmul.f32 $2.000000030e-01, v11;
	_ =	sdelay $0x1  }
0xcf: {  	v11 =	vmax.f32 v11, v13  }
0xd0: {  	v11 =	vsub.f32 v11, v10;
	_ =	sdelay $0x1  }
0xd1: {  	v11 =	vmul.f32 $1.442695020e+00, v11;
	_ =	sdelay $0x1  }
0xd2: {  	(erf) = vpow2.f32 v11;
	_ =	sdelay $0x7  }
0xd3: {  	s30 =	sadd.s32 $0x40, s26  }
0xd4: {  	p3 =	slt.u32 s30, $0x29810;
	v11 =	vpop (erf)  }
0xd5: {  	v11 =	vpsel !p3, $0x0, v11  }
0xd6: {  	[tilespmem:$0x7840] =	vst v11  }
0xd7: {  	[tilespmem:v12+s12+$0x0] =	vst.idx.add.f32.msk $0xffff, v11  }
0xd8: {  	v11 =	vld [tilespmem:$0x7750]  }
0xd9: {  	v12 =	vld [tilespmem:$0x77D0];
	_ =	sdelay $0x6  }
0xda: {  	v11 =	vld.idx.msk [tilespmem:v11+s5+$0x0], $0xffff  }
0xdb: {  	v61 =	vld.idx.msk [tilespmem:v12+s0+$0x0], $0xffff;
	_ =	sdelay $0x4  }
0xdc: {  	v11 =	vadd.f32 v61, v11;
	_ =	sdelay $0x1  }
0xdd: {  	v13 =	vmul.f32 $2.000000030e-01, v11;
	_ =	sdelay $0x1  }
0xde: {  	v11 =	vmax.f32 v11, v13  }
0xdf: {  	v11 =	vsub.f32 v11, v10;
	_ =	sdelay $0x1  }
0xe0: {  	v11 =	vmul.f32 $1.442695020e+00, v11;
	_ =	sdelay $0x1  }
0xe1: {  	(erf) = vpow2.f32 v11;
	_ =	sdelay $0x7  }
0xe2: {  	s30 =	sadd.s32 $0x50, s26  }
0xe3: {  	p4 =	slt.u32 s30, $0x29810;
	v11 =	vpop (erf)  }
0xe4: {  	v11 =	vpsel !p4, $0x0, v11  }
0xe5: {  	[tilespmem:$0x7850] =	vst v11  }
0xe6: {  	[tilespmem:v12+s12+$0x0] =	vst.idx.add.f32.msk $0xffff, v11  }
0xe7: {  	v11 =	vld [tilespmem:$0x7760]  }
0xe8: {  	v12 =	vld [tilespmem:$0x77E0];
	_ =	sdelay $0x6  }
0xe9: {  	v11 =	vld.idx.msk [tilespmem:v11+s5+$0x0], $0xffff  }
0xea: {  	v62 =	vld.idx.msk [tilespmem:v12+s0+$0x0], $0xffff;
	_ =	sdelay $0x4  }
0xeb: {  	v11 =	vadd.f32 v62, v11;
	_ =	sdelay $0x1  }
0xec: {  	v13 =	vmul.f32 $2.000000030e-01, v11;
	_ =	sdelay $0x1  }
0xed: {  	v11 =	vmax.f32 v11, v13  }
0xee: {  	v11 =	vsub.f32 v11, v10;
	_ =	sdelay $0x1  }
0xef: {  	v11 =	vmul.f32 $1.442695020e+00, v11;
	_ =	sdelay $0x1  }
0xf0: {  	(erf) = vpow2.f32 v11;
	_ =	sdelay $0x7  }
0xf1: {  	s30 =	sadd.s32 $0x60, s26  }
0xf2: {  	p5 =	slt.u32 s30, $0x29810;
	v11 =	vpop (erf)  }
0xf3: {  	v11 =	vpsel !p5, $0x0, v11  }
0xf4: {  	[tilespmem:$0x7860] =	vst v11  }
0xf5: {  	[tilespmem:v12+s12+$0x0] =	vst.idx.add.f32.msk $0xffff, v11  }
0xf6: {  	v11 =	vld [tilespmem:$0x7770]  }
0xf7: {  	v12 =	vld [tilespmem:$0x77F0];
	_ =	sdelay $0x6  }
0xf8: {  	v11 =	vld.idx.msk [tilespmem:v11+s5+$0x0], $0xffff  }
0xf9: {  	v63 =	vld.idx.msk [tilespmem:v12+s0+$0x0], $0xffff;
	_ =	sdelay $0x4  }
0xfa: {  	v11 =	vadd.f32 v63, v11;
	_ =	sdelay $0x1  }
0xfb: {  	v13 =	vmul.f32 $2.000000030e-01, v11;
	_ =	sdelay $0x1  }
0xfc: {  	v11 =	vmax.f32 v11, v13  }
0xfd: {  	v11 =	vsub.f32 v11, v10;
	_ =	sdelay $0x1  }
0xfe: {  	v11 =	vmul.f32 $1.442695020e+00, v11;
	_ =	sdelay $0x1  }
0xff: {  	(erf) = vpow2.f32 v11;
	_ =	sdelay $0x7  }
0x100: {  	s26 =	sadd.s32 $0x70, s26  }
0x101: {  	p6 =	slt.u32 s26, $0x29810;
	v11 =	vpop (erf)  }
0x102: {  	v11 =	vpsel !p6, $0x0, v11  }
0x103: {  	p0 =	sne.s32 s16, $0x2980;
	[tilespmem:$0x7870] =	vst v11  }
.Ltmp4:
0x104: {  	[tilespmem:v12+s12+$0x0] =	vst.idx.add.f32.msk $0xffff, v11;
	(pc) =	sbr.rel @p0 .LBB2_10-.Ltmp4, $4  }
0x105: {  	[hbm4b:s24+s5] =	stream.linear.scatter [tilespmem:s1], [sflag:$0x2], $0x80, $0x38;
	[tilespmem:$0x1FB80] =	vst v63  }
0x106: {  	_ =	swait.ge [sflag:s31], $0x80  }
0x107: {  	s29 =	sadd.s32 $0x10, s29;
	s28 =	sadd.s32 $0x10, s28;
	[sflag:s31] =	ssyncset.done $0x0  }
0x108: {  	s16 =	sadd.s32 $0x80, s16;
	s24 =	sadd.s32 $0x10, s24;
	[sflag:s31] =	ssyncadd.s32 $0xFFFFFF80  }
0x109: {  	s16 =	rddreg [dreg:$0x4];
	s24 =	simm.s32 $0x50;
	s26 =	simm.s32 $0x7880  }
0x10a: {  	[spmem:s16] =	stream.indirect.scatter.add.f32 [tilespmem:s12], [sflag:$0x2], $0x80, s26, s24, $0xb8;
	[tilespmem:$0x1FB80] =	vst v63  }
0x10b: {  	_ =	swait.ge [sflag:s31], $0x2800  }
0x10c: {  	[sflag:s31] =	ssyncset.done $0x0  }
0x10d: {  	[sflag:s31] =	ssyncadd.s32 $0xFFFFD800  }
0x10e: {  	[bflag:$0x0] =	sbarrier.arrive $0xFFFF  }
0x10f: {  	[tilespmem:s12], [sflag:$0x2] =	stream.linear.gather [spmem:s16], $0x2800, $0x38;
	[tilespmem:$0x1FB80] =	vst v63  }
0x110: {  	_ =	swait.ge [sflag:s31], $0x2800  }
0x111: {  	[sflag:s31] =	ssyncset.done $0x0  }
0x112: {  	s24 =	simm.s32 $0x0;
	s16 =	simm.s32 $0x0;
	[sflag:s31] =	ssyncadd.s32 $0xFFFFD800  }
.LBB2_12:
0x113: {  	s26 =	sshll.u32 s24, $0x7  }
0x114: {  	s28 =	sadd.s32 s26, s25  }
0x115: {  	s26 =	sshrl.u32 s28, $0x3  }
0x116: {  	s29 =	sadd.s32 s6, s26  }
0x117: {  	[tilespmem:s4], [sflag:$0x2] =	stream.linear.gather [hbm4b:s29+s16], $0x80, $0x38;
	[tilespmem:$0x1FB80] =	vst v63  }
0x118: {  	_ =	swait.ge [sflag:s31], $0x80  }
0x119: {  	[sflag:s31] =	ssyncset.done $0x0  }
0x11a: {  	s29 =	sadd.s32 s8, s26;
	[sflag:s31] =	ssyncadd.s32 $0xFFFFFF80  }
0x11b: {  	[tilespmem:s9], [sflag:$0x2] =	stream.linear.gather [hbm4b:s29+s16], $0x80, $0x38;
	[tilespmem:$0x1FB80] =	vst v63  }
0x11c: {  	s28 =	sadd.s32 s17, s28;
	_ =	swait.ge [sflag:s31], $0x80  }
0x11d: {  	s28 =	sshrl.u32 s28, $0x3;
	[sflag:s31] =	ssyncset.done $0x0  }
0x11e: {  	s28 =	sadd.s32 s11, s28;
	[sflag:s31] =	ssyncadd.s32 $0xFFFFFF80  }
0x11f: {  	[tilespmem:s1], [sflag:$0x2] =	stream.linear.gather [hbm4b:s28+s16], $0x80, $0x38;
	[tilespmem:$0x1FB80] =	vst v63  }
0x120: {  	_ =	swait.ge [sflag:s31], $0x80  }
0x121: {  	[sflag:s31] =	ssyncset.done $0x0  }
0x122: {  	[sflag:s31] =	ssyncadd.s32 $0xFFFFFF80  }
0x123: {  	[tilespmem:s7], [sflag:$0x1] =	stream.indirect.gather [hbm4b:s2+s13], $0x80, s4, s13, $0xb8;
	[tilespmem:$0x1FB80] =	vst v63  }
0x124: {  	v10 =	vld [tilespmem:$0x7780];
	_ =	sdelay $0x7  }
0x125: {  	v10 =	vld.idx.msk [tilespmem:v10+s12+$0x0], $0xffff;
	_ =	sdelay $0x4  }
0x126: {  	v10 =	vadd.f32 $1.000000020e-16, v10;
	_ =	sdelay $0x1  }
0x127: {  	(erf) = vrcp.f32 v10;
	_ =	sdelay $0x3  }
0x128: {  	v11 =	vld [tilespmem:$0x7790]  }
0x129: {  	v10 =	vld [tilespmem:$0x7800];
	_ =	sdelay $0x3  }
0x12a: {  	v12 =	vpop (erf)  }
0x12b: {  	v10 =	vmul.f32 v12, v10;
	_ =	sdelay $0x1  }
0x12c: {  	[tilespmem:$0x7800] =	vst v10  }
0x12d: {  	v10 =	vld.idx.msk [tilespmem:v11+s12+$0x0], $0xffff;
	_ =	sdelay $0x4  }
0x12e: {  	v10 =	vadd.f32 $1.000000020e-16, v10;
	_ =	sdelay $0x1  }
0x12f: {  	(erf) = vrcp.f32 v10;
	_ =	sdelay $0x3  }
0x130: {  	v11 =	vld [tilespmem:$0x77A0]  }
0x131: {  	v10 =	vld [tilespmem:$0x7810];
	_ =	sdelay $0x3  }
0x132: {  	v12 =	vpop (erf)  }
0x133: {  	v10 =	vmul.f32 v12, v10;
	_ =	sdelay $0x1  }
0x134: {  	[tilespmem:$0x7810] =	vst v10  }
0x135: {  	v10 =	vld.idx.msk [tilespmem:v11+s12+$0x0], $0xffff;
	_ =	sdelay $0x4  }
0x136: {  	v10 =	vadd.f32 $1.000000020e-16, v10;
	_ =	sdelay $0x1  }
0x137: {  	(erf) = vrcp.f32 v10;
	_ =	sdelay $0x3  }
0x138: {  	v11 =	vld [tilespmem:$0x77B0]  }
0x139: {  	v10 =	vld [tilespmem:$0x7820];
	_ =	sdelay $0x3  }
0x13a: {  	v12 =	vpop (erf)  }
0x13b: {  	v10 =	vmul.f32 v12, v10;
	_ =	sdelay $0x1  }
0x13c: {  	[tilespmem:$0x7820] =	vst v10  }
0x13d: {  	v10 =	vld.idx.msk [tilespmem:v11+s12+$0x0], $0xffff;
	_ =	sdelay $0x4  }
0x13e: {  	v10 =	vadd.f32 $1.000000020e-16, v10;
	_ =	sdelay $0x1  }
0x13f: {  	(erf) = vrcp.f32 v10;
	_ =	sdelay $0x3  }
0x140: {  	v11 =	vld [tilespmem:$0x77C0]  }
0x141: {  	v10 =	vld [tilespmem:$0x7830];
	_ =	sdelay $0x3  }
0x142: {  	v12 =	vpop (erf)  }
0x143: {  	v10 =	vmul.f32 v12, v10;
	_ =	sdelay $0x1  }
0x144: {  	[tilespmem:$0x7830] =	vst v10  }
0x145: {  	v10 =	vld.idx.msk [tilespmem:v11+s12+$0x0], $0xffff;
	_ =	sdelay $0x4  }
0x146: {  	v10 =	vadd.f32 $1.000000020e-16, v10;
	_ =	sdelay $0x1  }
0x147: {  	(erf) = vrcp.f32 v10;
	_ =	sdelay $0x3  }
0x148: {  	v11 =	vld [tilespmem:$0x77D0]  }
0x149: {  	v10 =	vld [tilespmem:$0x7840];
	_ =	sdelay $0x3  }
0x14a: {  	v12 =	vpop (erf)  }
0x14b: {  	v10 =	vmul.f32 v12, v10;
	_ =	sdelay $0x1  }
0x14c: {  	[tilespmem:$0x7840] =	vst v10  }
0x14d: {  	v10 =	vld.idx.msk [tilespmem:v11+s12+$0x0], $0xffff;
	_ =	sdelay $0x4  }
0x14e: {  	v10 =	vadd.f32 $1.000000020e-16, v10;
	_ =	sdelay $0x1  }
0x14f: {  	(erf) = vrcp.f32 v10;
	_ =	sdelay $0x3  }
0x150: {  	v11 =	vld [tilespmem:$0x77E0]  }
0x151: {  	v10 =	vld [tilespmem:$0x7850];
	_ =	sdelay $0x3  }
0x152: {  	v12 =	vpop (erf)  }
0x153: {  	v10 =	vmul.f32 v12, v10;
	_ =	sdelay $0x1  }
0x154: {  	[tilespmem:$0x7850] =	vst v10  }
0x155: {  	v10 =	vld.idx.msk [tilespmem:v11+s12+$0x0], $0xffff;
	_ =	sdelay $0x4  }
0x156: {  	v10 =	vadd.f32 $1.000000020e-16, v10;
	_ =	sdelay $0x1  }
0x157: {  	(erf) = vrcp.f32 v10;
	_ =	sdelay $0x3  }
0x158: {  	v11 =	vld [tilespmem:$0x77F0]  }
0x159: {  	v10 =	vld [tilespmem:$0x7860];
	_ =	sdelay $0x3  }
0x15a: {  	v12 =	vpop (erf)  }
0x15b: {  	v10 =	vmul.f32 v12, v10;
	_ =	sdelay $0x1  }
0x15c: {  	[tilespmem:$0x7860] =	vst v10  }
0x15d: {  	v10 =	vld.idx.msk [tilespmem:v11+s12+$0x0], $0xffff;
	_ =	sdelay $0x4  }
0x15e: {  	v10 =	vadd.f32 $1.000000020e-16, v10;
	_ =	sdelay $0x1  }
0x15f: {  	(erf) = vrcp.f32 v10;
	_ =	sdelay $0x4  }
0x160: {  	v10 =	vld [tilespmem:$0x7870];
	_ =	sdelay $0x3  }
0x161: {  	v11 =	vpop (erf)  }
0x162: {  	v10 =	vmul.f32 v11, v10;
	_ =	sdelay $0x1  }
0x163: {  	s26 =	sadd.s32 s10, s26;
	[tilespmem:$0x7870] =	vst v10  }
0x164: {  	[hbm4b:s26+s16] =	stream.linear.scatter [tilespmem:s1], [sflag:$0x2], $0x80, $0x38;
	[tilespmem:$0x1FB80] =	vst v63  }
0x165: {  	_ =	swait.ge [sflag:s31], $0x80  }
0x166: {  	[sflag:s31] =	ssyncset.done $0x0  }
0x167: {  	[sflag:s31] =	ssyncadd.s32 $0xFFFFFF80  }
0x168: {  	_ =	swait.ge [sflag:s14], $0x4000  }
0x169: {  	v10 =	vmov s16;
	[sflag:s14] =	ssyncset.done $0x0  }
0x16a: {  	s26 =	simm.s32 $0x7940;
	[sflag:s14] =	ssyncadd.s32 $0xFFFFC000  }
0x16b: {  	v14 =	vld [tilespmem:s26+$0x30]  }
0x16c: {  	v17 =	vld [tilespmem:s26+$0x10]  }
0x16d: {  	v15 =	vld [tilespmem:s26+$0xFFFFFFC0]  }
0x16e: {  	v11 =	vld.idx.msk [tilespmem:v10+s1+$0x0], $0xffff  }
0x16f: {  	v19 =	vld [tilespmem:s26+$0xFFFFFFE0]  }
0x170: {  	v10 =	vld [tilespmem:s26+$0xFFFFFFF0]  }
0x171: {  	v12 =	vld [tilespmem:s26+$0x20]  }
0x172: {  	v13 =	vld [tilespmem:s26+$0xFFFFFFD0]  }
0x173: {  	v18 =	vmul.f32 v14, v11;
	v14 =	vld [tilespmem:s26+$0x0]  }
0x174: {  	v16 =	vmul.f32 v15, v11  }
0x175: {  	s29 =	simm.s32 $0x7940;
	s28 =	simm.s32 $0x1;
	v15 =	vmul.f32 v19, v11;
	v17 =	vmul.f32 v17, v11  }
.LBB2_13:
0x176: {  	p0 =	sne.s32 s28, $0x7F  }
0x177: {  	v13 =	vmul.f32 v13, v11;
	v12 =	vmul.f32 v12, v11;
	[tilespmem:s26+$0x30] =	vst v18;
	s29 =	sadd.s32 $0x80, s29;
	s30 =	smov.u32 s28;
	s28 =	sadd.s32 $0x1, s28  }
0x178: {  	[tilespmem:s26+$0xFFFFFFC0] =	vst v16;
	v16 =	vmul.f32 v10, v11;
	v11 =	vmul.f32 v14, v11  }
0x179: {  	[tilespmem:s26+$0x10] =	vst v17  }
0x17a: {  	v14 =	vmov s30;
	[tilespmem:s26+$0xFFFFFFE0] =	vst v15  }
0x17b: {  	v10 =	vld [tilespmem:s29+$0xFFFFFFF0];
	[tilespmem:s26+$0xFFFFFFF0] =	vst v16  }
0x17c: {  	v15 =	vld [tilespmem:s29+$0x30];
	[tilespmem:s26+$0x0] =	vst v11  }
0x17d: {  	v17 =	vld [tilespmem:s29+$0x10];
	[tilespmem:s26+$0x20] =	vst v12  }
0x17e: {  	v16 =	vld [tilespmem:s29+$0xFFFFFFC0];
	[tilespmem:s26+$0xFFFFFFD0] =	vst v13;
	s26 =	smov.u32 s29  }
0x17f: {  	v11 =	vld.idx.msk [tilespmem:v14+s1+$0x0], $0xffff  }
0x180: {  	v19 =	vld [tilespmem:s29+$0xFFFFFFE0]  }
0x181: {  	v12 =	vld [tilespmem:s29+$0x20]  }
.Ltmp5:
0x182: {  	v13 =	vld [tilespmem:s29+$0xFFFFFFD0];
	(pc) =	sbr.rel @p0 .LBB2_13-.Ltmp5, $3  }
0x183: {  	v14 =	vld [tilespmem:s29+$0x0];
	_ =	sdelay $0x1  }
0x184: {  	v16 =	vmul.f32 v16, v11;
	v18 =	vmul.f32 v15, v11  }
0x185: {  	v17 =	vmul.f32 v17, v11;
	v15 =	vmul.f32 v19, v11  }
0x186: {  	[tilespmem:s26+$0x30] =	vst v18  }
0x187: {  	[tilespmem:s26+$0xFFFFFFC0] =	vst v16  }
0x188: {  	v10 =	vmul.f32 v10, v11;
	[tilespmem:s26+$0x10] =	vst v17  }
0x189: {  	v12 =	vmul.f32 v12, v11;
	[tilespmem:s26+$0xFFFFFFE0] =	vst v15  }
0x18a: {  	v14 =	vmul.f32 v14, v11;
	[tilespmem:s26+$0xFFFFFFF0] =	vst v10  }
0x18b: {  	s24 =	sadd.s32 $0x1, s24;
	v10 =	vmul.f32 v13, v11;
	[tilespmem:s26+$0x20] =	vst v12  }
0x18c: {  	p0 =	sne.s32 s24, $0x2A;
	[tilespmem:s26+$0x0] =	vst v14  }
.Ltmp6:
0x18d: {  	[tilespmem:s26+$0xFFFFFFD0] =	vst v10;
	(pc) =	sbr.rel @p0 .LBB2_12-.Ltmp6, $4  }
0x18e: {  	[spmem:s3] =	stream.indirect.scatter.add.f32 [tilespmem:s7], [sflag:$0x2], $0x80, s9, s13, $0xb8;
	[tilespmem:$0x1FB80] =	vst v63  }
0x18f: {  	_ =	swait.ge [sflag:s31], $0x4000  }
0x190: {  	[sflag:s31] =	ssyncset.done $0x0  }
0x191: {  	[sflag:s31] =	ssyncadd.s32 $0xFFFFC000  }
0x192: {  	[bflag:$0x0] =	sbarrier.arrive $0xFFFF  }
0x193: {  	[tilespmem:s7], [sflag:$0x2] =	stream.linear.gather [spmem:s18], $0x4000, $0x38;
	[tilespmem:$0x1FB80] =	vst v63  }
0x194: {  	_ =	swait.ge [sflag:s31], $0x4000  }
0x195: {  	[sflag:s31] =	ssyncset.done $0x0  }
0x196: {  	s16 =	rddreg [dreg:$0x7];
	[sflag:s31] =	ssyncadd.s32 $0xFFFFC000  }
0x197: {  	[hbm4b:s16+s5] =	stream.linear.scatter [tilespmem:s7], [sflag:$0x2], $0x4000, $0x38;
	[tilespmem:$0x1FB80] =	vst v63  }
0x198: {  	_ =	swait.ge [sflag:s31], $0x4000  }
0x199: {  	[sflag:s31] =	ssyncset.done $0x0  }
0x19a: {  	[sflag:s31] =	ssyncadd.s32 $0xFFFFC000  }
0x19b: {  	[tilespmem:s7], [sflag:$0x2] =	stream.linear.gather [spmem:s19], $0x4000, $0x38;
	[tilespmem:$0x1FB80] =	vst v63  }
0x19c: {  	_ =	swait.ge [sflag:s31], $0x4000  }
0x19d: {  	[sflag:s31] =	ssyncset.done $0x0  }
0x19e: {  	s24 =	rddreg [dreg:$0x8];
	[sflag:s31] =	ssyncadd.s32 $0xFFFFC000  }
0x19f: {  	[hbm4b:s24+s5] =	stream.linear.scatter [tilespmem:s7], [sflag:$0x2], $0x4000, $0x38;
	[tilespmem:$0x1FB80] =	vst v63  }
0x1a0: {  	_ =	swait.ge [sflag:s31], $0x4000  }
0x1a1: {  	[sflag:s31] =	ssyncset.done $0x0  }
0x1a2: {  	[sflag:s31] =	ssyncadd.s32 $0xFFFFC000  }
0x1a3: {  	[tilespmem:s7], [sflag:$0x2] =	stream.linear.gather [spmem:s20], $0x4000, $0x38;
	[tilespmem:$0x1FB80] =	vst v63  }
0x1a4: {  	_ =	swait.ge [sflag:s31], $0x4000  }
0x1a5: {  	[sflag:s31] =	ssyncset.done $0x0  }
0x1a6: {  	s26 =	rddreg [dreg:$0x9];
	[sflag:s31] =	ssyncadd.s32 $0xFFFFC000  }
0x1a7: {  	[hbm4b:s26+s5] =	stream.linear.scatter [tilespmem:s7], [sflag:$0x2], $0x4000, $0x38;
	[tilespmem:$0x1FB80] =	vst v63  }
0x1a8: {  	_ =	swait.ge [sflag:s31], $0x4000  }
0x1a9: {  	[sflag:s31] =	ssyncset.done $0x0  }
0x1aa: {  	[sflag:s31] =	ssyncadd.s32 $0xFFFFC000  }
0x1ab: {  	[tilespmem:s7], [sflag:$0x2] =	stream.linear.gather [spmem:s22], $0x4000, $0x38;
	[tilespmem:$0x1FB80] =	vst v63  }
0x1ac: {  	_ =	swait.ge [sflag:s31], $0x4000  }
0x1ad: {  	[sflag:s31] =	ssyncset.done $0x0  }
0x1ae: {  	s28 =	rddreg [dreg:$0xa];
	[sflag:s31] =	ssyncadd.s32 $0xFFFFC000  }
0x1af: {  	[hbm4b:s28+s5] =	stream.linear.scatter [tilespmem:s7], [sflag:$0x2], $0x4000, $0x38;
	[tilespmem:$0x1FB80] =	vst v63  }
0x1b0: {  	_ =	swait.ge [sflag:s31], $0x4000  }
0x1b1: {  	[sflag:s31] =	ssyncset.done $0x0  }
0x1b2: {  	[sflag:s31] =	ssyncadd.s32 $0xFFFFC000  }
0x1b3: {  	[tilespmem:s7], [sflag:$0x2] =	stream.linear.gather [spmem:s23], $0x4000, $0x38;
	[tilespmem:$0x1FB80] =	vst v63  }
0x1b4: {  	_ =	swait.ge [sflag:s31], $0x4000  }
0x1b5: {  	[sflag:s31] =	ssyncset.done $0x0  }
0x1b6: {  	s29 =	rddreg [dreg:$0xb];
	[sflag:s31] =	ssyncadd.s32 $0xFFFFC000  }
0x1b7: {  	[hbm4b:s29+s5] =	stream.linear.scatter [tilespmem:s7], [sflag:$0x2], $0x4000, $0x38;
	[tilespmem:$0x1FB80] =	vst v63  }
0x1b8: {  	_ =	swait.ge [sflag:s31], $0x4000  }
0x1b9: {  	s15 =	sadd.s32 $0x1, s15;
	s30 =	rddreg [dreg:$0xd]  }
0x1ba: {  	p0 =	sne.s32 s15, s30  }
.Ltmp7:
0x1bb: {  	_ = 	snop;
	(pc) =	sbr.rel @p0 .LBB2_1-.Ltmp7, $3  }
0x1bc: {  	_ =	sdelay $0x1  }
0x1bd: {  	[sflag:s31] =	ssyncset.done $0x0  }
0x1be: {  	[sflag:s31] =	ssyncadd.s32 $0xFFFFC000  }
0x1bf: {  	_ =	sfence.sel $0x180000  }
0x1c0: {  	[bflag:$0x0] =	sbarrier.arrive $0xFFFF  }
0x1c1: {  	_ =	strace $0x9000004A  }
0x1c2: {  	s0 =	stileid.u32;
	[bflag:$0x2] =	sbarrier.arrive $0xFFFF  }
0x1c3: {  	p0 =	sne.s32 s0, $0x0;
	s0 =	rddreg [dreg:$0x5]  }
0x1c4: {  	s0 =	sadd.s32 @!p0 $0x100000, s0  }
0x1c5: {  	[sflag:s0] =	ssyncadd.tile.s32 @!p0 $0x1;
	_ =	shalt  }
.Lfunc_end2:
_tile_overlayer_lowered:
.L_overlay_start_2:
0x1c6: {  	(tag) =	ssettag $0x2  }
0x1c7: {  	s0 =	rddreg [dreg:$0x0];
	s2 =	stileid.u32  }
0x1c8: {  	s1 =	rddreg [dreg:$0x1];
	p0 =	sne.s32 s2, $0x0  }
0x1c9: {  	s3 =	rddreg [dreg:$0x2];
	[bflag:$0x3] =	sbarrier.arrive $0xFFFF;
	s2 =	simm.s32 @!p0 $0x1C02  }
0x1ca: {  	[timem:s3], [sflag:s2] =	dma.local @!p0 [hbm:s0], s1  }
0x1cb: {  	s0 =	simm.s32 @!p0 $0x2  }
0x1cc: {  	_ =	swait.ge @!p0 [sflag:s0], s1  }
0x1cd: {  	s1 =	ssub.s32 @!p0 $0x0, s1;
	[sflag:s0] =	ssyncset.done @!p0 $0x0  }
0x1ce: {  	[sflag:s0] =	ssyncadd.s32 @!p0 s1  }
0x1cf: {  	[bflag:$0x3] =	sbarrier.arrive $0xFFFF  }
0x1d0: {  	_ =	shalt  }

// kernel: kernel.7.cloned.1.call-start
scs
__scs_entry_jumppad:
0x0: {  	(pc) =	sbr.rel $0x88, $3  }
0x1: {  	(tag) =	ssettag $0x0;
	lr =	simm.s32 $0x1  }
0x2: {  	[smem:$0x3F97] =	sst lr;
	_ =	strace $0xD0000000  }
0x3: {  	_ = 	snop  }
0x4: {  	_ = 	snop  }
0x5: {  	_ = 	snop  }
0x6: {  	_ = 	snop  }
0x7: {  	_ = 	snop  }
__scs_overlays_trampoline_lowered:
0x8: {  	[smem:$0x3FA6] =	sst s0  }
0x9: {  	[smem:$0x3FA7] =	sst s1  }
0xa: {  	[smem:$0x3FA8] =	sst s2  }
0xb: {  	[smem:$0x3FA9] =	sst s3  }
0xc: {  	[smem:$0x3FAA] =	sst s4  }
0xd: {  	[smem:$0x3FAB] =	sst s5  }
0xe: {  	[smem:$0x3FAC] =	sst s6  }
0xf: {  	[smem:$0x3FAD] =	sst s7  }
0x10: {  	[smem:$0x3FAE] =	sst s8  }
0x11: {  	[smem:$0x3FAF] =	sst s9;
	s0 =	simm.s32 @!p0 $0x0  }
0x12: {  	s1 =	sld [smem:$0x3F95];
	s0 =	simm.s32 @p0 $0x1  }
0x13: {  	[smem:$0x3FB0] =	sst s0;
	s0 =	simm.s32 @!p1 $0x0  }
0x14: {  	s2 =	sld [smem:$0x3F94];
	s0 =	simm.s32 @p1 $0x1  }
0x15: {  	[smem:$0x3FB1] =	sst s0;
	s0 =	simm.s32 @!p2 $0x0  }
0x16: {  	s3 =	sld [smem:$0x3FDB];
	s0 =	simm.s32 @p2 $0x1  }
0x17: {  	s4 =	simm.s32 $0x1BF5;
	[smem:$0x3FB3] =	sst s0  }
0x18: {  	s0 =	sld [smem:$0x3F96];
	_ =	swait.ge [sflag:s4], $0x0  }
0x19: {  	s7 =	sld [smem:$0x3F97]  }
0x1a: {  	s8 =	sadd.s32 $0xFFFFE003, lr  }
0x1b: {  	s9 =	sadd.s32 $0xFFFFFEF7, lr;
	s5 =	simm.s32 $0xFFFFFFFF;
	p2 =	slt.u32 s8, $0xFFFFF086  }
0x1c: {  	p1 =	slt.u32 s9, $0xF7A;
	s5 =	simm.s32 @!p2 $0x0  }
0x1d: {  	s5 =	simm.s32 @p1 $0x1;
	p0 =	seq.s32 s7, s2  }
0x1e: {  	s7 =	smul.u32 @!p0 $0xF7A, s2;
	p2 =	seq.s32 @!p0 s5, $0x0  }
0x1f: {  	s9 =	smul.u32 $0xF7A, s1;
	s8 =	simm.s32 @!p0 $0x1BF5;
	p2 =	por !p2, p0  }
0x20: {  	[sflag:s8] =	ssyncset.s32 @!p0 $0xFFFFF086;
	s6 =	sadd.s32 @!p0 s3, s7;
	s7 =	simm.s32 @!p0 $0x108  }
0x21: {  	s3 =	sadd.s32 s3, s9;
	s6 =	sadd.s32 @!p0 $0x88, s6;
	s7 =	simm.s32 @p2 $0x1082  }
0x22: {  	[simem:s7], [sflag:s8] =	dma.local @!p0 [hbm:s6], $0xF7A  }
0x23: {  	s9 =	sor.u32 $0xD0000000, s2;
	s6 =	simm.s32 $0x108;
	_ =	swait.ge @!p0 [sflag:s8], $0x0  }
0x24: {  	s3 =	sadd.s32 $0x88, s3;
	s6 =	simm.s32 @!p1 $0x1082;
	[sflag:s4] =	ssyncset.s32 $0xFFFFF086  }
0x25: {  	[simem:s6], [sflag:s4] =	dma.local [hbm:s3], $0xF7A  }
0x26: {  	[smem:$0x3F97] =	sst s1;
	(tag) =	ssettag s2;
	_ =	strace s9  }
0x27: {  	s1 =	sld [smem:$0x3FA7]  }
0x28: {  	s2 =	sld [smem:$0x3FA8]  }
0x29: {  	s4 =	sld [smem:$0x3FAA]  }
0x2a: {  	p0 =	seq.s32 s5, $0x0;
	s5 =	sld [smem:$0x3FAB]  }
0x2b: {  	s6 =	sld [smem:$0x3FAC]  }
0x2c: {  	s7 =	sld [smem:$0x3FAD]  }
0x2d: {  	s3 =	simm.s32 $0x108;
	s8 =	sld [smem:$0x3FAE]  }
0x2e: {  	s3 =	simm.s32 @!p0 $0x1082;
	s9 =	sld [smem:$0x3FAF]  }
0x2f: {  	lr =	sadd.s32 s0, s3;
	s0 =	sld [smem:$0x3FA6]  }
0x30: {  	s3 =	sld [smem:$0x3FA9]  }
0x31: {  	[smem:$0x3FB2] =	sst s10  }
0x32: {  	s10 =	sld [smem:$0x3FB0];
	_ =	sdelay $0x3  }
0x33: {  	p0 =	seq.s32 s10, $0x1;
	s10 =	sld [smem:$0x3FB2];
	_ =	sdelay $0x3  }
0x34: {  	[smem:$0x3FB2] =	sst s10  }
0x35: {  	s10 =	sld [smem:$0x3FB1];
	_ =	sdelay $0x3  }
0x36: {  	p1 =	seq.s32 s10, $0x1;
	s10 =	sld [smem:$0x3FB2];
	_ =	sdelay $0x3  }
0x37: {  	[smem:$0x3FB2] =	sst s10  }
0x38: {  	s10 =	sld [smem:$0x3FB3]  }
0x39: {  	_ = 	snop;
	(pc) =	sbr.ind lr, $3  }
0x3a: {  	_ = 	snop  }
0x3b: {  	_ = 	snop  }
0x3c: {  	p2 =	seq.s32 s10, $0x1;
	s10 =	sld [smem:$0x3FB2]  }
0x3d: {  	_ =	shalt  }
0x3e: {  	_ =	shalt  }
0x3f: {  	_ =	shalt  }
0x40: {  	_ =	shalt  }
0x41: {  	_ =	shalt  }
0x42: {  	_ =	shalt  }
0x43: {  	_ =	shalt  }
0x44: {  	_ =	shalt  }
0x45: {  	_ =	shalt  }
0x46: {  	_ =	shalt  }
0x47: {  	_ =	shalt  }
0x48: {  	_ =	shalt  }
0x49: {  	_ =	shalt  }
0x4a: {  	_ =	shalt  }
0x4b: {  	_ =	shalt  }
0x4c: {  	_ =	shalt  }
0x4d: {  	_ =	shalt  }
0x4e: {  	_ =	shalt  }
0x4f: {  	_ =	shalt  }
0x50: {  	_ =	shalt  }
0x51: {  	_ =	shalt  }
0x52: {  	_ =	shalt  }
0x53: {  	_ =	shalt  }
0x54: {  	_ =	shalt  }
0x55: {  	_ =	shalt  }
0x56: {  	_ =	shalt  }
0x57: {  	_ =	shalt  }
0x58: {  	_ =	shalt  }
0x59: {  	_ =	shalt  }
0x5a: {  	_ =	shalt  }
0x5b: {  	_ =	shalt  }
0x5c: {  	_ =	shalt  }
0x5d: {  	_ =	shalt  }
0x5e: {  	_ =	shalt  }
0x5f: {  	_ =	shalt  }
0x60: {  	_ =	shalt  }
0x61: {  	_ =	shalt  }
0x62: {  	_ =	shalt  }
0x63: {  	_ =	shalt  }
0x64: {  	_ =	shalt  }
0x65: {  	_ =	shalt  }
0x66: {  	_ =	shalt  }
0x67: {  	_ =	shalt  }
0x68: {  	_ =	shalt  }
0x69: {  	_ =	shalt  }
0x6a: {  	_ =	shalt  }
0x6b: {  	_ =	shalt  }
0x6c: {  	_ =	shalt  }
0x6d: {  	_ =	shalt  }
0x6e: {  	_ =	shalt  }
0x6f: {  	_ =	shalt  }
0x70: {  	_ =	shalt  }
0x71: {  	_ =	shalt  }
0x72: {  	_ =	shalt  }
0x73: {  	_ =	shalt  }
0x74: {  	_ =	shalt  }
0x75: {  	_ =	shalt  }
0x76: {  	_ =	shalt  }
0x77: {  	_ =	shalt  }
0x78: {  	_ =	shalt  }
0x79: {  	_ =	shalt  }
0x7a: {  	_ =	shalt  }
0x7b: {  	_ =	shalt  }
0x7c: {  	_ =	shalt  }
0x7d: {  	_ =	shalt  }
0x7e: {  	_ =	shalt  }
0x7f: {  	_ =	shalt  }
0x80: {  	_ =	shalt  }
0x81: {  	_ =	shalt  }
0x82: {  	_ =	shalt  }
0x83: {  	_ =	shalt  }
0x84: {  	_ =	shalt  }
0x85: {  	_ =	shalt  }
0x86: {  	_ =	shalt  }
0x87: {  	_ =	shalt  }
.Lfunc_end0:
.L_simem_size_0:
called_computation_lowered:
.L_overlay_start_0:
0x88: {  	s2 =	sld [smem:$0x3FD9]  }
0x89: {  	s3 =	sld [smem:$0x3FFE];
	_ =	sdelay $0x1  }
0x8a: {  	s1 =	srdreg.scid  }
0x8b: {  	s0 =	sand.u32 $0x1, s1  }
0x8c: {  	s14 =	sshll.u32 s0, $0xA;
	s2 =	sadd.s32 s3, s2  }
0x8d: {  	s2 =	sadd.s32 s2, s14  }
0x8e: {  	[smem:$0x3FBE] =	sst s2  }
0x8f: {  	_ = 	snop  }
0x90: {  	s2 =	sld [smem:$0x3FD0];
	_ =	sdelay $0x2  }
0x91: {  	s15 =	simm.s32 $0xA;
	s4 =	simm.s32 $0x10  }
0x92: {  	[smem:s4], [sflag:s15] =	dma.local [hbm:s2], $0x1  }
0x93: {  	_ =	swait.eq [sflag:s15], $0x1  }
0x94: {  	s16 =	sld [smem:$0x10];
	[sflag:s15] =	ssyncset.done $0x0  }
0x95: {  	s17 =	sld [smem:$0x11];
	[sflag:s15] =	ssyncadd.s32 $0xFFFFFFFF  }
0x96: {  	s18 =	sld [smem:$0x12];
	(tm) =	ssettm $0x1  }
0x97: {  	s5 =	sld [smem:$0x3FFB];
	_ =	sdelay $0x3  }
0x98: {  	_ =	strace s5  }
0x99: {  	s5 =	sld [smem:$0x3FFC];
	_ =	sdelay $0x3  }
0x9a: {  	_ =	strace s5  }
0x9b: {  	s5 =	sld [smem:$0x3FFD];
	_ =	sdelay $0x3  }
0x9c: {  	_ =	strace s5  }
0x9d: {  	_ =	strace $0x8FFFFFFF  }
0x9e: {  	s19 =	sld [smem:$0x3FDB];
	_ =	sdelay $0x1  }
0x9f: {  	s6 =	simm.s32 $_scs_section_size  }
0xa0: {  	s7 =	simm.s32 $_size__tile_overlayer_lowered;
	s8 =	simm.s32 $_tile_overlayer_lowered  }
0xa1: {  	s22 =	simm.s32 $0x1BFF;
	s21 =	sshll.u32 s8, $0x1;
	s5 =	sadd.s32 s6, s19  }
0xa2: {  	s9 =	simm.s32 $0x0;
	s20 =	sshll.u32 s7, $0x1;
	s7 =	sadd.s32 s21, s5  }
0xa3: {  	[timem:s9], [sflag:s22] =	dma.local [hbm:s7], s20  }
0xa4: {  	_ =	swait.ge [sflag:s22], s20  }
0xa5: {  	s6 =	ssub.s32 $0x0, s20;
	[sflag:s22] =	ssyncset.done $0x0  }
0xa6: {  	[sflag:s22] =	ssyncadd.s32 s6;
	_ =	sdelay $0x1  }
0xa7: {  	s23 =	simm.s32 $0x1B8B  }
0xa8: {  	_ =	swait.ge [sflag:s23], $0x1  }
0xa9: {  	[sflag:s23] =	ssyncset.done $0x0  }
0xaa: {  	s25 =	simm.s32 $0x1B8E;
	s24 =	sld [smem:$0x3FFE];
	[sflag:s23] =	ssyncadd.s32 $0xFFFFFFFF  }
0xab: {  	s26 =	simm.s32 $execute0_lowered;
	[smem:$0x3FD2] =	sst s25  }
0xac: {  	s7 =	sshll.u32 s26, $0x1;
	_ =	strace $0x80000046;
	[dreg:$0x1] =	wrdreg $0xFFFFFFFF  }
0xad: {  	s28 =	simm.s32 $_size_execute0_lowered;
	s5 =	sadd.s32 s5, s7;
	[dreg:$0x0] =	wrdreg $0x0  }
0xae: {  	s7 =	sshll.u32 s28, $0x1;
	[dreg:$0x2] =	wrdreg s5  }
0xaf: {  	[dreg:$0x3] =	wrdreg s7  }
0xb0: {  	[dreg:$0x4] =	wrdreg $0xC0  }
0xb1: {  	_ =	task [dreg:s9], $0x5FFFF  }
0xb2: {  	[dreg:$0x1] =	wrdreg $0xFFFFFFFF  }
0xb3: {  	[dreg:$0x0] =	wrdreg $0x60  }
0xb4: {  	[dreg:$0x2] =	wrdreg s24  }
0xb5: {  	[dreg:$0x3] =	wrdreg s18  }
0xb6: {  	[dreg:$0x4] =	wrdreg s17  }
0xb7: {  	[dreg:$0x5] =	wrdreg s16  }
0xb8: {  	[dreg:$0x6] =	wrdreg $0xB9000  }
0xb9: {  	[dreg:$0x7] =	wrdreg $0x1F9000  }
0xba: {  	[dreg:$0x8] =	wrdreg $0x9  }
0xbb: {  	_ =	task.clear_ibuf [dreg:s9], $0x9FFFF;
	_ =	strace $0x90000046  }
0xbc: {  	s29 =	simm.s32 $0x9;
	_ =	strace $0x80000048  }
0xbd: {  	_ =	swait.ge [sflag:s29], $0x1  }
0xbe: {  	[sflag:s29] =	ssyncadd.s32 $0xFFFFFFFF  }
0xbf: {  	_ =	strace $0x90000048  }
0xc0: {  	_ =	sfence  }
0xc1: {  	s30 =	sld [smem:$0x0];
	_ =	sdelay $0x2  }
0xc2: {  	s31 =	sshll.u32 s1, $0xD;
	s1 =	sshrl.u32 s1, $0x2  }
0xc3: {  	s3 =	sand.u32 $0x4000, s31;
	s1 =	sadd.s32 s1, s30  }
0xc4: {  	s0 =	sor.u32 s3, s0;
	s1 =	sshll.u32 s1, $0x11  }
0xc5: {  	s0 =	sor.u32 s1, s0  }
0xc6: {  	s0 =	sadd.s32 $0x8F2B, s0  }
0xc7: {  	[sflag:s0] =	ssyncadd.remote.s32 $0x1  }
0xc8: {  	_ =	sfence.sel $0xFFFF  }
0xc9: {  	[dreg:$0x0] =	wrdreg $0xFFFFFFFF;
	(pc) =	sbr.abs _section_cstart, $3  }
0xca: {  	[dreg:$0x1] =	wrdreg $0xFFFFFFFF  }
0xcb: {  	_ =	task.clear_ibuf [dreg:s9], $0x2FFFF;
	_ =	strace $0x9FFFFFFF  }
0xcc: {  	(tm) =	ssettm $0x7FFFFFFF  }
0xcd: {  	_ =	shalt  }
tec
execute0_lowered:
.L_overlay_start_1:
0x0: {  	(tag) =	ssettag $0x1  }
0x1: {  	s0 =	rddreg [dreg:$0x0]  }
0x2: {  	s3 =	rddreg [dreg:$0x1]  }
0x3: {  	s6 =	rddreg [dreg:$0x2]  }
0x4: {  	s1 =	rddreg [dreg:$0x3]  }
0x5: {  	s2 =	rddreg [dreg:$0x4]  }
0x6: {  	s25 =	rddreg [dreg:$0x5];
	s4 =	simm.s32 $0x0;
	s9 =	srdreg.scid  }
0x7: {  	s26 =	stileid.u32;
	s30 =	simm.s32 $0x2;
	s31 =	simm.s32 $0x2780  }
0x8: {  	[smem:$0x7FF] =	sst s4;
	s5 =	sadd.s32 $0x8000, s0;
	s13 =	smul.u32 $0x280, s26  }
0x9: {  	s7 =	sadd.s32 $0x2C00, s0;
	s8 =	sadd.s32 $0xD400, s0;
	s16 =	smul.u32 $0x50000, s26  }
0xa: {  	s10 =	sand.u32 $0x1, s9;
	s11 =	sadd.s32 $0x5B600, s0;
	s24 =	smul.u32 $0xA00, s26  }
0xb: {  	s9 =	sadd.s32 $0xAB600, s0;
	s12 =	smul.u32 $0x2710, s10;
	s28 =	ssub.s32 $0x2, s10  }
0xc: {  	_ =	strace $0x80000047;
	s17 =	smul.u32 $0x2800, s10;
	s14 =	sshrl.u32 s28, $0x1  }
0xd: {  	s20 =	sadd.s32 $0x180, s13;
	s21 =	sadd.s32 $0x200, s13;
	s15 =	sshrl.u32 s12, $0x3  }
0xe: {  	s0 =	ssub.s32 s28, s14;
	s14 =	sadd.s32 $0x80, s13;
	s19 =	sadd.s32 s17, s20  }
0xf: {  	s22 =	sadd.s32 s17, s21;
	s3 =	sadd.s32 s3, s15;
	s6 =	sadd.s32 s6, s15  }
0x10: {  	s15 =	sshll.u32 s14, $0x7;
	s23 =	sshll.u32 s19, $0x4;
	[dreg:$0x7] =	wrdreg s3  }
0x11: {  	s28 =	sshll.u32 s22, $0x4;
	s0 =	smax.u32 s0, $0x1;
	[dreg:$0x8] =	wrdreg s6  }
0x12: {  	s3 =	sshrl.u32 s16, $0x2;
	s16 =	sadd.s32 $0x100, s13;
	s13 =	sadd.s32 s13, s17  }
0x13: {  	v0 =	vmov s12;
	s6 =	sadd.s32 s17, s14;
	s12 =	sadd.s32 s11, s28;
	s19 =	sadd.s32 s15, s2  }
0x14: {  	s14 =	sshll.u32 s20, $0x7;
	s15 =	sshll.u32 s21, $0x7;
	s20 =	smul.u32 $0x2A000, s10  }
0x15: {  	v1 =	vimm.s32 $0xFEDCBA98;
	v5 =	vimm.s32 $0x76543210;
	[dreg:$0xf] =	wrdreg s0;
	s0 =	simm.s32 $0x7900;
	s13 =	sshll.u32 s13, $0x4  }
0x16: {  	v7 =	vimm.s32 $0x32107654;
	v8 =	vimm.s32 $0xDCFE98BA;
	v9 =	vimm.s32 $0x54761032;
	s6 =	sshll.u32 s6, $0x4;
	s18 =	sadd.s32 s17, s16;
	[dreg:$0xd] =	wrdreg s12  }
0x17: {  	v2 =	vlaneseq.u32;
	v10 =	vimm.s32 $0xEFCDAB89;
	v11 =	vimm.s32 $0x67452301;
	s17 =	smul.u32 $0x2A00, s26;
	s22 =	sadd.s32 s14, s2;
	s13 =	sadd.s32 s11, s13  }
0x18: {  	v4 =	vunpack.c.l.s4.s8 v1;
	v1 =	vimm.f32 $0.0e+00;
	v3 =	vor.u32 $0x10, v2;
	s12 =	simm.s32 $0x80;
	s6 =	sadd.s32 s11, s6;
	[dreg:$0x9] =	wrdreg s13  }
0x19: {  	v8 =	vunpack.c.l.s4.s8 v8;
	v9 =	vunpack.c.l.s4.s8 v9;
	v10 =	vunpack.c.l.s4.s8 v10;
	s14 =	simm.s32 $0x0;
	[dreg:$0xa] =	wrdreg s6;
	s6 =	sshll.u32 s18, $0x4  }
0x1a: {  	v11 =	vunpack.c.l.s4.s8 v11;
	v6 =	vunpack.c.0.s8.s32 v4;
	v4 =	vimm.s32 $0xBA98FEDC;
	s18 =	sadd.s32 s3, s2;
	s13 =	sshll.u32 s16, $0x7;
	s16 =	sshrl.u32 s24, $0x2  }
0x1b: {  	v7 =	vunpack.c.l.s4.s8 v7;
	v8 =	vunpack.c.0.s8.s32 v8;
	v4 =	vunpack.c.l.s4.s8 v4;
	s24 =	smul.u32 $0x540, s26;
	s10 =	sadd.s32 s17, s20;
	s6 =	sadd.s32 s11, s6  }
0x1c: {  	v9 =	vunpack.c.0.s8.s32 v9;
	v10 =	vunpack.c.0.s8.s32 v10;
	v11 =	vunpack.c.0.s8.s32 v11;
	s21 =	sadd.s32 s13, s2;
	s3 =	sadd.s32 s16, s25;
	s25 =	sshrl.u32 s10, $0x3  }
0x1d: {  	v5 =	vunpack.c.l.s4.s8 v5;
	v7 =	vunpack.c.0.s8.s32 v7;
	v4 =	vunpack.c.0.s8.s32 v4;
	s10 =	simm.s32 $0x7780;
	s13 =	simm.s32 $0x1;
	[dreg:$0xb] =	wrdreg s6  }
0x1e: {  	v13 =	vand.u32 $0xF, v6;
	v9 =	vcombine.low v9, v8;
	v10 =	vcombine.low v11, v10;
	s6 =	sadd.s32 s11, s23;
	s23 =	sadd.s32 s15, s2;
	[dreg:$0xe] =	wrdreg s3  }
0x1f: {  	v6 =	vor.u32 $0x40, v2;
	v12 =	vcombine.low v7, v4;
	v7 =	vunpack.c.0.s8.s32 v5;
	s26 =	sadd.s32 s24, s7;
	s28 =	sadd.s32 s24, s5;
	[dreg:$0xc] =	wrdreg s6  }
0x20: {  	v9 =	vand.u32 $0xF, v9;
	v10 =	vand.u32 $0xF, v10;
	v4 =	vor.u32 $0x20, v2;
	s29 =	sadd.s32 s25, s1;
	s3 =	simm.s32 $0x7700;
	[dreg:$0x10] =	wrdreg s26  }
0x21: {  	v5 =	vor.u32 $0x30, v2;
	v7 =	vcombine.low v13, v7;
	v8 =	vand.u32 $0xF, v12;
	s11 =	simm.s32 $0x4F00;
	[dreg:$0x11] =	wrdreg s28;
	s6 =	simm.s32 $0x7800  }
.LBB2_1:
0x22: {  	s15 =	rddreg [dreg:$0x7]  }
0x23: {  	[tilespmem:s4], [sflag:$0x2] =	stream.linear.gather [hbm4b:s15+s4], $0x2710, $0x38;
	[tilespmem:$0x1FB80] =	vst v63  }
0x24: {  	_ =	swait.ge [sflag:s30], $0x2710  }
0x25: {  	[sflag:s30] =	ssyncset.done $0x0  }
0x26: {  	s28 =	rddreg [dreg:$0x8];
	[sflag:s30] =	ssyncadd.s32 $0xFFFFD8F0  }
0x27: {  	[tilespmem:s31], [sflag:$0x2] =	stream.linear.gather [hbm4b:s28+s4], $0x2710, $0x38;
	[tilespmem:$0x1FB80] =	vst v63  }
0x28: {  	_ =	swait.ge [sflag:s30], $0x2710  }
0x29: {  	[sflag:s30] =	ssyncset.done $0x0  }
0x2a: {  	s16 =	simm.s32 $0x200;
	s15 =	simm.s32 $0x0;
	[sflag:s30] =	ssyncadd.s32 $0xFFFFD8F0  }
.LBB2_2:
0x2b: {  	p0 =	sne.s32 s16, $0xFE00;
	[tilespmem:s15+$0x7970] =	vst v1  }
0x2c: {  	[tilespmem:s15+$0x7900] =	vst v1  }
0x2d: {  	[tilespmem:s15+$0x7910] =	vst v1  }
.Ltmp0:
0x2e: {  	[tilespmem:s15+$0x7920] =	vst v1;
	(pc) =	sbr.rel @p0 .LBB2_2-.Ltmp0, $4  }
0x2f: {  	[tilespmem:s15+$0x7930] =	vst v1  }
0x30: {  	[tilespmem:s15+$0x7940] =	vst v1  }
0x31: {  	[tilespmem:s15+$0x7950] =	vst v1  }
0x32: {  	[tilespmem:s15+$0x7960] =	vst v1;
	s15 =	sshra.s32 s16, $0x2;
	s16 =	sadd.s32 $0x200, s16  }
0x33: {  	[tilespmem:s15+$0x7970] =	vst v1  }
0x34: {  	[tilespmem:s15+$0x7900] =	vst v1  }
0x35: {  	[tilespmem:s15+$0x7910] =	vst v1  }
0x36: {  	[tilespmem:s15+$0x7920] =	vst v1  }
0x37: {  	[tilespmem:s15+$0x7930] =	vst v1  }
0x38: {  	[tilespmem:s15+$0x7940] =	vst v1  }
0x39: {  	[tilespmem:s15+$0x7950] =	vst v1  }
0x3a: {  	[tilespmem:s15+$0x7960] =	vst v1;
	s15 =	simm.s32 $0x0;
	s16 =	simm.s32 $0x200  }
.LBB2_4:
0x3b: {  	p0 =	sne.s32 s16, $0x9E00;
	[tilespmem:s15+$0x4F70] =	vst v1  }
0x3c: {  	[tilespmem:s15+$0x4F00] =	vst v1  }
0x3d: {  	[tilespmem:s15+$0x4F10] =	vst v1  }
.Ltmp1:
0x3e: {  	[tilespmem:s15+$0x4F20] =	vst v1;
	(pc) =	sbr.rel @p0 .LBB2_4-.Ltmp1, $4  }
0x3f: {  	[tilespmem:s15+$0x4F30] =	vst v1  }
0x40: {  	[tilespmem:s15+$0x4F40] =	vst v1  }
0x41: {  	[tilespmem:s15+$0x4F50] =	vst v1  }
0x42: {  	[tilespmem:s15+$0x4F60] =	vst v1;
	s15 =	sshra.s32 s16, $0x2;
	s16 =	sadd.s32 $0x200, s16  }
0x43: {  	[tilespmem:s15+$0x4F70] =	vst v1  }
0x44: {  	[tilespmem:s15+$0x4F00] =	vst v1  }
0x45: {  	[tilespmem:s15+$0x4F10] =	vst v1  }
0x46: {  	[tilespmem:s15+$0x4F20] =	vst v1  }
0x47: {  	[tilespmem:s15+$0x4F30] =	vst v1  }
0x48: {  	[tilespmem:s15+$0x4F40] =	vst v1  }
0x49: {  	[tilespmem:s15+$0x4F50] =	vst v1  }
0x4a: {  	[tilespmem:s15+$0x4F60] =	vst v1  }
0x4b: {  	[tilespmem:$0x7880] =	vst v2  }
0x4c: {  	[tilespmem:$0x7890] =	vst v3  }
0x4d: {  	[tilespmem:$0x78A0] =	vst v4  }
0x4e: {  	[tilespmem:$0x78B0] =	vst v5  }
0x4f: {  	[tilespmem:$0x78C0] =	vst v6  }
0x50: {  	[spmem:s18] =	stream.linear.scatter [tilespmem:s0], [sflag:$0x2], $0x4000, $0x38;
	[tilespmem:$0x1FB80] =	vst v63  }
0x51: {  	_ =	swait.ge [sflag:s30], $0x4000  }
0x52: {  	[sflag:s30] =	ssyncset.done $0x0  }
0x53: {  	[sflag:s30] =	ssyncadd.s32 $0xFFFFC000  }
0x54: {  	[spmem:s19] =	stream.linear.scatter [tilespmem:s0], [sflag:$0x2], $0x4000, $0x38;
	[tilespmem:$0x1FB80] =	vst v63  }
0x55: {  	_ =	swait.ge [sflag:s30], $0x4000  }
0x56: {  	[sflag:s30] =	ssyncset.done $0x0  }
0x57: {  	[sflag:s30] =	ssyncadd.s32 $0xFFFFC000  }
0x58: {  	[spmem:s21] =	stream.linear.scatter [tilespmem:s0], [sflag:$0x2], $0x4000, $0x38;
	[tilespmem:$0x1FB80] =	vst v63  }
0x59: {  	_ =	swait.ge [sflag:s30], $0x4000  }
0x5a: {  	[sflag:s30] =	ssyncset.done $0x0  }
0x5b: {  	[sflag:s30] =	ssyncadd.s32 $0xFFFFC000  }
0x5c: {  	[spmem:s22] =	stream.linear.scatter [tilespmem:s0], [sflag:$0x2], $0x4000, $0x38;
	[tilespmem:$0x1FB80] =	vst v63  }
0x5d: {  	_ =	swait.ge [sflag:s30], $0x4000  }
0x5e: {  	[sflag:s30] =	ssyncset.done $0x0  }
0x5f: {  	[sflag:s30] =	ssyncadd.s32 $0xFFFFC000  }
0x60: {  	[spmem:s23] =	stream.linear.scatter [tilespmem:s0], [sflag:$0x2], $0x4000, $0x38;
	[tilespmem:$0x1FB80] =	vst v63  }
0x61: {  	_ =	swait.ge [sflag:s30], $0x4000  }
0x62: {  	[sflag:s30] =	ssyncset.done $0x0  }
0x63: {  	s28 =	rddreg [dreg:$0xe];
	[sflag:s30] =	ssyncadd.s32 $0xFFFFC000  }
0x64: {  	[spmem:s28] =	stream.linear.scatter [tilespmem:s0], [sflag:$0x2], $0x280, $0x38;
	[tilespmem:$0x1FB80] =	vst v63  }
0x65: {  	_ =	swait.ge [sflag:s30], $0x280  }
0x66: {  	[sflag:s30] =	ssyncset.done $0x0  }
0x67: {  	s15 =	simm.s32 $0x0;
	[sflag:s30] =	ssyncadd.s32 $0xFFFFFD80  }
0x68: {  	v11 =	vimm.f32 $-Inf;
	s16 =	simm.s32 $0x40;
	v12 =	vimm.f32 $-Inf;
	v13 =	vld [tilespmem:s15+$0x0]  }
.LBB2_6:
0x69: {  	p0 =	sne.s32 s16, $0x9C00  }
.Ltmp2:
0x6a: {  	_ = 	snop;
	(pc) =	sbr.rel @p0 .LBB2_6-.Ltmp2, $3  }
0x6b: {  	_ =	sdelay $0x1  }
0x6c: {  	s25 =	sshra.s32 s16, $0x2;
	s16 =	sadd.s32 $0x40, s16;
	v12 =	vmax.f32 v12, v13  }
0x6d: {  	v13 =	vld [tilespmem:s25+$0x0]  }
0x6e: {  	_ =	sdelay $0x3  }
0x6f: {  	s16 =	simm.s32 $0x40;
	v12 =	vmax.f32 v12, v13;
	v13 =	vld [tilespmem:s15+$0x2780]  }
.LBB2_8:
0x70: {  	p0 =	sne.s32 s16, $0x9C00  }
.Ltmp3:
0x71: {  	_ = 	snop;
	(pc) =	sbr.rel @p0 .LBB2_8-.Ltmp3, $3  }
0x72: {  	_ =	sdelay $0x1  }
0x73: {  	s15 =	sshra.s32 s16, $0x2;
	s16 =	sadd.s32 $0x40, s16;
	v11 =	vmax.f32 v11, v13  }
0x74: {  	v13 =	vld [tilespmem:s15+$0x2780]  }
0x75: {  	_ =	sdelay $0x3  }
0x76: {  	v11 =	vmax.f32 v11, v13  }
0x77: {  	v11 =	vadd.f32 v11, v12;
	_ =	sdelay $0x1  }
0x78: {  	[tilespmem:$0x7800] =	vst v11  }
0x79: {  	v60 =	vld.idx.msk [tilespmem:v7+s6+$0x0], $0xffff;
	_ =	sdelay $0x4  }
0x7a: {  	v11 =	vmax.f32 v11, v60  }
0x7b: {  	[tilespmem:$0x7800] =	vst v11  }
0x7c: {  	v61 =	vld.idx.msk [tilespmem:v8+s6+$0x0], $0xffff;
	_ =	sdelay $0x4  }
0x7d: {  	v11 =	vmax.f32 v11, v61  }
0x7e: {  	[tilespmem:$0x7800] =	vst v11  }
0x7f: {  	v62 =	vld.idx.msk [tilespmem:v9+s6+$0x0], $0xffff;
	_ =	sdelay $0x4  }
0x80: {  	v11 =	vmax.f32 v11, v62  }
0x81: {  	[tilespmem:$0x7800] =	vst v11  }
0x82: {  	v63 =	vld.idx.msk [tilespmem:v10+s6+$0x0], $0xffff;
	_ =	sdelay $0x4  }
0x83: {  	v11 =	vmax.f32 v11, v63  }
0x84: {  	[bflag:$0x0] =	sbarrier.arrive $0xFFFF;
	v12 =	vmul.f32 $2.000000030e-01, v11  }
0x85: {  	s28 =	rddreg [dreg:$0x11]  }
0x86: {  	s15 =	simm.s32 $0x0;
	s16 =	smov.u32 s29;
	s26 =	rddreg [dreg:$0x10];
	v11 =	vmax.f32 v11, v12  }
.LBB2_10:
0x87: {  	[tilespmem:s3], [sflag:$0x2] =	stream.linear.gather [hbm4b:s28+s4], $0x80, $0x38;
	[tilespmem:$0x1FB80] =	vst v63  }
0x88: {  	_ =	swait.ge [sflag:s30], $0x80  }
0x89: {  	[sflag:s30] =	ssyncset.done $0x0  }
0x8a: {  	[sflag:s30] =	ssyncadd.s32 $0xFFFFFF80  }
0x8b: {  	[tilespmem:s10], [sflag:$0x2] =	stream.linear.gather [hbm4b:s26+s4], $0x80, $0x38;
	[tilespmem:$0x1FB80] =	vst v63  }
0x8c: {  	_ =	swait.ge [sflag:s30], $0x80  }
0x8d: {  	[sflag:s30] =	ssyncset.done $0x0  }
0x8e: {  	[sflag:s30] =	ssyncadd.s32 $0xFFFFFF80  }
0x8f: {  	v12 =	vld [tilespmem:$0x7700]  }
0x90: {  	v13 =	vld [tilespmem:$0x7780];
	_ =	sdelay $0x6  }
0x91: {  	v12 =	vld.idx.msk [tilespmem:v12+s4+$0x0], $0xffff  }
0x92: {  	v14 =	vld.idx.msk [tilespmem:v13+s31+$0x0], $0xffff;
	_ =	sdelay $0x4  }
0x93: {  	v12 =	vadd.f32 v14, v12;
	_ =	sdelay $0x1  }
0x94: {  	v14 =	vmul.f32 $2.000000030e-01, v12;
	_ =	sdelay $0x1  }
0x95: {  	v12 =	vmax.f32 v12, v14  }
0x96: {  	v12 =	vsub.f32 v12, v11;
	_ =	sdelay $0x1  }
0x97: {  	v12 =	vmul.f32 $1.442695020e+00, v12;
	_ =	sdelay $0x1  }
0x98: {  	(erf) = vpow2.f32 v12;
	_ =	sdelay $0x7  }
0x99: {  	s25 =	sadd.s32 s15, s17  }
0x9a: {  	p0 =	slt.u32 s25, $0x29810;
	v12 =	vpop (erf)  }
0x9b: {  	v12 =	vpsel !p0, $0x0, v12  }
0x9c: {  	[tilespmem:$0x7800] =	vst v12  }
0x9d: {  	[tilespmem:v13+s11+$0x0] =	vst.idx.add.f32.msk $0xffff, v12  }
0x9e: {  	v12 =	vld [tilespmem:$0x7710]  }
0x9f: {  	v13 =	vld [tilespmem:$0x7790];
	_ =	sdelay $0x6  }
0xa0: {  	v12 =	vld.idx.msk [tilespmem:v12+s4+$0x0], $0xffff  }
0xa1: {  	v57 =	vld.idx.msk [tilespmem:v13+s31+$0x0], $0xffff;
	_ =	sdelay $0x4  }
0xa2: {  	v12 =	vadd.f32 v57, v12;
	_ =	sdelay $0x1  }
0xa3: {  	v14 =	vmul.f32 $2.000000030e-01, v12;
	_ =	sdelay $0x1  }
0xa4: {  	v12 =	vmax.f32 v12, v14  }
0xa5: {  	v12 =	vsub.f32 v12, v11;
	_ =	sdelay $0x1  }
0xa6: {  	v12 =	vmul.f32 $1.442695020e+00, v12;
	_ =	sdelay $0x1  }
0xa7: {  	(erf) = vpow2.f32 v12;
	_ =	sdelay $0x7  }
0xa8: {  	s24 =	sadd.s32 $0x10, s25  }
0xa9: {  	p6 =	slt.u32 s24, $0x29810;
	v12 =	vpop (erf)  }
0xaa: {  	v12 =	vpsel !p6, $0x0, v12  }
0xab: {  	[tilespmem:$0x7810] =	vst v12  }
0xac: {  	[tilespmem:v13+s11+$0x0] =	vst.idx.add.f32.msk $0xffff, v12  }
0xad: {  	v12 =	vld [tilespmem:$0x7720]  }
0xae: {  	v13 =	vld [tilespmem:$0x77A0];
	_ =	sdelay $0x6  }
0xaf: {  	v12 =	vld.idx.msk [tilespmem:v12+s4+$0x0], $0xffff  }
0xb0: {  	v58 =	vld.idx.msk [tilespmem:v13+s31+$0x0], $0xffff;
	_ =	sdelay $0x4  }
0xb1: {  	v12 =	vadd.f32 v58, v12;
	_ =	sdelay $0x1  }
0xb2: {  	v14 =	vmul.f32 $2.000000030e-01, v12;
	_ =	sdelay $0x1  }
0xb3: {  	v12 =	vmax.f32 v12, v14  }
0xb4: {  	v12 =	vsub.f32 v12, v11;
	_ =	sdelay $0x1  }
0xb5: {  	v12 =	vmul.f32 $1.442695020e+00, v12;
	_ =	sdelay $0x1  }
0xb6: {  	(erf) = vpow2.f32 v12;
	_ =	sdelay $0x7  }
0xb7: {  	s24 =	sadd.s32 $0x20, s25  }
0xb8: {  	p1 =	slt.u32 s24, $0x29810;
	v12 =	vpop (erf)  }
0xb9: {  	v12 =	vpsel !p1, $0x0, v12  }
0xba: {  	[tilespmem:$0x7820] =	vst v12  }
0xbb: {  	[tilespmem:v13+s11+$0x0] =	vst.idx.add.f32.msk $0xffff, v12  }
0xbc: {  	v12 =	vld [tilespmem:$0x7730]  }
0xbd: {  	v13 =	vld [tilespmem:$0x77B0];
	_ =	sdelay $0x6  }
0xbe: {  	v12 =	vld.idx.msk [tilespmem:v12+s4+$0x0], $0xffff  }
0xbf: {  	v59 =	vld.idx.msk [tilespmem:v13+s31+$0x0], $0xffff;
	_ =	sdelay $0x4  }
0xc0: {  	v12 =	vadd.f32 v59, v12;
	_ =	sdelay $0x1  }
0xc1: {  	v14 =	vmul.f32 $2.000000030e-01, v12;
	_ =	sdelay $0x1  }
0xc2: {  	v12 =	vmax.f32 v12, v14  }
0xc3: {  	v12 =	vsub.f32 v12, v11;
	_ =	sdelay $0x1  }
0xc4: {  	v12 =	vmul.f32 $1.442695020e+00, v12;
	_ =	sdelay $0x1  }
0xc5: {  	(erf) = vpow2.f32 v12;
	_ =	sdelay $0x7  }
0xc6: {  	s24 =	sadd.s32 $0x30, s25  }
0xc7: {  	p2 =	slt.u32 s24, $0x29810;
	v12 =	vpop (erf)  }
0xc8: {  	v12 =	vpsel !p2, $0x0, v12  }
0xc9: {  	[tilespmem:$0x7830] =	vst v12  }
0xca: {  	[tilespmem:v13+s11+$0x0] =	vst.idx.add.f32.msk $0xffff, v12  }
0xcb: {  	v12 =	vld [tilespmem:$0x7740]  }
0xcc: {  	v13 =	vld [tilespmem:$0x77C0];
	_ =	sdelay $0x6  }
0xcd: {  	v12 =	vld.idx.msk [tilespmem:v12+s4+$0x0], $0xffff  }
0xce: {  	v60 =	vld.idx.msk [tilespmem:v13+s31+$0x0], $0xffff;
	_ =	sdelay $0x4  }
0xcf: {  	v12 =	vadd.f32 v60, v12;
	_ =	sdelay $0x1  }
0xd0: {  	v14 =	vmul.f32 $2.000000030e-01, v12;
	_ =	sdelay $0x1  }
0xd1: {  	v12 =	vmax.f32 v12, v14  }
0xd2: {  	v12 =	vsub.f32 v12, v11;
	_ =	sdelay $0x1  }
0xd3: {  	v12 =	vmul.f32 $1.442695020e+00, v12;
	_ =	sdelay $0x1  }
0xd4: {  	(erf) = vpow2.f32 v12;
	_ =	sdelay $0x7  }
0xd5: {  	s24 =	sadd.s32 $0x40, s25  }
0xd6: {  	p3 =	slt.u32 s24, $0x29810;
	v12 =	vpop (erf)  }
0xd7: {  	v12 =	vpsel !p3, $0x0, v12  }
0xd8: {  	[tilespmem:$0x7840] =	vst v12  }
0xd9: {  	[tilespmem:v13+s11+$0x0] =	vst.idx.add.f32.msk $0xffff, v12  }
0xda: {  	v12 =	vld [tilespmem:$0x7750]  }
0xdb: {  	v13 =	vld [tilespmem:$0x77D0];
	_ =	sdelay $0x6  }
0xdc: {  	v12 =	vld.idx.msk [tilespmem:v12+s4+$0x0], $0xffff  }
0xdd: {  	v61 =	vld.idx.msk [tilespmem:v13+s31+$0x0], $0xffff;
	_ =	sdelay $0x4  }
0xde: {  	v12 =	vadd.f32 v61, v12;
	_ =	sdelay $0x1  }
0xdf: {  	v14 =	vmul.f32 $2.000000030e-01, v12;
	_ =	sdelay $0x1  }
0xe0: {  	v12 =	vmax.f32 v12, v14  }
0xe1: {  	v12 =	vsub.f32 v12, v11;
	_ =	sdelay $0x1  }
0xe2: {  	v12 =	vmul.f32 $1.442695020e+00, v12;
	_ =	sdelay $0x1  }
0xe3: {  	(erf) = vpow2.f32 v12;
	_ =	sdelay $0x7  }
0xe4: {  	s24 =	sadd.s32 $0x50, s25  }
0xe5: {  	p4 =	slt.u32 s24, $0x29810;
	v12 =	vpop (erf)  }
0xe6: {  	v12 =	vpsel !p4, $0x0, v12  }
0xe7: {  	[tilespmem:$0x7850] =	vst v12  }
0xe8: {  	[tilespmem:v13+s11+$0x0] =	vst.idx.add.f32.msk $0xffff, v12  }
0xe9: {  	v12 =	vld [tilespmem:$0x7760]  }
0xea: {  	v13 =	vld [tilespmem:$0x77E0];
	_ =	sdelay $0x6  }
0xeb: {  	v12 =	vld.idx.msk [tilespmem:v12+s4+$0x0], $0xffff  }
0xec: {  	v62 =	vld.idx.msk [tilespmem:v13+s31+$0x0], $0xffff;
	_ =	sdelay $0x4  }
0xed: {  	v12 =	vadd.f32 v62, v12;
	_ =	sdelay $0x1  }
0xee: {  	v14 =	vmul.f32 $2.000000030e-01, v12;
	_ =	sdelay $0x1  }
0xef: {  	v12 =	vmax.f32 v12, v14  }
0xf0: {  	v12 =	vsub.f32 v12, v11;
	_ =	sdelay $0x1  }
0xf1: {  	v12 =	vmul.f32 $1.442695020e+00, v12;
	_ =	sdelay $0x1  }
0xf2: {  	(erf) = vpow2.f32 v12;
	_ =	sdelay $0x7  }
0xf3: {  	s24 =	sadd.s32 $0x60, s25  }
0xf4: {  	p5 =	slt.u32 s24, $0x29810;
	v12 =	vpop (erf)  }
0xf5: {  	v12 =	vpsel !p5, $0x0, v12  }
0xf6: {  	[tilespmem:$0x7860] =	vst v12  }
0xf7: {  	[tilespmem:v13+s11+$0x0] =	vst.idx.add.f32.msk $0xffff, v12  }
0xf8: {  	v12 =	vld [tilespmem:$0x7770]  }
0xf9: {  	v13 =	vld [tilespmem:$0x77F0];
	_ =	sdelay $0x6  }
0xfa: {  	v12 =	vld.idx.msk [tilespmem:v12+s4+$0x0], $0xffff  }
0xfb: {  	v63 =	vld.idx.msk [tilespmem:v13+s31+$0x0], $0xffff;
	_ =	sdelay $0x4  }
0xfc: {  	v12 =	vadd.f32 v63, v12;
	_ =	sdelay $0x1  }
0xfd: {  	v14 =	vmul.f32 $2.000000030e-01, v12;
	_ =	sdelay $0x1  }
0xfe: {  	v12 =	vmax.f32 v12, v14  }
0xff: {  	v12 =	vsub.f32 v12, v11;
	_ =	sdelay $0x1  }
0x100: {  	v12 =	vmul.f32 $1.442695020e+00, v12;
	_ =	sdelay $0x1  }
0x101: {  	(erf) = vpow2.f32 v12;
	_ =	sdelay $0x7  }
0x102: {  	s25 =	sadd.s32 $0x70, s25  }
0x103: {  	p6 =	slt.u32 s25, $0x29810;
	v12 =	vpop (erf)  }
0x104: {  	v12 =	vpsel !p6, $0x0, v12  }
0x105: {  	p0 =	sne.s32 s15, $0x2980;
	[tilespmem:$0x7870] =	vst v12  }
.Ltmp4:
0x106: {  	[tilespmem:v13+s11+$0x0] =	vst.idx.add.f32.msk $0xffff, v12;
	(pc) =	sbr.rel @p0 .LBB2_10-.Ltmp4, $4  }
0x107: {  	[hbm4b:s16+s4] =	stream.linear.scatter [tilespmem:s6], [sflag:$0x2], $0x80, $0x38;
	[tilespmem:$0x1FB80] =	vst v63  }
0x108: {  	_ =	swait.ge [sflag:s30], $0x80  }
0x109: {  	s28 =	sadd.s32 $0x10, s28;
	s26 =	sadd.s32 $0x10, s26;
	[sflag:s30] =	ssyncset.done $0x0  }
0x10a: {  	s15 =	sadd.s32 $0x80, s15;
	s16 =	sadd.s32 $0x10, s16;
	[sflag:s30] =	ssyncadd.s32 $0xFFFFFF80  }
0x10b: {  	s15 =	rddreg [dreg:$0x5];
	s16 =	simm.s32 $0x50;
	s24 =	simm.s32 $0x7880  }
0x10c: {  	[spmem:s15] =	stream.indirect.scatter.add.f32 [tilespmem:s11], [sflag:$0x2], $0x80, s24, s16, $0xb8;
	[tilespmem:$0x1FB80] =	vst v63  }
0x10d: {  	_ =	swait.ge [sflag:s30], $0x2800  }
0x10e: {  	[sflag:s30] =	ssyncset.done $0x0  }
0x10f: {  	[sflag:s30] =	ssyncadd.s32 $0xFFFFD800  }
0x110: {  	[bflag:$0x0] =	sbarrier.arrive $0xFFFF  }
0x111: {  	[tilespmem:s11], [sflag:$0x2] =	stream.linear.gather [spmem:s15], $0x2800, $0x38;
	[tilespmem:$0x1FB80] =	vst v63  }
0x112: {  	_ =	swait.ge [sflag:s30], $0x2800  }
0x113: {  	[sflag:s30] =	ssyncset.done $0x0  }
0x114: {  	s16 =	simm.s32 $0x0;
	s15 =	simm.s32 $0x0;
	[sflag:s30] =	ssyncadd.s32 $0xFFFFD800  }
.LBB2_12:
0x115: {  	s24 =	sshll.u32 s16, $0x7  }
0x116: {  	s24 =	sadd.s32 s17, s24  }
0x117: {  	s25 =	sshrl.u32 s24, $0x3  }
0x118: {  	s26 =	sadd.s32 s5, s25  }
0x119: {  	[tilespmem:s3], [sflag:$0x2] =	stream.linear.gather [hbm4b:s26+s15], $0x80, $0x38;
	[tilespmem:$0x1FB80] =	vst v63  }
0x11a: {  	_ =	swait.ge [sflag:s30], $0x80  }
0x11b: {  	[sflag:s30] =	ssyncset.done $0x0  }
0x11c: {  	s25 =	sadd.s32 s7, s25;
	[sflag:s30] =	ssyncadd.s32 $0xFFFFFF80  }
0x11d: {  	[tilespmem:s10], [sflag:$0x2] =	stream.linear.gather [hbm4b:s25+s15], $0x80, $0x38;
	[tilespmem:$0x1FB80] =	vst v63  }
0x11e: {  	s24 =	sadd.s32 s20, s24;
	_ =	swait.ge [sflag:s30], $0x80  }
0x11f: {  	s26 =	sshrl.u32 s24, $0x3;
	[sflag:s30] =	ssyncset.done $0x0  }
0x120: {  	s24 =	sadd.s32 s1, s26;
	[sflag:s30] =	ssyncadd.s32 $0xFFFFFF80  }
0x121: {  	[tilespmem:s6], [sflag:$0x2] =	stream.linear.gather [hbm4b:s24+s15], $0x80, $0x38;
	[tilespmem:$0x1FB80] =	vst v63  }
0x122: {  	_ =	swait.ge [sflag:s30], $0x80  }
0x123: {  	[sflag:s30] =	ssyncset.done $0x0  }
0x124: {  	[sflag:s30] =	ssyncadd.s32 $0xFFFFFF80  }
0x125: {  	v11 =	vld [tilespmem:$0x7700]  }
0x126: {  	v12 =	vld [tilespmem:$0x7710]  }
0x127: {  	v13 =	vld [tilespmem:$0x7720]  }
0x128: {  	v14 =	vld [tilespmem:$0x7730]  }
0x129: {  	v15 =	vld [tilespmem:$0x7740]  }
0x12a: {  	v16 =	vld [tilespmem:$0x7750];
	v11 =	vadd.s32 v0, v11  }
0x12b: {  	[tilespmem:$0x7700] =	vst v11;
	v11 =	vadd.s32 v0, v12;
	v12 =	vld [tilespmem:$0x7760]  }
0x12c: {  	[tilespmem:$0x7710] =	vst v11;
	v11 =	vadd.s32 v0, v13;
	v13 =	vld [tilespmem:$0x7770]  }
0x12d: {  	[tilespmem:$0x7720] =	vst v11;
	v11 =	vadd.s32 v0, v14  }
0x12e: {  	[tilespmem:$0x7730] =	vst v11;
	v11 =	vadd.s32 v0, v15  }
0x12f: {  	[tilespmem:$0x7740] =	vst v11;
	v11 =	vadd.s32 v0, v16  }
0x130: {  	[tilespmem:$0x7750] =	vst v11;
	v11 =	vadd.s32 v0, v12  }
0x131: {  	[tilespmem:$0x7760] =	vst v11;
	v11 =	vadd.s32 v0, v13  }
0x132: {  	[tilespmem:$0x7770] =	vst v11  }
0x133: {  	[tilespmem:s0], [sflag:$0x1] =	stream.indirect.gather [hbm4b:s8+s12], $0x80, s3, s12, $0xb8;
	[tilespmem:$0x1FB80] =	vst v63  }
0x134: {  	v11 =	vld [tilespmem:$0x7780];
	_ =	sdelay $0x7  }
0x135: {  	v11 =	vld.idx.msk [tilespmem:v11+s11+$0x0], $0xffff;
	_ =	sdelay $0x4  }
0x136: {  	v11 =	vadd.f32 $1.000000020e-16, v11;
	_ =	sdelay $0x1  }
0x137: {  	(erf) = vrcp.f32 v11;
	_ =	sdelay $0x3  }
0x138: {  	v12 =	vld [tilespmem:$0x7790]  }
0x139: {  	v11 =	vld [tilespmem:$0x7800];
	_ =	sdelay $0x3  }
0x13a: {  	v13 =	vpop (erf)  }
0x13b: {  	v11 =	vmul.f32 v13, v11;
	_ =	sdelay $0x1  }
0x13c: {  	[tilespmem:$0x7800] =	vst v11  }
0x13d: {  	v11 =	vld.idx.msk [tilespmem:v12+s11+$0x0], $0xffff;
	_ =	sdelay $0x4  }
0x13e: {  	v11 =	vadd.f32 $1.000000020e-16, v11;
	_ =	sdelay $0x1  }
0x13f: {  	(erf) = vrcp.f32 v11;
	_ =	sdelay $0x3  }
0x140: {  	v12 =	vld [tilespmem:$0x77A0]  }
0x141: {  	v11 =	vld [tilespmem:$0x7810];
	_ =	sdelay $0x3  }
0x142: {  	v13 =	vpop (erf)  }
0x143: {  	v11 =	vmul.f32 v13, v11;
	_ =	sdelay $0x1  }
0x144: {  	[tilespmem:$0x7810] =	vst v11  }
0x145: {  	v11 =	vld.idx.msk [tilespmem:v12+s11+$0x0], $0xffff;
	_ =	sdelay $0x4  }
0x146: {  	v11 =	vadd.f32 $1.000000020e-16, v11;
	_ =	sdelay $0x1  }
0x147: {  	(erf) = vrcp.f32 v11;
	_ =	sdelay $0x3  }
0x148: {  	v12 =	vld [tilespmem:$0x77B0]  }
0x149: {  	v11 =	vld [tilespmem:$0x7820];
	_ =	sdelay $0x3  }
0x14a: {  	v13 =	vpop (erf)  }
0x14b: {  	v11 =	vmul.f32 v13, v11;
	_ =	sdelay $0x1  }
0x14c: {  	[tilespmem:$0x7820] =	vst v11  }
0x14d: {  	v11 =	vld.idx.msk [tilespmem:v12+s11+$0x0], $0xffff;
	_ =	sdelay $0x4  }
0x14e: {  	v11 =	vadd.f32 $1.000000020e-16, v11;
	_ =	sdelay $0x1  }
0x14f: {  	(erf) = vrcp.f32 v11;
	_ =	sdelay $0x3  }
0x150: {  	v12 =	vld [tilespmem:$0x77C0]  }
0x151: {  	v11 =	vld [tilespmem:$0x7830];
	_ =	sdelay $0x3  }
0x152: {  	v13 =	vpop (erf)  }
0x153: {  	v11 =	vmul.f32 v13, v11;
	_ =	sdelay $0x1  }
0x154: {  	[tilespmem:$0x7830] =	vst v11  }
0x155: {  	v11 =	vld.idx.msk [tilespmem:v12+s11+$0x0], $0xffff;
	_ =	sdelay $0x4  }
0x156: {  	v11 =	vadd.f32 $1.000000020e-16, v11;
	_ =	sdelay $0x1  }
0x157: {  	(erf) = vrcp.f32 v11;
	_ =	sdelay $0x3  }
0x158: {  	v12 =	vld [tilespmem:$0x77D0]  }
0x159: {  	v11 =	vld [tilespmem:$0x7840];
	_ =	sdelay $0x3  }
0x15a: {  	v13 =	vpop (erf)  }
0x15b: {  	v11 =	vmul.f32 v13, v11;
	_ =	sdelay $0x1  }
0x15c: {  	[tilespmem:$0x7840] =	vst v11  }
0x15d: {  	v11 =	vld.idx.msk [tilespmem:v12+s11+$0x0], $0xffff;
	_ =	sdelay $0x4  }
0x15e: {  	v11 =	vadd.f32 $1.000000020e-16, v11;
	_ =	sdelay $0x1  }
0x15f: {  	(erf) = vrcp.f32 v11;
	_ =	sdelay $0x3  }
0x160: {  	v12 =	vld [tilespmem:$0x77E0]  }
0x161: {  	v11 =	vld [tilespmem:$0x7850];
	_ =	sdelay $0x3  }
0x162: {  	v13 =	vpop (erf)  }
0x163: {  	v11 =	vmul.f32 v13, v11;
	_ =	sdelay $0x1  }
0x164: {  	[tilespmem:$0x7850] =	vst v11  }
0x165: {  	v11 =	vld.idx.msk [tilespmem:v12+s11+$0x0], $0xffff;
	_ =	sdelay $0x4  }
0x166: {  	v11 =	vadd.f32 $1.000000020e-16, v11;
	_ =	sdelay $0x1  }
0x167: {  	(erf) = vrcp.f32 v11;
	_ =	sdelay $0x3  }
0x168: {  	v12 =	vld [tilespmem:$0x77F0]  }
0x169: {  	v11 =	vld [tilespmem:$0x7860];
	_ =	sdelay $0x3  }
0x16a: {  	v13 =	vpop (erf)  }
0x16b: {  	v11 =	vmul.f32 v13, v11;
	_ =	sdelay $0x1  }
0x16c: {  	[tilespmem:$0x7860] =	vst v11  }
0x16d: {  	v11 =	vld.idx.msk [tilespmem:v12+s11+$0x0], $0xffff;
	_ =	sdelay $0x4  }
0x16e: {  	v11 =	vadd.f32 $1.000000020e-16, v11;
	_ =	sdelay $0x1  }
0x16f: {  	(erf) = vrcp.f32 v11;
	_ =	sdelay $0x4  }
0x170: {  	v11 =	vld [tilespmem:$0x7870];
	_ =	sdelay $0x3  }
0x171: {  	v12 =	vpop (erf)  }
0x172: {  	v11 =	vmul.f32 v12, v11;
	_ =	sdelay $0x1  }
0x173: {  	s26 =	sadd.s32 s9, s26;
	[tilespmem:$0x7870] =	vst v11  }
0x174: {  	[hbm4b:s26+s15] =	stream.linear.scatter [tilespmem:s6], [sflag:$0x2], $0x80, $0x38;
	[tilespmem:$0x1FB80] =	vst v63  }
0x175: {  	_ =	swait.ge [sflag:s30], $0x80  }
0x176: {  	[sflag:s30] =	ssyncset.done $0x0  }
0x177: {  	[sflag:s30] =	ssyncadd.s32 $0xFFFFFF80  }
0x178: {  	_ =	swait.ge [sflag:s13], $0x4000  }
0x179: {  	v11 =	vmov s15;
	[sflag:s13] =	ssyncset.done $0x0  }
0x17a: {  	s25 =	simm.s32 $0x7940;
	[sflag:s13] =	ssyncadd.s32 $0xFFFFC000  }
0x17b: {  	v15 =	vld [tilespmem:s25+$0x30]  }
0x17c: {  	v18 =	vld [tilespmem:s25+$0x10]  }
0x17d: {  	v16 =	vld [tilespmem:s25+$0xFFFFFFC0]  }
0x17e: {  	v12 =	vld.idx.msk [tilespmem:v11+s6+$0x0], $0xffff  }
0x17f: {  	v20 =	vld [tilespmem:s25+$0xFFFFFFE0]  }
0x180: {  	v11 =	vld [tilespmem:s25+$0xFFFFFFF0]  }
0x181: {  	v13 =	vld [tilespmem:s25+$0x20]  }
0x182: {  	v14 =	vld [tilespmem:s25+$0xFFFFFFD0]  }
0x183: {  	v19 =	vmul.f32 v15, v12;
	v15 =	vld [tilespmem:s25+$0x0]  }
0x184: {  	v17 =	vmul.f32 v16, v12  }
0x185: {  	s28 =	simm.s32 $0x7940;
	s26 =	simm.s32 $0x1;
	v16 =	vmul.f32 v20, v12;
	v18 =	vmul.f32 v18, v12  }
.LBB2_13:
0x186: {  	p0 =	sne.s32 s26, $0x7F  }
0x187: {  	v14 =	vmul.f32 v14, v12;
	v13 =	vmul.f32 v13, v12;
	[tilespmem:s25+$0x30] =	vst v19;
	s28 =	sadd.s32 $0x80, s28;
	s24 =	smov.u32 s26;
	s26 =	sadd.s32 $0x1, s26  }
0x188: {  	[tilespmem:s25+$0xFFFFFFC0] =	vst v17;
	v17 =	vmul.f32 v11, v12;
	v12 =	vmul.f32 v15, v12  }
0x189: {  	[tilespmem:s25+$0x10] =	vst v18  }
0x18a: {  	v15 =	vmov s24;
	[tilespmem:s25+$0xFFFFFFE0] =	vst v16  }
0x18b: {  	v11 =	vld [tilespmem:s28+$0xFFFFFFF0];
	[tilespmem:s25+$0xFFFFFFF0] =	vst v17  }
0x18c: {  	v16 =	vld [tilespmem:s28+$0x30];
	[tilespmem:s25+$0x0] =	vst v12  }
0x18d: {  	v18 =	vld [tilespmem:s28+$0x10];
	[tilespmem:s25+$0x20] =	vst v13  }
0x18e: {  	v17 =	vld [tilespmem:s28+$0xFFFFFFC0];
	[tilespmem:s25+$0xFFFFFFD0] =	vst v14;
	s25 =	smov.u32 s28  }
0x18f: {  	v12 =	vld.idx.msk [tilespmem:v15+s6+$0x0], $0xffff  }
0x190: {  	v20 =	vld [tilespmem:s28+$0xFFFFFFE0]  }
0x191: {  	v13 =	vld [tilespmem:s28+$0x20]  }
.Ltmp5:
0x192: {  	v14 =	vld [tilespmem:s28+$0xFFFFFFD0];
	(pc) =	sbr.rel @p0 .LBB2_13-.Ltmp5, $3  }
0x193: {  	v15 =	vld [tilespmem:s28+$0x0];
	_ =	sdelay $0x1  }
0x194: {  	v17 =	vmul.f32 v17, v12;
	v19 =	vmul.f32 v16, v12  }
0x195: {  	v18 =	vmul.f32 v18, v12;
	v16 =	vmul.f32 v20, v12  }
0x196: {  	[tilespmem:s25+$0x30] =	vst v19  }
0x197: {  	[tilespmem:s25+$0xFFFFFFC0] =	vst v17  }
0x198: {  	v11 =	vmul.f32 v11, v12;
	[tilespmem:s25+$0x10] =	vst v18  }
0x199: {  	v13 =	vmul.f32 v13, v12;
	[tilespmem:s25+$0xFFFFFFE0] =	vst v16  }
0x19a: {  	v15 =	vmul.f32 v15, v12;
	[tilespmem:s25+$0xFFFFFFF0] =	vst v11  }
0x19b: {  	s16 =	sadd.s32 $0x1, s16;
	v11 =	vmul.f32 v14, v12;
	[tilespmem:s25+$0x20] =	vst v13  }
0x19c: {  	p0 =	sne.s32 s16, $0x54;
	[tilespmem:s25+$0x0] =	vst v15  }
.Ltmp6:
0x19d: {  	[tilespmem:s25+$0xFFFFFFD0] =	vst v11;
	(pc) =	sbr.rel @p0 .LBB2_12-.Ltmp6, $4  }
0x19e: {  	[spmem:s2] =	stream.indirect.scatter.add.f32 [tilespmem:s0], [sflag:$0x2], $0x80, s10, s12, $0xb8;
	[tilespmem:$0x1FB80] =	vst v63  }
0x19f: {  	_ =	swait.ge [sflag:s30], $0x4000  }
0x1a0: {  	[sflag:s30] =	ssyncset.done $0x0  }
0x1a1: {  	[sflag:s30] =	ssyncadd.s32 $0xFFFFC000  }
0x1a2: {  	[bflag:$0x0] =	sbarrier.arrive $0xFFFF  }
0x1a3: {  	[tilespmem:s0], [sflag:$0x2] =	stream.linear.gather [spmem:s18], $0x4000, $0x38;
	[tilespmem:$0x1FB80] =	vst v63  }
0x1a4: {  	_ =	swait.ge [sflag:s30], $0x4000  }
0x1a5: {  	[sflag:s30] =	ssyncset.done $0x0  }
0x1a6: {  	s15 =	rddreg [dreg:$0x9];
	[sflag:s30] =	ssyncadd.s32 $0xFFFFC000  }
0x1a7: {  	[hbm4b:s15+s4] =	stream.linear.scatter [tilespmem:s0], [sflag:$0x2], $0x4000, $0x38;
	[tilespmem:$0x1FB80] =	vst v63  }
0x1a8: {  	_ =	swait.ge [sflag:s30], $0x4000  }
0x1a9: {  	[sflag:s30] =	ssyncset.done $0x0  }
0x1aa: {  	[sflag:s30] =	ssyncadd.s32 $0xFFFFC000  }
0x1ab: {  	[tilespmem:s0], [sflag:$0x2] =	stream.linear.gather [spmem:s19], $0x4000, $0x38;
	[tilespmem:$0x1FB80] =	vst v63  }
0x1ac: {  	_ =	swait.ge [sflag:s30], $0x4000  }
0x1ad: {  	[sflag:s30] =	ssyncset.done $0x0  }
0x1ae: {  	s16 =	rddreg [dreg:$0xa];
	[sflag:s30] =	ssyncadd.s32 $0xFFFFC000  }
0x1af: {  	[hbm4b:s16+s4] =	stream.linear.scatter [tilespmem:s0], [sflag:$0x2], $0x4000, $0x38;
	[tilespmem:$0x1FB80] =	vst v63  }
0x1b0: {  	_ =	swait.ge [sflag:s30], $0x4000  }
0x1b1: {  	[sflag:s30] =	ssyncset.done $0x0  }
0x1b2: {  	[sflag:s30] =	ssyncadd.s32 $0xFFFFC000  }
0x1b3: {  	[tilespmem:s0], [sflag:$0x2] =	stream.linear.gather [spmem:s21], $0x4000, $0x38;
	[tilespmem:$0x1FB80] =	vst v63  }
0x1b4: {  	_ =	swait.ge [sflag:s30], $0x4000  }
0x1b5: {  	[sflag:s30] =	ssyncset.done $0x0  }
0x1b6: {  	s24 =	rddreg [dreg:$0xb];
	[sflag:s30] =	ssyncadd.s32 $0xFFFFC000  }
0x1b7: {  	[hbm4b:s24+s4] =	stream.linear.scatter [tilespmem:s0], [sflag:$0x2], $0x4000, $0x38;
	[tilespmem:$0x1FB80] =	vst v63  }
0x1b8: {  	_ =	swait.ge [sflag:s30], $0x4000  }
0x1b9: {  	[sflag:s30] =	ssyncset.done $0x0  }
0x1ba: {  	[sflag:s30] =	ssyncadd.s32 $0xFFFFC000  }
0x1bb: {  	[tilespmem:s0], [sflag:$0x2] =	stream.linear.gather [spmem:s22], $0x4000, $0x38;
	[tilespmem:$0x1FB80] =	vst v63  }
0x1bc: {  	_ =	swait.ge [sflag:s30], $0x4000  }
0x1bd: {  	[sflag:s30] =	ssyncset.done $0x0  }
0x1be: {  	s25 =	rddreg [dreg:$0xc];
	[sflag:s30] =	ssyncadd.s32 $0xFFFFC000  }
0x1bf: {  	[hbm4b:s25+s4] =	stream.linear.scatter [tilespmem:s0], [sflag:$0x2], $0x4000, $0x38;
	[tilespmem:$0x1FB80] =	vst v63  }
0x1c0: {  	_ =	swait.ge [sflag:s30], $0x4000  }
0x1c1: {  	[sflag:s30] =	ssyncset.done $0x0  }
0x1c2: {  	[sflag:s30] =	ssyncadd.s32 $0xFFFFC000  }
0x1c3: {  	[tilespmem:s0], [sflag:$0x2] =	stream.linear.gather [spmem:s23], $0x4000, $0x38;
	[tilespmem:$0x1FB80] =	vst v63  }
0x1c4: {  	_ =	swait.ge [sflag:s30], $0x4000  }
0x1c5: {  	[sflag:s30] =	ssyncset.done $0x0  }
0x1c6: {  	s26 =	rddreg [dreg:$0xd];
	[sflag:s30] =	ssyncadd.s32 $0xFFFFC000  }
0x1c7: {  	[hbm4b:s26+s4] =	stream.linear.scatter [tilespmem:s0], [sflag:$0x2], $0x4000, $0x38;
	[tilespmem:$0x1FB80] =	vst v63  }
0x1c8: {  	_ =	swait.ge [sflag:s30], $0x4000  }
0x1c9: {  	s14 =	sadd.s32 $0x1, s14;
	s28 =	rddreg [dreg:$0xf]  }
0x1ca: {  	p0 =	sne.s32 s14, s28  }
.Ltmp7:
0x1cb: {  	_ = 	snop;
	(pc) =	sbr.rel @p0 .LBB2_1-.Ltmp7, $3  }
0x1cc: {  	_ =	sdelay $0x1  }
0x1cd: {  	[sflag:s30] =	ssyncset.done $0x0  }
0x1ce: {  	[sflag:s30] =	ssyncadd.s32 $0xFFFFC000  }
0x1cf: {  	_ =	sfence.sel $0x180000  }
0x1d0: {  	[bflag:$0x0] =	sbarrier.arrive $0xFFFF  }
0x1d1: {  	_ =	strace $0x90000047  }
0x1d2: {  	s0 =	stileid.u32;
	[bflag:$0x2] =	sbarrier.arrive $0xFFFF  }
0x1d3: {  	p0 =	sne.s32 s0, $0x0;
	s0 =	rddreg [dreg:$0x6]  }
0x1d4: {  	s0 =	sadd.s32 @!p0 $0x100000, s0  }
0x1d5: {  	[sflag:s0] =	ssyncadd.tile.s32 @!p0 $0x1;
	_ =	shalt  }
.Lfunc_end2:
_tile_overlayer_lowered:
.L_overlay_start_2:
0x1d6: {  	(tag) =	ssettag $0x2  }
0x1d7: {  	s0 =	rddreg [dreg:$0x0];
	s2 =	stileid.u32  }
0x1d8: {  	s1 =	rddreg [dreg:$0x1];
	p0 =	sne.s32 s2, $0x0  }
0x1d9: {  	s3 =	rddreg [dreg:$0x2];
	[bflag:$0x3] =	sbarrier.arrive $0xFFFF;
	s2 =	simm.s32 @!p0 $0x1C02  }
0x1da: {  	[timem:s3], [sflag:s2] =	dma.local @!p0 [hbm:s0], s1  }
0x1db: {  	s0 =	simm.s32 @!p0 $0x2  }
0x1dc: {  	_ =	swait.ge @!p0 [sflag:s0], s1  }
0x1dd: {  	s1 =	ssub.s32 @!p0 $0x0, s1;
	[sflag:s0] =	ssyncset.done @!p0 $0x0  }
0x1de: {  	[sflag:s0] =	ssyncadd.s32 @!p0 s1  }
0x1df: {  	[bflag:$0x3] =	sbarrier.arrive $0xFFFF  }
0x1e0: {  	_ =	shalt  }

</sc_bundles>
